<compile_context>
chip_gen: v7x
topology: tpu7x:2x2x1
jax: 0.10.2.dev20260603
libtpu: 0.0.44.dev20260713+nightly
codegen_flags: <defaults>
</compile_context>

<pallas_src>
import functools

import jax
import jax.numpy as jnp
from jax import lax
from jax.experimental import pallas as pl
from jax.experimental.pallas import tpu as pltpu
from jax.experimental.pallas import tpu_sc as plsc

NC = 2
NS = 16
NW = NC * NS

_mesh = lambda: plsc.VectorSubcoreMesh(core_axis_name="c", subcore_axis_name="s")


def _sc_gather(nodes, senders, receivers):
    n, d = nodes.shape
    dt = nodes.dtype
    e = senders.shape[0]
    per_w = e // NW
    ch = 40
    ns = 5
    n_grp = per_w // (ch * ns)

    @functools.partial(
        pl.kernel,
        mesh=_mesh(),
        out_type=jax.ShapeDtypeStruct((e, 2 * d), dt),
        scratch_types=(
            [pltpu.VMEM((per_w,), jnp.int32)] * 2
            + [pltpu.VMEM((ch, d), dt)] * (2 * ns)
            + [pltpu.SemaphoreType.DMA] * (2 * ns)
        ),
    )
    def k(nodes_hbm, s_hbm, r_hbm, g_hbm, sidx, ridx, *bufs_sems):
        sbufs = bufs_sems[0:ns]
        rbufs = bufs_sems[ns:2 * ns]
        gsems = bufs_sems[2 * ns:3 * ns]
        wsems = bufs_sems[3 * ns:4 * ns]
        wid = lax.axis_index("s") * NC + lax.axis_index("c")
        base = wid * per_w
        pltpu.sync_copy(s_hbm.at[pl.ds(base, per_w)], sidx)
        pltpu.sync_copy(r_hbm.at[pl.ds(base, per_w)], ridx)

        def group(g, _):
            g0 = g * (ch * ns)
            gh = []
            for s in range(ns):
                o = g0 + s * ch
                gh.append((
                    pltpu.async_copy(
                        nodes_hbm.at[sidx.at[pl.ds(o, ch)]], sbufs[s],
                        gsems[s]),
                    pltpu.async_copy(
                        nodes_hbm.at[ridx.at[pl.ds(o, ch)]], rbufs[s],
                        gsems[s]),
                ))
            wh = []
            for s in range(ns):
                o = base + g0 + s * ch
                gh[s][0].wait()
                gh[s][1].wait()
                wh.append((
                    pltpu.async_copy(
                        sbufs[s], g_hbm.at[pl.ds(o, ch), pl.ds(0, d)],
                        wsems[s]),
                    pltpu.async_copy(
                        rbufs[s], g_hbm.at[pl.ds(o, ch), pl.ds(d, d)],
                        wsems[s]),
                ))
            for s in range(ns):
                wh[s][0].wait()
                wh[s][1].wait()
            return _

        lax.fori_loop(0, n_grp, group, 0)

    return k(nodes, senders, receivers)


def _sc_segsum2(vals, idx_a, idx_b, n_seg):
    f = vals.shape[1]
    e = idx_a.shape[0]
    fb = f // NC
    per_t = e // NS
    chs = (104, 96)
    pair = sum(chs)
    n_grp = per_t // pair
    n_pad = ((n_seg + NS * 8 - 1) // (NS * 8)) * (NS * 8)
    rows_t = n_pad // NS
    zeros = jnp.zeros((rows_t, fb), jnp.float32)
    out_sd = jax.ShapeDtypeStruct((n_pad, f), jnp.float32)

    @functools.partial(
        pl.kernel,
        mesh=_mesh(),
        out_type=(out_sd, out_sd),
        scratch_types=[
            pltpu.VMEM((chs[0],), jnp.int32),
            pltpu.VMEM((chs[1],), jnp.int32),
            pltpu.VMEM((chs[0], fb), jnp.float32),
            pltpu.VMEM((chs[1], fb), jnp.float32),
            pltpu.VMEM_SHARED((n_pad, fb), jnp.float32),
            pltpu.SemaphoreType.DMA,
            pltpu.SemaphoreType.DMA,
        ],
    )
    def k(v_hbm, ia_hbm, ib_hbm, z_hbm, outa_hbm, outb_hbm,
          ib0, ib1, rb0, rb1, table, vsem0, vsem1):
        c = lax.axis_index("c")
        sid = lax.axis_index("s")
        r0 = sid * rows_t
        ibufs = (ib0, ib1)
        rbufs = (rb0, rb1)
        vsems = (vsem0, vsem1)
        base = sid * per_t

        for i_hbm, out_hbm in ((ia_hbm, outa_hbm), (ib_hbm, outb_hbm)):
            pltpu.sync_copy(z_hbm, table.at[pl.ds(r0, rows_t)])
            plsc.subcore_barrier()

            def group(g, _):
                g0 = base + g * pair
                vh = []
                for s in range(2):
                    e0 = g0 + s * chs[0]
                    pltpu.sync_copy(i_hbm.at[pl.ds(e0, chs[s])], ibufs[s])
                    vh.append(pltpu.async_copy(
                        v_hbm.at[pl.ds(e0, chs[s]), pl.ds(c * fb, fb)],
                        rbufs[s], vsems[s]))
                for s in range(2):
                    vh[s].wait()
                    pltpu.sync_copy(rbufs[s], table.at[ibufs[s]], add=True)
                return _

            lax.fori_loop(0, n_grp, group, 0)

            plsc.subcore_barrier()
            pltpu.sync_copy(table.at[pl.ds(r0, rows_t)],
                            out_hbm.at[pl.ds(r0, rows_t), pl.ds(c * fb, fb)])

    agg_a, agg_b = k(vals, idx_a, idx_b, zeros)
    return agg_a[:n_seg], agg_b[:n_seg]


def _edge_body(e_ref, gpk_ref, w1e_ref, we_ref, wo_ref, b1_ref,
               w2_ref, b2_ref, o_ref):
    w = gpk_ref[...]
    lo = lax.bitcast_convert_type(w << 16, jnp.float32).astype(jnp.bfloat16)
    hi = lax.bitcast_convert_type(w & jnp.int32(-65536),
                                  jnp.float32).astype(jnp.bfloat16)
    acc = jnp.dot(e_ref[...].astype(jnp.bfloat16), w1e_ref[...],
                  preferred_element_type=jnp.float32)
    acc += jnp.dot(lo, we_ref[...], preferred_element_type=jnp.float32)
    acc += jnp.dot(hi, wo_ref[...], preferred_element_type=jnp.float32)
    h = jnp.maximum(acc + b1_ref[...], 0.0)
    o_ref[...] = (jnp.dot(h.astype(jnp.bfloat16), w2_ref[...],
                          preferred_element_type=jnp.float32)
                  + b2_ref[...])


def _tc_edge(edges, g_pk, w1e, we, wo, b1, w2, b2):
    e, de = edges.shape
    dg = g_pk.shape[1]
    eo = w2.shape[1]
    blk = 640
    grid = e // blk
    full = lambda i: (0, 0)
    return pl.pallas_call(
        _edge_body,
        grid=(grid,),
        in_specs=[
            pl.BlockSpec((blk, de), lambda i: (i, 0)),
            pl.BlockSpec((blk, dg), lambda i: (i, 0)),
            pl.BlockSpec(w1e.shape, full),
            pl.BlockSpec(we.shape, full),
            pl.BlockSpec(wo.shape, full),
            pl.BlockSpec(b1.shape, full),
            pl.BlockSpec(w2.shape, full),
            pl.BlockSpec(b2.shape, full),
        ],
        out_specs=pl.BlockSpec((blk, eo), lambda i: (i, 0)),
        out_shape=jax.ShapeDtypeStruct((e, eo), jnp.float32),
    )(edges, g_pk, w1e, we, wo, b1, w2, b2)


def _make_node_body(np_):
    def _node_body(*refs):
        n_ref = refs[0]
        s_refs = refs[1:1 + np_]
        r_refs = refs[1 + np_:1 + 2 * np_]
        wa_ref, wb_ref, wc_ref, b1_ref, w2_ref, b2_ref, o_ref = refs[1 + 2 * np_:]
        acc = jnp.dot(n_ref[...], wa_ref[...],
                      preferred_element_type=jnp.float32)
        s_sum = s_refs[0][...]
        r_sum = r_refs[0][...]
        for sr in s_refs[1:]:
            s_sum += sr[...]
        for rr in r_refs[1:]:
            r_sum += rr[...]
        acc += jnp.dot(s_sum, wb_ref[...], preferred_element_type=jnp.float32)
        acc += jnp.dot(r_sum, wc_ref[...], preferred_element_type=jnp.float32)
        h = jnp.maximum(acc + b1_ref[...], 0.0)
        o_ref[...] = (jnp.dot(h, w2_ref[...],
                              preferred_element_type=jnp.float32)
                      + b2_ref[...] + n_ref[...])
    return _node_body


def _tc_node(nodes, aggs, wa, wb, wc, b1, w2, b2):
    n, dn = nodes.shape
    no = w2.shape[1]
    blk = 1000
    grid = n // blk
    full = lambda i: (0, 0)
    return pl.pallas_call(
        _make_node_body(len(aggs) // 2),
        grid=(grid,),
        in_specs=[
            pl.BlockSpec((blk, dn), lambda i: (i, 0)),
        ] + [
            pl.BlockSpec((blk, a.shape[1]), lambda i: (i, 0)) for a in aggs
        ] + [
            pl.BlockSpec(wa.shape, full),
            pl.BlockSpec(wb.shape, full),
            pl.BlockSpec(wc.shape, full),
            pl.BlockSpec(b1.shape, full),
            pl.BlockSpec(w2.shape, full),
            pl.BlockSpec(b2.shape, full),
        ],
        out_specs=pl.BlockSpec((blk, no), lambda i: (i, 0)),
        out_shape=jax.ShapeDtypeStruct((n, no), jnp.float32),
    )(nodes, *aggs, wa, wb, wc, b1, w2, b2)


def kernel(nodes, edges, globals_, senders, receivers,
           W_e1, b_e1, W_e2, b_e2, W_n1, b_n1, W_n2, b_n2):
    n, dn = nodes.shape
    e = senders.shape[0]
    de = edges.shape[1]
    dg = globals_.shape[1]
    gl = globals_.reshape(1, dg).astype(jnp.float32)

    w1e = W_e1[:de].astype(jnp.bfloat16)
    w1sr = W_e1[de:de + 2 * dn]
    we = w1sr[0::2].astype(jnp.bfloat16)
    wo = w1sr[1::2].astype(jnp.bfloat16)
    w1g = W_e1[de + 2 * dn:]
    b1e = (gl @ w1g + b_e1.reshape(1, -1)).astype(jnp.float32)

    nodes_pk = lax.bitcast_convert_type(
        nodes.astype(jnp.bfloat16).reshape(n, dn // 2, 2), jnp.int32)

    cuts = (0, 57600, 108800, e)
    parts = []
    for lo_e, hi_e in zip(cuts[:-1], cuts[1:]):
        s_p = senders[lo_e:hi_e]
        r_p = receivers[lo_e:hi_e]
        g_pk = _sc_gather(nodes_pk, s_p, r_p)
        ne_p = _tc_edge(edges[lo_e:hi_e], g_pk, w1e, we, wo,
                        b1e, W_e2.astype(jnp.bfloat16), b_e2.reshape(1, -1))
        parts.append(_sc_segsum2(ne_p, s_p, r_p, n))

    s_parts = tuple(p[0] for p in parts)
    r_parts = tuple(p[1] for p in parts)

    eo = W_e2.shape[1]
    wa = W_n1[:dn]
    wb = W_n1[dn:dn + eo]
    wc = W_n1[dn + eo:dn + 2 * eo]
    wg = W_n1[dn + 2 * eo:]
    b1n = (gl @ wg + b_n1.reshape(1, -1)).astype(jnp.float32)

    out_nodes = _tc_node(nodes, s_parts + r_parts,
                         wa, wb, wc, b1n, W_n2, b_n2.reshape(1, -1))
    return (out_nodes, edges, globals_)

# --- scband reference (transcript-rebuilt; emitter-appended) ---
"""Pipeline reference for scband-mlpblock-43404939493574 (READ-ONLY COPY).

The authoritative reference and input builder live on the scoring server;
editing this copy changes nothing except your own understanding.
"""

import jax, jax.numpy as jnp
import numpy as np

N_NODES = 10000
N_EDGES = 160000
D_NODE = 256
D_EDGE = 16
D_GLOB = 8
H = 512
E_OUT = 256
N_OUT = 256


def setup_inputs(seed: int = 0) -> dict:
    key = jax.random.key(seed)
    ks = jax.random.split(key, 16)
    nodes = jax.random.normal(ks[0], (N_NODES, D_NODE), dtype=jnp.float32)
    edges = jax.random.normal(ks[1], (N_EDGES, D_EDGE), dtype=jnp.float32)
    globals_ = jax.random.normal(ks[2], (1, D_GLOB), dtype=jnp.float32)
    senders = jax.random.randint(ks[3], (N_EDGES,), 0, N_NODES, dtype=jnp.int32)
    receivers = jax.random.randint(ks[4], (N_EDGES,), 0, N_NODES, dtype=jnp.int32)
    d_edge_in = D_EDGE + D_NODE + D_NODE + D_GLOB  # 536
    d_node_in = D_NODE + E_OUT + E_OUT + D_GLOB    # 776
    W_e1 = jax.random.normal(ks[5], (d_edge_in, H), dtype=jnp.float32) / np.sqrt(d_edge_in)
    b_e1 = jnp.zeros((H,), dtype=jnp.float32)
    W_e2 = jax.random.normal(ks[6], (H, E_OUT), dtype=jnp.float32) / np.sqrt(H)
    b_e2 = jnp.zeros((E_OUT,), dtype=jnp.float32)
    W_n1 = jax.random.normal(ks[7], (d_node_in, H), dtype=jnp.float32) / np.sqrt(d_node_in)
    b_n1 = jnp.zeros((H,), dtype=jnp.float32)
    W_n2 = jax.random.normal(ks[8], (H, N_OUT), dtype=jnp.float32) / np.sqrt(H)
    b_n2 = jnp.zeros((N_OUT,), dtype=jnp.float32)
    return {"nodes": nodes, "edges": edges, "globals_": globals_,
            "senders": senders, "receivers": receivers,
            "W_e1": W_e1, "b_e1": b_e1, "W_e2": W_e2, "b_e2": b_e2,
            "W_n1": W_n1, "b_n1": b_n1, "W_n2": W_n2, "b_n2": b_n2}


def reference(nodes, edges, globals_, senders, receivers,
              W_e1, b_e1, W_e2, b_e2, W_n1, b_n1, W_n2, b_n2):
    n_edges = senders.shape[0]
    n_nodes = nodes.shape[0]
    # --- edge update (jraph.GraphNetwork with concatenated_args MLP) ---
    sent_nodes = jnp.take(nodes, senders, axis=0)
    recv_nodes = jnp.take(nodes, receivers, axis=0)
    g_e = jnp.broadcast_to(globals_[0], (n_edges, globals_.shape[-1]))
    edge_in = jnp.concatenate([edges, sent_nodes, recv_nodes, g_e], axis=-1)
    h_e = jax.nn.relu(edge_in @ W_e1 + b_e1)
    new_edges = h_e @ W_e2 + b_e2
    # --- node update: aggregate sent and received edge attrs via segment_sum ---
    agg_sent = jax.ops.segment_sum(new_edges, senders, num_segments=n_nodes)
    agg_recv = jax.ops.segment_sum(new_edges, receivers, num_segments=n_nodes)
    g_n = jnp.broadcast_to(globals_[0], (n_nodes, globals_.shape[-1]))
    node_in = jnp.concatenate([nodes, agg_sent, agg_recv, g_n], axis=-1)
    h_n = jax.nn.relu(node_in @ W_n1 + b_n1)
    new_nodes = h_n @ W_n2 + b_n2
    # edges replaced with input edges; skip connection on nodes
    out_nodes = new_nodes + nodes
    return (out_nodes, edges, globals_)

if __name__ == "__main__":
    import jax
    _d = setup_inputs()
    print(jax.jit(kernel)(*tuple(_d.values())))

</pallas_src>

<mosaic_0001>
#map = affine_map<(d0, d1) -> (0, 0)>
#map1 = affine_map<(d0, d1) -> (0)>
module attributes {stable_mosaic.version = 14 : i64} {
  func.func @k(%arg0: i32, %arg1: i32, %arg2: memref<10000x128xi32, #tpu.memory_space<hbm>>, %arg3: memref<51200xi32, #tpu.memory_space<hbm>>, %arg4: memref<51200xi32, #tpu.memory_space<hbm>>, %arg5: memref<51200x256xi32, #tpu.memory_space<hbm>>, %arg6: memref<1600xi32, #tpu.memory_space<vmem>>, %arg7: memref<1600xi32, #tpu.memory_space<vmem>>, %arg8: memref<40x128xi32, #tpu.memory_space<vmem>>, %arg9: memref<40x128xi32, #tpu.memory_space<vmem>>, %arg10: memref<40x128xi32, #tpu.memory_space<vmem>>, %arg11: memref<40x128xi32, #tpu.memory_space<vmem>>, %arg12: memref<40x128xi32, #tpu.memory_space<vmem>>, %arg13: memref<40x128xi32, #tpu.memory_space<vmem>>, %arg14: memref<40x128xi32, #tpu.memory_space<vmem>>, %arg15: memref<40x128xi32, #tpu.memory_space<vmem>>, %arg16: memref<40x128xi32, #tpu.memory_space<vmem>>, %arg17: memref<40x128xi32, #tpu.memory_space<vmem>>, %arg18: memref<!tpu.dma_semaphore, #tpu.memory_space<semaphore_mem>>, %arg19: memref<!tpu.dma_semaphore, #tpu.memory_space<semaphore_mem>>, %arg20: memref<!tpu.dma_semaphore, #tpu.memory_space<semaphore_mem>>, %arg21: memref<!tpu.dma_semaphore, #tpu.memory_space<semaphore_mem>>, %arg22: memref<!tpu.dma_semaphore, #tpu.memory_space<semaphore_mem>>, %arg23: memref<!tpu.dma_semaphore, #tpu.memory_space<semaphore_mem>>, %arg24: memref<!tpu.dma_semaphore, #tpu.memory_space<semaphore_mem>>, %arg25: memref<!tpu.dma_semaphore, #tpu.memory_space<semaphore_mem>>, %arg26: memref<!tpu.dma_semaphore, #tpu.memory_space<semaphore_mem>>, %arg27: memref<!tpu.dma_semaphore, #tpu.memory_space<semaphore_mem>>) attributes {dimension_semantics = [#tpu.dimension_semantics<core_parallel>, #tpu.dimension_semantics<subcore_parallel>], iteration_bounds = array<i64: 2, 16>, scalar_prefetch = 0 : i64, scratch_operands = 22 : i64, tpu.core_type = #tpu.core_type<sc_vector_subcore>, window_params = [{transform_indices = #map}, {transform_indices = #map1}, {transform_indices = #map1}, {transform_indices = #map}]} {
    %mul3A = arith.constant 2 : i32
    %mul3A_0 = arith.muli %arg1, %mul3A : i32
    %add3A = arith.addi %mul3A_0, %arg0 : i32
    %mul3A_1 = arith.constant 1600 : i32
    %mul3A_2 = arith.muli %add3A, %mul3A_1 : i32
    "tpu.region"() ({
      %run_scoped3A = tpu.sem_alloc : memref<!tpu.dma_semaphore, #tpu.memory_space<semaphore_mem>>
      %dma_start3A = tpu.memref_slice %arg3[%mul3A_2] : memref<51200xi32, #tpu.memory_space<hbm>> -> memref<1600xi32, #tpu.memory_space<hbm>>
      %dma_start3A_8 = tpu.memref_slice %arg3[%mul3A_2] : memref<51200xi32, #tpu.memory_space<hbm>> -> memref<1600xi32, #tpu.memory_space<hbm>>
      tpu.enqueue_dma source(%dma_start3A_8 : memref<1600xi32, #tpu.memory_space<hbm>>) target(%arg6 : memref<1600xi32, #tpu.memory_space<vmem>>) target_semaphore(%run_scoped3A : memref<!tpu.dma_semaphore, #tpu.memory_space<semaphore_mem>>)
      %dma_wait3A = tpu.memref_slice %arg3[%mul3A_2] : memref<51200xi32, #tpu.memory_space<hbm>> -> memref<1600xi32, #tpu.memory_space<hbm>>
      %dma_wait3A_9 = tpu.memref_slice %arg3[%mul3A_2] : memref<51200xi32, #tpu.memory_space<hbm>> -> memref<1600xi32, #tpu.memory_space<hbm>>
      tpu.wait_dma2 semaphore(%run_scoped3A : memref<!tpu.dma_semaphore, #tpu.memory_space<semaphore_mem>>) src(%dma_wait3A_9 : memref<1600xi32, #tpu.memory_space<hbm>>) dst(%arg6 : memref<1600xi32, #tpu.memory_space<vmem>>)
      tpu.yield
    }) : () -> ()
    "tpu.region"() ({
      %run_scoped3A = tpu.sem_alloc : memref<!tpu.dma_semaphore, #tpu.memory_space<semaphore_mem>>
      %dma_start3A = tpu.memref_slice %arg4[%mul3A_2] : memref<51200xi32, #tpu.memory_space<hbm>> -> memref<1600xi32, #tpu.memory_space<hbm>>
      %dma_start3A_8 = tpu.memref_slice %arg4[%mul3A_2] : memref<51200xi32, #tpu.memory_space<hbm>> -> memref<1600xi32, #tpu.memory_space<hbm>>
      tpu.enqueue_dma source(%dma_start3A_8 : memref<1600xi32, #tpu.memory_space<hbm>>) target(%arg7 : memref<1600xi32, #tpu.memory_space<vmem>>) target_semaphore(%run_scoped3A : memref<!tpu.dma_semaphore, #tpu.memory_space<semaphore_mem>>)
      %dma_wait3A = tpu.memref_slice %arg4[%mul3A_2] : memref<51200xi32, #tpu.memory_space<hbm>> -> memref<1600xi32, #tpu.memory_space<hbm>>
      %dma_wait3A_9 = tpu.memref_slice %arg4[%mul3A_2] : memref<51200xi32, #tpu.memory_space<hbm>> -> memref<1600xi32, #tpu.memory_space<hbm>>
      tpu.wait_dma2 semaphore(%run_scoped3A : memref<!tpu.dma_semaphore, #tpu.memory_space<semaphore_mem>>) src(%dma_wait3A_9 : memref<1600xi32, #tpu.memory_space<hbm>>) dst(%arg7 : memref<1600xi32, #tpu.memory_space<vmem>>)
      tpu.yield
    }) : () -> ()
    %scan3A = arith.constant 0 : i32
    %scan3A_3 = arith.constant 0 : i32
    %scan3A_4 = arith.constant 8 : i32
    %scan3A_5 = arith.addi %scan3A_3, %scan3A_4 : i32
    %scan3A_6 = arith.constant 1 : i32
    scf.for %scan3A_8 = %scan3A_3 to %scan3A_5 step %scan3A_6  : i32 {
      %mul3A_9 = arith.constant 200 : i32
      %mul3A_10 = arith.muli %scan3A_8, %mul3A_9 : i32
      %add3A_11 = arith.constant 0 : i32
      %add3A_12 = arith.addi %mul3A_10, %add3A_11 : i32
      %dma_start3A = tpu.memref_slice %arg6[%add3A_12] : memref<1600xi32, #tpu.memory_space<vmem>> -> memref<40xi32, #tpu.memory_space<vmem>>
      %dma_start3A_13 = arith.constant 0 : i32
      %dma_start3A_14 = arith.constant 0 : i32
      %dma_start3A_15 = tpu.memref_slice %arg2[%dma_start3A_13, %dma_start3A_14] : memref<10000x128xi32, #tpu.memory_space<hbm>> -> memref<10000x128xi32, #tpu.memory_space<hbm>>
      tpu.enqueue_indirect_dma source(%dma_start3A_15 : memref<10000x128xi32, #tpu.memory_space<hbm>>) target(%arg8 : memref<40x128xi32, #tpu.memory_space<vmem>>) offsets(%dma_start3A : memref<40xi32, #tpu.memory_space<vmem>>) semaphore(%arg18 : memref<!tpu.dma_semaphore, #tpu.memory_space<semaphore_mem>>)
      %dma_start3A_16 = tpu.memref_slice %arg7[%add3A_12] : memref<1600xi32, #tpu.memory_space<vmem>> -> memref<40xi32, #tpu.memory_space<vmem>>
      %dma_start3A_17 = arith.constant 0 : i32
      %dma_start3A_18 = arith.constant 0 : i32
      %dma_start3A_19 = tpu.memref_slice %arg2[%dma_start3A_17, %dma_start3A_18] : memref<10000x128xi32, #tpu.memory_space<hbm>> -> memref<10000x128xi32, #tpu.memory_space<hbm>>
      tpu.enqueue_indirect_dma source(%dma_start3A_19 : memref<10000x128xi32, #tpu.memory_space<hbm>>) target(%arg13 : memref<40x128xi32, #tpu.memory_space<vmem>>) offsets(%dma_start3A_16 : memref<40xi32, #tpu.memory_space<vmem>>) semaphore(%arg18 : memref<!tpu.dma_semaphore, #tpu.memory_space<semaphore_mem>>)
      %add3A_20 = arith.constant 40 : i32
      %add3A_21 = arith.addi %mul3A_10, %add3A_20 : i32
      %dma_start3A_22 = tpu.memref_slice %arg6[%add3A_21] : memref<1600xi32, #tpu.memory_space<vmem>> -> memref<40xi32, #tpu.memory_space<vmem>>
      %dma_start3A_23 = arith.constant 0 : i32
      %dma_start3A_24 = arith.constant 0 : i32
      %dma_start3A_25 = tpu.memref_slice %arg2[%dma_start3A_23, %dma_start3A_24] : memref<10000x128xi32, #tpu.memory_space<hbm>> -> memref<10000x128xi32, #tpu.memory_space<hbm>>
      tpu.enqueue_indirect_dma source(%dma_start3A_25 : memref<10000x128xi32, #tpu.memory_space<hbm>>) target(%arg9 : memref<40x128xi32, #tpu.memory_space<vmem>>) offsets(%dma_start3A_22 : memref<40xi32, #tpu.memory_space<vmem>>) semaphore(%arg19 : memref<!tpu.dma_semaphore, #tpu.memory_space<semaphore_mem>>)
      %dma_start3A_26 = tpu.memref_slice %arg7[%add3A_21] : memref<1600xi32, #tpu.memory_space<vmem>> -> memref<40xi32, #tpu.memory_space<vmem>>
      %dma_start3A_27 = arith.constant 0 : i32
      %dma_start3A_28 = arith.constant 0 : i32
      %dma_start3A_29 = tpu.memref_slice %arg2[%dma_start3A_27, %dma_start3A_28] : memref<10000x128xi32, #tpu.memory_space<hbm>> -> memref<10000x128xi32, #tpu.memory_space<hbm>>
      tpu.enqueue_indirect_dma source(%dma_start3A_29 : memref<10000x128xi32, #tpu.memory_space<hbm>>) target(%arg14 : memref<40x128xi32, #tpu.memory_space<vmem>>) offsets(%dma_start3A_26 : memref<40xi32, #tpu.memory_space<vmem>>) semaphore(%arg19 : memref<!tpu.dma_semaphore, #tpu.memory_space<semaphore_mem>>)
      %add3A_30 = arith.constant 80 : i32
      %add3A_31 = arith.addi %mul3A_10, %add3A_30 : i32
      %dma_start3A_32 = tpu.memref_slice %arg6[%add3A_31] : memref<1600xi32, #tpu.memory_space<vmem>> -> memref<40xi32, #tpu.memory_space<vmem>>
      %dma_start3A_33 = arith.constant 0 : i32
      %dma_start3A_34 = arith.constant 0 : i32
      %dma_start3A_35 = tpu.memref_slice %arg2[%dma_start3A_33, %dma_start3A_34] : memref<10000x128xi32, #tpu.memory_space<hbm>> -> memref<10000x128xi32, #tpu.memory_space<hbm>>
      tpu.enqueue_indirect_dma source(%dma_start3A_35 : memref<10000x128xi32, #tpu.memory_space<hbm>>) target(%arg10 : memref<40x128xi32, #tpu.memory_space<vmem>>) offsets(%dma_start3A_32 : memref<40xi32, #tpu.memory_space<vmem>>) semaphore(%arg20 : memref<!tpu.dma_semaphore, #tpu.memory_space<semaphore_mem>>)
      %dma_start3A_36 = tpu.memref_slice %arg7[%add3A_31] : memref<1600xi32, #tpu.memory_space<vmem>> -> memref<40xi32, #tpu.memory_space<vmem>>
      %dma_start3A_37 = arith.constant 0 : i32
      %dma_start3A_38 = arith.constant 0 : i32
      %dma_start3A_39 = tpu.memref_slice %arg2[%dma_start3A_37, %dma_start3A_38] : memref<10000x128xi32, #tpu.memory_space<hbm>> -> memref<10000x128xi32, #tpu.memory_space<hbm>>
      tpu.enqueue_indirect_dma source(%dma_start3A_39 : memref<10000x128xi32, #tpu.memory_space<hbm>>) target(%arg15 : memref<40x128xi32, #tpu.memory_space<vmem>>) offsets(%dma_start3A_36 : memref<40xi32, #tpu.memory_space<vmem>>) semaphore(%arg20 : memref<!tpu.dma_semaphore, #tpu.memory_space<semaphore_mem>>)
      %add3A_40 = arith.constant 120 : i32
      %add3A_41 = arith.addi %mul3A_10, %add3A_40 : i32
      %dma_start3A_42 = tpu.memref_slice %arg6[%add3A_41] : memref<1600xi32, #tpu.memory_space<vmem>> -> memref<40xi32, #tpu.memory_space<vmem>>
      %dma_start3A_43 = arith.constant 0 : i32
      %dma_start3A_44 = arith.constant 0 : i32
      %dma_start3A_45 = tpu.memref_slice %arg2[%dma_start3A_43, %dma_start3A_44] : memref<10000x128xi32, #tpu.memory_space<hbm>> -> memref<10000x128xi32, #tpu.memory_space<hbm>>
      tpu.enqueue_indirect_dma source(%dma_start3A_45 : memref<10000x128xi32, #tpu.memory_space<hbm>>) target(%arg11 : memref<40x128xi32, #tpu.memory_space<vmem>>) offsets(%dma_start3A_42 : memref<40xi32, #tpu.memory_space<vmem>>) semaphore(%arg21 : memref<!tpu.dma_semaphore, #tpu.memory_space<semaphore_mem>>)
      %dma_start3A_46 = tpu.memref_slice %arg7[%add3A_41] : memref<1600xi32, #tpu.memory_space<vmem>> -> memref<40xi32, #tpu.memory_space<vmem>>
      %dma_start3A_47 = arith.constant 0 : i32
      %dma_start3A_48 = arith.constant 0 : i32
      %dma_start3A_49 = tpu.memref_slice %arg2[%dma_start3A_47, %dma_start3A_48] : memref<10000x128xi32, #tpu.memory_space<hbm>> -> memref<10000x128xi32, #tpu.memory_space<hbm>>
      tpu.enqueue_indirect_dma source(%dma_start3A_49 : memref<10000x128xi32, #tpu.memory_space<hbm>>) target(%arg16 : memref<40x128xi32, #tpu.memory_space<vmem>>) offsets(%dma_start3A_46 : memref<40xi32, #tpu.memory_space<vmem>>) semaphore(%arg21 : memref<!tpu.dma_semaphore, #tpu.memory_space<semaphore_mem>>)
      %add3A_50 = arith.constant 160 : i32
      %add3A_51 = arith.addi %mul3A_10, %add3A_50 : i32
      %dma_start3A_52 = tpu.memref_slice %arg6[%add3A_51] : memref<1600xi32, #tpu.memory_space<vmem>> -> memref<40xi32, #tpu.memory_space<vmem>>
      %dma_start3A_53 = arith.constant 0 : i32
      %dma_start3A_54 = arith.constant 0 : i32
      %dma_start3A_55 = tpu.memref_slice %arg2[%dma_start3A_53, %dma_start3A_54] : memref<10000x128xi32, #tpu.memory_space<hbm>> -> memref<10000x128xi32, #tpu.memory_space<hbm>>
      tpu.enqueue_indirect_dma source(%dma_start3A_55 : memref<10000x128xi32, #tpu.memory_space<hbm>>) target(%arg12 : memref<40x128xi32, #tpu.memory_space<vmem>>) offsets(%dma_start3A_52 : memref<40xi32, #tpu.memory_space<vmem>>) semaphore(%arg22 : memref<!tpu.dma_semaphore, #tpu.memory_space<semaphore_mem>>)
      %dma_start3A_56 = tpu.memref_slice %arg7[%add3A_51] : memref<1600xi32, #tpu.memory_space<vmem>> -> memref<40xi32, #tpu.memory_space<vmem>>
      %dma_start3A_57 = arith.constant 0 : i32
      %dma_start3A_58 = arith.constant 0 : i32
      %dma_start3A_59 = tpu.memref_slice %arg2[%dma_start3A_57, %dma_start3A_58] : memref<10000x128xi32, #tpu.memory_space<hbm>> -> memref<10000x128xi32, #tpu.memory_space<hbm>>
      tpu.enqueue_indirect_dma source(%dma_start3A_59 : memref<10000x128xi32, #tpu.memory_space<hbm>>) target(%arg17 : memref<40x128xi32, #tpu.memory_space<vmem>>) offsets(%dma_start3A_56 : memref<40xi32, #tpu.memory_space<vmem>>) semaphore(%arg22 : memref<!tpu.dma_semaphore, #tpu.memory_space<semaphore_mem>>)
      %add3A_60 = arith.addi %mul3A_2, %mul3A_10 : i32
      %add3A_61 = arith.constant 0 : i32
      %add3A_62 = arith.addi %add3A_60, %add3A_61 : i32
      %dma_wait3A = tpu.memref_slice %arg6[%add3A_12] : memref<1600xi32, #tpu.memory_space<vmem>> -> memref<40xi32, #tpu.memory_space<vmem>>
      %dma_wait3A_63 = arith.constant 0 : i32
      %dma_wait3A_64 = arith.constant 0 : i32
      %dma_wait3A_65 = tpu.memref_slice %arg2[%dma_wait3A_63, %dma_wait3A_64] : memref<10000x128xi32, #tpu.memory_space<hbm>> -> memref<10000x128xi32, #tpu.memory_space<hbm>>
      tpu.wait_indirect_dma semaphore(%arg18 : memref<!tpu.dma_semaphore, #tpu.memory_space<semaphore_mem>>) src(%dma_wait3A_65 : memref<10000x128xi32, #tpu.memory_space<hbm>>) dst(%arg8 : memref<40x128xi32, #tpu.memory_space<vmem>>)
      %dma_wait3A_66 = tpu.memref_slice %arg7[%add3A_12] : memref<1600xi32, #tpu.memory_space<vmem>> -> memref<40xi32, #tpu.memory_space<vmem>>
      %dma_wait3A_67 = arith.constant 0 : i32
      %dma_wait3A_68 = arith.constant 0 : i32
      %dma_wait3A_69 = tpu.memref_slice %arg2[%dma_wait3A_67, %dma_wait3A_68] : memref<10000x128xi32, #tpu.memory_space<hbm>> -> memref<10000x128xi32, #tpu.memory_space<hbm>>
      tpu.wait_indirect_dma semaphore(%arg18 : memref<!tpu.dma_semaphore, #tpu.memory_space<semaphore_mem>>) src(%dma_wait3A_69 : memref<10000x128xi32, #tpu.memory_space<hbm>>) dst(%arg13 : memref<40x128xi32, #tpu.memory_space<vmem>>)
      %dma_start3A_70 = arith.constant 0 : i32
      %dma_start3A_71 = tpu.memref_slice %arg5[%add3A_62, %dma_start3A_70] : memref<51200x256xi32, #tpu.memory_space<hbm>> -> memref<40x128xi32, #tpu.memory_space<hbm>>
      %dma_start3A_72 = arith.constant 0 : i32
      %dma_start3A_73 = tpu.memref_slice %arg5[%add3A_62, %dma_start3A_72] : memref<51200x256xi32, #tpu.memory_space<hbm>> -> memref<40x128xi32, #tpu.memory_space<hbm>>
      tpu.enqueue_dma source(%arg8 : memref<40x128xi32, #tpu.memory_space<vmem>>) target(%dma_start3A_73 : memref<40x128xi32, #tpu.memory_space<hbm>>) target_semaphore(%arg23 : memref<!tpu.dma_semaphore, #tpu.memory_space<semaphore_mem>>)
      %dma_start3A_74 = arith.constant 128 : i32
      %dma_start3A_75 = tpu.memref_slice %arg5[%add3A_62, %dma_start3A_74] : memref<51200x256xi32, #tpu.memory_space<hbm>> -> memref<40x128xi32, #tpu.memory_space<hbm>>
      %dma_start3A_76 = arith.constant 128 : i32
      %dma_start3A_77 = tpu.memref_slice %arg5[%add3A_62, %dma_start3A_76] : memref<51200x256xi32, #tpu.memory_space<hbm>> -> memref<40x128xi32, #tpu.memory_space<hbm>>
      tpu.enqueue_dma source(%arg13 : memref<40x128xi32, #tpu.memory_space<vmem>>) target(%dma_start3A_77 : memref<40x128xi32, #tpu.memory_space<hbm>>) target_semaphore(%arg23 : memref<!tpu.dma_semaphore, #tpu.memory_space<semaphore_mem>>)
      %add3A_78 = arith.addi %mul3A_2, %mul3A_10 : i32
      %add3A_79 = arith.constant 40 : i32
      %add3A_80 = arith.addi %add3A_78, %add3A_79 : i32
      %dma_wait3A_81 = tpu.memref_slice %arg6[%add3A_21] : memref<1600xi32, #tpu.memory_space<vmem>> -> memref<40xi32, #tpu.memory_space<vmem>>
      %dma_wait3A_82 = arith.constant 0 : i32
      %dma_wait3A_83 = arith.constant 0 : i32
      %dma_wait3A_84 = tpu.memref_slice %arg2[%dma_wait3A_82, %dma_wait3A_83] : memref<10000x128xi32, #tpu.memory_space<hbm>> -> memref<10000x128xi32, #tpu.memory_space<hbm>>
      tpu.wait_indirect_dma semaphore(%arg19 : memref<!tpu.dma_semaphore, #tpu.memory_space<semaphore_mem>>) src(%dma_wait3A_84 : memref<10000x128xi32, #tpu.memory_space<hbm>>) dst(%arg9 : memref<40x128xi32, #tpu.memory_space<vmem>>)
      %dma_wait3A_85 = tpu.memref_slice %arg7[%add3A_21] : memref<1600xi32, #tpu.memory_space<vmem>> -> memref<40xi32, #tpu.memory_space<vmem>>
      %dma_wait3A_86 = arith.constant 0 : i32
      %dma_wait3A_87 = arith.constant 0 : i32
      %dma_wait3A_88 = tpu.memref_slice %arg2[%dma_wait3A_86, %dma_wait3A_87] : memref<10000x128xi32, #tpu.memory_space<hbm>> -> memref<10000x128xi32, #tpu.memory_space<hbm>>
      tpu.wait_indirect_dma semaphore(%arg19 : memref<!tpu.dma_semaphore, #tpu.memory_space<semaphore_mem>>) src(%dma_wait3A_88 : memref<10000x128xi32, #tpu.memory_space<hbm>>) dst(%arg14 : memref<40x128xi32, #tpu.memory_space<vmem>>)
      %dma_start3A_89 = arith.constant 0 : i32
      %dma_start3A_90 = tpu.memref_slice %arg5[%add3A_80, %dma_start3A_89] : memref<51200x256xi32, #tpu.memory_space<hbm>> -> memref<40x128xi32, #tpu.memory_space<hbm>>
      %dma_start3A_91 = arith.constant 0 : i32
      %dma_start3A_92 = tpu.memref_slice %arg5[%add3A_80, %dma_start3A_91] : memref<51200x256xi32, #tpu.memory_space<hbm>> -> memref<40x128xi32, #tpu.memory_space<hbm>>
      tpu.enqueue_dma source(%arg9 : memref<40x128xi32, #tpu.memory_space<vmem>>) target(%dma_start3A_92 : memref<40x128xi32, #tpu.memory_space<hbm>>) target_semaphore(%arg24 : memref<!tpu.dma_semaphore, #tpu.memory_space<semaphore_mem>>)
      %dma_start3A_93 = arith.constant 128 : i32
      %dma_start3A_94 = tpu.memref_slice %arg5[%add3A_80, %dma_start3A_93] : memref<51200x256xi32, #tpu.memory_space<hbm>> -> memref<40x128xi32, #tpu.memory_space<hbm>>
      %dma_start3A_95 = arith.constant 128 : i32
      %dma_start3A_96 = tpu.memref_slice %arg5[%add3A_80, %dma_start3A_95] : memref<51200x256xi32, #tpu.memory_space<hbm>> -> memref<40x128xi32, #tpu.memory_space<hbm>>
      tpu.enqueue_dma source(%arg14 : memref<40x128xi32, #tpu.memory_space<vmem>>) target(%dma_start3A_96 : memref<40x128xi32, #tpu.memory_space<hbm>>) target_semaphore(%arg24 : memref<!tpu.dma_semaphore, #tpu.memory_space<semaphore_mem>>)
      %add3A_97 = arith.addi %mul3A_2, %mul3A_10 : i32
      %add3A_98 = arith.constant 80 : i32
      %add3A_99 = arith.addi %add3A_97, %add3A_98 : i32
      %dma_wait3A_100 = tpu.memref_slice %arg6[%add3A_31] : memref<1600xi32, #tpu.memory_space<vmem>> -> memref<40xi32, #tpu.memory_space<vmem>>
      %dma_wait3A_101 = arith.constant 0 : i32
      %dma_wait3A_102 = arith.constant 0 : i32
      %dma_wait3A_103 = tpu.memref_slice %arg2[%dma_wait3A_101, %dma_wait3A_102] : memref<10000x128xi32, #tpu.memory_space<hbm>> -> memref<10000x128xi32, #tpu.memory_space<hbm>>
      tpu.wait_indirect_dma semaphore(%arg20 : memref<!tpu.dma_semaphore, #tpu.memory_space<semaphore_mem>>) src(%dma_wait3A_103 : memref<10000x128xi32, #tpu.memory_space<hbm>>) dst(%arg10 : memref<40x128xi32, #tpu.memory_space<vmem>>)
      %dma_wait3A_104 = tpu.memref_slice %arg7[%add3A_31] : memref<1600xi32, #tpu.memory_space<vmem>> -> memref<40xi32, #tpu.memory_space<vmem>>
      %dma_wait3A_105 = arith.constant 0 : i32
      %dma_wait3A_106 = arith.constant 0 : i32
      %dma_wait3A_107 = tpu.memref_slice %arg2[%dma_wait3A_105, %dma_wait3A_106] : memref<10000x128xi32, #tpu.memory_space<hbm>> -> memref<10000x128xi32, #tpu.memory_space<hbm>>
      tpu.wait_indirect_dma semaphore(%arg20 : memref<!tpu.dma_semaphore, #tpu.memory_space<semaphore_mem>>) src(%dma_wait3A_107 : memref<10000x128xi32, #tpu.memory_space<hbm>>) dst(%arg15 : memref<40x128xi32, #tpu.memory_space<vmem>>)
      %dma_start3A_108 = arith.constant 0 : i32
      %dma_start3A_109 = tpu.memref_slice %arg5[%add3A_99, %dma_start3A_108] : memref<51200x256xi32, #tpu.memory_space<hbm>> -> memref<40x128xi32, #tpu.memory_space<hbm>>
      %dma_start3A_110 = arith.constant 0 : i32
      %dma_start3A_111 = tpu.memref_slice %arg5[%add3A_99, %dma_start3A_110] : memref<51200x256xi32, #tpu.memory_space<hbm>> -> memref<40x128xi32, #tpu.memory_space<hbm>>
      tpu.enqueue_dma source(%arg10 : memref<40x128xi32, #tpu.memory_space<vmem>>) target(%dma_start3A_111 : memref<40x128xi32, #tpu.memory_space<hbm>>) target_semaphore(%arg25 : memref<!tpu.dma_semaphore, #tpu.memory_space<semaphore_mem>>)
      %dma_start3A_112 = arith.constant 128 : i32
      %dma_start3A_113 = tpu.memref_slice %arg5[%add3A_99, %dma_start3A_112] : memref<51200x256xi32, #tpu.memory_space<hbm>> -> memref<40x128xi32, #tpu.memory_space<hbm>>
      %dma_start3A_114 = arith.constant 128 : i32
      %dma_start3A_115 = tpu.memref_slice %arg5[%add3A_99, %dma_start3A_114] : memref<51200x256xi32, #tpu.memory_space<hbm>> -> memref<40x128xi32, #tpu.memory_space<hbm>>
      tpu.enqueue_dma source(%arg15 : memref<40x128xi32, #tpu.memory_space<vmem>>) target(%dma_start3A_115 : memref<40x128xi32, #tpu.memory_space<hbm>>) target_semaphore(%arg25 : memref<!tpu.dma_semaphore, #tpu.memory_space<semaphore_mem>>)
      %add3A_116 = arith.addi %mul3A_2, %mul3A_10 : i32
      %add3A_117 = arith.constant 120 : i32
      %add3A_118 = arith.addi %add3A_116, %add3A_117 : i32
      %dma_wait3A_119 = tpu.memref_slice %arg6[%add3A_41] : memref<1600xi32, #tpu.memory_space<vmem>> -> memref<40xi32, #tpu.memory_space<vmem>>
      %dma_wait3A_120 = arith.constant 0 : i32
      %dma_wait3A_121 = arith.constant 0 : i32
      %dma_wait3A_122 = tpu.memref_slice %arg2[%dma_wait3A_120, %dma_wait3A_121] : memref<10000x128xi32, #tpu.memory_space<hbm>> -> memref<10000x128xi32, #tpu.memory_space<hbm>>
      tpu.wait_indirect_dma semaphore(%arg21 : memref<!tpu.dma_semaphore, #tpu.memory_space<semaphore_mem>>) src(%dma_wait3A_122 : memref<10000x128xi32, #tpu.memory_space<hbm>>) dst(%arg11 : memref<40x128xi32, #tpu.memory_space<vmem>>)
      %dma_wait3A_123 = tpu.memref_slice %arg7[%add3A_41] : memref<1600xi32, #tpu.memory_space<vmem>> -> memref<40xi32, #tpu.memory_space<vmem>>
      %dma_wait3A_124 = arith.constant 0 : i32
      %dma_wait3A_125 = arith.constant 0 : i32
      %dma_wait3A_126 = tpu.memref_slice %arg2[%dma_wait3A_124, %dma_wait3A_125] : memref<10000x128xi32, #tpu.memory_space<hbm>> -> memref<10000x128xi32, #tpu.memory_space<hbm>>
      tpu.wait_indirect_dma semaphore(%arg21 : memref<!tpu.dma_semaphore, #tpu.memory_space<semaphore_mem>>) src(%dma_wait3A_126 : memref<10000x128xi32, #tpu.memory_space<hbm>>) dst(%arg16 : memref<40x128xi32, #tpu.memory_space<vmem>>)
      %dma_start3A_127 = arith.constant 0 : i32
      %dma_start3A_128 = tpu.memref_slice %arg5[%add3A_118, %dma_start3A_127] : memref<51200x256xi32, #tpu.memory_space<hbm>> -> memref<40x128xi32, #tpu.memory_space<hbm>>
      %dma_start3A_129 = arith.constant 0 : i32
      %dma_start3A_130 = tpu.memref_slice %arg5[%add3A_118, %dma_start3A_129] : memref<51200x256xi32, #tpu.memory_space<hbm>> -> memref<40x128xi32, #tpu.memory_space<hbm>>
      tpu.enqueue_dma source(%arg11 : memref<40x128xi32, #tpu.memory_space<vmem>>) target(%dma_start3A_130 : memref<40x128xi32, #tpu.memory_space<hbm>>) target_semaphore(%arg26 : memref<!tpu.dma_semaphore, #tpu.memory_space<semaphore_mem>>)
      %dma_start3A_131 = arith.constant 128 : i32
      %dma_start3A_132 = tpu.memref_slice %arg5[%add3A_118, %dma_start3A_131] : memref<51200x256xi32, #tpu.memory_space<hbm>> -> memref<40x128xi32, #tpu.memory_space<hbm>>
      %dma_start3A_133 = arith.constant 128 : i32
      %dma_start3A_134 = tpu.memref_slice %arg5[%add3A_118, %dma_start3A_133] : memref<51200x256xi32, #tpu.memory_space<hbm>> -> memref<40x128xi32, #tpu.memory_space<hbm>>
      tpu.enqueue_dma source(%arg16 : memref<40x128xi32, #tpu.memory_space<vmem>>) target(%dma_start3A_134 : memref<40x128xi32, #tpu.memory_space<hbm>>) target_semaphore(%arg26 : memref<!tpu.dma_semaphore, #tpu.memory_space<semaphore_mem>>)
      %add3A_135 = arith.addi %mul3A_2, %mul3A_10 : i32
      %add3A_136 = arith.constant 160 : i32
      %add3A_137 = arith.addi %add3A_135, %add3A_136 : i32
      %dma_wait3A_138 = tpu.memref_slice %arg6[%add3A_51] : memref<1600xi32, #tpu.memory_space<vmem>> -> memref<40xi32, #tpu.memory_space<vmem>>
      %dma_wait3A_139 = arith.constant 0 : i32
      %dma_wait3A_140 = arith.constant 0 : i32
      %dma_wait3A_141 = tpu.memref_slice %arg2[%dma_wait3A_139, %dma_wait3A_140] : memref<10000x128xi32, #tpu.memory_space<hbm>> -> memref<10000x128xi32, #tpu.memory_space<hbm>>
      tpu.wait_indirect_dma semaphore(%arg22 : memref<!tpu.dma_semaphore, #tpu.memory_space<semaphore_mem>>) src(%dma_wait3A_141 : memref<10000x128xi32, #tpu.memory_space<hbm>>) dst(%arg12 : memref<40x128xi32, #tpu.memory_space<vmem>>)
      %dma_wait3A_142 = tpu.memref_slice %arg7[%add3A_51] : memref<1600xi32, #tpu.memory_space<vmem>> -> memref<40xi32, #tpu.memory_space<vmem>>
      %dma_wait3A_143 = arith.constant 0 : i32
      %dma_wait3A_144 = arith.constant 0 : i32
      %dma_wait3A_145 = tpu.memref_slice %arg2[%dma_wait3A_143, %dma_wait3A_144] : memref<10000x128xi32, #tpu.memory_space<hbm>> -> memref<10000x128xi32, #tpu.memory_space<hbm>>
      tpu.wait_indirect_dma semaphore(%arg22 : memref<!tpu.dma_semaphore, #tpu.memory_space<semaphore_mem>>) src(%dma_wait3A_145 : memref<10000x128xi32, #tpu.memory_space<hbm>>) dst(%arg17 : memref<40x128xi32, #tpu.memory_space<vmem>>)
      %dma_start3A_146 = arith.constant 0 : i32
      %dma_start3A_147 = tpu.memref_slice %arg5[%add3A_137, %dma_start3A_146] : memref<51200x256xi32, #tpu.memory_space<hbm>> -> memref<40x128xi32, #tpu.memory_space<hbm>>
      %dma_start3A_148 = arith.constant 0 : i32
      %dma_start3A_149 = tpu.memref_slice %arg5[%add3A_137, %dma_start3A_148] : memref<51200x256xi32, #tpu.memory_space<hbm>> -> memref<40x128xi32, #tpu.memory_space<hbm>>
      tpu.enqueue_dma source(%arg12 : memref<40x128xi32, #tpu.memory_space<vmem>>) target(%dma_start3A_149 : memref<40x128xi32, #tpu.memory_space<hbm>>) target_semaphore(%arg27 : memref<!tpu.dma_semaphore, #tpu.memory_space<semaphore_mem>>)
      %dma_start3A_150 = arith.constant 128 : i32
      %dma_start3A_151 = tpu.memref_slice %arg5[%add3A_137, %dma_start3A_150] : memref<51200x256xi32, #tpu.memory_space<hbm>> -> memref<40x128xi32, #tpu.memory_space<hbm>>
      %dma_start3A_152 = arith.constant 128 : i32
      %dma_start3A_153 = tpu.memref_slice %arg5[%add3A_137, %dma_start3A_152] : memref<51200x256xi32, #tpu.memory_space<hbm>> -> memref<40x128xi32, #tpu.memory_space<hbm>>
      tpu.enqueue_dma source(%arg17 : memref<40x128xi32, #tpu.memory_space<vmem>>) target(%dma_start3A_153 : memref<40x128xi32, #tpu.memory_space<hbm>>) target_semaphore(%arg27 : memref<!tpu.dma_semaphore, #tpu.memory_space<semaphore_mem>>)
      %dma_wait3A_154 = arith.constant 0 : i32
      %dma_wait3A_155 = tpu.memref_slice %arg5[%add3A_62, %dma_wait3A_154] : memref<51200x256xi32, #tpu.memory_space<hbm>> -> memref<40x128xi32, #tpu.memory_space<hbm>>
      %dma_wait3A_156 = arith.constant 0 : i32
      %dma_wait3A_157 = tpu.memref_slice %arg5[%add3A_62, %dma_wait3A_156] : memref<51200x256xi32, #tpu.memory_space<hbm>> -> memref<40x128xi32, #tpu.memory_space<hbm>>
      tpu.wait_dma2 semaphore(%arg23 : memref<!tpu.dma_semaphore, #tpu.memory_space<semaphore_mem>>) src(%arg8 : memref<40x128xi32, #tpu.memory_space<vmem>>) dst(%dma_wait3A_157 : memref<40x128xi32, #tpu.memory_space<hbm>>)
      %dma_wait3A_158 = arith.constant 128 : i32
      %dma_wait3A_159 = tpu.memref_slice %arg5[%add3A_62, %dma_wait3A_158] : memref<51200x256xi32, #tpu.memory_space<hbm>> -> memref<40x128xi32, #tpu.memory_space<hbm>>
      %dma_wait3A_160 = arith.constant 128 : i32
      %dma_wait3A_161 = tpu.memref_slice %arg5[%add3A_62, %dma_wait3A_160] : memref<51200x256xi32, #tpu.memory_space<hbm>> -> memref<40x128xi32, #tpu.memory_space<hbm>>
      tpu.wait_dma2 semaphore(%arg23 : memref<!tpu.dma_semaphore, #tpu.memory_space<semaphore_mem>>) src(%arg13 : memref<40x128xi32, #tpu.memory_space<vmem>>) dst(%dma_wait3A_161 : memref<40x128xi32, #tpu.memory_space<hbm>>)
      %dma_wait3A_162 = arith.constant 0 : i32
      %dma_wait3A_163 = tpu.memref_slice %arg5[%add3A_80, %dma_wait3A_162] : memref<51200x256xi32, #tpu.memory_space<hbm>> -> memref<40x128xi32, #tpu.memory_space<hbm>>
      %dma_wait3A_164 = arith.constant 0 : i32
      %dma_wait3A_165 = tpu.memref_slice %arg5[%add3A_80, %dma_wait3A_164] : memref<51200x256xi32, #tpu.memory_space<hbm>> -> memref<40x128xi32, #tpu.memory_space<hbm>>
      tpu.wait_dma2 semaphore(%arg24 : memref<!tpu.dma_semaphore, #tpu.memory_space<semaphore_mem>>) src(%arg9 : memref<40x128xi32, #tpu.memory_space<vmem>>) dst(%dma_wait3A_165 : memref<40x128xi32, #tpu.memory_space<hbm>>)
      %dma_wait3A_166 = arith.constant 128 : i32
      %dma_wait3A_167 = tpu.memref_slice %arg5[%add3A_80, %dma_wait3A_166] : memref<51200x256xi32, #tpu.memory_space<hbm>> -> memref<40x128xi32, #tpu.memory_space<hbm>>
      %dma_wait3A_168 = arith.constant 128 : i32
      %dma_wait3A_169 = tpu.memref_slice %arg5[%add3A_80, %dma_wait3A_168] : memref<51200x256xi32, #tpu.memory_space<hbm>> -> memref<40x128xi32, #tpu.memory_space<hbm>>
      tpu.wait_dma2 semaphore(%arg24 : memref<!tpu.dma_semaphore, #tpu.memory_space<semaphore_mem>>) src(%arg14 : memref<40x128xi32, #tpu.memory_space<vmem>>) dst(%dma_wait3A_169 : memref<40x128xi32, #tpu.memory_space<hbm>>)
      %dma_wait3A_170 = arith.constant 0 : i32
      %dma_wait3A_171 = tpu.memref_slice %arg5[%add3A_99, %dma_wait3A_170] : memref<51200x256xi32, #tpu.memory_space<hbm>> -> memref<40x128xi32, #tpu.memory_space<hbm>>
      %dma_wait3A_172 = arith.constant 0 : i32
      %dma_wait3A_173 = tpu.memref_slice %arg5[%add3A_99, %dma_wait3A_172] : memref<51200x256xi32, #tpu.memory_space<hbm>> -> memref<40x128xi32, #tpu.memory_space<hbm>>
      tpu.wait_dma2 semaphore(%arg25 : memref<!tpu.dma_semaphore, #tpu.memory_space<semaphore_mem>>) src(%arg10 : memref<40x128xi32, #tpu.memory_space<vmem>>) dst(%dma_wait3A_173 : memref<40x128xi32, #tpu.memory_space<hbm>>)
      %dma_wait3A_174 = arith.constant 128 : i32
      %dma_wait3A_175 = tpu.memref_slice %arg5[%add3A_99, %dma_wait3A_174] : memref<51200x256xi32, #tpu.memory_space<hbm>> -> memref<40x128xi32, #tpu.memory_space<hbm>>
      %dma_wait3A_176 = arith.constant 128 : i32
      %dma_wait3A_177 = tpu.memref_slice %arg5[%add3A_99, %dma_wait3A_176] : memref<51200x256xi32, #tpu.memory_space<hbm>> -> memref<40x128xi32, #tpu.memory_space<hbm>>
      tpu.wait_dma2 semaphore(%arg25 : memref<!tpu.dma_semaphore, #tpu.memory_space<semaphore_mem>>) src(%arg15 : memref<40x128xi32, #tpu.memory_space<vmem>>) dst(%dma_wait3A_177 : memref<40x128xi32, #tpu.memory_space<hbm>>)
      %dma_wait3A_178 = arith.constant 0 : i32
      %dma_wait3A_179 = tpu.memref_slice %arg5[%add3A_118, %dma_wait3A_178] : memref<51200x256xi32, #tpu.memory_space<hbm>> -> memref<40x128xi32, #tpu.memory_space<hbm>>
      %dma_wait3A_180 = arith.constant 0 : i32
      %dma_wait3A_181 = tpu.memref_slice %arg5[%add3A_118, %dma_wait3A_180] : memref<51200x256xi32, #tpu.memory_space<hbm>> -> memref<40x128xi32, #tpu.memory_space<hbm>>
      tpu.wait_dma2 semaphore(%arg26 : memref<!tpu.dma_semaphore, #tpu.memory_space<semaphore_mem>>) src(%arg11 : memref<40x128xi32, #tpu.memory_space<vmem>>) dst(%dma_wait3A_181 : memref<40x128xi32, #tpu.memory_space<hbm>>)
      %dma_wait3A_182 = arith.constant 128 : i32
      %dma_wait3A_183 = tpu.memref_slice %arg5[%add3A_118, %dma_wait3A_182] : memref<51200x256xi32, #tpu.memory_space<hbm>> -> memref<40x128xi32, #tpu.memory_space<hbm>>
      %dma_wait3A_184 = arith.constant 128 : i32
      %dma_wait3A_185 = tpu.memref_slice %arg5[%add3A_118, %dma_wait3A_184] : memref<51200x256xi32, #tpu.memory_space<hbm>> -> memref<40x128xi32, #tpu.memory_space<hbm>>
      tpu.wait_dma2 semaphore(%arg26 : memref<!tpu.dma_semaphore, #tpu.memory_space<semaphore_mem>>) src(%arg16 : memref<40x128xi32, #tpu.memory_space<vmem>>) dst(%dma_wait3A_185 : memref<40x128xi32, #tpu.memory_space<hbm>>)
      %dma_wait3A_186 = arith.constant 0 : i32
      %dma_wait3A_187 = tpu.memref_slice %arg5[%add3A_137, %dma_wait3A_186] : memref<51200x256xi32, #tpu.memory_space<hbm>> -> memref<40x128xi32, #tpu.memory_space<hbm>>
      %dma_wait3A_188 = arith.constant 0 : i32
      %dma_wait3A_189 = tpu.memref_slice %arg5[%add3A_137, %dma_wait3A_188] : memref<51200x256xi32, #tpu.memory_space<hbm>> -> memref<40x128xi32, #tpu.memory_space<hbm>>
      tpu.wait_dma2 semaphore(%arg27 : memref<!tpu.dma_semaphore, #tpu.memory_space<semaphore_mem>>) src(%arg12 : memref<40x128xi32, #tpu.memory_space<vmem>>) dst(%dma_wait3A_189 : memref<40x128xi32, #tpu.memory_space<hbm>>)
      %dma_wait3A_190 = arith.constant 128 : i32
      %dma_wait3A_191 = tpu.memref_slice %arg5[%add3A_137, %dma_wait3A_190] : memref<51200x256xi32, #tpu.memory_space<hbm>> -> memref<40x128xi32, #tpu.memory_space<hbm>>
      %dma_wait3A_192 = arith.constant 128 : i32
      %dma_wait3A_193 = tpu.memref_slice %arg5[%add3A_137, %dma_wait3A_192] : memref<51200x256xi32, #tpu.memory_space<hbm>> -> memref<40x128xi32, #tpu.memory_space<hbm>>
      tpu.wait_dma2 semaphore(%arg27 : memref<!tpu.dma_semaphore, #tpu.memory_space<semaphore_mem>>) src(%arg17 : memref<40x128xi32, #tpu.memory_space<vmem>>) dst(%dma_wait3A_193 : memref<40x128xi32, #tpu.memory_space<hbm>>)
    }
    %scan3A_7 = arith.constant 8 : i32
    return
  }
}

#map = affine_map<(d0, d1) -> (0, 0)>
#map1 = affine_map<(d0, d1) -> (0)>
module attributes {stable_mosaic.version = 14 : i64} {
  func.func @k(%arg0: i32, %arg1: i32, %arg2: memref<10000x128xi32, #tpu.memory_space<hbm>>, %arg3: memref<57600xi32, #tpu.memory_space<hbm>>, %arg4: memref<57600xi32, #tpu.memory_space<hbm>>, %arg5: memref<57600x256xi32, #tpu.memory_space<hbm>>, %arg6: memref<1800xi32, #tpu.memory_space<vmem>>, %arg7: memref<1800xi32, #tpu.memory_space<vmem>>, %arg8: memref<40x128xi32, #tpu.memory_space<vmem>>, %arg9: memref<40x128xi32, #tpu.memory_space<vmem>>, %arg10: memref<40x128xi32, #tpu.memory_space<vmem>>, %arg11: memref<40x128xi32, #tpu.memory_space<vmem>>, %arg12: memref<40x128xi32, #tpu.memory_space<vmem>>, %arg13: memref<40x128xi32, #tpu.memory_space<vmem>>, %arg14: memref<40x128xi32, #tpu.memory_space<vmem>>, %arg15: memref<40x128xi32, #tpu.memory_space<vmem>>, %arg16: memref<40x128xi32, #tpu.memory_space<vmem>>, %arg17: memref<40x128xi32, #tpu.memory_space<vmem>>, %arg18: memref<!tpu.dma_semaphore, #tpu.memory_space<semaphore_mem>>, %arg19: memref<!tpu.dma_semaphore, #tpu.memory_space<semaphore_mem>>, %arg20: memref<!tpu.dma_semaphore, #tpu.memory_space<semaphore_mem>>, %arg21: memref<!tpu.dma_semaphore, #tpu.memory_space<semaphore_mem>>, %arg22: memref<!tpu.dma_semaphore, #tpu.memory_space<semaphore_mem>>, %arg23: memref<!tpu.dma_semaphore, #tpu.memory_space<semaphore_mem>>, %arg24: memref<!tpu.dma_semaphore, #tpu.memory_space<semaphore_mem>>, %arg25: memref<!tpu.dma_semaphore, #tpu.memory_space<semaphore_mem>>, %arg26: memref<!tpu.dma_semaphore, #tpu.memory_space<semaphore_mem>>, %arg27: memref<!tpu.dma_semaphore, #tpu.memory_space<semaphore_mem>>) attributes {dimension_semantics = [#tpu.dimension_semantics<core_parallel>, #tpu.dimension_semantics<subcore_parallel>], iteration_bounds = array<i64: 2, 16>, scalar_prefetch = 0 : i64, scratch_operands = 22 : i64, tpu.core_type = #tpu.core_type<sc_vector_subcore>, window_params = [{transform_indices = #map}, {transform_indices = #map1}, {transform_indices = #map1}, {transform_indices = #map}]} {
    %mul3A = arith.constant 2 : i32
    %mul3A_0 = arith.muli %arg1, %mul3A : i32
    %add3A = arith.addi %mul3A_0, %arg0 : i32
    %mul3A_1 = arith.constant 1800 : i32
    %mul3A_2 = arith.muli %add3A, %mul3A_1 : i32
    "tpu.region"() ({
      %run_scoped3A = tpu.sem_alloc : memref<!tpu.dma_semaphore, #tpu.memory_space<semaphore_mem>>
      %dma_start3A = tpu.memref_slice %arg3[%mul3A_2] : memref<57600xi32, #tpu.memory_space<hbm>> -> memref<1800xi32, #tpu.memory_space<hbm>>
      %dma_start3A_8 = tpu.memref_slice %arg3[%mul3A_2] : memref<57600xi32, #tpu.memory_space<hbm>> -> memref<1800xi32, #tpu.memory_space<hbm>>
      tpu.enqueue_dma source(%dma_start3A_8 : memref<1800xi32, #tpu.memory_space<hbm>>) target(%arg6 : memref<1800xi32, #tpu.memory_space<vmem>>) target_semaphore(%run_scoped3A : memref<!tpu.dma_semaphore, #tpu.memory_space<semaphore_mem>>)
      %dma_wait3A = tpu.memref_slice %arg3[%mul3A_2] : memref<57600xi32, #tpu.memory_space<hbm>> -> memref<1800xi32, #tpu.memory_space<hbm>>
      %dma_wait3A_9 = tpu.memref_slice %arg3[%mul3A_2] : memref<57600xi32, #tpu.memory_space<hbm>> -> memref<1800xi32, #tpu.memory_space<hbm>>
      tpu.wait_dma2 semaphore(%run_scoped3A : memref<!tpu.dma_semaphore, #tpu.memory_space<semaphore_mem>>) src(%dma_wait3A_9 : memref<1800xi32, #tpu.memory_space<hbm>>) dst(%arg6 : memref<1800xi32, #tpu.memory_space<vmem>>)
      tpu.yield
    }) : () -> ()
    "tpu.region"() ({
      %run_scoped3A = tpu.sem_alloc : memref<!tpu.dma_semaphore, #tpu.memory_space<semaphore_mem>>
      %dma_start3A = tpu.memref_slice %arg4[%mul3A_2] : memref<57600xi32, #tpu.memory_space<hbm>> -> memref<1800xi32, #tpu.memory_space<hbm>>
      %dma_start3A_8 = tpu.memref_slice %arg4[%mul3A_2] : memref<57600xi32, #tpu.memory_space<hbm>> -> memref<1800xi32, #tpu.memory_space<hbm>>
      tpu.enqueue_dma source(%dma_start3A_8 : memref<1800xi32, #tpu.memory_space<hbm>>) target(%arg7 : memref<1800xi32, #tpu.memory_space<vmem>>) target_semaphore(%run_scoped3A : memref<!tpu.dma_semaphore, #tpu.memory_space<semaphore_mem>>)
      %dma_wait3A = tpu.memref_slice %arg4[%mul3A_2] : memref<57600xi32, #tpu.memory_space<hbm>> -> memref<1800xi32, #tpu.memory_space<hbm>>
      %dma_wait3A_9 = tpu.memref_slice %arg4[%mul3A_2] : memref<57600xi32, #tpu.memory_space<hbm>> -> memref<1800xi32, #tpu.memory_space<hbm>>
      tpu.wait_dma2 semaphore(%run_scoped3A : memref<!tpu.dma_semaphore, #tpu.memory_space<semaphore_mem>>) src(%dma_wait3A_9 : memref<1800xi32, #tpu.memory_space<hbm>>) dst(%arg7 : memref<1800xi32, #tpu.memory_space<vmem>>)
      tpu.yield
    }) : () -> ()
    %scan3A = arith.constant 0 : i32
    %scan3A_3 = arith.constant 0 : i32
    %scan3A_4 = arith.constant 9 : i32
    %scan3A_5 = arith.addi %scan3A_3, %scan3A_4 : i32
    %scan3A_6 = arith.constant 1 : i32
    scf.for %scan3A_8 = %scan3A_3 to %scan3A_5 step %scan3A_6  : i32 {
      %mul3A_9 = arith.constant 200 : i32
      %mul3A_10 = arith.muli %scan3A_8, %mul3A_9 : i32
      %add3A_11 = arith.constant 0 : i32
      %add3A_12 = arith.addi %mul3A_10, %add3A_11 : i32
      %dma_start3A = tpu.memref_slice %arg6[%add3A_12] : memref<1800xi32, #tpu.memory_space<vmem>> -> memref<40xi32, #tpu.memory_space<vmem>>
      %dma_start3A_13 = arith.constant 0 : i32
      %dma_start3A_14 = arith.constant 0 : i32
      %dma_start3A_15 = tpu.memref_slice %arg2[%dma_start3A_13, %dma_start3A_14] : memref<10000x128xi32, #tpu.memory_space<hbm>> -> memref<10000x128xi32, #tpu.memory_space<hbm>>
      tpu.enqueue_indirect_dma source(%dma_start3A_15 : memref<10000x128xi32, #tpu.memory_space<hbm>>) target(%arg8 : memref<40x128xi32, #tpu.memory_space<vmem>>) offsets(%dma_start3A : memref<40xi32, #tpu.memory_space<vmem>>) semaphore(%arg18 : memref<!tpu.dma_semaphore, #tpu.memory_space<semaphore_mem>>)
      %dma_start3A_16 = tpu.memref_slice %arg7[%add3A_12] : memref<1800xi32, #tpu.memory_space<vmem>> -> memref<40xi32, #tpu.memory_space<vmem>>
      %dma_start3A_17 = arith.constant 0 : i32
      %dma_start3A_18 = arith.constant 0 : i32
      %dma_start3A_19 = tpu.memref_slice %arg2[%dma_start3A_17, %dma_start3A_18] : memref<10000x128xi32, #tpu.memory_space<hbm>> -> memref<10000x128xi32, #tpu.memory_space<hbm>>
      tpu.enqueue_indirect_dma source(%dma_start3A_19 : memref<10000x128xi32, #tpu.memory_space<hbm>>) target(%arg13 : memref<40x128xi32, #tpu.memory_space<vmem>>) offsets(%dma_start3A_16 : memref<40xi32, #tpu.memory_space<vmem>>) semaphore(%arg18 : memref<!tpu.dma_semaphore, #tpu.memory_space<semaphore_mem>>)
      %add3A_20 = arith.constant 40 : i32
      %add3A_21 = arith.addi %mul3A_10, %add3A_20 : i32
      %dma_start3A_22 = tpu.memref_slice %arg6[%add3A_21] : memref<1800xi32, #tpu.memory_space<vmem>> -> memref<40xi32, #tpu.memory_space<vmem>>
      %dma_start3A_23 = arith.constant 0 : i32
      %dma_start3A_24 = arith.constant 0 : i32
      %dma_start3A_25 = tpu.memref_slice %arg2[%dma_start3A_23, %dma_start3A_24] : memref<10000x128xi32, #tpu.memory_space<hbm>> -> memref<10000x128xi32, #tpu.memory_space<hbm>>
      tpu.enqueue_indirect_dma source(%dma_start3A_25 : memref<10000x128xi32, #tpu.memory_space<hbm>>) target(%arg9 : memref<40x128xi32, #tpu.memory_space<vmem>>) offsets(%dma_start3A_22 : memref<40xi32, #tpu.memory_space<vmem>>) semaphore(%arg19 : memref<!tpu.dma_semaphore, #tpu.memory_space<semaphore_mem>>)
      %dma_start3A_26 = tpu.memref_slice %arg7[%add3A_21] : memref<1800xi32, #tpu.memory_space<vmem>> -> memref<40xi32, #tpu.memory_space<vmem>>
      %dma_start3A_27 = arith.constant 0 : i32
      %dma_start3A_28 = arith.constant 0 : i32
      %dma_start3A_29 = tpu.memref_slice %arg2[%dma_start3A_27, %dma_start3A_28] : memref<10000x128xi32, #tpu.memory_space<hbm>> -> memref<10000x128xi32, #tpu.memory_space<hbm>>
      tpu.enqueue_indirect_dma source(%dma_start3A_29 : memref<10000x128xi32, #tpu.memory_space<hbm>>) target(%arg14 : memref<40x128xi32, #tpu.memory_space<vmem>>) offsets(%dma_start3A_26 : memref<40xi32, #tpu.memory_space<vmem>>) semaphore(%arg19 : memref<!tpu.dma_semaphore, #tpu.memory_space<semaphore_mem>>)
      %add3A_30 = arith.constant 80 : i32
      %add3A_31 = arith.addi %mul3A_10, %add3A_30 : i32
      %dma_start3A_32 = tpu.memref_slice %arg6[%add3A_31] : memref<1800xi32, #tpu.memory_space<vmem>> -> memref<40xi32, #tpu.memory_space<vmem>>
      %dma_start3A_33 = arith.constant 0 : i32
      %dma_start3A_34 = arith.constant 0 : i32
      %dma_start3A_35 = tpu.memref_slice %arg2[%dma_start3A_33, %dma_start3A_34] : memref<10000x128xi32, #tpu.memory_space<hbm>> -> memref<10000x128xi32, #tpu.memory_space<hbm>>
      tpu.enqueue_indirect_dma source(%dma_start3A_35 : memref<10000x128xi32, #tpu.memory_space<hbm>>) target(%arg10 : memref<40x128xi32, #tpu.memory_space<vmem>>) offsets(%dma_start3A_32 : memref<40xi32, #tpu.memory_space<vmem>>) semaphore(%arg20 : memref<!tpu.dma_semaphore, #tpu.memory_space<semaphore_mem>>)
      %dma_start3A_36 = tpu.memref_slice %arg7[%add3A_31] : memref<1800xi32, #tpu.memory_space<vmem>> -> memref<40xi32, #tpu.memory_space<vmem>>
      %dma_start3A_37 = arith.constant 0 : i32
      %dma_start3A_38 = arith.constant 0 : i32
      %dma_start3A_39 = tpu.memref_slice %arg2[%dma_start3A_37, %dma_start3A_38] : memref<10000x128xi32, #tpu.memory_space<hbm>> -> memref<10000x128xi32, #tpu.memory_space<hbm>>
      tpu.enqueue_indirect_dma source(%dma_start3A_39 : memref<10000x128xi32, #tpu.memory_space<hbm>>) target(%arg15 : memref<40x128xi32, #tpu.memory_space<vmem>>) offsets(%dma_start3A_36 : memref<40xi32, #tpu.memory_space<vmem>>) semaphore(%arg20 : memref<!tpu.dma_semaphore, #tpu.memory_space<semaphore_mem>>)
      %add3A_40 = arith.constant 120 : i32
      %add3A_41 = arith.addi %mul3A_10, %add3A_40 : i32
      %dma_start3A_42 = tpu.memref_slice %arg6[%add3A_41] : memref<1800xi32, #tpu.memory_space<vmem>> -> memref<40xi32, #tpu.memory_space<vmem>>
      %dma_start3A_43 = arith.constant 0 : i32
      %dma_start3A_44 = arith.constant 0 : i32
      %dma_start3A_45 = tpu.memref_slice %arg2[%dma_start3A_43, %dma_start3A_44] : memref<10000x128xi32, #tpu.memory_space<hbm>> -> memref<10000x128xi32, #tpu.memory_space<hbm>>
      tpu.enqueue_indirect_dma source(%dma_start3A_45 : memref<10000x128xi32, #tpu.memory_space<hbm>>) target(%arg11 : memref<40x128xi32, #tpu.memory_space<vmem>>) offsets(%dma_start3A_42 : memref<40xi32, #tpu.memory_space<vmem>>) semaphore(%arg21 : memref<!tpu.dma_semaphore, #tpu.memory_space<semaphore_mem>>)
      %dma_start3A_46 = tpu.memref_slice %arg7[%add3A_41] : memref<1800xi32, #tpu.memory_space<vmem>> -> memref<40xi32, #tpu.memory_space<vmem>>
      %dma_start3A_47 = arith.constant 0 : i32
      %dma_start3A_48 = arith.constant 0 : i32
      %dma_start3A_49 = tpu.memref_slice %arg2[%dma_start3A_47, %dma_start3A_48] : memref<10000x128xi32, #tpu.memory_space<hbm>> -> memref<10000x128xi32, #tpu.memory_space<hbm>>
      tpu.enqueue_indirect_dma source(%dma_start3A_49 : memref<10000x128xi32, #tpu.memory_space<hbm>>) target(%arg16 : memref<40x128xi32, #tpu.memory_space<vmem>>) offsets(%dma_start3A_46 : memref<40xi32, #tpu.memory_space<vmem>>) semaphore(%arg21 : memref<!tpu.dma_semaphore, #tpu.memory_space<semaphore_mem>>)
      %add3A_50 = arith.constant 160 : i32
      %add3A_51 = arith.addi %mul3A_10, %add3A_50 : i32
      %dma_start3A_52 = tpu.memref_slice %arg6[%add3A_51] : memref<1800xi32, #tpu.memory_space<vmem>> -> memref<40xi32, #tpu.memory_space<vmem>>
      %dma_start3A_53 = arith.constant 0 : i32
      %dma_start3A_54 = arith.constant 0 : i32
      %dma_start3A_55 = tpu.memref_slice %arg2[%dma_start3A_53, %dma_start3A_54] : memref<10000x128xi32, #tpu.memory_space<hbm>> -> memref<10000x128xi32, #tpu.memory_space<hbm>>
      tpu.enqueue_indirect_dma source(%dma_start3A_55 : memref<10000x128xi32, #tpu.memory_space<hbm>>) target(%arg12 : memref<40x128xi32, #tpu.memory_space<vmem>>) offsets(%dma_start3A_52 : memref<40xi32, #tpu.memory_space<vmem>>) semaphore(%arg22 : memref<!tpu.dma_semaphore, #tpu.memory_space<semaphore_mem>>)
      %dma_start3A_56 = tpu.memref_slice %arg7[%add3A_51] : memref<1800xi32, #tpu.memory_space<vmem>> -> memref<40xi32, #tpu.memory_space<vmem>>
      %dma_start3A_57 = arith.constant 0 : i32
      %dma_start3A_58 = arith.constant 0 : i32
      %dma_start3A_59 = tpu.memref_slice %arg2[%dma_start3A_57, %dma_start3A_58] : memref<10000x128xi32, #tpu.memory_space<hbm>> -> memref<10000x128xi32, #tpu.memory_space<hbm>>
      tpu.enqueue_indirect_dma source(%dma_start3A_59 : memref<10000x128xi32, #tpu.memory_space<hbm>>) target(%arg17 : memref<40x128xi32, #tpu.memory_space<vmem>>) offsets(%dma_start3A_56 : memref<40xi32, #tpu.memory_space<vmem>>) semaphore(%arg22 : memref<!tpu.dma_semaphore, #tpu.memory_space<semaphore_mem>>)
      %add3A_60 = arith.addi %mul3A_2, %mul3A_10 : i32
      %add3A_61 = arith.constant 0 : i32
      %add3A_62 = arith.addi %add3A_60, %add3A_61 : i32
      %dma_wait3A = tpu.memref_slice %arg6[%add3A_12] : memref<1800xi32, #tpu.memory_space<vmem>> -> memref<40xi32, #tpu.memory_space<vmem>>
      %dma_wait3A_63 = arith.constant 0 : i32
      %dma_wait3A_64 = arith.constant 0 : i32
      %dma_wait3A_65 = tpu.memref_slice %arg2[%dma_wait3A_63, %dma_wait3A_64] : memref<10000x128xi32, #tpu.memory_space<hbm>> -> memref<10000x128xi32, #tpu.memory_space<hbm>>
      tpu.wait_indirect_dma semaphore(%arg18 : memref<!tpu.dma_semaphore, #tpu.memory_space<semaphore_mem>>) src(%dma_wait3A_65 : memref<10000x128xi32, #tpu.memory_space<hbm>>) dst(%arg8 : memref<40x128xi32, #tpu.memory_space<vmem>>)
      %dma_wait3A_66 = tpu.memref_slice %arg7[%add3A_12] : memref<1800xi32, #tpu.memory_space<vmem>> -> memref<40xi32, #tpu.memory_space<vmem>>
      %dma_wait3A_67 = arith.constant 0 : i32
      %dma_wait3A_68 = arith.constant 0 : i32
      %dma_wait3A_69 = tpu.memref_slice %arg2[%dma_wait3A_67, %dma_wait3A_68] : memref<10000x128xi32, #tpu.memory_space<hbm>> -> memref<10000x128xi32, #tpu.memory_space<hbm>>
      tpu.wait_indirect_dma semaphore(%arg18 : memref<!tpu.dma_semaphore, #tpu.memory_space<semaphore_mem>>) src(%dma_wait3A_69 : memref<10000x128xi32, #tpu.memory_space<hbm>>) dst(%arg13 : memref<40x128xi32, #tpu.memory_space<vmem>>)
      %dma_start3A_70 = arith.constant 0 : i32
      %dma_start3A_71 = tpu.memref_slice %arg5[%add3A_62, %dma_start3A_70] : memref<57600x256xi32, #tpu.memory_space<hbm>> -> memref<40x128xi32, #tpu.memory_space<hbm>>
      %dma_start3A_72 = arith.constant 0 : i32
      %dma_start3A_73 = tpu.memref_slice %arg5[%add3A_62, %dma_start3A_72] : memref<57600x256xi32, #tpu.memory_space<hbm>> -> memref<40x128xi32, #tpu.memory_space<hbm>>
      tpu.enqueue_dma source(%arg8 : memref<40x128xi32, #tpu.memory_space<vmem>>) target(%dma_start3A_73 : memref<40x128xi32, #tpu.memory_space<hbm>>) target_semaphore(%arg23 : memref<!tpu.dma_semaphore, #tpu.memory_space<semaphore_mem>>)
      %dma_start3A_74 = arith.constant 128 : i32
      %dma_start3A_75 = tpu.memref_slice %arg5[%add3A_62, %dma_start3A_74] : memref<57600x256xi32, #tpu.memory_space<hbm>> -> memref<40x128xi32, #tpu.memory_space<hbm>>
      %dma_start3A_76 = arith.constant 128 : i32
      %dma_start3A_77 = tpu.memref_slice %arg5[%add3A_62, %dma_start3A_76] : memref<57600x256xi32, #tpu.memory_space<hbm>> -> memref<40x128xi32, #tpu.memory_space<hbm>>
      tpu.enqueue_dma source(%arg13 : memref<40x128xi32, #tpu.memory_space<vmem>>) target(%dma_start3A_77 : memref<40x128xi32, #tpu.memory_space<hbm>>) target_semaphore(%arg23 : memref<!tpu.dma_semaphore, #tpu.memory_space<semaphore_mem>>)
      %add3A_78 = arith.addi %mul3A_2, %mul3A_10 : i32
      %add3A_79 = arith.constant 40 : i32
      %add3A_80 = arith.addi %add3A_78, %add3A_79 : i32
      %dma_wait3A_81 = tpu.memref_slice %arg6[%add3A_21] : memref<1800xi32, #tpu.memory_space<vmem>> -> memref<40xi32, #tpu.memory_space<vmem>>
      %dma_wait3A_82 = arith.constant 0 : i32
      %dma_wait3A_83 = arith.constant 0 : i32
      %dma_wait3A_84 = tpu.memref_slice %arg2[%dma_wait3A_82, %dma_wait3A_83] : memref<10000x128xi32, #tpu.memory_space<hbm>> -> memref<10000x128xi32, #tpu.memory_space<hbm>>
      tpu.wait_indirect_dma semaphore(%arg19 : memref<!tpu.dma_semaphore, #tpu.memory_space<semaphore_mem>>) src(%dma_wait3A_84 : memref<10000x128xi32, #tpu.memory_space<hbm>>) dst(%arg9 : memref<40x128xi32, #tpu.memory_space<vmem>>)
      %dma_wait3A_85 = tpu.memref_slice %arg7[%add3A_21] : memref<1800xi32, #tpu.memory_space<vmem>> -> memref<40xi32, #tpu.memory_space<vmem>>
      %dma_wait3A_86 = arith.constant 0 : i32
      %dma_wait3A_87 = arith.constant 0 : i32
      %dma_wait3A_88 = tpu.memref_slice %arg2[%dma_wait3A_86, %dma_wait3A_87] : memref<10000x128xi32, #tpu.memory_space<hbm>> -> memref<10000x128xi32, #tpu.memory_space<hbm>>
      tpu.wait_indirect_dma semaphore(%arg19 : memref<!tpu.dma_semaphore, #tpu.memory_space<semaphore_mem>>) src(%dma_wait3A_88 : memref<10000x128xi32, #tpu.memory_space<hbm>>) dst(%arg14 : memref<40x128xi32, #tpu.memory_space<vmem>>)
      %dma_start3A_89 = arith.constant 0 : i32
      %dma_start3A_90 = tpu.memref_slice %arg5[%add3A_80, %dma_start3A_89] : memref<57600x256xi32, #tpu.memory_space<hbm>> -> memref<40x128xi32, #tpu.memory_space<hbm>>
      %dma_start3A_91 = arith.constant 0 : i32
      %dma_start3A_92 = tpu.memref_slice %arg5[%add3A_80, %dma_start3A_91] : memref<57600x256xi32, #tpu.memory_space<hbm>> -> memref<40x128xi32, #tpu.memory_space<hbm>>
      tpu.enqueue_dma source(%arg9 : memref<40x128xi32, #tpu.memory_space<vmem>>) target(%dma_start3A_92 : memref<40x128xi32, #tpu.memory_space<hbm>>) target_semaphore(%arg24 : memref<!tpu.dma_semaphore, #tpu.memory_space<semaphore_mem>>)
      %dma_start3A_93 = arith.constant 128 : i32
      %dma_start3A_94 = tpu.memref_slice %arg5[%add3A_80, %dma_start3A_93] : memref<57600x256xi32, #tpu.memory_space<hbm>> -> memref<40x128xi32, #tpu.memory_space<hbm>>
      %dma_start3A_95 = arith.constant 128 : i32
      %dma_start3A_96 = tpu.memref_slice %arg5[%add3A_80, %dma_start3A_95] : memref<57600x256xi32, #tpu.memory_space<hbm>> -> memref<40x128xi32, #tpu.memory_space<hbm>>
      tpu.enqueue_dma source(%arg14 : memref<40x128xi32, #tpu.memory_space<vmem>>) target(%dma_start3A_96 : memref<40x128xi32, #tpu.memory_space<hbm>>) target_semaphore(%arg24 : memref<!tpu.dma_semaphore, #tpu.memory_space<semaphore_mem>>)
      %add3A_97 = arith.addi %mul3A_2, %mul3A_10 : i32
      %add3A_98 = arith.constant 80 : i32
      %add3A_99 = arith.addi %add3A_97, %add3A_98 : i32
      %dma_wait3A_100 = tpu.memref_slice %arg6[%add3A_31] : memref<1800xi32, #tpu.memory_space<vmem>> -> memref<40xi32, #tpu.memory_space<vmem>>
      %dma_wait3A_101 = arith.constant 0 : i32
      %dma_wait3A_102 = arith.constant 0 : i32
      %dma_wait3A_103 = tpu.memref_slice %arg2[%dma_wait3A_101, %dma_wait3A_102] : memref<10000x128xi32, #tpu.memory_space<hbm>> -> memref<10000x128xi32, #tpu.memory_space<hbm>>
      tpu.wait_indirect_dma semaphore(%arg20 : memref<!tpu.dma_semaphore, #tpu.memory_space<semaphore_mem>>) src(%dma_wait3A_103 : memref<10000x128xi32, #tpu.memory_space<hbm>>) dst(%arg10 : memref<40x128xi32, #tpu.memory_space<vmem>>)
      %dma_wait3A_104 = tpu.memref_slice %arg7[%add3A_31] : memref<1800xi32, #tpu.memory_space<vmem>> -> memref<40xi32, #tpu.memory_space<vmem>>
      %dma_wait3A_105 = arith.constant 0 : i32
      %dma_wait3A_106 = arith.constant 0 : i32
      %dma_wait3A_107 = tpu.memref_slice %arg2[%dma_wait3A_105, %dma_wait3A_106] : memref<10000x128xi32, #tpu.memory_space<hbm>> -> memref<10000x128xi32, #tpu.memory_space<hbm>>
      tpu.wait_indirect_dma semaphore(%arg20 : memref<!tpu.dma_semaphore, #tpu.memory_space<semaphore_mem>>) src(%dma_wait3A_107 : memref<10000x128xi32, #tpu.memory_space<hbm>>) dst(%arg15 : memref<40x128xi32, #tpu.memory_space<vmem>>)
      %dma_start3A_108 = arith.constant 0 : i32
      %dma_start3A_109 = tpu.memref_slice %arg5[%add3A_99, %dma_start3A_108] : memref<57600x256xi32, #tpu.memory_space<hbm>> -> memref<40x128xi32, #tpu.memory_space<hbm>>
      %dma_start3A_110 = arith.constant 0 : i32
      %dma_start3A_111 = tpu.memref_slice %arg5[%add3A_99, %dma_start3A_110] : memref<57600x256xi32, #tpu.memory_space<hbm>> -> memref<40x128xi32, #tpu.memory_space<hbm>>
      tpu.enqueue_dma source(%arg10 : memref<40x128xi32, #tpu.memory_space<vmem>>) target(%dma_start3A_111 : memref<40x128xi32, #tpu.memory_space<hbm>>) target_semaphore(%arg25 : memref<!tpu.dma_semaphore, #tpu.memory_space<semaphore_mem>>)
      %dma_start3A_112 = arith.constant 128 : i32
      %dma_start3A_113 = tpu.memref_slice %arg5[%add3A_99, %dma_start3A_112] : memref<57600x256xi32, #tpu.memory_space<hbm>> -> memref<40x128xi32, #tpu.memory_space<hbm>>
      %dma_start3A_114 = arith.constant 128 : i32
      %dma_start3A_115 = tpu.memref_slice %arg5[%add3A_99, %dma_start3A_114] : memref<57600x256xi32, #tpu.memory_space<hbm>> -> memref<40x128xi32, #tpu.memory_space<hbm>>
      tpu.enqueue_dma source(%arg15 : memref<40x128xi32, #tpu.memory_space<vmem>>) target(%dma_start3A_115 : memref<40x128xi32, #tpu.memory_space<hbm>>) target_semaphore(%arg25 : memref<!tpu.dma_semaphore, #tpu.memory_space<semaphore_mem>>)
      %add3A_116 = arith.addi %mul3A_2, %mul3A_10 : i32
      %add3A_117 = arith.constant 120 : i32
      %add3A_118 = arith.addi %add3A_116, %add3A_117 : i32
      %dma_wait3A_119 = tpu.memref_slice %arg6[%add3A_41] : memref<1800xi32, #tpu.memory_space<vmem>> -> memref<40xi32, #tpu.memory_space<vmem>>
      %dma_wait3A_120 = arith.constant 0 : i32
      %dma_wait3A_121 = arith.constant 0 : i32
      %dma_wait3A_122 = tpu.memref_slice %arg2[%dma_wait3A_120, %dma_wait3A_121] : memref<10000x128xi32, #tpu.memory_space<hbm>> -> memref<10000x128xi32, #tpu.memory_space<hbm>>
      tpu.wait_indirect_dma semaphore(%arg21 : memref<!tpu.dma_semaphore, #tpu.memory_space<semaphore_mem>>) src(%dma_wait3A_122 : memref<10000x128xi32, #tpu.memory_space<hbm>>) dst(%arg11 : memref<40x128xi32, #tpu.memory_space<vmem>>)
      %dma_wait3A_123 = tpu.memref_slice %arg7[%add3A_41] : memref<1800xi32, #tpu.memory_space<vmem>> -> memref<40xi32, #tpu.memory_space<vmem>>
      %dma_wait3A_124 = arith.constant 0 : i32
      %dma_wait3A_125 = arith.constant 0 : i32
      %dma_wait3A_126 = tpu.memref_slice %arg2[%dma_wait3A_124, %dma_wait3A_125] : memref<10000x128xi32, #tpu.memory_space<hbm>> -> memref<10000x128xi32, #tpu.memory_space<hbm>>
      tpu.wait_indirect_dma semaphore(%arg21 : memref<!tpu.dma_semaphore, #tpu.memory_space<semaphore_mem>>) src(%dma_wait3A_126 : memref<10000x128xi32, #tpu.memory_space<hbm>>) dst(%arg16 : memref<40x128xi32, #tpu.memory_space<vmem>>)
      %dma_start3A_127 = arith.constant 0 : i32
      %dma_start3A_128 = tpu.memref_slice %arg5[%add3A_118, %dma_start3A_127] : memref<57600x256xi32, #tpu.memory_space<hbm>> -> memref<40x128xi32, #tpu.memory_space<hbm>>
      %dma_start3A_129 = arith.constant 0 : i32
      %dma_start3A_130 = tpu.memref_slice %arg5[%add3A_118, %dma_start3A_129] : memref<57600x256xi32, #tpu.memory_space<hbm>> -> memref<40x128xi32, #tpu.memory_space<hbm>>
      tpu.enqueue_dma source(%arg11 : memref<40x128xi32, #tpu.memory_space<vmem>>) target(%dma_start3A_130 : memref<40x128xi32, #tpu.memory_space<hbm>>) target_semaphore(%arg26 : memref<!tpu.dma_semaphore, #tpu.memory_space<semaphore_mem>>)
      %dma_start3A_131 = arith.constant 128 : i32
      %dma_start3A_132 = tpu.memref_slice %arg5[%add3A_118, %dma_start3A_131] : memref<57600x256xi32, #tpu.memory_space<hbm>> -> memref<40x128xi32, #tpu.memory_space<hbm>>
      %dma_start3A_133 = arith.constant 128 : i32
      %dma_start3A_134 = tpu.memref_slice %arg5[%add3A_118, %dma_start3A_133] : memref<57600x256xi32, #tpu.memory_space<hbm>> -> memref<40x128xi32, #tpu.memory_space<hbm>>
      tpu.enqueue_dma source(%arg16 : memref<40x128xi32, #tpu.memory_space<vmem>>) target(%dma_start3A_134 : memref<40x128xi32, #tpu.memory_space<hbm>>) target_semaphore(%arg26 : memref<!tpu.dma_semaphore, #tpu.memory_space<semaphore_mem>>)
      %add3A_135 = arith.addi %mul3A_2, %mul3A_10 : i32
      %add3A_136 = arith.constant 160 : i32
      %add3A_137 = arith.addi %add3A_135, %add3A_136 : i32
      %dma_wait3A_138 = tpu.memref_slice %arg6[%add3A_51] : memref<1800xi32, #tpu.memory_space<vmem>> -> memref<40xi32, #tpu.memory_space<vmem>>
      %dma_wait3A_139 = arith.constant 0 : i32
      %dma_wait3A_140 = arith.constant 0 : i32
      %dma_wait3A_141 = tpu.memref_slice %arg2[%dma_wait3A_139, %dma_wait3A_140] : memref<10000x128xi32, #tpu.memory_space<hbm>> -> memref<10000x128xi32, #tpu.memory_space<hbm>>
      tpu.wait_indirect_dma semaphore(%arg22 : memref<!tpu.dma_semaphore, #tpu.memory_space<semaphore_mem>>) src(%dma_wait3A_141 : memref<10000x128xi32, #tpu.memory_space<hbm>>) dst(%arg12 : memref<40x128xi32, #tpu.memory_space<vmem>>)
      %dma_wait3A_142 = tpu.memref_slice %arg7[%add3A_51] : memref<1800xi32, #tpu.memory_space<vmem>> -> memref<40xi32, #tpu.memory_space<vmem>>
      %dma_wait3A_143 = arith.constant 0 : i32
      %dma_wait3A_144 = arith.constant 0 : i32
      %dma_wait3A_145 = tpu.memref_slice %arg2[%dma_wait3A_143, %dma_wait3A_144] : memref<10000x128xi32, #tpu.memory_space<hbm>> -> memref<10000x128xi32, #tpu.memory_space<hbm>>
      tpu.wait_indirect_dma semaphore(%arg22 : memref<!tpu.dma_semaphore, #tpu.memory_space<semaphore_mem>>) src(%dma_wait3A_145 : memref<10000x128xi32, #tpu.memory_space<hbm>>) dst(%arg17 : memref<40x128xi32, #tpu.memory_space<vmem>>)
      %dma_start3A_146 = arith.constant 0 : i32
      %dma_start3A_147 = tpu.memref_slice %arg5[%add3A_137, %dma_start3A_146] : memref<57600x256xi32, #tpu.memory_space<hbm>> -> memref<40x128xi32, #tpu.memory_space<hbm>>
      %dma_start3A_148 = arith.constant 0 : i32
      %dma_start3A_149 = tpu.memref_slice %arg5[%add3A_137, %dma_start3A_148] : memref<57600x256xi32, #tpu.memory_space<hbm>> -> memref<40x128xi32, #tpu.memory_space<hbm>>
      tpu.enqueue_dma source(%arg12 : memref<40x128xi32, #tpu.memory_space<vmem>>) target(%dma_start3A_149 : memref<40x128xi32, #tpu.memory_space<hbm>>) target_semaphore(%arg27 : memref<!tpu.dma_semaphore, #tpu.memory_space<semaphore_mem>>)
      %dma_start3A_150 = arith.constant 128 : i32
      %dma_start3A_151 = tpu.memref_slice %arg5[%add3A_137, %dma_start3A_150] : memref<57600x256xi32, #tpu.memory_space<hbm>> -> memref<40x128xi32, #tpu.memory_space<hbm>>
      %dma_start3A_152 = arith.constant 128 : i32
      %dma_start3A_153 = tpu.memref_slice %arg5[%add3A_137, %dma_start3A_152] : memref<57600x256xi32, #tpu.memory_space<hbm>> -> memref<40x128xi32, #tpu.memory_space<hbm>>
      tpu.enqueue_dma source(%arg17 : memref<40x128xi32, #tpu.memory_space<vmem>>) target(%dma_start3A_153 : memref<40x128xi32, #tpu.memory_space<hbm>>) target_semaphore(%arg27 : memref<!tpu.dma_semaphore, #tpu.memory_space<semaphore_mem>>)
      %dma_wait3A_154 = arith.constant 0 : i32
      %dma_wait3A_155 = tpu.memref_slice %arg5[%add3A_62, %dma_wait3A_154] : memref<57600x256xi32, #tpu.memory_space<hbm>> -> memref<40x128xi32, #tpu.memory_space<hbm>>
      %dma_wait3A_156 = arith.constant 0 : i32
      %dma_wait3A_157 = tpu.memref_slice %arg5[%add3A_62, %dma_wait3A_156] : memref<57600x256xi32, #tpu.memory_space<hbm>> -> memref<40x128xi32, #tpu.memory_space<hbm>>
      tpu.wait_dma2 semaphore(%arg23 : memref<!tpu.dma_semaphore, #tpu.memory_space<semaphore_mem>>) src(%arg8 : memref<40x128xi32, #tpu.memory_space<vmem>>) dst(%dma_wait3A_157 : memref<40x128xi32, #tpu.memory_space<hbm>>)
      %dma_wait3A_158 = arith.constant 128 : i32
      %dma_wait3A_159 = tpu.memref_slice %arg5[%add3A_62, %dma_wait3A_158] : memref<57600x256xi32, #tpu.memory_space<hbm>> -> memref<40x128xi32, #tpu.memory_space<hbm>>
      %dma_wait3A_160 = arith.constant 128 : i32
      %dma_wait3A_161 = tpu.memref_slice %arg5[%add3A_62, %dma_wait3A_160] : memref<57600x256xi32, #tpu.memory_space<hbm>> -> memref<40x128xi32, #tpu.memory_space<hbm>>
      tpu.wait_dma2 semaphore(%arg23 : memref<!tpu.dma_semaphore, #tpu.memory_space<semaphore_mem>>) src(%arg13 : memref<40x128xi32, #tpu.memory_space<vmem>>) dst(%dma_wait3A_161 : memref<40x128xi32, #tpu.memory_space<hbm>>)
      %dma_wait3A_162 = arith.constant 0 : i32
      %dma_wait3A_163 = tpu.memref_slice %arg5[%add3A_80, %dma_wait3A_162] : memref<57600x256xi32, #tpu.memory_space<hbm>> -> memref<40x128xi32, #tpu.memory_space<hbm>>
      %dma_wait3A_164 = arith.constant 0 : i32
      %dma_wait3A_165 = tpu.memref_slice %arg5[%add3A_80, %dma_wait3A_164] : memref<57600x256xi32, #tpu.memory_space<hbm>> -> memref<40x128xi32, #tpu.memory_space<hbm>>
      tpu.wait_dma2 semaphore(%arg24 : memref<!tpu.dma_semaphore, #tpu.memory_space<semaphore_mem>>) src(%arg9 : memref<40x128xi32, #tpu.memory_space<vmem>>) dst(%dma_wait3A_165 : memref<40x128xi32, #tpu.memory_space<hbm>>)
      %dma_wait3A_166 = arith.constant 128 : i32
      %dma_wait3A_167 = tpu.memref_slice %arg5[%add3A_80, %dma_wait3A_166] : memref<57600x256xi32, #tpu.memory_space<hbm>> -> memref<40x128xi32, #tpu.memory_space<hbm>>
      %dma_wait3A_168 = arith.constant 128 : i32
      %dma_wait3A_169 = tpu.memref_slice %arg5[%add3A_80, %dma_wait3A_168] : memref<57600x256xi32, #tpu.memory_space<hbm>> -> memref<40x128xi32, #tpu.memory_space<hbm>>
      tpu.wait_dma2 semaphore(%arg24 : memref<!tpu.dma_semaphore, #tpu.memory_space<semaphore_mem>>) src(%arg14 : memref<40x128xi32, #tpu.memory_space<vmem>>) dst(%dma_wait3A_169 : memref<40x128xi32, #tpu.memory_space<hbm>>)
      %dma_wait3A_170 = arith.constant 0 : i32
      %dma_wait3A_171 = tpu.memref_slice %arg5[%add3A_99, %dma_wait3A_170] : memref<57600x256xi32, #tpu.memory_space<hbm>> -> memref<40x128xi32, #tpu.memory_space<hbm>>
      %dma_wait3A_172 = arith.constant 0 : i32
      %dma_wait3A_173 = tpu.memref_slice %arg5[%add3A_99, %dma_wait3A_172] : memref<57600x256xi32, #tpu.memory_space<hbm>> -> memref<40x128xi32, #tpu.memory_space<hbm>>
      tpu.wait_dma2 semaphore(%arg25 : memref<!tpu.dma_semaphore, #tpu.memory_space<semaphore_mem>>) src(%arg10 : memref<40x128xi32, #tpu.memory_space<vmem>>) dst(%dma_wait3A_173 : memref<40x128xi32, #tpu.memory_space<hbm>>)
      %dma_wait3A_174 = arith.constant 128 : i32
      %dma_wait3A_175 = tpu.memref_slice %arg5[%add3A_99, %dma_wait3A_174] : memref<57600x256xi32, #tpu.memory_space<hbm>> -> memref<40x128xi32, #tpu.memory_space<hbm>>
      %dma_wait3A_176 = arith.constant 128 : i32
      %dma_wait3A_177 = tpu.memref_slice %arg5[%add3A_99, %dma_wait3A_176] : memref<57600x256xi32, #tpu.memory_space<hbm>> -> memref<40x128xi32, #tpu.memory_space<hbm>>
      tpu.wait_dma2 semaphore(%arg25 : memref<!tpu.dma_semaphore, #tpu.memory_space<semaphore_mem>>) src(%arg15 : memref<40x128xi32, #tpu.memory_space<vmem>>) dst(%dma_wait3A_177 : memref<40x128xi32, #tpu.memory_space<hbm>>)
      %dma_wait3A_178 = arith.constant 0 : i32
      %dma_wait3A_179 = tpu.memref_slice %arg5[%add3A_118, %dma_wait3A_178] : memref<57600x256xi32, #tpu.memory_space<hbm>> -> memref<40x128xi32, #tpu.memory_space<hbm>>
      %dma_wait3A_180 = arith.constant 0 : i32
      %dma_wait3A_181 = tpu.memref_slice %arg5[%add3A_118, %dma_wait3A_180] : memref<57600x256xi32, #tpu.memory_space<hbm>> -> memref<40x128xi32, #tpu.memory_space<hbm>>
      tpu.wait_dma2 semaphore(%arg26 : memref<!tpu.dma_semaphore, #tpu.memory_space<semaphore_mem>>) src(%arg11 : memref<40x128xi32, #tpu.memory_space<vmem>>) dst(%dma_wait3A_181 : memref<40x128xi32, #tpu.memory_space<hbm>>)
      %dma_wait3A_182 = arith.constant 128 : i32
      %dma_wait3A_183 = tpu.memref_slice %arg5[%add3A_118, %dma_wait3A_182] : memref<57600x256xi32, #tpu.memory_space<hbm>> -> memref<40x128xi32, #tpu.memory_space<hbm>>
      %dma_wait3A_184 = arith.constant 128 : i32
      %dma_wait3A_185 = tpu.memref_slice %arg5[%add3A_118, %dma_wait3A_184] : memref<57600x256xi32, #tpu.memory_space<hbm>> -> memref<40x128xi32, #tpu.memory_space<hbm>>
      tpu.wait_dma2 semaphore(%arg26 : memref<!tpu.dma_semaphore, #tpu.memory_space<semaphore_mem>>) src(%arg16 : memref<40x128xi32, #tpu.memory_space<vmem>>) dst(%dma_wait3A_185 : memref<40x128xi32, #tpu.memory_space<hbm>>)
      %dma_wait3A_186 = arith.constant 0 : i32
      %dma_wait3A_187 = tpu.memref_slice %arg5[%add3A_137, %dma_wait3A_186] : memref<57600x256xi32, #tpu.memory_space<hbm>> -> memref<40x128xi32, #tpu.memory_space<hbm>>
      %dma_wait3A_188 = arith.constant 0 : i32
      %dma_wait3A_189 = tpu.memref_slice %arg5[%add3A_137, %dma_wait3A_188] : memref<57600x256xi32, #tpu.memory_space<hbm>> -> memref<40x128xi32, #tpu.memory_space<hbm>>
      tpu.wait_dma2 semaphore(%arg27 : memref<!tpu.dma_semaphore, #tpu.memory_space<semaphore_mem>>) src(%arg12 : memref<40x128xi32, #tpu.memory_space<vmem>>) dst(%dma_wait3A_189 : memref<40x128xi32, #tpu.memory_space<hbm>>)
      %dma_wait3A_190 = arith.constant 128 : i32
      %dma_wait3A_191 = tpu.memref_slice %arg5[%add3A_137, %dma_wait3A_190] : memref<57600x256xi32, #tpu.memory_space<hbm>> -> memref<40x128xi32, #tpu.memory_space<hbm>>
      %dma_wait3A_192 = arith.constant 128 : i32
      %dma_wait3A_193 = tpu.memref_slice %arg5[%add3A_137, %dma_wait3A_192] : memref<57600x256xi32, #tpu.memory_space<hbm>> -> memref<40x128xi32, #tpu.memory_space<hbm>>
      tpu.wait_dma2 semaphore(%arg27 : memref<!tpu.dma_semaphore, #tpu.memory_space<semaphore_mem>>) src(%arg17 : memref<40x128xi32, #tpu.memory_space<vmem>>) dst(%dma_wait3A_193 : memref<40x128xi32, #tpu.memory_space<hbm>>)
    }
    %scan3A_7 = arith.constant 9 : i32
    return
  }
}

#map = affine_map<(d0, d1) -> (0, 0)>
#map1 = affine_map<(d0, d1) -> (0)>
module attributes {stable_mosaic.version = 14 : i64} {
  func.func @k(%arg0: i32, %arg1: i32, %arg2: memref<10000x128xi32, #tpu.memory_space<hbm>>, %arg3: memref<51200xi32, #tpu.memory_space<hbm>>, %arg4: memref<51200xi32, #tpu.memory_space<hbm>>, %arg5: memref<51200x256xi32, #tpu.memory_space<hbm>>, %arg6: memref<1600xi32, #tpu.memory_space<vmem>>, %arg7: memref<1600xi32, #tpu.memory_space<vmem>>, %arg8: memref<40x128xi32, #tpu.memory_space<vmem>>, %arg9: memref<40x128xi32, #tpu.memory_space<vmem>>, %arg10: memref<40x128xi32, #tpu.memory_space<vmem>>, %arg11: memref<40x128xi32, #tpu.memory_space<vmem>>, %arg12: memref<40x128xi32, #tpu.memory_space<vmem>>, %arg13: memref<40x128xi32, #tpu.memory_space<vmem>>, %arg14: memref<40x128xi32, #tpu.memory_space<vmem>>, %arg15: memref<40x128xi32, #tpu.memory_space<vmem>>, %arg16: memref<40x128xi32, #tpu.memory_space<vmem>>, %arg17: memref<40x128xi32, #tpu.memory_space<vmem>>, %arg18: memref<!tpu.dma_semaphore, #tpu.memory_space<semaphore_mem>>, %arg19: memref<!tpu.dma_semaphore, #tpu.memory_space<semaphore_mem>>, %arg20: memref<!tpu.dma_semaphore, #tpu.memory_space<semaphore_mem>>, %arg21: memref<!tpu.dma_semaphore, #tpu.memory_space<semaphore_mem>>, %arg22: memref<!tpu.dma_semaphore, #tpu.memory_space<semaphore_mem>>, %arg23: memref<!tpu.dma_semaphore, #tpu.memory_space<semaphore_mem>>, %arg24: memref<!tpu.dma_semaphore, #tpu.memory_space<semaphore_mem>>, %arg25: memref<!tpu.dma_semaphore, #tpu.memory_space<semaphore_mem>>, %arg26: memref<!tpu.dma_semaphore, #tpu.memory_space<semaphore_mem>>, %arg27: memref<!tpu.dma_semaphore, #tpu.memory_space<semaphore_mem>>) attributes {dimension_semantics = [#tpu.dimension_semantics<core_parallel>, #tpu.dimension_semantics<subcore_parallel>], iteration_bounds = array<i64: 2, 16>, scalar_prefetch = 0 : i64, scratch_operands = 22 : i64, tpu.core_type = #tpu.core_type<sc_vector_subcore>, window_params = [{transform_indices = #map}, {transform_indices = #map1}, {transform_indices = #map1}, {transform_indices = #map}]} {
    %mul3A = arith.constant 2 : i32
    %mul3A_0 = arith.muli %arg1, %mul3A : i32
    %add3A = arith.addi %mul3A_0, %arg0 : i32
    %mul3A_1 = arith.constant 1600 : i32
    %mul3A_2 = arith.muli %add3A, %mul3A_1 : i32
    "tpu.region"() ({
      %run_scoped3A = tpu.sem_alloc : memref<!tpu.dma_semaphore, #tpu.memory_space<semaphore_mem>>
      %dma_start3A = tpu.memref_slice %arg3[%mul3A_2] : memref<51200xi32, #tpu.memory_space<hbm>> -> memref<1600xi32, #tpu.memory_space<hbm>>
      %dma_start3A_8 = tpu.memref_slice %arg3[%mul3A_2] : memref<51200xi32, #tpu.memory_space<hbm>> -> memref<1600xi32, #tpu.memory_space<hbm>>
      tpu.enqueue_dma source(%dma_start3A_8 : memref<1600xi32, #tpu.memory_space<hbm>>) target(%arg6 : memref<1600xi32, #tpu.memory_space<vmem>>) target_semaphore(%run_scoped3A : memref<!tpu.dma_semaphore, #tpu.memory_space<semaphore_mem>>)
      %dma_wait3A = tpu.memref_slice %arg3[%mul3A_2] : memref<51200xi32, #tpu.memory_space<hbm>> -> memref<1600xi32, #tpu.memory_space<hbm>>
      %dma_wait3A_9 = tpu.memref_slice %arg3[%mul3A_2] : memref<51200xi32, #tpu.memory_space<hbm>> -> memref<1600xi32, #tpu.memory_space<hbm>>
      tpu.wait_dma2 semaphore(%run_scoped3A : memref<!tpu.dma_semaphore, #tpu.memory_space<semaphore_mem>>) src(%dma_wait3A_9 : memref<1600xi32, #tpu.memory_space<hbm>>) dst(%arg6 : memref<1600xi32, #tpu.memory_space<vmem>>)
      tpu.yield
    }) : () -> ()
    "tpu.region"() ({
      %run_scoped3A = tpu.sem_alloc : memref<!tpu.dma_semaphore, #tpu.memory_space<semaphore_mem>>
      %dma_start3A = tpu.memref_slice %arg4[%mul3A_2] : memref<51200xi32, #tpu.memory_space<hbm>> -> memref<1600xi32, #tpu.memory_space<hbm>>
      %dma_start3A_8 = tpu.memref_slice %arg4[%mul3A_2] : memref<51200xi32, #tpu.memory_space<hbm>> -> memref<1600xi32, #tpu.memory_space<hbm>>
      tpu.enqueue_dma source(%dma_start3A_8 : memref<1600xi32, #tpu.memory_space<hbm>>) target(%arg7 : memref<1600xi32, #tpu.memory_space<vmem>>) target_semaphore(%run_scoped3A : memref<!tpu.dma_semaphore, #tpu.memory_space<semaphore_mem>>)
      %dma_wait3A = tpu.memref_slice %arg4[%mul3A_2] : memref<51200xi32, #tpu.memory_space<hbm>> -> memref<1600xi32, #tpu.memory_space<hbm>>
      %dma_wait3A_9 = tpu.memref_slice %arg4[%mul3A_2] : memref<51200xi32, #tpu.memory_space<hbm>> -> memref<1600xi32, #tpu.memory_space<hbm>>
      tpu.wait_dma2 semaphore(%run_scoped3A : memref<!tpu.dma_semaphore, #tpu.memory_space<semaphore_mem>>) src(%dma_wait3A_9 : memref<1600xi32, #tpu.memory_space<hbm>>) dst(%arg7 : memref<1600xi32, #tpu.memory_space<vmem>>)
      tpu.yield
    }) : () -> ()
    %scan3A = arith.constant 0 : i32
    %scan3A_3 = arith.constant 0 : i32
    %scan3A_4 = arith.constant 8 : i32
    %scan3A_5 = arith.addi %scan3A_3, %scan3A_4 : i32
    %scan3A_6 = arith.constant 1 : i32
    scf.for %scan3A_8 = %scan3A_3 to %scan3A_5 step %scan3A_6  : i32 {
      %mul3A_9 = arith.constant 200 : i32
      %mul3A_10 = arith.muli %scan3A_8, %mul3A_9 : i32
      %add3A_11 = arith.constant 0 : i32
      %add3A_12 = arith.addi %mul3A_10, %add3A_11 : i32
      %dma_start3A = tpu.memref_slice %arg6[%add3A_12] : memref<1600xi32, #tpu.memory_space<vmem>> -> memref<40xi32, #tpu.memory_space<vmem>>
      %dma_start3A_13 = arith.constant 0 : i32
      %dma_start3A_14 = arith.constant 0 : i32
      %dma_start3A_15 = tpu.memref_slice %arg2[%dma_start3A_13, %dma_start3A_14] : memref<10000x128xi32, #tpu.memory_space<hbm>> -> memref<10000x128xi32, #tpu.memory_space<hbm>>
      tpu.enqueue_indirect_dma source(%dma_start3A_15 : memref<10000x128xi32, #tpu.memory_space<hbm>>) target(%arg8 : memref<40x128xi32, #tpu.memory_space<vmem>>) offsets(%dma_start3A : memref<40xi32, #tpu.memory_space<vmem>>) semaphore(%arg18 : memref<!tpu.dma_semaphore, #tpu.memory_space<semaphore_mem>>)
      %dma_start3A_16 = tpu.memref_slice %arg7[%add3A_12] : memref<1600xi32, #tpu.memory_space<vmem>> -> memref<40xi32, #tpu.memory_space<vmem>>
      %dma_start3A_17 = arith.constant 0 : i32
      %dma_start3A_18 = arith.constant 0 : i32
      %dma_start3A_19 = tpu.memref_slice %arg2[%dma_start3A_17, %dma_start3A_18] : memref<10000x128xi32, #tpu.memory_space<hbm>> -> memref<10000x128xi32, #tpu.memory_space<hbm>>
      tpu.enqueue_indirect_dma source(%dma_start3A_19 : memref<10000x128xi32, #tpu.memory_space<hbm>>) target(%arg13 : memref<40x128xi32, #tpu.memory_space<vmem>>) offsets(%dma_start3A_16 : memref<40xi32, #tpu.memory_space<vmem>>) semaphore(%arg18 : memref<!tpu.dma_semaphore, #tpu.memory_space<semaphore_mem>>)
      %add3A_20 = arith.constant 40 : i32
      %add3A_21 = arith.addi %mul3A_10, %add3A_20 : i32
      %dma_start3A_22 = tpu.memref_slice %arg6[%add3A_21] : memref<1600xi32, #tpu.memory_space<vmem>> -> memref<40xi32, #tpu.memory_space<vmem>>
      %dma_start3A_23 = arith.constant 0 : i32
      %dma_start3A_24 = arith.constant 0 : i32
      %dma_start3A_25 = tpu.memref_slice %arg2[%dma_start3A_23, %dma_start3A_24] : memref<10000x128xi32, #tpu.memory_space<hbm>> -> memref<10000x128xi32, #tpu.memory_space<hbm>>
      tpu.enqueue_indirect_dma source(%dma_start3A_25 : memref<10000x128xi32, #tpu.memory_space<hbm>>) target(%arg9 : memref<40x128xi32, #tpu.memory_space<vmem>>) offsets(%dma_start3A_22 : memref<40xi32, #tpu.memory_space<vmem>>) semaphore(%arg19 : memref<!tpu.dma_semaphore, #tpu.memory_space<semaphore_mem>>)
      %dma_start3A_26 = tpu.memref_slice %arg7[%add3A_21] : memref<1600xi32, #tpu.memory_space<vmem>> -> memref<40xi32, #tpu.memory_space<vmem>>
      %dma_start3A_27 = arith.constant 0 : i32
      %dma_start3A_28 = arith.constant 0 : i32
      %dma_start3A_29 = tpu.memref_slice %arg2[%dma_start3A_27, %dma_start3A_28] : memref<10000x128xi32, #tpu.memory_space<hbm>> -> memref<10000x128xi32, #tpu.memory_space<hbm>>
      tpu.enqueue_indirect_dma source(%dma_start3A_29 : memref<10000x128xi32, #tpu.memory_space<hbm>>) target(%arg14 : memref<40x128xi32, #tpu.memory_space<vmem>>) offsets(%dma_start3A_26 : memref<40xi32, #tpu.memory_space<vmem>>) semaphore(%arg19 : memref<!tpu.dma_semaphore, #tpu.memory_space<semaphore_mem>>)
      %add3A_30 = arith.constant 80 : i32
      %add3A_31 = arith.addi %mul3A_10, %add3A_30 : i32
      %dma_start3A_32 = tpu.memref_slice %arg6[%add3A_31] : memref<1600xi32, #tpu.memory_space<vmem>> -> memref<40xi32, #tpu.memory_space<vmem>>
      %dma_start3A_33 = arith.constant 0 : i32
      %dma_start3A_34 = arith.constant 0 : i32
      %dma_start3A_35 = tpu.memref_slice %arg2[%dma_start3A_33, %dma_start3A_34] : memref<10000x128xi32, #tpu.memory_space<hbm>> -> memref<10000x128xi32, #tpu.memory_space<hbm>>
      tpu.enqueue_indirect_dma source(%dma_start3A_35 : memref<10000x128xi32, #tpu.memory_space<hbm>>) target(%arg10 : memref<40x128xi32, #tpu.memory_space<vmem>>) offsets(%dma_start3A_32 : memref<40xi32, #tpu.memory_space<vmem>>) semaphore(%arg20 : memref<!tpu.dma_semaphore, #tpu.memory_space<semaphore_mem>>)
      %dma_start3A_36 = tpu.memref_slice %arg7[%add3A_31] : memref<1600xi32, #tpu.memory_space<vmem>> -> memref<40xi32, #tpu.memory_space<vmem>>
      %dma_start3A_37 = arith.constant 0 : i32
      %dma_start3A_38 = arith.constant 0 : i32
      %dma_start3A_39 = tpu.memref_slice %arg2[%dma_start3A_37, %dma_start3A_38] : memref<10000x128xi32, #tpu.memory_space<hbm>> -> memref<10000x128xi32, #tpu.memory_space<hbm>>
      tpu.enqueue_indirect_dma source(%dma_start3A_39 : memref<10000x128xi32, #tpu.memory_space<hbm>>) target(%arg15 : memref<40x128xi32, #tpu.memory_space<vmem>>) offsets(%dma_start3A_36 : memref<40xi32, #tpu.memory_space<vmem>>) semaphore(%arg20 : memref<!tpu.dma_semaphore, #tpu.memory_space<semaphore_mem>>)
      %add3A_40 = arith.constant 120 : i32
      %add3A_41 = arith.addi %mul3A_10, %add3A_40 : i32
      %dma_start3A_42 = tpu.memref_slice %arg6[%add3A_41] : memref<1600xi32, #tpu.memory_space<vmem>> -> memref<40xi32, #tpu.memory_space<vmem>>
      %dma_start3A_43 = arith.constant 0 : i32
      %dma_start3A_44 = arith.constant 0 : i32
      %dma_start3A_45 = tpu.memref_slice %arg2[%dma_start3A_43, %dma_start3A_44] : memref<10000x128xi32, #tpu.memory_space<hbm>> -> memref<10000x128xi32, #tpu.memory_space<hbm>>
      tpu.enqueue_indirect_dma source(%dma_start3A_45 : memref<10000x128xi32, #tpu.memory_space<hbm>>) target(%arg11 : memref<40x128xi32, #tpu.memory_space<vmem>>) offsets(%dma_start3A_42 : memref<40xi32, #tpu.memory_space<vmem>>) semaphore(%arg21 : memref<!tpu.dma_semaphore, #tpu.memory_space<semaphore_mem>>)
      %dma_start3A_46 = tpu.memref_slice %arg7[%add3A_41] : memref<1600xi32, #tpu.memory_space<vmem>> -> memref<40xi32, #tpu.memory_space<vmem>>
      %dma_start3A_47 = arith.constant 0 : i32
      %dma_start3A_48 = arith.constant 0 : i32
      %dma_start3A_49 = tpu.memref_slice %arg2[%dma_start3A_47, %dma_start3A_48] : memref<10000x128xi32, #tpu.memory_space<hbm>> -> memref<10000x128xi32, #tpu.memory_space<hbm>>
      tpu.enqueue_indirect_dma source(%dma_start3A_49 : memref<10000x128xi32, #tpu.memory_space<hbm>>) target(%arg16 : memref<40x128xi32, #tpu.memory_space<vmem>>) offsets(%dma_start3A_46 : memref<40xi32, #tpu.memory_space<vmem>>) semaphore(%arg21 : memref<!tpu.dma_semaphore, #tpu.memory_space<semaphore_mem>>)
      %add3A_50 = arith.constant 160 : i32
      %add3A_51 = arith.addi %mul3A_10, %add3A_50 : i32
      %dma_start3A_52 = tpu.memref_slice %arg6[%add3A_51] : memref<1600xi32, #tpu.memory_space<vmem>> -> memref<40xi32, #tpu.memory_space<vmem>>
      %dma_start3A_53 = arith.constant 0 : i32
      %dma_start3A_54 = arith.constant 0 : i32
      %dma_start3A_55 = tpu.memref_slice %arg2[%dma_start3A_53, %dma_start3A_54] : memref<10000x128xi32, #tpu.memory_space<hbm>> -> memref<10000x128xi32, #tpu.memory_space<hbm>>
      tpu.enqueue_indirect_dma source(%dma_start3A_55 : memref<10000x128xi32, #tpu.memory_space<hbm>>) target(%arg12 : memref<40x128xi32, #tpu.memory_space<vmem>>) offsets(%dma_start3A_52 : memref<40xi32, #tpu.memory_space<vmem>>) semaphore(%arg22 : memref<!tpu.dma_semaphore, #tpu.memory_space<semaphore_mem>>)
      %dma_start3A_56 = tpu.memref_slice %arg7[%add3A_51] : memref<1600xi32, #tpu.memory_space<vmem>> -> memref<40xi32, #tpu.memory_space<vmem>>
      %dma_start3A_57 = arith.constant 0 : i32
      %dma_start3A_58 = arith.constant 0 : i32
      %dma_start3A_59 = tpu.memref_slice %arg2[%dma_start3A_57, %dma_start3A_58] : memref<10000x128xi32, #tpu.memory_space<hbm>> -> memref<10000x128xi32, #tpu.memory_space<hbm>>
      tpu.enqueue_indirect_dma source(%dma_start3A_59 : memref<10000x128xi32, #tpu.memory_space<hbm>>) target(%arg17 : memref<40x128xi32, #tpu.memory_space<vmem>>) offsets(%dma_start3A_56 : memref<40xi32, #tpu.memory_space<vmem>>) semaphore(%arg22 : memref<!tpu.dma_semaphore, #tpu.memory_space<semaphore_mem>>)
      %add3A_60 = arith.addi %mul3A_2, %mul3A_10 : i32
      %add3A_61 = arith.constant 0 : i32
      %add3A_62 = arith.addi %add3A_60, %add3A_61 : i32
      %dma_wait3A = tpu.memref_slice %arg6[%add3A_12] : memref<1600xi32, #tpu.memory_space<vmem>> -> memref<40xi32, #tpu.memory_space<vmem>>
      %dma_wait3A_63 = arith.constant 0 : i32
      %dma_wait3A_64 = arith.constant 0 : i32
      %dma_wait3A_65 = tpu.memref_slice %arg2[%dma_wait3A_63, %dma_wait3A_64] : memref<10000x128xi32, #tpu.memory_space<hbm>> -> memref<10000x128xi32, #tpu.memory_space<hbm>>
      tpu.wait_indirect_dma semaphore(%arg18 : memref<!tpu.dma_semaphore, #tpu.memory_space<semaphore_mem>>) src(%dma_wait3A_65 : memref<10000x128xi32, #tpu.memory_space<hbm>>) dst(%arg8 : memref<40x128xi32, #tpu.memory_space<vmem>>)
      %dma_wait3A_66 = tpu.memref_slice %arg7[%add3A_12] : memref<1600xi32, #tpu.memory_space<vmem>> -> memref<40xi32, #tpu.memory_space<vmem>>
      %dma_wait3A_67 = arith.constant 0 : i32
      %dma_wait3A_68 = arith.constant 0 : i32
      %dma_wait3A_69 = tpu.memref_slice %arg2[%dma_wait3A_67, %dma_wait3A_68] : memref<10000x128xi32, #tpu.memory_space<hbm>> -> memref<10000x128xi32, #tpu.memory_space<hbm>>
      tpu.wait_indirect_dma semaphore(%arg18 : memref<!tpu.dma_semaphore, #tpu.memory_space<semaphore_mem>>) src(%dma_wait3A_69 : memref<10000x128xi32, #tpu.memory_space<hbm>>) dst(%arg13 : memref<40x128xi32, #tpu.memory_space<vmem>>)
      %dma_start3A_70 = arith.constant 0 : i32
      %dma_start3A_71 = tpu.memref_slice %arg5[%add3A_62, %dma_start3A_70] : memref<51200x256xi32, #tpu.memory_space<hbm>> -> memref<40x128xi32, #tpu.memory_space<hbm>>
      %dma_start3A_72 = arith.constant 0 : i32
      %dma_start3A_73 = tpu.memref_slice %arg5[%add3A_62, %dma_start3A_72] : memref<51200x256xi32, #tpu.memory_space<hbm>> -> memref<40x128xi32, #tpu.memory_space<hbm>>
      tpu.enqueue_dma source(%arg8 : memref<40x128xi32, #tpu.memory_space<vmem>>) target(%dma_start3A_73 : memref<40x128xi32, #tpu.memory_space<hbm>>) target_semaphore(%arg23 : memref<!tpu.dma_semaphore, #tpu.memory_space<semaphore_mem>>)
      %dma_start3A_74 = arith.constant 128 : i32
      %dma_start3A_75 = tpu.memref_slice %arg5[%add3A_62, %dma_start3A_74] : memref<51200x256xi32, #tpu.memory_space<hbm>> -> memref<40x128xi32, #tpu.memory_space<hbm>>
      %dma_start3A_76 = arith.constant 128 : i32
      %dma_start3A_77 = tpu.memref_slice %arg5[%add3A_62, %dma_start3A_76] : memref<51200x256xi32, #tpu.memory_space<hbm>> -> memref<40x128xi32, #tpu.memory_space<hbm>>
      tpu.enqueue_dma source(%arg13 : memref<40x128xi32, #tpu.memory_space<vmem>>) target(%dma_start3A_77 : memref<40x128xi32, #tpu.memory_space<hbm>>) target_semaphore(%arg23 : memref<!tpu.dma_semaphore, #tpu.memory_space<semaphore_mem>>)
      %add3A_78 = arith.addi %mul3A_2, %mul3A_10 : i32
      %add3A_79 = arith.constant 40 : i32
      %add3A_80 = arith.addi %add3A_78, %add3A_79 : i32
      %dma_wait3A_81 = tpu.memref_slice %arg6[%add3A_21] : memref<1600xi32, #tpu.memory_space<vmem>> -> memref<40xi32, #tpu.memory_space<vmem>>
      %dma_wait3A_82 = arith.constant 0 : i32
      %dma_wait3A_83 = arith.constant 0 : i32
      %dma_wait3A_84 = tpu.memref_slice %arg2[%dma_wait3A_82, %dma_wait3A_83] : memref<10000x128xi32, #tpu.memory_space<hbm>> -> memref<10000x128xi32, #tpu.memory_space<hbm>>
      tpu.wait_indirect_dma semaphore(%arg19 : memref<!tpu.dma_semaphore, #tpu.memory_space<semaphore_mem>>) src(%dma_wait3A_84 : memref<10000x128xi32, #tpu.memory_space<hbm>>) dst(%arg9 : memref<40x128xi32, #tpu.memory_space<vmem>>)
      %dma_wait3A_85 = tpu.memref_slice %arg7[%add3A_21] : memref<1600xi32, #tpu.memory_space<vmem>> -> memref<40xi32, #tpu.memory_space<vmem>>
      %dma_wait3A_86 = arith.constant 0 : i32
      %dma_wait3A_87 = arith.constant 0 : i32
      %dma_wait3A_88 = tpu.memref_slice %arg2[%dma_wait3A_86, %dma_wait3A_87] : memref<10000x128xi32, #tpu.memory_space<hbm>> -> memref<10000x128xi32, #tpu.memory_space<hbm>>
      tpu.wait_indirect_dma semaphore(%arg19 : memref<!tpu.dma_semaphore, #tpu.memory_space<semaphore_mem>>) src(%dma_wait3A_88 : memref<10000x128xi32, #tpu.memory_space<hbm>>) dst(%arg14 : memref<40x128xi32, #tpu.memory_space<vmem>>)
      %dma_start3A_89 = arith.constant 0 : i32
      %dma_start3A_90 = tpu.memref_slice %arg5[%add3A_80, %dma_start3A_89] : memref<51200x256xi32, #tpu.memory_space<hbm>> -> memref<40x128xi32, #tpu.memory_space<hbm>>
      %dma_start3A_91 = arith.constant 0 : i32
      %dma_start3A_92 = tpu.memref_slice %arg5[%add3A_80, %dma_start3A_91] : memref<51200x256xi32, #tpu.memory_space<hbm>> -> memref<40x128xi32, #tpu.memory_space<hbm>>
      tpu.enqueue_dma source(%arg9 : memref<40x128xi32, #tpu.memory_space<vmem>>) target(%dma_start3A_92 : memref<40x128xi32, #tpu.memory_space<hbm>>) target_semaphore(%arg24 : memref<!tpu.dma_semaphore, #tpu.memory_space<semaphore_mem>>)
      %dma_start3A_93 = arith.constant 128 : i32
      %dma_start3A_94 = tpu.memref_slice %arg5[%add3A_80, %dma_start3A_93] : memref<51200x256xi32, #tpu.memory_space<hbm>> -> memref<40x128xi32, #tpu.memory_space<hbm>>
      %dma_start3A_95 = arith.constant 128 : i32
      %dma_start3A_96 = tpu.memref_slice %arg5[%add3A_80, %dma_start3A_95] : memref<51200x256xi32, #tpu.memory_space<hbm>> -> memref<40x128xi32, #tpu.memory_space<hbm>>
      tpu.enqueue_dma source(%arg14 : memref<40x128xi32, #tpu.memory_space<vmem>>) target(%dma_start3A_96 : memref<40x128xi32, #tpu.memory_space<hbm>>) target_semaphore(%arg24 : memref<!tpu.dma_semaphore, #tpu.memory_space<semaphore_mem>>)
      %add3A_97 = arith.addi %mul3A_2, %mul3A_10 : i32
      %add3A_98 = arith.constant 80 : i32
      %add3A_99 = arith.addi %add3A_97, %add3A_98 : i32
      %dma_wait3A_100 = tpu.memref_slice %arg6[%add3A_31] : memref<1600xi32, #tpu.memory_space<vmem>> -> memref<40xi32, #tpu.memory_space<vmem>>
      %dma_wait3A_101 = arith.constant 0 : i32
      %dma_wait3A_102 = arith.constant 0 : i32
      %dma_wait3A_103 = tpu.memref_slice %arg2[%dma_wait3A_101, %dma_wait3A_102] : memref<10000x128xi32, #tpu.memory_space<hbm>> -> memref<10000x128xi32, #tpu.memory_space<hbm>>
      tpu.wait_indirect_dma semaphore(%arg20 : memref<!tpu.dma_semaphore, #tpu.memory_space<semaphore_mem>>) src(%dma_wait3A_103 : memref<10000x128xi32, #tpu.memory_space<hbm>>) dst(%arg10 : memref<40x128xi32, #tpu.memory_space<vmem>>)
      %dma_wait3A_104 = tpu.memref_slice %arg7[%add3A_31] : memref<1600xi32, #tpu.memory_space<vmem>> -> memref<40xi32, #tpu.memory_space<vmem>>
      %dma_wait3A_105 = arith.constant 0 : i32
      %dma_wait3A_106 = arith.constant 0 : i32
      %dma_wait3A_107 = tpu.memref_slice %arg2[%dma_wait3A_105, %dma_wait3A_106] : memref<10000x128xi32, #tpu.memory_space<hbm>> -> memref<10000x128xi32, #tpu.memory_space<hbm>>
      tpu.wait_indirect_dma semaphore(%arg20 : memref<!tpu.dma_semaphore, #tpu.memory_space<semaphore_mem>>) src(%dma_wait3A_107 : memref<10000x128xi32, #tpu.memory_space<hbm>>) dst(%arg15 : memref<40x128xi32, #tpu.memory_space<vmem>>)
      %dma_start3A_108 = arith.constant 0 : i32
      %dma_start3A_109 = tpu.memref_slice %arg5[%add3A_99, %dma_start3A_108] : memref<51200x256xi32, #tpu.memory_space<hbm>> -> memref<40x128xi32, #tpu.memory_space<hbm>>
      %dma_start3A_110 = arith.constant 0 : i32
      %dma_start3A_111 = tpu.memref_slice %arg5[%add3A_99, %dma_start3A_110] : memref<51200x256xi32, #tpu.memory_space<hbm>> -> memref<40x128xi32, #tpu.memory_space<hbm>>
      tpu.enqueue_dma source(%arg10 : memref<40x128xi32, #tpu.memory_space<vmem>>) target(%dma_start3A_111 : memref<40x128xi32, #tpu.memory_space<hbm>>) target_semaphore(%arg25 : memref<!tpu.dma_semaphore, #tpu.memory_space<semaphore_mem>>)
      %dma_start3A_112 = arith.constant 128 : i32
      %dma_start3A_113 = tpu.memref_slice %arg5[%add3A_99, %dma_start3A_112] : memref<51200x256xi32, #tpu.memory_space<hbm>> -> memref<40x128xi32, #tpu.memory_space<hbm>>
      %dma_start3A_114 = arith.constant 128 : i32
      %dma_start3A_115 = tpu.memref_slice %arg5[%add3A_99, %dma_start3A_114] : memref<51200x256xi32, #tpu.memory_space<hbm>> -> memref<40x128xi32, #tpu.memory_space<hbm>>
      tpu.enqueue_dma source(%arg15 : memref<40x128xi32, #tpu.memory_space<vmem>>) target(%dma_start3A_115 : memref<40x128xi32, #tpu.memory_space<hbm>>) target_semaphore(%arg25 : memref<!tpu.dma_semaphore, #tpu.memory_space<semaphore_mem>>)
      %add3A_116 = arith.addi %mul3A_2, %mul3A_10 : i32
      %add3A_117 = arith.constant 120 : i32
      %add3A_118 = arith.addi %add3A_116, %add3A_117 : i32
      %dma_wait3A_119 = tpu.memref_slice %arg6[%add3A_41] : memref<1600xi32, #tpu.memory_space<vmem>> -> memref<40xi32, #tpu.memory_space<vmem>>
      %dma_wait3A_120 = arith.constant 0 : i32
      %dma_wait3A_121 = arith.constant 0 : i32
      %dma_wait3A_122 = tpu.memref_slice %arg2[%dma_wait3A_120, %dma_wait3A_121] : memref<10000x128xi32, #tpu.memory_space<hbm>> -> memref<10000x128xi32, #tpu.memory_space<hbm>>
      tpu.wait_indirect_dma semaphore(%arg21 : memref<!tpu.dma_semaphore, #tpu.memory_space<semaphore_mem>>) src(%dma_wait3A_122 : memref<10000x128xi32, #tpu.memory_space<hbm>>) dst(%arg11 : memref<40x128xi32, #tpu.memory_space<vmem>>)
      %dma_wait3A_123 = tpu.memref_slice %arg7[%add3A_41] : memref<1600xi32, #tpu.memory_space<vmem>> -> memref<40xi32, #tpu.memory_space<vmem>>
      %dma_wait3A_124 = arith.constant 0 : i32
      %dma_wait3A_125 = arith.constant 0 : i32
      %dma_wait3A_126 = tpu.memref_slice %arg2[%dma_wait3A_124, %dma_wait3A_125] : memref<10000x128xi32, #tpu.memory_space<hbm>> -> memref<10000x128xi32, #tpu.memory_space<hbm>>
      tpu.wait_indirect_dma semaphore(%arg21 : memref<!tpu.dma_semaphore, #tpu.memory_space<semaphore_mem>>) src(%dma_wait3A_126 : memref<10000x128xi32, #tpu.memory_space<hbm>>) dst(%arg16 : memref<40x128xi32, #tpu.memory_space<vmem>>)
      %dma_start3A_127 = arith.constant 0 : i32
      %dma_start3A_128 = tpu.memref_slice %arg5[%add3A_118, %dma_start3A_127] : memref<51200x256xi32, #tpu.memory_space<hbm>> -> memref<40x128xi32, #tpu.memory_space<hbm>>
      %dma_start3A_129 = arith.constant 0 : i32
      %dma_start3A_130 = tpu.memref_slice %arg5[%add3A_118, %dma_start3A_129] : memref<51200x256xi32, #tpu.memory_space<hbm>> -> memref<40x128xi32, #tpu.memory_space<hbm>>
      tpu.enqueue_dma source(%arg11 : memref<40x128xi32, #tpu.memory_space<vmem>>) target(%dma_start3A_130 : memref<40x128xi32, #tpu.memory_space<hbm>>) target_semaphore(%arg26 : memref<!tpu.dma_semaphore, #tpu.memory_space<semaphore_mem>>)
      %dma_start3A_131 = arith.constant 128 : i32
      %dma_start3A_132 = tpu.memref_slice %arg5[%add3A_118, %dma_start3A_131] : memref<51200x256xi32, #tpu.memory_space<hbm>> -> memref<40x128xi32, #tpu.memory_space<hbm>>
      %dma_start3A_133 = arith.constant 128 : i32
      %dma_start3A_134 = tpu.memref_slice %arg5[%add3A_118, %dma_start3A_133] : memref<51200x256xi32, #tpu.memory_space<hbm>> -> memref<40x128xi32, #tpu.memory_space<hbm>>
      tpu.enqueue_dma source(%arg16 : memref<40x128xi32, #tpu.memory_space<vmem>>) target(%dma_start3A_134 : memref<40x128xi32, #tpu.memory_space<hbm>>) target_semaphore(%arg26 : memref<!tpu.dma_semaphore, #tpu.memory_space<semaphore_mem>>)
      %add3A_135 = arith.addi %mul3A_2, %mul3A_10 : i32
      %add3A_136 = arith.constant 160 : i32
      %add3A_137 = arith.addi %add3A_135, %add3A_136 : i32
      %dma_wait3A_138 = tpu.memref_slice %arg6[%add3A_51] : memref<1600xi32, #tpu.memory_space<vmem>> -> memref<40xi32, #tpu.memory_space<vmem>>
      %dma_wait3A_139 = arith.constant 0 : i32
      %dma_wait3A_140 = arith.constant 0 : i32
      %dma_wait3A_141 = tpu.memref_slice %arg2[%dma_wait3A_139, %dma_wait3A_140] : memref<10000x128xi32, #tpu.memory_space<hbm>> -> memref<10000x128xi32, #tpu.memory_space<hbm>>
      tpu.wait_indirect_dma semaphore(%arg22 : memref<!tpu.dma_semaphore, #tpu.memory_space<semaphore_mem>>) src(%dma_wait3A_141 : memref<10000x128xi32, #tpu.memory_space<hbm>>) dst(%arg12 : memref<40x128xi32, #tpu.memory_space<vmem>>)
      %dma_wait3A_142 = tpu.memref_slice %arg7[%add3A_51] : memref<1600xi32, #tpu.memory_space<vmem>> -> memref<40xi32, #tpu.memory_space<vmem>>
      %dma_wait3A_143 = arith.constant 0 : i32
      %dma_wait3A_144 = arith.constant 0 : i32
      %dma_wait3A_145 = tpu.memref_slice %arg2[%dma_wait3A_143, %dma_wait3A_144] : memref<10000x128xi32, #tpu.memory_space<hbm>> -> memref<10000x128xi32, #tpu.memory_space<hbm>>
      tpu.wait_indirect_dma semaphore(%arg22 : memref<!tpu.dma_semaphore, #tpu.memory_space<semaphore_mem>>) src(%dma_wait3A_145 : memref<10000x128xi32, #tpu.memory_space<hbm>>) dst(%arg17 : memref<40x128xi32, #tpu.memory_space<vmem>>)
      %dma_start3A_146 = arith.constant 0 : i32
      %dma_start3A_147 = tpu.memref_slice %arg5[%add3A_137, %dma_start3A_146] : memref<51200x256xi32, #tpu.memory_space<hbm>> -> memref<40x128xi32, #tpu.memory_space<hbm>>
      %dma_start3A_148 = arith.constant 0 : i32
      %dma_start3A_149 = tpu.memref_slice %arg5[%add3A_137, %dma_start3A_148] : memref<51200x256xi32, #tpu.memory_space<hbm>> -> memref<40x128xi32, #tpu.memory_space<hbm>>
      tpu.enqueue_dma source(%arg12 : memref<40x128xi32, #tpu.memory_space<vmem>>) target(%dma_start3A_149 : memref<40x128xi32, #tpu.memory_space<hbm>>) target_semaphore(%arg27 : memref<!tpu.dma_semaphore, #tpu.memory_space<semaphore_mem>>)
      %dma_start3A_150 = arith.constant 128 : i32
      %dma_start3A_151 = tpu.memref_slice %arg5[%add3A_137, %dma_start3A_150] : memref<51200x256xi32, #tpu.memory_space<hbm>> -> memref<40x128xi32, #tpu.memory_space<hbm>>
      %dma_start3A_152 = arith.constant 128 : i32
      %dma_start3A_153 = tpu.memref_slice %arg5[%add3A_137, %dma_start3A_152] : memref<51200x256xi32, #tpu.memory_space<hbm>> -> memref<40x128xi32, #tpu.memory_space<hbm>>
      tpu.enqueue_dma source(%arg17 : memref<40x128xi32, #tpu.memory_space<vmem>>) target(%dma_start3A_153 : memref<40x128xi32, #tpu.memory_space<hbm>>) target_semaphore(%arg27 : memref<!tpu.dma_semaphore, #tpu.memory_space<semaphore_mem>>)
      %dma_wait3A_154 = arith.constant 0 : i32
      %dma_wait3A_155 = tpu.memref_slice %arg5[%add3A_62, %dma_wait3A_154] : memref<51200x256xi32, #tpu.memory_space<hbm>> -> memref<40x128xi32, #tpu.memory_space<hbm>>
      %dma_wait3A_156 = arith.constant 0 : i32
      %dma_wait3A_157 = tpu.memref_slice %arg5[%add3A_62, %dma_wait3A_156] : memref<51200x256xi32, #tpu.memory_space<hbm>> -> memref<40x128xi32, #tpu.memory_space<hbm>>
      tpu.wait_dma2 semaphore(%arg23 : memref<!tpu.dma_semaphore, #tpu.memory_space<semaphore_mem>>) src(%arg8 : memref<40x128xi32, #tpu.memory_space<vmem>>) dst(%dma_wait3A_157 : memref<40x128xi32, #tpu.memory_space<hbm>>)
      %dma_wait3A_158 = arith.constant 128 : i32
      %dma_wait3A_159 = tpu.memref_slice %arg5[%add3A_62, %dma_wait3A_158] : memref<51200x256xi32, #tpu.memory_space<hbm>> -> memref<40x128xi32, #tpu.memory_space<hbm>>
      %dma_wait3A_160 = arith.constant 128 : i32
      %dma_wait3A_161 = tpu.memref_slice %arg5[%add3A_62, %dma_wait3A_160] : memref<51200x256xi32, #tpu.memory_space<hbm>> -> memref<40x128xi32, #tpu.memory_space<hbm>>
      tpu.wait_dma2 semaphore(%arg23 : memref<!tpu.dma_semaphore, #tpu.memory_space<semaphore_mem>>) src(%arg13 : memref<40x128xi32, #tpu.memory_space<vmem>>) dst(%dma_wait3A_161 : memref<40x128xi32, #tpu.memory_space<hbm>>)
      %dma_wait3A_162 = arith.constant 0 : i32
      %dma_wait3A_163 = tpu.memref_slice %arg5[%add3A_80, %dma_wait3A_162] : memref<51200x256xi32, #tpu.memory_space<hbm>> -> memref<40x128xi32, #tpu.memory_space<hbm>>
      %dma_wait3A_164 = arith.constant 0 : i32
      %dma_wait3A_165 = tpu.memref_slice %arg5[%add3A_80, %dma_wait3A_164] : memref<51200x256xi32, #tpu.memory_space<hbm>> -> memref<40x128xi32, #tpu.memory_space<hbm>>
      tpu.wait_dma2 semaphore(%arg24 : memref<!tpu.dma_semaphore, #tpu.memory_space<semaphore_mem>>) src(%arg9 : memref<40x128xi32, #tpu.memory_space<vmem>>) dst(%dma_wait3A_165 : memref<40x128xi32, #tpu.memory_space<hbm>>)
      %dma_wait3A_166 = arith.constant 128 : i32
      %dma_wait3A_167 = tpu.memref_slice %arg5[%add3A_80, %dma_wait3A_166] : memref<51200x256xi32, #tpu.memory_space<hbm>> -> memref<40x128xi32, #tpu.memory_space<hbm>>
      %dma_wait3A_168 = arith.constant 128 : i32
      %dma_wait3A_169 = tpu.memref_slice %arg5[%add3A_80, %dma_wait3A_168] : memref<51200x256xi32, #tpu.memory_space<hbm>> -> memref<40x128xi32, #tpu.memory_space<hbm>>
      tpu.wait_dma2 semaphore(%arg24 : memref<!tpu.dma_semaphore, #tpu.memory_space<semaphore_mem>>) src(%arg14 : memref<40x128xi32, #tpu.memory_space<vmem>>) dst(%dma_wait3A_169 : memref<40x128xi32, #tpu.memory_space<hbm>>)
      %dma_wait3A_170 = arith.constant 0 : i32
      %dma_wait3A_171 = tpu.memref_slice %arg5[%add3A_99, %dma_wait3A_170] : memref<51200x256xi32, #tpu.memory_space<hbm>> -> memref<40x128xi32, #tpu.memory_space<hbm>>
      %dma_wait3A_172 = arith.constant 0 : i32
      %dma_wait3A_173 = tpu.memref_slice %arg5[%add3A_99, %dma_wait3A_172] : memref<51200x256xi32, #tpu.memory_space<hbm>> -> memref<40x128xi32, #tpu.memory_space<hbm>>
      tpu.wait_dma2 semaphore(%arg25 : memref<!tpu.dma_semaphore, #tpu.memory_space<semaphore_mem>>) src(%arg10 : memref<40x128xi32, #tpu.memory_space<vmem>>) dst(%dma_wait3A_173 : memref<40x128xi32, #tpu.memory_space<hbm>>)
      %dma_wait3A_174 = arith.constant 128 : i32
      %dma_wait3A_175 = tpu.memref_slice %arg5[%add3A_99, %dma_wait3A_174] : memref<51200x256xi32, #tpu.memory_space<hbm>> -> memref<40x128xi32, #tpu.memory_space<hbm>>
      %dma_wait3A_176 = arith.constant 128 : i32
      %dma_wait3A_177 = tpu.memref_slice %arg5[%add3A_99, %dma_wait3A_176] : memref<51200x256xi32, #tpu.memory_space<hbm>> -> memref<40x128xi32, #tpu.memory_space<hbm>>
      tpu.wait_dma2 semaphore(%arg25 : memref<!tpu.dma_semaphore, #tpu.memory_space<semaphore_mem>>) src(%arg15 : memref<40x128xi32, #tpu.memory_space<vmem>>) dst(%dma_wait3A_177 : memref<40x128xi32, #tpu.memory_space<hbm>>)
      %dma_wait3A_178 = arith.constant 0 : i32
      %dma_wait3A_179 = tpu.memref_slice %arg5[%add3A_118, %dma_wait3A_178] : memref<51200x256xi32, #tpu.memory_space<hbm>> -> memref<40x128xi32, #tpu.memory_space<hbm>>
      %dma_wait3A_180 = arith.constant 0 : i32
      %dma_wait3A_181 = tpu.memref_slice %arg5[%add3A_118, %dma_wait3A_180] : memref<51200x256xi32, #tpu.memory_space<hbm>> -> memref<40x128xi32, #tpu.memory_space<hbm>>
      tpu.wait_dma2 semaphore(%arg26 : memref<!tpu.dma_semaphore, #tpu.memory_space<semaphore_mem>>) src(%arg11 : memref<40x128xi32, #tpu.memory_space<vmem>>) dst(%dma_wait3A_181 : memref<40x128xi32, #tpu.memory_space<hbm>>)
      %dma_wait3A_182 = arith.constant 128 : i32
      %dma_wait3A_183 = tpu.memref_slice %arg5[%add3A_118, %dma_wait3A_182] : memref<51200x256xi32, #tpu.memory_space<hbm>> -> memref<40x128xi32, #tpu.memory_space<hbm>>
      %dma_wait3A_184 = arith.constant 128 : i32
      %dma_wait3A_185 = tpu.memref_slice %arg5[%add3A_118, %dma_wait3A_184] : memref<51200x256xi32, #tpu.memory_space<hbm>> -> memref<40x128xi32, #tpu.memory_space<hbm>>
      tpu.wait_dma2 semaphore(%arg26 : memref<!tpu.dma_semaphore, #tpu.memory_space<semaphore_mem>>) src(%arg16 : memref<40x128xi32, #tpu.memory_space<vmem>>) dst(%dma_wait3A_185 : memref<40x128xi32, #tpu.memory_space<hbm>>)
      %dma_wait3A_186 = arith.constant 0 : i32
      %dma_wait3A_187 = tpu.memref_slice %arg5[%add3A_137, %dma_wait3A_186] : memref<51200x256xi32, #tpu.memory_space<hbm>> -> memref<40x128xi32, #tpu.memory_space<hbm>>
      %dma_wait3A_188 = arith.constant 0 : i32
      %dma_wait3A_189 = tpu.memref_slice %arg5[%add3A_137, %dma_wait3A_188] : memref<51200x256xi32, #tpu.memory_space<hbm>> -> memref<40x128xi32, #tpu.memory_space<hbm>>
      tpu.wait_dma2 semaphore(%arg27 : memref<!tpu.dma_semaphore, #tpu.memory_space<semaphore_mem>>) src(%arg12 : memref<40x128xi32, #tpu.memory_space<vmem>>) dst(%dma_wait3A_189 : memref<40x128xi32, #tpu.memory_space<hbm>>)
      %dma_wait3A_190 = arith.constant 128 : i32
      %dma_wait3A_191 = tpu.memref_slice %arg5[%add3A_137, %dma_wait3A_190] : memref<51200x256xi32, #tpu.memory_space<hbm>> -> memref<40x128xi32, #tpu.memory_space<hbm>>
      %dma_wait3A_192 = arith.constant 128 : i32
      %dma_wait3A_193 = tpu.memref_slice %arg5[%add3A_137, %dma_wait3A_192] : memref<51200x256xi32, #tpu.memory_space<hbm>> -> memref<40x128xi32, #tpu.memory_space<hbm>>
      tpu.wait_dma2 semaphore(%arg27 : memref<!tpu.dma_semaphore, #tpu.memory_space<semaphore_mem>>) src(%arg17 : memref<40x128xi32, #tpu.memory_space<vmem>>) dst(%dma_wait3A_193 : memref<40x128xi32, #tpu.memory_space<hbm>>)
    }
    %scan3A_7 = arith.constant 8 : i32
    return
  }
}

#map = affine_map<(d0, d1) -> (0, 0)>
#map1 = affine_map<(d0, d1) -> (0)>
module attributes {stable_mosaic.version = 14 : i64} {
  func.func @k(%arg0: i32, %arg1: i32, %arg2: memref<57600x256xf32, #tpu.memory_space<hbm>>, %arg3: memref<57600xi32, #tpu.memory_space<hbm>>, %arg4: memref<57600xi32, #tpu.memory_space<hbm>>, %arg5: memref<632x128xf32, #tpu.memory_space<hbm>>, %arg6: memref<10112x256xf32, #tpu.memory_space<hbm>>, %arg7: memref<10112x256xf32, #tpu.memory_space<hbm>>, %arg8: memref<104xi32, #tpu.memory_space<vmem>>, %arg9: memref<96xi32, #tpu.memory_space<vmem>>, %arg10: memref<104x128xf32, #tpu.memory_space<vmem>>, %arg11: memref<96x128xf32, #tpu.memory_space<vmem>>, %arg12: memref<10112x128xf32, #tpu.memory_space<vmem_shared>>, %arg13: memref<!tpu.dma_semaphore, #tpu.memory_space<semaphore_mem>>, %arg14: memref<!tpu.dma_semaphore, #tpu.memory_space<semaphore_mem>>) attributes {dimension_semantics = [#tpu.dimension_semantics<core_parallel>, #tpu.dimension_semantics<subcore_parallel>], iteration_bounds = array<i64: 2, 16>, scalar_prefetch = 0 : i64, scratch_operands = 7 : i64, tpu.core_type = #tpu.core_type<sc_vector_subcore>, window_params = [{transform_indices = #map}, {transform_indices = #map1}, {transform_indices = #map1}, {transform_indices = #map}, {transform_indices = #map}, {transform_indices = #map}]} {
    %mul3A = arith.constant 632 : i32
    %mul3A_0 = arith.muli %arg1, %mul3A : i32
    %mul3A_1 = arith.constant 3600 : i32
    %mul3A_2 = arith.muli %arg1, %mul3A_1 : i32
    "tpu.region"() ({
      %run_scoped3A = tpu.sem_alloc : memref<!tpu.dma_semaphore, #tpu.memory_space<semaphore_mem>>
      %dma_start3A = arith.constant 0 : i32
      %dma_start3A_21 = tpu.memref_slice %arg12[%mul3A_0, %dma_start3A] : memref<10112x128xf32, #tpu.memory_space<vmem_shared>> -> memref<632x128xf32, #tpu.memory_space<vmem_shared>>
      tpu.enqueue_dma source(%arg5 : memref<632x128xf32, #tpu.memory_space<hbm>>) target(%dma_start3A_21 : memref<632x128xf32, #tpu.memory_space<vmem_shared>>) target_semaphore(%run_scoped3A : memref<!tpu.dma_semaphore, #tpu.memory_space<semaphore_mem>>)
      %dma_wait3A = arith.constant 0 : i32
      %dma_wait3A_22 = tpu.memref_slice %arg12[%mul3A_0, %dma_wait3A] : memref<10112x128xf32, #tpu.memory_space<vmem_shared>> -> memref<632x128xf32, #tpu.memory_space<vmem_shared>>
      tpu.wait_dma2 semaphore(%run_scoped3A : memref<!tpu.dma_semaphore, #tpu.memory_space<semaphore_mem>>) src(%arg5 : memref<632x128xf32, #tpu.memory_space<hbm>>) dst(%dma_wait3A_22 : memref<632x128xf32, #tpu.memory_space<vmem_shared>>)
      tpu.yield
    }) : () -> ()
    %barrier3A = arith.constant 0 : index
    tpu.barrier barrier_id(%barrier3A)
    %scan3A = arith.constant 0 : i32
    %scan3A_3 = arith.constant 0 : i32
    %scan3A_4 = arith.constant 18 : i32
    %scan3A_5 = arith.addi %scan3A_3, %scan3A_4 : i32
    %scan3A_6 = arith.constant 1 : i32
    scf.for %scan3A_21 = %scan3A_3 to %scan3A_5 step %scan3A_6  : i32 {
      %mul3A_22 = arith.constant 200 : i32
      %mul3A_23 = arith.muli %scan3A_21, %mul3A_22 : i32
      %add3A = arith.addi %mul3A_2, %mul3A_23 : i32
      %add3A_24 = arith.constant 0 : i32
      %add3A_25 = arith.addi %add3A, %add3A_24 : i32
      "tpu.region"() ({
        %run_scoped3A = tpu.sem_alloc : memref<!tpu.dma_semaphore, #tpu.memory_space<semaphore_mem>>
        %dma_start3A_38 = tpu.memref_slice %arg3[%add3A_25] : memref<57600xi32, #tpu.memory_space<hbm>> -> memref<104xi32, #tpu.memory_space<hbm>>
        %dma_start3A_39 = tpu.memref_slice %arg3[%add3A_25] : memref<57600xi32, #tpu.memory_space<hbm>> -> memref<104xi32, #tpu.memory_space<hbm>>
        tpu.enqueue_dma source(%dma_start3A_39 : memref<104xi32, #tpu.memory_space<hbm>>) target(%arg8 : memref<104xi32, #tpu.memory_space<vmem>>) target_semaphore(%run_scoped3A : memref<!tpu.dma_semaphore, #tpu.memory_space<semaphore_mem>>)
        %dma_wait3A_40 = tpu.memref_slice %arg3[%add3A_25] : memref<57600xi32, #tpu.memory_space<hbm>> -> memref<104xi32, #tpu.memory_space<hbm>>
        %dma_wait3A_41 = tpu.memref_slice %arg3[%add3A_25] : memref<57600xi32, #tpu.memory_space<hbm>> -> memref<104xi32, #tpu.memory_space<hbm>>
        tpu.wait_dma2 semaphore(%run_scoped3A : memref<!tpu.dma_semaphore, #tpu.memory_space<semaphore_mem>>) src(%dma_wait3A_41 : memref<104xi32, #tpu.memory_space<hbm>>) dst(%arg8 : memref<104xi32, #tpu.memory_space<vmem>>)
        tpu.yield
      }) : () -> ()
      %mul3A_26 = arith.constant 128 : i32
      %mul3A_27 = arith.muli %arg0, %mul3A_26 : i32
      %dma_start3A = tpu.memref_slice %arg2[%add3A_25, %mul3A_27] : memref<57600x256xf32, #tpu.memory_space<hbm>> -> memref<104x128xf32, #tpu.memory_space<hbm>>
      %dma_start3A_28 = tpu.memref_slice %arg2[%add3A_25, %mul3A_27] : memref<57600x256xf32, #tpu.memory_space<hbm>> -> memref<104x128xf32, #tpu.memory_space<hbm>>
      tpu.enqueue_dma source(%dma_start3A_28 : memref<104x128xf32, #tpu.memory_space<hbm>>) target(%arg10 : memref<104x128xf32, #tpu.memory_space<vmem>>) target_semaphore(%arg13 : memref<!tpu.dma_semaphore, #tpu.memory_space<semaphore_mem>>)
      %add3A_29 = arith.constant 104 : i32
      %add3A_30 = arith.addi %add3A, %add3A_29 : i32
      "tpu.region"() ({
        %run_scoped3A = tpu.sem_alloc : memref<!tpu.dma_semaphore, #tpu.memory_space<semaphore_mem>>
        %dma_start3A_38 = tpu.memref_slice %arg3[%add3A_30] : memref<57600xi32, #tpu.memory_space<hbm>> -> memref<96xi32, #tpu.memory_space<hbm>>
        %dma_start3A_39 = tpu.memref_slice %arg3[%add3A_30] : memref<57600xi32, #tpu.memory_space<hbm>> -> memref<96xi32, #tpu.memory_space<hbm>>
        tpu.enqueue_dma source(%dma_start3A_39 : memref<96xi32, #tpu.memory_space<hbm>>) target(%arg9 : memref<96xi32, #tpu.memory_space<vmem>>) target_semaphore(%run_scoped3A : memref<!tpu.dma_semaphore, #tpu.memory_space<semaphore_mem>>)
        %dma_wait3A_40 = tpu.memref_slice %arg3[%add3A_30] : memref<57600xi32, #tpu.memory_space<hbm>> -> memref<96xi32, #tpu.memory_space<hbm>>
        %dma_wait3A_41 = tpu.memref_slice %arg3[%add3A_30] : memref<57600xi32, #tpu.memory_space<hbm>> -> memref<96xi32, #tpu.memory_space<hbm>>
        tpu.wait_dma2 semaphore(%run_scoped3A : memref<!tpu.dma_semaphore, #tpu.memory_space<semaphore_mem>>) src(%dma_wait3A_41 : memref<96xi32, #tpu.memory_space<hbm>>) dst(%arg9 : memref<96xi32, #tpu.memory_space<vmem>>)
        tpu.yield
      }) : () -> ()
      %mul3A_31 = arith.constant 128 : i32
      %mul3A_32 = arith.muli %arg0, %mul3A_31 : i32
      %dma_start3A_33 = tpu.memref_slice %arg2[%add3A_30, %mul3A_32] : memref<57600x256xf32, #tpu.memory_space<hbm>> -> memref<96x128xf32, #tpu.memory_space<hbm>>
      %dma_start3A_34 = tpu.memref_slice %arg2[%add3A_30, %mul3A_32] : memref<57600x256xf32, #tpu.memory_space<hbm>> -> memref<96x128xf32, #tpu.memory_space<hbm>>
      tpu.enqueue_dma source(%dma_start3A_34 : memref<96x128xf32, #tpu.memory_space<hbm>>) target(%arg11 : memref<96x128xf32, #tpu.memory_space<vmem>>) target_semaphore(%arg14 : memref<!tpu.dma_semaphore, #tpu.memory_space<semaphore_mem>>)
      %dma_wait3A = tpu.memref_slice %arg2[%add3A_25, %mul3A_27] : memref<57600x256xf32, #tpu.memory_space<hbm>> -> memref<104x128xf32, #tpu.memory_space<hbm>>
      %dma_wait3A_35 = tpu.memref_slice %arg2[%add3A_25, %mul3A_27] : memref<57600x256xf32, #tpu.memory_space<hbm>> -> memref<104x128xf32, #tpu.memory_space<hbm>>
      tpu.wait_dma2 semaphore(%arg13 : memref<!tpu.dma_semaphore, #tpu.memory_space<semaphore_mem>>) src(%dma_wait3A_35 : memref<104x128xf32, #tpu.memory_space<hbm>>) dst(%arg10 : memref<104x128xf32, #tpu.memory_space<vmem>>)
      "tpu.region"() ({
        %run_scoped3A = tpu.sem_alloc : memref<!tpu.dma_semaphore, #tpu.memory_space<semaphore_mem>>
        %dma_start3A_38 = arith.constant 0 : i32
        %dma_start3A_39 = arith.constant 0 : i32
        %dma_start3A_40 = tpu.memref_slice %arg12[%dma_start3A_38, %dma_start3A_39] : memref<10112x128xf32, #tpu.memory_space<vmem_shared>> -> memref<10112x128xf32, #tpu.memory_space<vmem_shared>>
        tpu.enqueue_indirect_dma source(%arg10 : memref<104x128xf32, #tpu.memory_space<vmem>>) target(%dma_start3A_40 : memref<10112x128xf32, #tpu.memory_space<vmem_shared>>) offsets(%arg8 : memref<104xi32, #tpu.memory_space<vmem>>) semaphore(%run_scoped3A : memref<!tpu.dma_semaphore, #tpu.memory_space<semaphore_mem>>) {add = true}
        %dma_wait3A_41 = arith.constant 0 : i32
        %dma_wait3A_42 = arith.constant 0 : i32
        %dma_wait3A_43 = tpu.memref_slice %arg12[%dma_wait3A_41, %dma_wait3A_42] : memref<10112x128xf32, #tpu.memory_space<vmem_shared>> -> memref<10112x128xf32, #tpu.memory_space<vmem_shared>>
        tpu.wait_indirect_dma semaphore(%run_scoped3A : memref<!tpu.dma_semaphore, #tpu.memory_space<semaphore_mem>>) src(%arg10 : memref<104x128xf32, #tpu.memory_space<vmem>>) dst(%dma_wait3A_43 : memref<10112x128xf32, #tpu.memory_space<vmem_shared>>)
        tpu.yield
      }) : () -> ()
      %dma_wait3A_36 = tpu.memref_slice %arg2[%add3A_30, %mul3A_32] : memref<57600x256xf32, #tpu.memory_space<hbm>> -> memref<96x128xf32, #tpu.memory_space<hbm>>
      %dma_wait3A_37 = tpu.memref_slice %arg2[%add3A_30, %mul3A_32] : memref<57600x256xf32, #tpu.memory_space<hbm>> -> memref<96x128xf32, #tpu.memory_space<hbm>>
      tpu.wait_dma2 semaphore(%arg14 : memref<!tpu.dma_semaphore, #tpu.memory_space<semaphore_mem>>) src(%dma_wait3A_37 : memref<96x128xf32, #tpu.memory_space<hbm>>) dst(%arg11 : memref<96x128xf32, #tpu.memory_space<vmem>>)
      "tpu.region"() ({
        %run_scoped3A = tpu.sem_alloc : memref<!tpu.dma_semaphore, #tpu.memory_space<semaphore_mem>>
        %dma_start3A_38 = arith.constant 0 : i32
        %dma_start3A_39 = arith.constant 0 : i32
        %dma_start3A_40 = tpu.memref_slice %arg12[%dma_start3A_38, %dma_start3A_39] : memref<10112x128xf32, #tpu.memory_space<vmem_shared>> -> memref<10112x128xf32, #tpu.memory_space<vmem_shared>>
        tpu.enqueue_indirect_dma source(%arg11 : memref<96x128xf32, #tpu.memory_space<vmem>>) target(%dma_start3A_40 : memref<10112x128xf32, #tpu.memory_space<vmem_shared>>) offsets(%arg9 : memref<96xi32, #tpu.memory_space<vmem>>) semaphore(%run_scoped3A : memref<!tpu.dma_semaphore, #tpu.memory_space<semaphore_mem>>) {add = true}
        %dma_wait3A_41 = arith.constant 0 : i32
        %dma_wait3A_42 = arith.constant 0 : i32
        %dma_wait3A_43 = tpu.memref_slice %arg12[%dma_wait3A_41, %dma_wait3A_42] : memref<10112x128xf32, #tpu.memory_space<vmem_shared>> -> memref<10112x128xf32, #tpu.memory_space<vmem_shared>>
        tpu.wait_indirect_dma semaphore(%run_scoped3A : memref<!tpu.dma_semaphore, #tpu.memory_space<semaphore_mem>>) src(%arg11 : memref<96x128xf32, #tpu.memory_space<vmem>>) dst(%dma_wait3A_43 : memref<10112x128xf32, #tpu.memory_space<vmem_shared>>)
        tpu.yield
      }) : () -> ()
    }
    %scan3A_7 = arith.constant 18 : i32
    %barrier3A_8 = arith.constant 0 : index
    tpu.barrier barrier_id(%barrier3A_8)
    %mul3A_9 = arith.constant 128 : i32
    %mul3A_10 = arith.muli %arg0, %mul3A_9 : i32
    "tpu.region"() ({
      %run_scoped3A = tpu.sem_alloc : memref<!tpu.dma_semaphore, #tpu.memory_space<semaphore_mem>>
      %dma_start3A = tpu.memref_slice %arg6[%mul3A_0, %mul3A_10] : memref<10112x256xf32, #tpu.memory_space<hbm>> -> memref<632x128xf32, #tpu.memory_space<hbm>>
      %dma_start3A_21 = arith.constant 0 : i32
      %dma_start3A_22 = tpu.memref_slice %arg12[%mul3A_0, %dma_start3A_21] : memref<10112x128xf32, #tpu.memory_space<vmem_shared>> -> memref<632x128xf32, #tpu.memory_space<vmem_shared>>
      tpu.enqueue_dma source(%dma_start3A_22 : memref<632x128xf32, #tpu.memory_space<vmem_shared>>) target(%dma_start3A : memref<632x128xf32, #tpu.memory_space<hbm>>) target_semaphore(%run_scoped3A : memref<!tpu.dma_semaphore, #tpu.memory_space<semaphore_mem>>)
      %dma_wait3A = tpu.memref_slice %arg6[%mul3A_0, %mul3A_10] : memref<10112x256xf32, #tpu.memory_space<hbm>> -> memref<632x128xf32, #tpu.memory_space<hbm>>
      %dma_wait3A_23 = arith.constant 0 : i32
      %dma_wait3A_24 = tpu.memref_slice %arg12[%mul3A_0, %dma_wait3A_23] : memref<10112x128xf32, #tpu.memory_space<vmem_shared>> -> memref<632x128xf32, #tpu.memory_space<vmem_shared>>
      tpu.wait_dma2 semaphore(%run_scoped3A : memref<!tpu.dma_semaphore, #tpu.memory_space<semaphore_mem>>) src(%dma_wait3A_24 : memref<632x128xf32, #tpu.memory_space<vmem_shared>>) dst(%dma_wait3A : memref<632x128xf32, #tpu.memory_space<hbm>>)
      tpu.yield
    }) : () -> ()
    "tpu.region"() ({
      %run_scoped3A = tpu.sem_alloc : memref<!tpu.dma_semaphore, #tpu.memory_space<semaphore_mem>>
      %dma_start3A = arith.constant 0 : i32
      %dma_start3A_21 = tpu.memref_slice %arg12[%mul3A_0, %dma_start3A] : memref<10112x128xf32, #tpu.memory_space<vmem_shared>> -> memref<632x128xf32, #tpu.memory_space<vmem_shared>>
      tpu.enqueue_dma source(%arg5 : memref<632x128xf32, #tpu.memory_space<hbm>>) target(%dma_start3A_21 : memref<632x128xf32, #tpu.memory_space<vmem_shared>>) target_semaphore(%run_scoped3A : memref<!tpu.dma_semaphore, #tpu.memory_space<semaphore_mem>>)
      %dma_wait3A = arith.constant 0 : i32
      %dma_wait3A_22 = tpu.memref_slice %arg12[%mul3A_0, %dma_wait3A] : memref<10112x128xf32, #tpu.memory_space<vmem_shared>> -> memref<632x128xf32, #tpu.memory_space<vmem_shared>>
      tpu.wait_dma2 semaphore(%run_scoped3A : memref<!tpu.dma_semaphore, #tpu.memory_space<semaphore_mem>>) src(%arg5 : memref<632x128xf32, #tpu.memory_space<hbm>>) dst(%dma_wait3A_22 : memref<632x128xf32, #tpu.memory_space<vmem_shared>>)
      tpu.yield
    }) : () -> ()
    %barrier3A_11 = arith.constant 0 : index
    tpu.barrier barrier_id(%barrier3A_11)
    %scan3A_12 = arith.constant 0 : i32
    %scan3A_13 = arith.constant 0 : i32
    %scan3A_14 = arith.constant 18 : i32
    %scan3A_15 = arith.addi %scan3A_13, %scan3A_14 : i32
    %scan3A_16 = arith.constant 1 : i32
    scf.for %scan3A_21 = %scan3A_13 to %scan3A_15 step %scan3A_16  : i32 {
      %mul3A_22 = arith.constant 200 : i32
      %mul3A_23 = arith.muli %scan3A_21, %mul3A_22 : i32
      %add3A = arith.addi %mul3A_2, %mul3A_23 : i32
      %add3A_24 = arith.constant 0 : i32
      %add3A_25 = arith.addi %add3A, %add3A_24 : i32
      "tpu.region"() ({
        %run_scoped3A = tpu.sem_alloc : memref<!tpu.dma_semaphore, #tpu.memory_space<semaphore_mem>>
        %dma_start3A_38 = tpu.memref_slice %arg4[%add3A_25] : memref<57600xi32, #tpu.memory_space<hbm>> -> memref<104xi32, #tpu.memory_space<hbm>>
        %dma_start3A_39 = tpu.memref_slice %arg4[%add3A_25] : memref<57600xi32, #tpu.memory_space<hbm>> -> memref<104xi32, #tpu.memory_space<hbm>>
        tpu.enqueue_dma source(%dma_start3A_39 : memref<104xi32, #tpu.memory_space<hbm>>) target(%arg8 : memref<104xi32, #tpu.memory_space<vmem>>) target_semaphore(%run_scoped3A : memref<!tpu.dma_semaphore, #tpu.memory_space<semaphore_mem>>)
        %dma_wait3A_40 = tpu.memref_slice %arg4[%add3A_25] : memref<57600xi32, #tpu.memory_space<hbm>> -> memref<104xi32, #tpu.memory_space<hbm>>
        %dma_wait3A_41 = tpu.memref_slice %arg4[%add3A_25] : memref<57600xi32, #tpu.memory_space<hbm>> -> memref<104xi32, #tpu.memory_space<hbm>>
        tpu.wait_dma2 semaphore(%run_scoped3A : memref<!tpu.dma_semaphore, #tpu.memory_space<semaphore_mem>>) src(%dma_wait3A_41 : memref<104xi32, #tpu.memory_space<hbm>>) dst(%arg8 : memref<104xi32, #tpu.memory_space<vmem>>)
        tpu.yield
      }) : () -> ()
      %mul3A_26 = arith.constant 128 : i32
      %mul3A_27 = arith.muli %arg0, %mul3A_26 : i32
      %dma_start3A = tpu.memref_slice %arg2[%add3A_25, %mul3A_27] : memref<57600x256xf32, #tpu.memory_space<hbm>> -> memref<104x128xf32, #tpu.memory_space<hbm>>
      %dma_start3A_28 = tpu.memref_slice %arg2[%add3A_25, %mul3A_27] : memref<57600x256xf32, #tpu.memory_space<hbm>> -> memref<104x128xf32, #tpu.memory_space<hbm>>
      tpu.enqueue_dma source(%dma_start3A_28 : memref<104x128xf32, #tpu.memory_space<hbm>>) target(%arg10 : memref<104x128xf32, #tpu.memory_space<vmem>>) target_semaphore(%arg13 : memref<!tpu.dma_semaphore, #tpu.memory_space<semaphore_mem>>)
      %add3A_29 = arith.constant 104 : i32
      %add3A_30 = arith.addi %add3A, %add3A_29 : i32
      "tpu.region"() ({
        %run_scoped3A = tpu.sem_alloc : memref<!tpu.dma_semaphore, #tpu.memory_space<semaphore_mem>>
        %dma_start3A_38 = tpu.memref_slice %arg4[%add3A_30] : memref<57600xi32, #tpu.memory_space<hbm>> -> memref<96xi32, #tpu.memory_space<hbm>>
        %dma_start3A_39 = tpu.memref_slice %arg4[%add3A_30] : memref<57600xi32, #tpu.memory_space<hbm>> -> memref<96xi32, #tpu.memory_space<hbm>>
        tpu.enqueue_dma source(%dma_start3A_39 : memref<96xi32, #tpu.memory_space<hbm>>) target(%arg9 : memref<96xi32, #tpu.memory_space<vmem>>) target_semaphore(%run_scoped3A : memref<!tpu.dma_semaphore, #tpu.memory_space<semaphore_mem>>)
        %dma_wait3A_40 = tpu.memref_slice %arg4[%add3A_30] : memref<57600xi32, #tpu.memory_space<hbm>> -> memref<96xi32, #tpu.memory_space<hbm>>
        %dma_wait3A_41 = tpu.memref_slice %arg4[%add3A_30] : memref<57600xi32, #tpu.memory_space<hbm>> -> memref<96xi32, #tpu.memory_space<hbm>>
        tpu.wait_dma2 semaphore(%run_scoped3A : memref<!tpu.dma_semaphore, #tpu.memory_space<semaphore_mem>>) src(%dma_wait3A_41 : memref<96xi32, #tpu.memory_space<hbm>>) dst(%arg9 : memref<96xi32, #tpu.memory_space<vmem>>)
        tpu.yield
      }) : () -> ()
      %mul3A_31 = arith.constant 128 : i32
      %mul3A_32 = arith.muli %arg0, %mul3A_31 : i32
      %dma_start3A_33 = tpu.memref_slice %arg2[%add3A_30, %mul3A_32] : memref<57600x256xf32, #tpu.memory_space<hbm>> -> memref<96x128xf32, #tpu.memory_space<hbm>>
      %dma_start3A_34 = tpu.memref_slice %arg2[%add3A_30, %mul3A_32] : memref<57600x256xf32, #tpu.memory_space<hbm>> -> memref<96x128xf32, #tpu.memory_space<hbm>>
      tpu.enqueue_dma source(%dma_start3A_34 : memref<96x128xf32, #tpu.memory_space<hbm>>) target(%arg11 : memref<96x128xf32, #tpu.memory_space<vmem>>) target_semaphore(%arg14 : memref<!tpu.dma_semaphore, #tpu.memory_space<semaphore_mem>>)
      %dma_wait3A = tpu.memref_slice %arg2[%add3A_25, %mul3A_27] : memref<57600x256xf32, #tpu.memory_space<hbm>> -> memref<104x128xf32, #tpu.memory_space<hbm>>
      %dma_wait3A_35 = tpu.memref_slice %arg2[%add3A_25, %mul3A_27] : memref<57600x256xf32, #tpu.memory_space<hbm>> -> memref<104x128xf32, #tpu.memory_space<hbm>>
      tpu.wait_dma2 semaphore(%arg13 : memref<!tpu.dma_semaphore, #tpu.memory_space<semaphore_mem>>) src(%dma_wait3A_35 : memref<104x128xf32, #tpu.memory_space<hbm>>) dst(%arg10 : memref<104x128xf32, #tpu.memory_space<vmem>>)
      "tpu.region"() ({
        %run_scoped3A = tpu.sem_alloc : memref<!tpu.dma_semaphore, #tpu.memory_space<semaphore_mem>>
        %dma_start3A_38 = arith.constant 0 : i32
        %dma_start3A_39 = arith.constant 0 : i32
        %dma_start3A_40 = tpu.memref_slice %arg12[%dma_start3A_38, %dma_start3A_39] : memref<10112x128xf32, #tpu.memory_space<vmem_shared>> -> memref<10112x128xf32, #tpu.memory_space<vmem_shared>>
        tpu.enqueue_indirect_dma source(%arg10 : memref<104x128xf32, #tpu.memory_space<vmem>>) target(%dma_start3A_40 : memref<10112x128xf32, #tpu.memory_space<vmem_shared>>) offsets(%arg8 : memref<104xi32, #tpu.memory_space<vmem>>) semaphore(%run_scoped3A : memref<!tpu.dma_semaphore, #tpu.memory_space<semaphore_mem>>) {add = true}
        %dma_wait3A_41 = arith.constant 0 : i32
        %dma_wait3A_42 = arith.constant 0 : i32
        %dma_wait3A_43 = tpu.memref_slice %arg12[%dma_wait3A_41, %dma_wait3A_42] : memref<10112x128xf32, #tpu.memory_space<vmem_shared>> -> memref<10112x128xf32, #tpu.memory_space<vmem_shared>>
        tpu.wait_indirect_dma semaphore(%run_scoped3A : memref<!tpu.dma_semaphore, #tpu.memory_space<semaphore_mem>>) src(%arg10 : memref<104x128xf32, #tpu.memory_space<vmem>>) dst(%dma_wait3A_43 : memref<10112x128xf32, #tpu.memory_space<vmem_shared>>)
        tpu.yield
      }) : () -> ()
      %dma_wait3A_36 = tpu.memref_slice %arg2[%add3A_30, %mul3A_32] : memref<57600x256xf32, #tpu.memory_space<hbm>> -> memref<96x128xf32, #tpu.memory_space<hbm>>
      %dma_wait3A_37 = tpu.memref_slice %arg2[%add3A_30, %mul3A_32] : memref<57600x256xf32, #tpu.memory_space<hbm>> -> memref<96x128xf32, #tpu.memory_space<hbm>>
      tpu.wait_dma2 semaphore(%arg14 : memref<!tpu.dma_semaphore, #tpu.memory_space<semaphore_mem>>) src(%dma_wait3A_37 : memref<96x128xf32, #tpu.memory_space<hbm>>) dst(%arg11 : memref<96x128xf32, #tpu.memory_space<vmem>>)
      "tpu.region"() ({
        %run_scoped3A = tpu.sem_alloc : memref<!tpu.dma_semaphore, #tpu.memory_space<semaphore_mem>>
        %dma_start3A_38 = arith.constant 0 : i32
        %dma_start3A_39 = arith.constant 0 : i32
        %dma_start3A_40 = tpu.memref_slice %arg12[%dma_start3A_38, %dma_start3A_39] : memref<10112x128xf32, #tpu.memory_space<vmem_shared>> -> memref<10112x128xf32, #tpu.memory_space<vmem_shared>>
        tpu.enqueue_indirect_dma source(%arg11 : memref<96x128xf32, #tpu.memory_space<vmem>>) target(%dma_start3A_40 : memref<10112x128xf32, #tpu.memory_space<vmem_shared>>) offsets(%arg9 : memref<96xi32, #tpu.memory_space<vmem>>) semaphore(%run_scoped3A : memref<!tpu.dma_semaphore, #tpu.memory_space<semaphore_mem>>) {add = true}
        %dma_wait3A_41 = arith.constant 0 : i32
        %dma_wait3A_42 = arith.constant 0 : i32
        %dma_wait3A_43 = tpu.memref_slice %arg12[%dma_wait3A_41, %dma_wait3A_42] : memref<10112x128xf32, #tpu.memory_space<vmem_shared>> -> memref<10112x128xf32, #tpu.memory_space<vmem_shared>>
        tpu.wait_indirect_dma semaphore(%run_scoped3A : memref<!tpu.dma_semaphore, #tpu.memory_space<semaphore_mem>>) src(%arg11 : memref<96x128xf32, #tpu.memory_space<vmem>>) dst(%dma_wait3A_43 : memref<10112x128xf32, #tpu.memory_space<vmem_shared>>)
        tpu.yield
      }) : () -> ()
    }
    %scan3A_17 = arith.constant 18 : i32
    %barrier3A_18 = arith.constant 0 : index
    tpu.barrier barrier_id(%barrier3A_18)
    %mul3A_19 = arith.constant 128 : i32
    %mul3A_20 = arith.muli %arg0, %mul3A_19 : i32
    "tpu.region"() ({
      %run_scoped3A = tpu.sem_alloc : memref<!tpu.dma_semaphore, #tpu.memory_space<semaphore_mem>>
      %dma_start3A = tpu.memref_slice %arg7[%mul3A_0, %mul3A_20] : memref<10112x256xf32, #tpu.memory_space<hbm>> -> memref<632x128xf32, #tpu.memory_space<hbm>>
      %dma_start3A_21 = arith.constant 0 : i32
      %dma_start3A_22 = tpu.memref_slice %arg12[%mul3A_0, %dma_start3A_21] : memref<10112x128xf32, #tpu.memory_space<vmem_shared>> -> memref<632x128xf32, #tpu.memory_space<vmem_shared>>
      tpu.enqueue_dma source(%dma_start3A_22 : memref<632x128xf32, #tpu.memory_space<vmem_shared>>) target(%dma_start3A : memref<632x128xf32, #tpu.memory_space<hbm>>) target_semaphore(%run_scoped3A : memref<!tpu.dma_semaphore, #tpu.memory_space<semaphore_mem>>)
      %dma_wait3A = tpu.memref_slice %arg7[%mul3A_0, %mul3A_20] : memref<10112x256xf32, #tpu.memory_space<hbm>> -> memref<632x128xf32, #tpu.memory_space<hbm>>
      %dma_wait3A_23 = arith.constant 0 : i32
      %dma_wait3A_24 = tpu.memref_slice %arg12[%mul3A_0, %dma_wait3A_23] : memref<10112x128xf32, #tpu.memory_space<vmem_shared>> -> memref<632x128xf32, #tpu.memory_space<vmem_shared>>
      tpu.wait_dma2 semaphore(%run_scoped3A : memref<!tpu.dma_semaphore, #tpu.memory_space<semaphore_mem>>) src(%dma_wait3A_24 : memref<632x128xf32, #tpu.memory_space<vmem_shared>>) dst(%dma_wait3A : memref<632x128xf32, #tpu.memory_space<hbm>>)
      tpu.yield
    }) : () -> ()
    return
  }
}

#map = affine_map<(d0, d1) -> (0, 0)>
#map1 = affine_map<(d0, d1) -> (0)>
module attributes {stable_mosaic.version = 14 : i64} {
  func.func @k(%arg0: i32, %arg1: i32, %arg2: memref<51200x256xf32, #tpu.memory_space<hbm>>, %arg3: memref<51200xi32, #tpu.memory_space<hbm>>, %arg4: memref<51200xi32, #tpu.memory_space<hbm>>, %arg5: memref<632x128xf32, #tpu.memory_space<hbm>>, %arg6: memref<10112x256xf32, #tpu.memory_space<hbm>>, %arg7: memref<10112x256xf32, #tpu.memory_space<hbm>>, %arg8: memref<104xi32, #tpu.memory_space<vmem>>, %arg9: memref<96xi32, #tpu.memory_space<vmem>>, %arg10: memref<104x128xf32, #tpu.memory_space<vmem>>, %arg11: memref<96x128xf32, #tpu.memory_space<vmem>>, %arg12: memref<10112x128xf32, #tpu.memory_space<vmem_shared>>, %arg13: memref<!tpu.dma_semaphore, #tpu.memory_space<semaphore_mem>>, %arg14: memref<!tpu.dma_semaphore, #tpu.memory_space<semaphore_mem>>) attributes {dimension_semantics = [#tpu.dimension_semantics<core_parallel>, #tpu.dimension_semantics<subcore_parallel>], iteration_bounds = array<i64: 2, 16>, scalar_prefetch = 0 : i64, scratch_operands = 7 : i64, tpu.core_type = #tpu.core_type<sc_vector_subcore>, window_params = [{transform_indices = #map}, {transform_indices = #map1}, {transform_indices = #map1}, {transform_indices = #map}, {transform_indices = #map}, {transform_indices = #map}]} {
    %mul3A = arith.constant 632 : i32
    %mul3A_0 = arith.muli %arg1, %mul3A : i32
    %mul3A_1 = arith.constant 3200 : i32
    %mul3A_2 = arith.muli %arg1, %mul3A_1 : i32
    "tpu.region"() ({
      %run_scoped3A = tpu.sem_alloc : memref<!tpu.dma_semaphore, #tpu.memory_space<semaphore_mem>>
      %dma_start3A = arith.constant 0 : i32
      %dma_start3A_21 = tpu.memref_slice %arg12[%mul3A_0, %dma_start3A] : memref<10112x128xf32, #tpu.memory_space<vmem_shared>> -> memref<632x128xf32, #tpu.memory_space<vmem_shared>>
      tpu.enqueue_dma source(%arg5 : memref<632x128xf32, #tpu.memory_space<hbm>>) target(%dma_start3A_21 : memref<632x128xf32, #tpu.memory_space<vmem_shared>>) target_semaphore(%run_scoped3A : memref<!tpu.dma_semaphore, #tpu.memory_space<semaphore_mem>>)
      %dma_wait3A = arith.constant 0 : i32
      %dma_wait3A_22 = tpu.memref_slice %arg12[%mul3A_0, %dma_wait3A] : memref<10112x128xf32, #tpu.memory_space<vmem_shared>> -> memref<632x128xf32, #tpu.memory_space<vmem_shared>>
      tpu.wait_dma2 semaphore(%run_scoped3A : memref<!tpu.dma_semaphore, #tpu.memory_space<semaphore_mem>>) src(%arg5 : memref<632x128xf32, #tpu.memory_space<hbm>>) dst(%dma_wait3A_22 : memref<632x128xf32, #tpu.memory_space<vmem_shared>>)
      tpu.yield
    }) : () -> ()
    %barrier3A = arith.constant 0 : index
    tpu.barrier barrier_id(%barrier3A)
    %scan3A = arith.constant 0 : i32
    %scan3A_3 = arith.constant 0 : i32
    %scan3A_4 = arith.constant 16 : i32
    %scan3A_5 = arith.addi %scan3A_3, %scan3A_4 : i32
    %scan3A_6 = arith.constant 1 : i32
    scf.for %scan3A_21 = %scan3A_3 to %scan3A_5 step %scan3A_6  : i32 {
      %mul3A_22 = arith.constant 200 : i32
      %mul3A_23 = arith.muli %scan3A_21, %mul3A_22 : i32
      %add3A = arith.addi %mul3A_2, %mul3A_23 : i32
      %add3A_24 = arith.constant 0 : i32
      %add3A_25 = arith.addi %add3A, %add3A_24 : i32
      "tpu.region"() ({
        %run_scoped3A = tpu.sem_alloc : memref<!tpu.dma_semaphore, #tpu.memory_space<semaphore_mem>>
        %dma_start3A_38 = tpu.memref_slice %arg3[%add3A_25] : memref<51200xi32, #tpu.memory_space<hbm>> -> memref<104xi32, #tpu.memory_space<hbm>>
        %dma_start3A_39 = tpu.memref_slice %arg3[%add3A_25] : memref<51200xi32, #tpu.memory_space<hbm>> -> memref<104xi32, #tpu.memory_space<hbm>>
        tpu.enqueue_dma source(%dma_start3A_39 : memref<104xi32, #tpu.memory_space<hbm>>) target(%arg8 : memref<104xi32, #tpu.memory_space<vmem>>) target_semaphore(%run_scoped3A : memref<!tpu.dma_semaphore, #tpu.memory_space<semaphore_mem>>)
        %dma_wait3A_40 = tpu.memref_slice %arg3[%add3A_25] : memref<51200xi32, #tpu.memory_space<hbm>> -> memref<104xi32, #tpu.memory_space<hbm>>
        %dma_wait3A_41 = tpu.memref_slice %arg3[%add3A_25] : memref<51200xi32, #tpu.memory_space<hbm>> -> memref<104xi32, #tpu.memory_space<hbm>>
        tpu.wait_dma2 semaphore(%run_scoped3A : memref<!tpu.dma_semaphore, #tpu.memory_space<semaphore_mem>>) src(%dma_wait3A_41 : memref<104xi32, #tpu.memory_space<hbm>>) dst(%arg8 : memref<104xi32, #tpu.memory_space<vmem>>)
        tpu.yield
      }) : () -> ()
      %mul3A_26 = arith.constant 128 : i32
      %mul3A_27 = arith.muli %arg0, %mul3A_26 : i32
      %dma_start3A = tpu.memref_slice %arg2[%add3A_25, %mul3A_27] : memref<51200x256xf32, #tpu.memory_space<hbm>> -> memref<104x128xf32, #tpu.memory_space<hbm>>
      %dma_start3A_28 = tpu.memref_slice %arg2[%add3A_25, %mul3A_27] : memref<51200x256xf32, #tpu.memory_space<hbm>> -> memref<104x128xf32, #tpu.memory_space<hbm>>
      tpu.enqueue_dma source(%dma_start3A_28 : memref<104x128xf32, #tpu.memory_space<hbm>>) target(%arg10 : memref<104x128xf32, #tpu.memory_space<vmem>>) target_semaphore(%arg13 : memref<!tpu.dma_semaphore, #tpu.memory_space<semaphore_mem>>)
      %add3A_29 = arith.constant 104 : i32
      %add3A_30 = arith.addi %add3A, %add3A_29 : i32
      "tpu.region"() ({
        %run_scoped3A = tpu.sem_alloc : memref<!tpu.dma_semaphore, #tpu.memory_space<semaphore_mem>>
        %dma_start3A_38 = tpu.memref_slice %arg3[%add3A_30] : memref<51200xi32, #tpu.memory_space<hbm>> -> memref<96xi32, #tpu.memory_space<hbm>>
        %dma_start3A_39 = tpu.memref_slice %arg3[%add3A_30] : memref<51200xi32, #tpu.memory_space<hbm>> -> memref<96xi32, #tpu.memory_space<hbm>>
        tpu.enqueue_dma source(%dma_start3A_39 : memref<96xi32, #tpu.memory_space<hbm>>) target(%arg9 : memref<96xi32, #tpu.memory_space<vmem>>) target_semaphore(%run_scoped3A : memref<!tpu.dma_semaphore, #tpu.memory_space<semaphore_mem>>)
        %dma_wait3A_40 = tpu.memref_slice %arg3[%add3A_30] : memref<51200xi32, #tpu.memory_space<hbm>> -> memref<96xi32, #tpu.memory_space<hbm>>
        %dma_wait3A_41 = tpu.memref_slice %arg3[%add3A_30] : memref<51200xi32, #tpu.memory_space<hbm>> -> memref<96xi32, #tpu.memory_space<hbm>>
        tpu.wait_dma2 semaphore(%run_scoped3A : memref<!tpu.dma_semaphore, #tpu.memory_space<semaphore_mem>>) src(%dma_wait3A_41 : memref<96xi32, #tpu.memory_space<hbm>>) dst(%arg9 : memref<96xi32, #tpu.memory_space<vmem>>)
        tpu.yield
      }) : () -> ()
      %mul3A_31 = arith.constant 128 : i32
      %mul3A_32 = arith.muli %arg0, %mul3A_31 : i32
      %dma_start3A_33 = tpu.memref_slice %arg2[%add3A_30, %mul3A_32] : memref<51200x256xf32, #tpu.memory_space<hbm>> -> memref<96x128xf32, #tpu.memory_space<hbm>>
      %dma_start3A_34 = tpu.memref_slice %arg2[%add3A_30, %mul3A_32] : memref<51200x256xf32, #tpu.memory_space<hbm>> -> memref<96x128xf32, #tpu.memory_space<hbm>>
      tpu.enqueue_dma source(%dma_start3A_34 : memref<96x128xf32, #tpu.memory_space<hbm>>) target(%arg11 : memref<96x128xf32, #tpu.memory_space<vmem>>) target_semaphore(%arg14 : memref<!tpu.dma_semaphore, #tpu.memory_space<semaphore_mem>>)
      %dma_wait3A = tpu.memref_slice %arg2[%add3A_25, %mul3A_27] : memref<51200x256xf32, #tpu.memory_space<hbm>> -> memref<104x128xf32, #tpu.memory_space<hbm>>
      %dma_wait3A_35 = tpu.memref_slice %arg2[%add3A_25, %mul3A_27] : memref<51200x256xf32, #tpu.memory_space<hbm>> -> memref<104x128xf32, #tpu.memory_space<hbm>>
      tpu.wait_dma2 semaphore(%arg13 : memref<!tpu.dma_semaphore, #tpu.memory_space<semaphore_mem>>) src(%dma_wait3A_35 : memref<104x128xf32, #tpu.memory_space<hbm>>) dst(%arg10 : memref<104x128xf32, #tpu.memory_space<vmem>>)
      "tpu.region"() ({
        %run_scoped3A = tpu.sem_alloc : memref<!tpu.dma_semaphore, #tpu.memory_space<semaphore_mem>>
        %dma_start3A_38 = arith.constant 0 : i32
        %dma_start3A_39 = arith.constant 0 : i32
        %dma_start3A_40 = tpu.memref_slice %arg12[%dma_start3A_38, %dma_start3A_39] : memref<10112x128xf32, #tpu.memory_space<vmem_shared>> -> memref<10112x128xf32, #tpu.memory_space<vmem_shared>>
        tpu.enqueue_indirect_dma source(%arg10 : memref<104x128xf32, #tpu.memory_space<vmem>>) target(%dma_start3A_40 : memref<10112x128xf32, #tpu.memory_space<vmem_shared>>) offsets(%arg8 : memref<104xi32, #tpu.memory_space<vmem>>) semaphore(%run_scoped3A : memref<!tpu.dma_semaphore, #tpu.memory_space<semaphore_mem>>) {add = true}
        %dma_wait3A_41 = arith.constant 0 : i32
        %dma_wait3A_42 = arith.constant 0 : i32
        %dma_wait3A_43 = tpu.memref_slice %arg12[%dma_wait3A_41, %dma_wait3A_42] : memref<10112x128xf32, #tpu.memory_space<vmem_shared>> -> memref<10112x128xf32, #tpu.memory_space<vmem_shared>>
        tpu.wait_indirect_dma semaphore(%run_scoped3A : memref<!tpu.dma_semaphore, #tpu.memory_space<semaphore_mem>>) src(%arg10 : memref<104x128xf32, #tpu.memory_space<vmem>>) dst(%dma_wait3A_43 : memref<10112x128xf32, #tpu.memory_space<vmem_shared>>)
        tpu.yield
      }) : () -> ()
      %dma_wait3A_36 = tpu.memref_slice %arg2[%add3A_30, %mul3A_32] : memref<51200x256xf32, #tpu.memory_space<hbm>> -> memref<96x128xf32, #tpu.memory_space<hbm>>
      %dma_wait3A_37 = tpu.memref_slice %arg2[%add3A_30, %mul3A_32] : memref<51200x256xf32, #tpu.memory_space<hbm>> -> memref<96x128xf32, #tpu.memory_space<hbm>>
      tpu.wait_dma2 semaphore(%arg14 : memref<!tpu.dma_semaphore, #tpu.memory_space<semaphore_mem>>) src(%dma_wait3A_37 : memref<96x128xf32, #tpu.memory_space<hbm>>) dst(%arg11 : memref<96x128xf32, #tpu.memory_space<vmem>>)
      "tpu.region"() ({
        %run_scoped3A = tpu.sem_alloc : memref<!tpu.dma_semaphore, #tpu.memory_space<semaphore_mem>>
        %dma_start3A_38 = arith.constant 0 : i32
        %dma_start3A_39 = arith.constant 0 : i32
        %dma_start3A_40 = tpu.memref_slice %arg12[%dma_start3A_38, %dma_start3A_39] : memref<10112x128xf32, #tpu.memory_space<vmem_shared>> -> memref<10112x128xf32, #tpu.memory_space<vmem_shared>>
        tpu.enqueue_indirect_dma source(%arg11 : memref<96x128xf32, #tpu.memory_space<vmem>>) target(%dma_start3A_40 : memref<10112x128xf32, #tpu.memory_space<vmem_shared>>) offsets(%arg9 : memref<96xi32, #tpu.memory_space<vmem>>) semaphore(%run_scoped3A : memref<!tpu.dma_semaphore, #tpu.memory_space<semaphore_mem>>) {add = true}
        %dma_wait3A_41 = arith.constant 0 : i32
        %dma_wait3A_42 = arith.constant 0 : i32
        %dma_wait3A_43 = tpu.memref_slice %arg12[%dma_wait3A_41, %dma_wait3A_42] : memref<10112x128xf32, #tpu.memory_space<vmem_shared>> -> memref<10112x128xf32, #tpu.memory_space<vmem_shared>>
        tpu.wait_indirect_dma semaphore(%run_scoped3A : memref<!tpu.dma_semaphore, #tpu.memory_space<semaphore_mem>>) src(%arg11 : memref<96x128xf32, #tpu.memory_space<vmem>>) dst(%dma_wait3A_43 : memref<10112x128xf32, #tpu.memory_space<vmem_shared>>)
        tpu.yield
      }) : () -> ()
    }
    %scan3A_7 = arith.constant 16 : i32
    %barrier3A_8 = arith.constant 0 : index
    tpu.barrier barrier_id(%barrier3A_8)
    %mul3A_9 = arith.constant 128 : i32
    %mul3A_10 = arith.muli %arg0, %mul3A_9 : i32
    "tpu.region"() ({
      %run_scoped3A = tpu.sem_alloc : memref<!tpu.dma_semaphore, #tpu.memory_space<semaphore_mem>>
      %dma_start3A = tpu.memref_slice %arg6[%mul3A_0, %mul3A_10] : memref<10112x256xf32, #tpu.memory_space<hbm>> -> memref<632x128xf32, #tpu.memory_space<hbm>>
      %dma_start3A_21 = arith.constant 0 : i32
      %dma_start3A_22 = tpu.memref_slice %arg12[%mul3A_0, %dma_start3A_21] : memref<10112x128xf32, #tpu.memory_space<vmem_shared>> -> memref<632x128xf32, #tpu.memory_space<vmem_shared>>
      tpu.enqueue_dma source(%dma_start3A_22 : memref<632x128xf32, #tpu.memory_space<vmem_shared>>) target(%dma_start3A : memref<632x128xf32, #tpu.memory_space<hbm>>) target_semaphore(%run_scoped3A : memref<!tpu.dma_semaphore, #tpu.memory_space<semaphore_mem>>)
      %dma_wait3A = tpu.memref_slice %arg6[%mul3A_0, %mul3A_10] : memref<10112x256xf32, #tpu.memory_space<hbm>> -> memref<632x128xf32, #tpu.memory_space<hbm>>
      %dma_wait3A_23 = arith.constant 0 : i32
      %dma_wait3A_24 = tpu.memref_slice %arg12[%mul3A_0, %dma_wait3A_23] : memref<10112x128xf32, #tpu.memory_space<vmem_shared>> -> memref<632x128xf32, #tpu.memory_space<vmem_shared>>
      tpu.wait_dma2 semaphore(%run_scoped3A : memref<!tpu.dma_semaphore, #tpu.memory_space<semaphore_mem>>) src(%dma_wait3A_24 : memref<632x128xf32, #tpu.memory_space<vmem_shared>>) dst(%dma_wait3A : memref<632x128xf32, #tpu.memory_space<hbm>>)
      tpu.yield
    }) : () -> ()
    "tpu.region"() ({
      %run_scoped3A = tpu.sem_alloc : memref<!tpu.dma_semaphore, #tpu.memory_space<semaphore_mem>>
      %dma_start3A = arith.constant 0 : i32
      %dma_start3A_21 = tpu.memref_slice %arg12[%mul3A_0, %dma_start3A] : memref<10112x128xf32, #tpu.memory_space<vmem_shared>> -> memref<632x128xf32, #tpu.memory_space<vmem_shared>>
      tpu.enqueue_dma source(%arg5 : memref<632x128xf32, #tpu.memory_space<hbm>>) target(%dma_start3A_21 : memref<632x128xf32, #tpu.memory_space<vmem_shared>>) target_semaphore(%run_scoped3A : memref<!tpu.dma_semaphore, #tpu.memory_space<semaphore_mem>>)
      %dma_wait3A = arith.constant 0 : i32
      %dma_wait3A_22 = tpu.memref_slice %arg12[%mul3A_0, %dma_wait3A] : memref<10112x128xf32, #tpu.memory_space<vmem_shared>> -> memref<632x128xf32, #tpu.memory_space<vmem_shared>>
      tpu.wait_dma2 semaphore(%run_scoped3A : memref<!tpu.dma_semaphore, #tpu.memory_space<semaphore_mem>>) src(%arg5 : memref<632x128xf32, #tpu.memory_space<hbm>>) dst(%dma_wait3A_22 : memref<632x128xf32, #tpu.memory_space<vmem_shared>>)
      tpu.yield
    }) : () -> ()
    %barrier3A_11 = arith.constant 0 : index
    tpu.barrier barrier_id(%barrier3A_11)
    %scan3A_12 = arith.constant 0 : i32
    %scan3A_13 = arith.constant 0 : i32
    %scan3A_14 = arith.constant 16 : i32
    %scan3A_15 = arith.addi %scan3A_13, %scan3A_14 : i32
    %scan3A_16 = arith.constant 1 : i32
    scf.for %scan3A_21 = %scan3A_13 to %scan3A_15 step %scan3A_16  : i32 {
      %mul3A_22 = arith.constant 200 : i32
      %mul3A_23 = arith.muli %scan3A_21, %mul3A_22 : i32
      %add3A = arith.addi %mul3A_2, %mul3A_23 : i32
      %add3A_24 = arith.constant 0 : i32
      %add3A_25 = arith.addi %add3A, %add3A_24 : i32
      "tpu.region"() ({
        %run_scoped3A = tpu.sem_alloc : memref<!tpu.dma_semaphore, #tpu.memory_space<semaphore_mem>>
        %dma_start3A_38 = tpu.memref_slice %arg4[%add3A_25] : memref<51200xi32, #tpu.memory_space<hbm>> -> memref<104xi32, #tpu.memory_space<hbm>>
        %dma_start3A_39 = tpu.memref_slice %arg4[%add3A_25] : memref<51200xi32, #tpu.memory_space<hbm>> -> memref<104xi32, #tpu.memory_space<hbm>>
        tpu.enqueue_dma source(%dma_start3A_39 : memref<104xi32, #tpu.memory_space<hbm>>) target(%arg8 : memref<104xi32, #tpu.memory_space<vmem>>) target_semaphore(%run_scoped3A : memref<!tpu.dma_semaphore, #tpu.memory_space<semaphore_mem>>)
        %dma_wait3A_40 = tpu.memref_slice %arg4[%add3A_25] : memref<51200xi32, #tpu.memory_space<hbm>> -> memref<104xi32, #tpu.memory_space<hbm>>
        %dma_wait3A_41 = tpu.memref_slice %arg4[%add3A_25] : memref<51200xi32, #tpu.memory_space<hbm>> -> memref<104xi32, #tpu.memory_space<hbm>>
        tpu.wait_dma2 semaphore(%run_scoped3A : memref<!tpu.dma_semaphore, #tpu.memory_space<semaphore_mem>>) src(%dma_wait3A_41 : memref<104xi32, #tpu.memory_space<hbm>>) dst(%arg8 : memref<104xi32, #tpu.memory_space<vmem>>)
        tpu.yield
      }) : () -> ()
      %mul3A_26 = arith.constant 128 : i32
      %mul3A_27 = arith.muli %arg0, %mul3A_26 : i32
      %dma_start3A = tpu.memref_slice %arg2[%add3A_25, %mul3A_27] : memref<51200x256xf32, #tpu.memory_space<hbm>> -> memref<104x128xf32, #tpu.memory_space<hbm>>
      %dma_start3A_28 = tpu.memref_slice %arg2[%add3A_25, %mul3A_27] : memref<51200x256xf32, #tpu.memory_space<hbm>> -> memref<104x128xf32, #tpu.memory_space<hbm>>
      tpu.enqueue_dma source(%dma_start3A_28 : memref<104x128xf32, #tpu.memory_space<hbm>>) target(%arg10 : memref<104x128xf32, #tpu.memory_space<vmem>>) target_semaphore(%arg13 : memref<!tpu.dma_semaphore, #tpu.memory_space<semaphore_mem>>)
      %add3A_29 = arith.constant 104 : i32
      %add3A_30 = arith.addi %add3A, %add3A_29 : i32
      "tpu.region"() ({
        %run_scoped3A = tpu.sem_alloc : memref<!tpu.dma_semaphore, #tpu.memory_space<semaphore_mem>>
        %dma_start3A_38 = tpu.memref_slice %arg4[%add3A_30] : memref<51200xi32, #tpu.memory_space<hbm>> -> memref<96xi32, #tpu.memory_space<hbm>>
        %dma_start3A_39 = tpu.memref_slice %arg4[%add3A_30] : memref<51200xi32, #tpu.memory_space<hbm>> -> memref<96xi32, #tpu.memory_space<hbm>>
        tpu.enqueue_dma source(%dma_start3A_39 : memref<96xi32, #tpu.memory_space<hbm>>) target(%arg9 : memref<96xi32, #tpu.memory_space<vmem>>) target_semaphore(%run_scoped3A : memref<!tpu.dma_semaphore, #tpu.memory_space<semaphore_mem>>)
        %dma_wait3A_40 = tpu.memref_slice %arg4[%add3A_30] : memref<51200xi32, #tpu.memory_space<hbm>> -> memref<96xi32, #tpu.memory_space<hbm>>
        %dma_wait3A_41 = tpu.memref_slice %arg4[%add3A_30] : memref<51200xi32, #tpu.memory_space<hbm>> -> memref<96xi32, #tpu.memory_space<hbm>>
        tpu.wait_dma2 semaphore(%run_scoped3A : memref<!tpu.dma_semaphore, #tpu.memory_space<semaphore_mem>>) src(%dma_wait3A_41 : memref<96xi32, #tpu.memory_space<hbm>>) dst(%arg9 : memref<96xi32, #tpu.memory_space<vmem>>)
        tpu.yield
      }) : () -> ()
      %mul3A_31 = arith.constant 128 : i32
      %mul3A_32 = arith.muli %arg0, %mul3A_31 : i32
      %dma_start3A_33 = tpu.memref_slice %arg2[%add3A_30, %mul3A_32] : memref<51200x256xf32, #tpu.memory_space<hbm>> -> memref<96x128xf32, #tpu.memory_space<hbm>>
      %dma_start3A_34 = tpu.memref_slice %arg2[%add3A_30, %mul3A_32] : memref<51200x256xf32, #tpu.memory_space<hbm>> -> memref<96x128xf32, #tpu.memory_space<hbm>>
      tpu.enqueue_dma source(%dma_start3A_34 : memref<96x128xf32, #tpu.memory_space<hbm>>) target(%arg11 : memref<96x128xf32, #tpu.memory_space<vmem>>) target_semaphore(%arg14 : memref<!tpu.dma_semaphore, #tpu.memory_space<semaphore_mem>>)
      %dma_wait3A = tpu.memref_slice %arg2[%add3A_25, %mul3A_27] : memref<51200x256xf32, #tpu.memory_space<hbm>> -> memref<104x128xf32, #tpu.memory_space<hbm>>
      %dma_wait3A_35 = tpu.memref_slice %arg2[%add3A_25, %mul3A_27] : memref<51200x256xf32, #tpu.memory_space<hbm>> -> memref<104x128xf32, #tpu.memory_space<hbm>>
      tpu.wait_dma2 semaphore(%arg13 : memref<!tpu.dma_semaphore, #tpu.memory_space<semaphore_mem>>) src(%dma_wait3A_35 : memref<104x128xf32, #tpu.memory_space<hbm>>) dst(%arg10 : memref<104x128xf32, #tpu.memory_space<vmem>>)
      "tpu.region"() ({
        %run_scoped3A = tpu.sem_alloc : memref<!tpu.dma_semaphore, #tpu.memory_space<semaphore_mem>>
        %dma_start3A_38 = arith.constant 0 : i32
        %dma_start3A_39 = arith.constant 0 : i32
        %dma_start3A_40 = tpu.memref_slice %arg12[%dma_start3A_38, %dma_start3A_39] : memref<10112x128xf32, #tpu.memory_space<vmem_shared>> -> memref<10112x128xf32, #tpu.memory_space<vmem_shared>>
        tpu.enqueue_indirect_dma source(%arg10 : memref<104x128xf32, #tpu.memory_space<vmem>>) target(%dma_start3A_40 : memref<10112x128xf32, #tpu.memory_space<vmem_shared>>) offsets(%arg8 : memref<104xi32, #tpu.memory_space<vmem>>) semaphore(%run_scoped3A : memref<!tpu.dma_semaphore, #tpu.memory_space<semaphore_mem>>) {add = true}
        %dma_wait3A_41 = arith.constant 0 : i32
        %dma_wait3A_42 = arith.constant 0 : i32
        %dma_wait3A_43 = tpu.memref_slice %arg12[%dma_wait3A_41, %dma_wait3A_42] : memref<10112x128xf32, #tpu.memory_space<vmem_shared>> -> memref<10112x128xf32, #tpu.memory_space<vmem_shared>>
        tpu.wait_indirect_dma semaphore(%run_scoped3A : memref<!tpu.dma_semaphore, #tpu.memory_space<semaphore_mem>>) src(%arg10 : memref<104x128xf32, #tpu.memory_space<vmem>>) dst(%dma_wait3A_43 : memref<10112x128xf32, #tpu.memory_space<vmem_shared>>)
        tpu.yield
      }) : () -> ()
      %dma_wait3A_36 = tpu.memref_slice %arg2[%add3A_30, %mul3A_32] : memref<51200x256xf32, #tpu.memory_space<hbm>> -> memref<96x128xf32, #tpu.memory_space<hbm>>
      %dma_wait3A_37 = tpu.memref_slice %arg2[%add3A_30, %mul3A_32] : memref<51200x256xf32, #tpu.memory_space<hbm>> -> memref<96x128xf32, #tpu.memory_space<hbm>>
      tpu.wait_dma2 semaphore(%arg14 : memref<!tpu.dma_semaphore, #tpu.memory_space<semaphore_mem>>) src(%dma_wait3A_37 : memref<96x128xf32, #tpu.memory_space<hbm>>) dst(%arg11 : memref<96x128xf32, #tpu.memory_space<vmem>>)
      "tpu.region"() ({
        %run_scoped3A = tpu.sem_alloc : memref<!tpu.dma_semaphore, #tpu.memory_space<semaphore_mem>>
        %dma_start3A_38 = arith.constant 0 : i32
        %dma_start3A_39 = arith.constant 0 : i32
        %dma_start3A_40 = tpu.memref_slice %arg12[%dma_start3A_38, %dma_start3A_39] : memref<10112x128xf32, #tpu.memory_space<vmem_shared>> -> memref<10112x128xf32, #tpu.memory_space<vmem_shared>>
        tpu.enqueue_indirect_dma source(%arg11 : memref<96x128xf32, #tpu.memory_space<vmem>>) target(%dma_start3A_40 : memref<10112x128xf32, #tpu.memory_space<vmem_shared>>) offsets(%arg9 : memref<96xi32, #tpu.memory_space<vmem>>) semaphore(%run_scoped3A : memref<!tpu.dma_semaphore, #tpu.memory_space<semaphore_mem>>) {add = true}
        %dma_wait3A_41 = arith.constant 0 : i32
        %dma_wait3A_42 = arith.constant 0 : i32
        %dma_wait3A_43 = tpu.memref_slice %arg12[%dma_wait3A_41, %dma_wait3A_42] : memref<10112x128xf32, #tpu.memory_space<vmem_shared>> -> memref<10112x128xf32, #tpu.memory_space<vmem_shared>>
        tpu.wait_indirect_dma semaphore(%run_scoped3A : memref<!tpu.dma_semaphore, #tpu.memory_space<semaphore_mem>>) src(%arg11 : memref<96x128xf32, #tpu.memory_space<vmem>>) dst(%dma_wait3A_43 : memref<10112x128xf32, #tpu.memory_space<vmem_shared>>)
        tpu.yield
      }) : () -> ()
    }
    %scan3A_17 = arith.constant 16 : i32
    %barrier3A_18 = arith.constant 0 : index
    tpu.barrier barrier_id(%barrier3A_18)
    %mul3A_19 = arith.constant 128 : i32
    %mul3A_20 = arith.muli %arg0, %mul3A_19 : i32
    "tpu.region"() ({
      %run_scoped3A = tpu.sem_alloc : memref<!tpu.dma_semaphore, #tpu.memory_space<semaphore_mem>>
      %dma_start3A = tpu.memref_slice %arg7[%mul3A_0, %mul3A_20] : memref<10112x256xf32, #tpu.memory_space<hbm>> -> memref<632x128xf32, #tpu.memory_space<hbm>>
      %dma_start3A_21 = arith.constant 0 : i32
      %dma_start3A_22 = tpu.memref_slice %arg12[%mul3A_0, %dma_start3A_21] : memref<10112x128xf32, #tpu.memory_space<vmem_shared>> -> memref<632x128xf32, #tpu.memory_space<vmem_shared>>
      tpu.enqueue_dma source(%dma_start3A_22 : memref<632x128xf32, #tpu.memory_space<vmem_shared>>) target(%dma_start3A : memref<632x128xf32, #tpu.memory_space<hbm>>) target_semaphore(%run_scoped3A : memref<!tpu.dma_semaphore, #tpu.memory_space<semaphore_mem>>)
      %dma_wait3A = tpu.memref_slice %arg7[%mul3A_0, %mul3A_20] : memref<10112x256xf32, #tpu.memory_space<hbm>> -> memref<632x128xf32, #tpu.memory_space<hbm>>
      %dma_wait3A_23 = arith.constant 0 : i32
      %dma_wait3A_24 = tpu.memref_slice %arg12[%mul3A_0, %dma_wait3A_23] : memref<10112x128xf32, #tpu.memory_space<vmem_shared>> -> memref<632x128xf32, #tpu.memory_space<vmem_shared>>
      tpu.wait_dma2 semaphore(%run_scoped3A : memref<!tpu.dma_semaphore, #tpu.memory_space<semaphore_mem>>) src(%dma_wait3A_24 : memref<632x128xf32, #tpu.memory_space<vmem_shared>>) dst(%dma_wait3A : memref<632x128xf32, #tpu.memory_space<hbm>>)
      tpu.yield
    }) : () -> ()
    return
  }
}

#map = affine_map<(d0, d1) -> (0, 0)>
#map1 = affine_map<(d0, d1) -> (0)>
module attributes {stable_mosaic.version = 14 : i64} {
  func.func @k(%arg0: i32, %arg1: i32, %arg2: memref<51200x256xf32, #tpu.memory_space<hbm>>, %arg3: memref<51200xi32, #tpu.memory_space<hbm>>, %arg4: memref<51200xi32, #tpu.memory_space<hbm>>, %arg5: memref<632x128xf32, #tpu.memory_space<hbm>>, %arg6: memref<10112x256xf32, #tpu.memory_space<hbm>>, %arg7: memref<10112x256xf32, #tpu.memory_space<hbm>>, %arg8: memref<104xi32, #tpu.memory_space<vmem>>, %arg9: memref<96xi32, #tpu.memory_space<vmem>>, %arg10: memref<104x128xf32, #tpu.memory_space<vmem>>, %arg11: memref<96x128xf32, #tpu.memory_space<vmem>>, %arg12: memref<10112x128xf32, #tpu.memory_space<vmem_shared>>, %arg13: memref<!tpu.dma_semaphore, #tpu.memory_space<semaphore_mem>>, %arg14: memref<!tpu.dma_semaphore, #tpu.memory_space<semaphore_mem>>) attributes {dimension_semantics = [#tpu.dimension_semantics<core_parallel>, #tpu.dimension_semantics<subcore_parallel>], iteration_bounds = array<i64: 2, 16>, scalar_prefetch = 0 : i64, scratch_operands = 7 : i64, tpu.core_type = #tpu.core_type<sc_vector_subcore>, window_params = [{transform_indices = #map}, {transform_indices = #map1}, {transform_indices = #map1}, {transform_indices = #map}, {transform_indices = #map}, {transform_indices = #map}]} {
    %mul3A = arith.constant 632 : i32
    %mul3A_0 = arith.muli %arg1, %mul3A : i32
    %mul3A_1 = arith.constant 3200 : i32
    %mul3A_2 = arith.muli %arg1, %mul3A_1 : i32
    "tpu.region"() ({
      %run_scoped3A = tpu.sem_alloc : memref<!tpu.dma_semaphore, #tpu.memory_space<semaphore_mem>>
      %dma_start3A = arith.constant 0 : i32
      %dma_start3A_21 = tpu.memref_slice %arg12[%mul3A_0, %dma_start3A] : memref<10112x128xf32, #tpu.memory_space<vmem_shared>> -> memref<632x128xf32, #tpu.memory_space<vmem_shared>>
      tpu.enqueue_dma source(%arg5 : memref<632x128xf32, #tpu.memory_space<hbm>>) target(%dma_start3A_21 : memref<632x128xf32, #tpu.memory_space<vmem_shared>>) target_semaphore(%run_scoped3A : memref<!tpu.dma_semaphore, #tpu.memory_space<semaphore_mem>>)
      %dma_wait3A = arith.constant 0 : i32
      %dma_wait3A_22 = tpu.memref_slice %arg12[%mul3A_0, %dma_wait3A] : memref<10112x128xf32, #tpu.memory_space<vmem_shared>> -> memref<632x128xf32, #tpu.memory_space<vmem_shared>>
      tpu.wait_dma2 semaphore(%run_scoped3A : memref<!tpu.dma_semaphore, #tpu.memory_space<semaphore_mem>>) src(%arg5 : memref<632x128xf32, #tpu.memory_space<hbm>>) dst(%dma_wait3A_22 : memref<632x128xf32, #tpu.memory_space<vmem_shared>>)
      tpu.yield
    }) : () -> ()
    %barrier3A = arith.constant 0 : index
    tpu.barrier barrier_id(%barrier3A)
    %scan3A = arith.constant 0 : i32
    %scan3A_3 = arith.constant 0 : i32
    %scan3A_4 = arith.constant 16 : i32
    %scan3A_5 = arith.addi %scan3A_3, %scan3A_4 : i32
    %scan3A_6 = arith.constant 1 : i32
    scf.for %scan3A_21 = %scan3A_3 to %scan3A_5 step %scan3A_6  : i32 {
      %mul3A_22 = arith.constant 200 : i32
      %mul3A_23 = arith.muli %scan3A_21, %mul3A_22 : i32
      %add3A = arith.addi %mul3A_2, %mul3A_23 : i32
      %add3A_24 = arith.constant 0 : i32
      %add3A_25 = arith.addi %add3A, %add3A_24 : i32
      "tpu.region"() ({
        %run_scoped3A = tpu.sem_alloc : memref<!tpu.dma_semaphore, #tpu.memory_space<semaphore_mem>>
        %dma_start3A_38 = tpu.memref_slice %arg3[%add3A_25] : memref<51200xi32, #tpu.memory_space<hbm>> -> memref<104xi32, #tpu.memory_space<hbm>>
        %dma_start3A_39 = tpu.memref_slice %arg3[%add3A_25] : memref<51200xi32, #tpu.memory_space<hbm>> -> memref<104xi32, #tpu.memory_space<hbm>>
        tpu.enqueue_dma source(%dma_start3A_39 : memref<104xi32, #tpu.memory_space<hbm>>) target(%arg8 : memref<104xi32, #tpu.memory_space<vmem>>) target_semaphore(%run_scoped3A : memref<!tpu.dma_semaphore, #tpu.memory_space<semaphore_mem>>)
        %dma_wait3A_40 = tpu.memref_slice %arg3[%add3A_25] : memref<51200xi32, #tpu.memory_space<hbm>> -> memref<104xi32, #tpu.memory_space<hbm>>
        %dma_wait3A_41 = tpu.memref_slice %arg3[%add3A_25] : memref<51200xi32, #tpu.memory_space<hbm>> -> memref<104xi32, #tpu.memory_space<hbm>>
        tpu.wait_dma2 semaphore(%run_scoped3A : memref<!tpu.dma_semaphore, #tpu.memory_space<semaphore_mem>>) src(%dma_wait3A_41 : memref<104xi32, #tpu.memory_space<hbm>>) dst(%arg8 : memref<104xi32, #tpu.memory_space<vmem>>)
        tpu.yield
      }) : () -> ()
      %mul3A_26 = arith.constant 128 : i32
      %mul3A_27 = arith.muli %arg0, %mul3A_26 : i32
      %dma_start3A = tpu.memref_slice %arg2[%add3A_25, %mul3A_27] : memref<51200x256xf32, #tpu.memory_space<hbm>> -> memref<104x128xf32, #tpu.memory_space<hbm>>
      %dma_start3A_28 = tpu.memref_slice %arg2[%add3A_25, %mul3A_27] : memref<51200x256xf32, #tpu.memory_space<hbm>> -> memref<104x128xf32, #tpu.memory_space<hbm>>
      tpu.enqueue_dma source(%dma_start3A_28 : memref<104x128xf32, #tpu.memory_space<hbm>>) target(%arg10 : memref<104x128xf32, #tpu.memory_space<vmem>>) target_semaphore(%arg13 : memref<!tpu.dma_semaphore, #tpu.memory_space<semaphore_mem>>)
      %add3A_29 = arith.constant 104 : i32
      %add3A_30 = arith.addi %add3A, %add3A_29 : i32
      "tpu.region"() ({
        %run_scoped3A = tpu.sem_alloc : memref<!tpu.dma_semaphore, #tpu.memory_space<semaphore_mem>>
        %dma_start3A_38 = tpu.memref_slice %arg3[%add3A_30] : memref<51200xi32, #tpu.memory_space<hbm>> -> memref<96xi32, #tpu.memory_space<hbm>>
        %dma_start3A_39 = tpu.memref_slice %arg3[%add3A_30] : memref<51200xi32, #tpu.memory_space<hbm>> -> memref<96xi32, #tpu.memory_space<hbm>>
        tpu.enqueue_dma source(%dma_start3A_39 : memref<96xi32, #tpu.memory_space<hbm>>) target(%arg9 : memref<96xi32, #tpu.memory_space<vmem>>) target_semaphore(%run_scoped3A : memref<!tpu.dma_semaphore, #tpu.memory_space<semaphore_mem>>)
        %dma_wait3A_40 = tpu.memref_slice %arg3[%add3A_30] : memref<51200xi32, #tpu.memory_space<hbm>> -> memref<96xi32, #tpu.memory_space<hbm>>
        %dma_wait3A_41 = tpu.memref_slice %arg3[%add3A_30] : memref<51200xi32, #tpu.memory_space<hbm>> -> memref<96xi32, #tpu.memory_space<hbm>>
        tpu.wait_dma2 semaphore(%run_scoped3A : memref<!tpu.dma_semaphore, #tpu.memory_space<semaphore_mem>>) src(%dma_wait3A_41 : memref<96xi32, #tpu.memory_space<hbm>>) dst(%arg9 : memref<96xi32, #tpu.memory_space<vmem>>)
        tpu.yield
      }) : () -> ()
      %mul3A_31 = arith.constant 128 : i32
      %mul3A_32 = arith.muli %arg0, %mul3A_31 : i32
      %dma_start3A_33 = tpu.memref_slice %arg2[%add3A_30, %mul3A_32] : memref<51200x256xf32, #tpu.memory_space<hbm>> -> memref<96x128xf32, #tpu.memory_space<hbm>>
      %dma_start3A_34 = tpu.memref_slice %arg2[%add3A_30, %mul3A_32] : memref<51200x256xf32, #tpu.memory_space<hbm>> -> memref<96x128xf32, #tpu.memory_space<hbm>>
      tpu.enqueue_dma source(%dma_start3A_34 : memref<96x128xf32, #tpu.memory_space<hbm>>) target(%arg11 : memref<96x128xf32, #tpu.memory_space<vmem>>) target_semaphore(%arg14 : memref<!tpu.dma_semaphore, #tpu.memory_space<semaphore_mem>>)
      %dma_wait3A = tpu.memref_slice %arg2[%add3A_25, %mul3A_27] : memref<51200x256xf32, #tpu.memory_space<hbm>> -> memref<104x128xf32, #tpu.memory_space<hbm>>
      %dma_wait3A_35 = tpu.memref_slice %arg2[%add3A_25, %mul3A_27] : memref<51200x256xf32, #tpu.memory_space<hbm>> -> memref<104x128xf32, #tpu.memory_space<hbm>>
      tpu.wait_dma2 semaphore(%arg13 : memref<!tpu.dma_semaphore, #tpu.memory_space<semaphore_mem>>) src(%dma_wait3A_35 : memref<104x128xf32, #tpu.memory_space<hbm>>) dst(%arg10 : memref<104x128xf32, #tpu.memory_space<vmem>>)
      "tpu.region"() ({
        %run_scoped3A = tpu.sem_alloc : memref<!tpu.dma_semaphore, #tpu.memory_space<semaphore_mem>>
        %dma_start3A_38 = arith.constant 0 : i32
        %dma_start3A_39 = arith.constant 0 : i32
        %dma_start3A_40 = tpu.memref_slice %arg12[%dma_start3A_38, %dma_start3A_39] : memref<10112x128xf32, #tpu.memory_space<vmem_shared>> -> memref<10112x128xf32, #tpu.memory_space<vmem_shared>>
        tpu.enqueue_indirect_dma source(%arg10 : memref<104x128xf32, #tpu.memory_space<vmem>>) target(%dma_start3A_40 : memref<10112x128xf32, #tpu.memory_space<vmem_shared>>) offsets(%arg8 : memref<104xi32, #tpu.memory_space<vmem>>) semaphore(%run_scoped3A : memref<!tpu.dma_semaphore, #tpu.memory_space<semaphore_mem>>) {add = true}
        %dma_wait3A_41 = arith.constant 0 : i32
        %dma_wait3A_42 = arith.constant 0 : i32
        %dma_wait3A_43 = tpu.memref_slice %arg12[%dma_wait3A_41, %dma_wait3A_42] : memref<10112x128xf32, #tpu.memory_space<vmem_shared>> -> memref<10112x128xf32, #tpu.memory_space<vmem_shared>>
        tpu.wait_indirect_dma semaphore(%run_scoped3A : memref<!tpu.dma_semaphore, #tpu.memory_space<semaphore_mem>>) src(%arg10 : memref<104x128xf32, #tpu.memory_space<vmem>>) dst(%dma_wait3A_43 : memref<10112x128xf32, #tpu.memory_space<vmem_shared>>)
        tpu.yield
      }) : () -> ()
      %dma_wait3A_36 = tpu.memref_slice %arg2[%add3A_30, %mul3A_32] : memref<51200x256xf32, #tpu.memory_space<hbm>> -> memref<96x128xf32, #tpu.memory_space<hbm>>
      %dma_wait3A_37 = tpu.memref_slice %arg2[%add3A_30, %mul3A_32] : memref<51200x256xf32, #tpu.memory_space<hbm>> -> memref<96x128xf32, #tpu.memory_space<hbm>>
      tpu.wait_dma2 semaphore(%arg14 : memref<!tpu.dma_semaphore, #tpu.memory_space<semaphore_mem>>) src(%dma_wait3A_37 : memref<96x128xf32, #tpu.memory_space<hbm>>) dst(%arg11 : memref<96x128xf32, #tpu.memory_space<vmem>>)
      "tpu.region"() ({
        %run_scoped3A = tpu.sem_alloc : memref<!tpu.dma_semaphore, #tpu.memory_space<semaphore_mem>>
        %dma_start3A_38 = arith.constant 0 : i32
        %dma_start3A_39 = arith.constant 0 : i32
        %dma_start3A_40 = tpu.memref_slice %arg12[%dma_start3A_38, %dma_start3A_39] : memref<10112x128xf32, #tpu.memory_space<vmem_shared>> -> memref<10112x128xf32, #tpu.memory_space<vmem_shared>>
        tpu.enqueue_indirect_dma source(%arg11 : memref<96x128xf32, #tpu.memory_space<vmem>>) target(%dma_start3A_40 : memref<10112x128xf32, #tpu.memory_space<vmem_shared>>) offsets(%arg9 : memref<96xi32, #tpu.memory_space<vmem>>) semaphore(%run_scoped3A : memref<!tpu.dma_semaphore, #tpu.memory_space<semaphore_mem>>) {add = true}
        %dma_wait3A_41 = arith.constant 0 : i32
        %dma_wait3A_42 = arith.constant 0 : i32
        %dma_wait3A_43 = tpu.memref_slice %arg12[%dma_wait3A_41, %dma_wait3A_42] : memref<10112x128xf32, #tpu.memory_space<vmem_shared>> -> memref<10112x128xf32, #tpu.memory_space<vmem_shared>>
        tpu.wait_indirect_dma semaphore(%run_scoped3A : memref<!tpu.dma_semaphore, #tpu.memory_space<semaphore_mem>>) src(%arg11 : memref<96x128xf32, #tpu.memory_space<vmem>>) dst(%dma_wait3A_43 : memref<10112x128xf32, #tpu.memory_space<vmem_shared>>)
        tpu.yield
      }) : () -> ()
    }
    %scan3A_7 = arith.constant 16 : i32
    %barrier3A_8 = arith.constant 0 : index
    tpu.barrier barrier_id(%barrier3A_8)
    %mul3A_9 = arith.constant 128 : i32
    %mul3A_10 = arith.muli %arg0, %mul3A_9 : i32
    "tpu.region"() ({
      %run_scoped3A = tpu.sem_alloc : memref<!tpu.dma_semaphore, #tpu.memory_space<semaphore_mem>>
      %dma_start3A = tpu.memref_slice %arg6[%mul3A_0, %mul3A_10] : memref<10112x256xf32, #tpu.memory_space<hbm>> -> memref<632x128xf32, #tpu.memory_space<hbm>>
      %dma_start3A_21 = arith.constant 0 : i32
      %dma_start3A_22 = tpu.memref_slice %arg12[%mul3A_0, %dma_start3A_21] : memref<10112x128xf32, #tpu.memory_space<vmem_shared>> -> memref<632x128xf32, #tpu.memory_space<vmem_shared>>
      tpu.enqueue_dma source(%dma_start3A_22 : memref<632x128xf32, #tpu.memory_space<vmem_shared>>) target(%dma_start3A : memref<632x128xf32, #tpu.memory_space<hbm>>) target_semaphore(%run_scoped3A : memref<!tpu.dma_semaphore, #tpu.memory_space<semaphore_mem>>)
      %dma_wait3A = tpu.memref_slice %arg6[%mul3A_0, %mul3A_10] : memref<10112x256xf32, #tpu.memory_space<hbm>> -> memref<632x128xf32, #tpu.memory_space<hbm>>
      %dma_wait3A_23 = arith.constant 0 : i32
      %dma_wait3A_24 = tpu.memref_slice %arg12[%mul3A_0, %dma_wait3A_23] : memref<10112x128xf32, #tpu.memory_space<vmem_shared>> -> memref<632x128xf32, #tpu.memory_space<vmem_shared>>
      tpu.wait_dma2 semaphore(%run_scoped3A : memref<!tpu.dma_semaphore, #tpu.memory_space<semaphore_mem>>) src(%dma_wait3A_24 : memref<632x128xf32, #tpu.memory_space<vmem_shared>>) dst(%dma_wait3A : memref<632x128xf32, #tpu.memory_space<hbm>>)
      tpu.yield
    }) : () -> ()
    "tpu.region"() ({
      %run_scoped3A = tpu.sem_alloc : memref<!tpu.dma_semaphore, #tpu.memory_space<semaphore_mem>>
      %dma_start3A = arith.constant 0 : i32
      %dma_start3A_21 = tpu.memref_slice %arg12[%mul3A_0, %dma_start3A] : memref<10112x128xf32, #tpu.memory_space<vmem_shared>> -> memref<632x128xf32, #tpu.memory_space<vmem_shared>>
      tpu.enqueue_dma source(%arg5 : memref<632x128xf32, #tpu.memory_space<hbm>>) target(%dma_start3A_21 : memref<632x128xf32, #tpu.memory_space<vmem_shared>>) target_semaphore(%run_scoped3A : memref<!tpu.dma_semaphore, #tpu.memory_space<semaphore_mem>>)
      %dma_wait3A = arith.constant 0 : i32
      %dma_wait3A_22 = tpu.memref_slice %arg12[%mul3A_0, %dma_wait3A] : memref<10112x128xf32, #tpu.memory_space<vmem_shared>> -> memref<632x128xf32, #tpu.memory_space<vmem_shared>>
      tpu.wait_dma2 semaphore(%run_scoped3A : memref<!tpu.dma_semaphore, #tpu.memory_space<semaphore_mem>>) src(%arg5 : memref<632x128xf32, #tpu.memory_space<hbm>>) dst(%dma_wait3A_22 : memref<632x128xf32, #tpu.memory_space<vmem_shared>>)
      tpu.yield
    }) : () -> ()
    %barrier3A_11 = arith.constant 0 : index
    tpu.barrier barrier_id(%barrier3A_11)
    %scan3A_12 = arith.constant 0 : i32
    %scan3A_13 = arith.constant 0 : i32
    %scan3A_14 = arith.constant 16 : i32
    %scan3A_15 = arith.addi %scan3A_13, %scan3A_14 : i32
    %scan3A_16 = arith.constant 1 : i32
    scf.for %scan3A_21 = %scan3A_13 to %scan3A_15 step %scan3A_16  : i32 {
      %mul3A_22 = arith.constant 200 : i32
      %mul3A_23 = arith.muli %scan3A_21, %mul3A_22 : i32
      %add3A = arith.addi %mul3A_2, %mul3A_23 : i32
      %add3A_24 = arith.constant 0 : i32
      %add3A_25 = arith.addi %add3A, %add3A_24 : i32
      "tpu.region"() ({
        %run_scoped3A = tpu.sem_alloc : memref<!tpu.dma_semaphore, #tpu.memory_space<semaphore_mem>>
        %dma_start3A_38 = tpu.memref_slice %arg4[%add3A_25] : memref<51200xi32, #tpu.memory_space<hbm>> -> memref<104xi32, #tpu.memory_space<hbm>>
        %dma_start3A_39 = tpu.memref_slice %arg4[%add3A_25] : memref<51200xi32, #tpu.memory_space<hbm>> -> memref<104xi32, #tpu.memory_space<hbm>>
        tpu.enqueue_dma source(%dma_start3A_39 : memref<104xi32, #tpu.memory_space<hbm>>) target(%arg8 : memref<104xi32, #tpu.memory_space<vmem>>) target_semaphore(%run_scoped3A : memref<!tpu.dma_semaphore, #tpu.memory_space<semaphore_mem>>)
        %dma_wait3A_40 = tpu.memref_slice %arg4[%add3A_25] : memref<51200xi32, #tpu.memory_space<hbm>> -> memref<104xi32, #tpu.memory_space<hbm>>
        %dma_wait3A_41 = tpu.memref_slice %arg4[%add3A_25] : memref<51200xi32, #tpu.memory_space<hbm>> -> memref<104xi32, #tpu.memory_space<hbm>>
        tpu.wait_dma2 semaphore(%run_scoped3A : memref<!tpu.dma_semaphore, #tpu.memory_space<semaphore_mem>>) src(%dma_wait3A_41 : memref<104xi32, #tpu.memory_space<hbm>>) dst(%arg8 : memref<104xi32, #tpu.memory_space<vmem>>)
        tpu.yield
      }) : () -> ()
      %mul3A_26 = arith.constant 128 : i32
      %mul3A_27 = arith.muli %arg0, %mul3A_26 : i32
      %dma_start3A = tpu.memref_slice %arg2[%add3A_25, %mul3A_27] : memref<51200x256xf32, #tpu.memory_space<hbm>> -> memref<104x128xf32, #tpu.memory_space<hbm>>
      %dma_start3A_28 = tpu.memref_slice %arg2[%add3A_25, %mul3A_27] : memref<51200x256xf32, #tpu.memory_space<hbm>> -> memref<104x128xf32, #tpu.memory_space<hbm>>
      tpu.enqueue_dma source(%dma_start3A_28 : memref<104x128xf32, #tpu.memory_space<hbm>>) target(%arg10 : memref<104x128xf32, #tpu.memory_space<vmem>>) target_semaphore(%arg13 : memref<!tpu.dma_semaphore, #tpu.memory_space<semaphore_mem>>)
      %add3A_29 = arith.constant 104 : i32
      %add3A_30 = arith.addi %add3A, %add3A_29 : i32
      "tpu.region"() ({
        %run_scoped3A = tpu.sem_alloc : memref<!tpu.dma_semaphore, #tpu.memory_space<semaphore_mem>>
        %dma_start3A_38 = tpu.memref_slice %arg4[%add3A_30] : memref<51200xi32, #tpu.memory_space<hbm>> -> memref<96xi32, #tpu.memory_space<hbm>>
        %dma_start3A_39 = tpu.memref_slice %arg4[%add3A_30] : memref<51200xi32, #tpu.memory_space<hbm>> -> memref<96xi32, #tpu.memory_space<hbm>>
        tpu.enqueue_dma source(%dma_start3A_39 : memref<96xi32, #tpu.memory_space<hbm>>) target(%arg9 : memref<96xi32, #tpu.memory_space<vmem>>) target_semaphore(%run_scoped3A : memref<!tpu.dma_semaphore, #tpu.memory_space<semaphore_mem>>)
        %dma_wait3A_40 = tpu.memref_slice %arg4[%add3A_30] : memref<51200xi32, #tpu.memory_space<hbm>> -> memref<96xi32, #tpu.memory_space<hbm>>
        %dma_wait3A_41 = tpu.memref_slice %arg4[%add3A_30] : memref<51200xi32, #tpu.memory_space<hbm>> -> memref<96xi32, #tpu.memory_space<hbm>>
        tpu.wait_dma2 semaphore(%run_scoped3A : memref<!tpu.dma_semaphore, #tpu.memory_space<semaphore_mem>>) src(%dma_wait3A_41 : memref<96xi32, #tpu.memory_space<hbm>>) dst(%arg9 : memref<96xi32, #tpu.memory_space<vmem>>)
        tpu.yield
      }) : () -> ()
      %mul3A_31 = arith.constant 128 : i32
      %mul3A_32 = arith.muli %arg0, %mul3A_31 : i32
      %dma_start3A_33 = tpu.memref_slice %arg2[%add3A_30, %mul3A_32] : memref<51200x256xf32, #tpu.memory_space<hbm>> -> memref<96x128xf32, #tpu.memory_space<hbm>>
      %dma_start3A_34 = tpu.memref_slice %arg2[%add3A_30, %mul3A_32] : memref<51200x256xf32, #tpu.memory_space<hbm>> -> memref<96x128xf32, #tpu.memory_space<hbm>>
      tpu.enqueue_dma source(%dma_start3A_34 : memref<96x128xf32, #tpu.memory_space<hbm>>) target(%arg11 : memref<96x128xf32, #tpu.memory_space<vmem>>) target_semaphore(%arg14 : memref<!tpu.dma_semaphore, #tpu.memory_space<semaphore_mem>>)
      %dma_wait3A = tpu.memref_slice %arg2[%add3A_25, %mul3A_27] : memref<51200x256xf32, #tpu.memory_space<hbm>> -> memref<104x128xf32, #tpu.memory_space<hbm>>
      %dma_wait3A_35 = tpu.memref_slice %arg2[%add3A_25, %mul3A_27] : memref<51200x256xf32, #tpu.memory_space<hbm>> -> memref<104x128xf32, #tpu.memory_space<hbm>>
      tpu.wait_dma2 semaphore(%arg13 : memref<!tpu.dma_semaphore, #tpu.memory_space<semaphore_mem>>) src(%dma_wait3A_35 : memref<104x128xf32, #tpu.memory_space<hbm>>) dst(%arg10 : memref<104x128xf32, #tpu.memory_space<vmem>>)
      "tpu.region"() ({
        %run_scoped3A = tpu.sem_alloc : memref<!tpu.dma_semaphore, #tpu.memory_space<semaphore_mem>>
        %dma_start3A_38 = arith.constant 0 : i32
        %dma_start3A_39 = arith.constant 0 : i32
        %dma_start3A_40 = tpu.memref_slice %arg12[%dma_start3A_38, %dma_start3A_39] : memref<10112x128xf32, #tpu.memory_space<vmem_shared>> -> memref<10112x128xf32, #tpu.memory_space<vmem_shared>>
        tpu.enqueue_indirect_dma source(%arg10 : memref<104x128xf32, #tpu.memory_space<vmem>>) target(%dma_start3A_40 : memref<10112x128xf32, #tpu.memory_space<vmem_shared>>) offsets(%arg8 : memref<104xi32, #tpu.memory_space<vmem>>) semaphore(%run_scoped3A : memref<!tpu.dma_semaphore, #tpu.memory_space<semaphore_mem>>) {add = true}
        %dma_wait3A_41 = arith.constant 0 : i32
        %dma_wait3A_42 = arith.constant 0 : i32
        %dma_wait3A_43 = tpu.memref_slice %arg12[%dma_wait3A_41, %dma_wait3A_42] : memref<10112x128xf32, #tpu.memory_space<vmem_shared>> -> memref<10112x128xf32, #tpu.memory_space<vmem_shared>>
        tpu.wait_indirect_dma semaphore(%run_scoped3A : memref<!tpu.dma_semaphore, #tpu.memory_space<semaphore_mem>>) src(%arg10 : memref<104x128xf32, #tpu.memory_space<vmem>>) dst(%dma_wait3A_43 : memref<10112x128xf32, #tpu.memory_space<vmem_shared>>)
        tpu.yield
      }) : () -> ()
      %dma_wait3A_36 = tpu.memref_slice %arg2[%add3A_30, %mul3A_32] : memref<51200x256xf32, #tpu.memory_space<hbm>> -> memref<96x128xf32, #tpu.memory_space<hbm>>
      %dma_wait3A_37 = tpu.memref_slice %arg2[%add3A_30, %mul3A_32] : memref<51200x256xf32, #tpu.memory_space<hbm>> -> memref<96x128xf32, #tpu.memory_space<hbm>>
      tpu.wait_dma2 semaphore(%arg14 : memref<!tpu.dma_semaphore, #tpu.memory_space<semaphore_mem>>) src(%dma_wait3A_37 : memref<96x128xf32, #tpu.memory_space<hbm>>) dst(%arg11 : memref<96x128xf32, #tpu.memory_space<vmem>>)
      "tpu.region"() ({
        %run_scoped3A = tpu.sem_alloc : memref<!tpu.dma_semaphore, #tpu.memory_space<semaphore_mem>>
        %dma_start3A_38 = arith.constant 0 : i32
        %dma_start3A_39 = arith.constant 0 : i32
        %dma_start3A_40 = tpu.memref_slice %arg12[%dma_start3A_38, %dma_start3A_39] : memref<10112x128xf32, #tpu.memory_space<vmem_shared>> -> memref<10112x128xf32, #tpu.memory_space<vmem_shared>>
        tpu.enqueue_indirect_dma source(%arg11 : memref<96x128xf32, #tpu.memory_space<vmem>>) target(%dma_start3A_40 : memref<10112x128xf32, #tpu.memory_space<vmem_shared>>) offsets(%arg9 : memref<96xi32, #tpu.memory_space<vmem>>) semaphore(%run_scoped3A : memref<!tpu.dma_semaphore, #tpu.memory_space<semaphore_mem>>) {add = true}
        %dma_wait3A_41 = arith.constant 0 : i32
        %dma_wait3A_42 = arith.constant 0 : i32
        %dma_wait3A_43 = tpu.memref_slice %arg12[%dma_wait3A_41, %dma_wait3A_42] : memref<10112x128xf32, #tpu.memory_space<vmem_shared>> -> memref<10112x128xf32, #tpu.memory_space<vmem_shared>>
        tpu.wait_indirect_dma semaphore(%run_scoped3A : memref<!tpu.dma_semaphore, #tpu.memory_space<semaphore_mem>>) src(%arg11 : memref<96x128xf32, #tpu.memory_space<vmem>>) dst(%dma_wait3A_43 : memref<10112x128xf32, #tpu.memory_space<vmem_shared>>)
        tpu.yield
      }) : () -> ()
    }
    %scan3A_17 = arith.constant 16 : i32
    %barrier3A_18 = arith.constant 0 : index
    tpu.barrier barrier_id(%barrier3A_18)
    %mul3A_19 = arith.constant 128 : i32
    %mul3A_20 = arith.muli %arg0, %mul3A_19 : i32
    "tpu.region"() ({
      %run_scoped3A = tpu.sem_alloc : memref<!tpu.dma_semaphore, #tpu.memory_space<semaphore_mem>>
      %dma_start3A = tpu.memref_slice %arg7[%mul3A_0, %mul3A_20] : memref<10112x256xf32, #tpu.memory_space<hbm>> -> memref<632x128xf32, #tpu.memory_space<hbm>>
      %dma_start3A_21 = arith.constant 0 : i32
      %dma_start3A_22 = tpu.memref_slice %arg12[%mul3A_0, %dma_start3A_21] : memref<10112x128xf32, #tpu.memory_space<vmem_shared>> -> memref<632x128xf32, #tpu.memory_space<vmem_shared>>
      tpu.enqueue_dma source(%dma_start3A_22 : memref<632x128xf32, #tpu.memory_space<vmem_shared>>) target(%dma_start3A : memref<632x128xf32, #tpu.memory_space<hbm>>) target_semaphore(%run_scoped3A : memref<!tpu.dma_semaphore, #tpu.memory_space<semaphore_mem>>)
      %dma_wait3A = tpu.memref_slice %arg7[%mul3A_0, %mul3A_20] : memref<10112x256xf32, #tpu.memory_space<hbm>> -> memref<632x128xf32, #tpu.memory_space<hbm>>
      %dma_wait3A_23 = arith.constant 0 : i32
      %dma_wait3A_24 = tpu.memref_slice %arg12[%mul3A_0, %dma_wait3A_23] : memref<10112x128xf32, #tpu.memory_space<vmem_shared>> -> memref<632x128xf32, #tpu.memory_space<vmem_shared>>
      tpu.wait_dma2 semaphore(%run_scoped3A : memref<!tpu.dma_semaphore, #tpu.memory_space<semaphore_mem>>) src(%dma_wait3A_24 : memref<632x128xf32, #tpu.memory_space<vmem_shared>>) dst(%dma_wait3A : memref<632x128xf32, #tpu.memory_space<hbm>>)
      tpu.yield
    }) : () -> ()
    return
  }
}

module attributes {stable_mosaic.version = 14 : i64} {
  func.func @_edge_body(%arg0: i32, %arg1: memref<640x16xf32, #tpu.memory_space<vmem>>, %arg2: memref<640x256xi32, #tpu.memory_space<vmem>>, %arg3: memref<16x512xbf16, #tpu.memory_space<vmem>>, %arg4: memref<256x512xbf16, #tpu.memory_space<vmem>>, %arg5: memref<256x512xbf16, #tpu.memory_space<vmem>>, %arg6: memref<1x512xf32, #tpu.memory_space<vmem>>, %arg7: memref<512x256xbf16, #tpu.memory_space<vmem>>, %arg8: memref<1x256xf32, #tpu.memory_space<vmem>>, %arg9: memref<640x256xf32, #tpu.memory_space<vmem>>) attributes {dimension_semantics = [#tpu.dimension_semantics<arbitrary>], iteration_bounds = array<i64: 90>, scalar_prefetch = 0 : i64, scratch_operands = 0 : i64, tpu.core_type = #tpu.core_type<tc>, window_params = [{transform_indices = @transform_0, window_bounds = array<i64: 640, 16>}, {transform_indices = @transform_1, window_bounds = array<i64: 640, 256>}, {pipeline_mode = #tpu.pipeline_mode<synchronous>, transform_indices = @transform_2, window_bounds = array<i64: 16, 512>}, {pipeline_mode = #tpu.pipeline_mode<synchronous>, transform_indices = @transform_3, window_bounds = array<i64: 256, 512>}, {pipeline_mode = #tpu.pipeline_mode<synchronous>, transform_indices = @transform_4, window_bounds = array<i64: 256, 512>}, {pipeline_mode = #tpu.pipeline_mode<synchronous>, transform_indices = @transform_5, window_bounds = array<i64: 1, 512>}, {pipeline_mode = #tpu.pipeline_mode<synchronous>, transform_indices = @transform_6, window_bounds = array<i64: 512, 256>}, {pipeline_mode = #tpu.pipeline_mode<synchronous>, transform_indices = @transform_7, window_bounds = array<i64: 1, 256>}, {transform_indices = @transform_8, window_bounds = array<i64: 640, 256>}]} {
    %get3A = arith.constant 0 : index
    %get3A_0 = arith.constant 0 : index
    %get3A_1 = vector.load %arg2[%get3A, %get3A_0] : memref<640x256xi32, #tpu.memory_space<vmem>>, vector<640x256xi32>
    %shift_left3A = arith.constant 16 : i32
    %shift_left3A_2 = vector.broadcast %shift_left3A : i32 to vector<640x256xi32>
    %shift_left3A_3 = arith.shli %get3A_1, %shift_left3A_2 : vector<640x256xi32>
    %bitcast_convert_type3A = tpu.bitcast %shift_left3A_3 : vector<640x256xi32> -> vector<640x256xf32>
    %convert_element_type3A = arith.truncf %bitcast_convert_type3A : vector<640x256xf32> to vector<640x256xbf16>
    %and3A = arith.constant -65536 : i32
    %and3A_4 = vector.broadcast %and3A : i32 to vector<640x256xi32>
    %and3A_5 = arith.andi %get3A_1, %and3A_4 : vector<640x256xi32>
    %bitcast_convert_type3A_6 = tpu.bitcast %and3A_5 : vector<640x256xi32> -> vector<640x256xf32>
    %convert_element_type3A_7 = arith.truncf %bitcast_convert_type3A_6 : vector<640x256xf32> to vector<640x256xbf16>
    %get3A_8 = arith.constant 0 : index
    %get3A_9 = arith.constant 0 : index
    %get3A_10 = vector.load %arg1[%get3A_8, %get3A_9] : memref<640x16xf32, #tpu.memory_space<vmem>>, vector<640x16xf32>
    %convert_element_type3A_11 = arith.truncf %get3A_10 : vector<640x16xf32> to vector<640x16xbf16>
    %get3A_12 = arith.constant 0 : index
    %get3A_13 = arith.constant 0 : index
    %get3A_14 = vector.load %arg3[%get3A_12, %get3A_13] : memref<16x512xbf16, #tpu.memory_space<vmem>>, vector<16x512xbf16>
    %dot_general3A = arith.constant dense<0.000000e+00> : vector<640x512xf32>
    %dot_general3A_15 = tpu.matmul %convert_element_type3A_11, %get3A_14, %dot_general3A {dimension_numbers = #tpu.dot_dimension_numbers<[1], [0], [0], [1], [0, 0, 1, 1], [], []>, transpose_lhs_hint = false} : vector<640x16xbf16>, vector<16x512xbf16>, vector<640x512xf32> -> vector<640x512xf32>
    %get3A_16 = arith.constant 0 : index
    %get3A_17 = arith.constant 0 : index
    %get3A_18 = vector.load %arg4[%get3A_16, %get3A_17] : memref<256x512xbf16, #tpu.memory_space<vmem>>, vector<256x512xbf16>
    %dot_general3A_19 = arith.constant dense<0.000000e+00> : vector<640x512xf32>
    %dot_general3A_20 = tpu.matmul %convert_element_type3A, %get3A_18, %dot_general3A_19 {dimension_numbers = #tpu.dot_dimension_numbers<[1], [0], [0], [1], [0, 0, 1, 1], [], []>, transpose_lhs_hint = false} : vector<640x256xbf16>, vector<256x512xbf16>, vector<640x512xf32> -> vector<640x512xf32>
    %add3A = arith.addf %dot_general3A_15, %dot_general3A_20 : vector<640x512xf32>
    %get3A_21 = arith.constant 0 : index
    %get3A_22 = arith.constant 0 : index
    %get3A_23 = vector.load %arg5[%get3A_21, %get3A_22] : memref<256x512xbf16, #tpu.memory_space<vmem>>, vector<256x512xbf16>
    %dot_general3A_24 = arith.constant dense<0.000000e+00> : vector<640x512xf32>
    %dot_general3A_25 = tpu.matmul %convert_element_type3A_7, %get3A_23, %dot_general3A_24 {dimension_numbers = #tpu.dot_dimension_numbers<[1], [0], [0], [1], [0, 0, 1, 1], [], []>, transpose_lhs_hint = false} : vector<640x256xbf16>, vector<256x512xbf16>, vector<640x512xf32> -> vector<640x512xf32>
    %add3A_26 = arith.addf %add3A, %dot_general3A_25 : vector<640x512xf32>
    %get3A_27 = arith.constant 0 : index
    %get3A_28 = arith.constant 0 : index
    %get3A_29 = vector.load %arg6[%get3A_27, %get3A_28] : memref<1x512xf32, #tpu.memory_space<vmem>>, vector<1x512xf32>
    %add3A_30 = vector.broadcast %get3A_29 : vector<1x512xf32> to vector<640x512xf32>
    %add3A_31 = arith.addf %add3A_26, %add3A_30 : vector<640x512xf32>
    %max3A = arith.constant 0.000000e+00 : f32
    %max3A_32 = vector.broadcast %max3A : f32 to vector<640x512xf32>
    %max3A_33 = arith.maximumf %add3A_31, %max3A_32 : vector<640x512xf32>
    %convert_element_type3A_34 = arith.truncf %max3A_33 : vector<640x512xf32> to vector<640x512xbf16>
    %get3A_35 = arith.constant 0 : index
    %get3A_36 = arith.constant 0 : index
    %get3A_37 = vector.load %arg7[%get3A_35, %get3A_36] : memref<512x256xbf16, #tpu.memory_space<vmem>>, vector<512x256xbf16>
    %dot_general3A_38 = arith.constant dense<0.000000e+00> : vector<640x256xf32>
    %dot_general3A_39 = tpu.matmul %convert_element_type3A_34, %get3A_37, %dot_general3A_38 {dimension_numbers = #tpu.dot_dimension_numbers<[1], [0], [0], [1], [0, 0, 1, 1], [], []>, transpose_lhs_hint = false} : vector<640x512xbf16>, vector<512x256xbf16>, vector<640x256xf32> -> vector<640x256xf32>
    %get3A_40 = arith.constant 0 : index
    %get3A_41 = arith.constant 0 : index
    %get3A_42 = vector.load %arg8[%get3A_40, %get3A_41] : memref<1x256xf32, #tpu.memory_space<vmem>>, vector<1x256xf32>
    %add3A_43 = vector.broadcast %get3A_42 : vector<1x256xf32> to vector<640x256xf32>
    %add3A_44 = arith.addf %dot_general3A_39, %add3A_43 : vector<640x256xf32>
    %swap3A = arith.constant 0 : index
    %swap3A_45 = arith.constant 0 : index
    %swap3A_46 = vector.load %arg9[%swap3A, %swap3A_45] : memref<640x256xf32, #tpu.memory_space<vmem>>, vector<640x256xf32>
    tpu.vector_store %arg9[%swap3A, %swap3A_45], %add3A_44 {strides = array<i32>} : memref<640x256xf32, #tpu.memory_space<vmem>>, vector<640x256xf32>,
    return
  }
  func.func @transform_0(%arg0: i32) -> (i32, i32) {
    %c0_i32 = arith.constant 0 : i32
    %c0_i32_0 = arith.constant 0 : i32
    return %arg0, %c0_i32 : i32, i32
  }
  func.func @transform_1(%arg0: i32) -> (i32, i32) {
    %c0_i32 = arith.constant 0 : i32
    %c0_i32_0 = arith.constant 0 : i32
    return %arg0, %c0_i32 : i32, i32
  }
  func.func @transform_2(%arg0: i32) -> (i32, i32) {
    %c0_i32 = arith.constant 0 : i32
    %c0_i32_0 = arith.constant 0 : i32
    %c0_i32_1 = arith.constant 0 : i32
    return %c0_i32, %c0_i32_0 : i32, i32
  }
  func.func @transform_3(%arg0: i32) -> (i32, i32) {
    %c0_i32 = arith.constant 0 : i32
    %c0_i32_0 = arith.constant 0 : i32
    %c0_i32_1 = arith.constant 0 : i32
    return %c0_i32, %c0_i32_0 : i32, i32
  }
  func.func @transform_4(%arg0: i32) -> (i32, i32) {
    %c0_i32 = arith.constant 0 : i32
    %c0_i32_0 = arith.constant 0 : i32
    %c0_i32_1 = arith.constant 0 : i32
    return %c0_i32, %c0_i32_0 : i32, i32
  }
  func.func @transform_5(%arg0: i32) -> (i32, i32) {
    %c0_i32 = arith.constant 0 : i32
    %c0_i32_0 = arith.constant 0 : i32
    %c0_i32_1 = arith.constant 0 : i32
    return %c0_i32, %c0_i32_0 : i32, i32
  }
  func.func @transform_6(%arg0: i32) -> (i32, i32) {
    %c0_i32 = arith.constant 0 : i32
    %c0_i32_0 = arith.constant 0 : i32
    %c0_i32_1 = arith.constant 0 : i32
    return %c0_i32, %c0_i32_0 : i32, i32
  }
  func.func @transform_7(%arg0: i32) -> (i32, i32) {
    %c0_i32 = arith.constant 0 : i32
    %c0_i32_0 = arith.constant 0 : i32
    %c0_i32_1 = arith.constant 0 : i32
    return %c0_i32, %c0_i32_0 : i32, i32
  }
  func.func @transform_8(%arg0: i32) -> (i32, i32) {
    %c0_i32 = arith.constant 0 : i32
    %c0_i32_0 = arith.constant 0 : i32
    return %arg0, %c0_i32 : i32, i32
  }
}

module attributes {stable_mosaic.version = 14 : i64} {
  func.func @_edge_body(%arg0: i32, %arg1: memref<640x16xf32, #tpu.memory_space<vmem>>, %arg2: memref<640x256xi32, #tpu.memory_space<vmem>>, %arg3: memref<16x512xbf16, #tpu.memory_space<vmem>>, %arg4: memref<256x512xbf16, #tpu.memory_space<vmem>>, %arg5: memref<256x512xbf16, #tpu.memory_space<vmem>>, %arg6: memref<1x512xf32, #tpu.memory_space<vmem>>, %arg7: memref<512x256xbf16, #tpu.memory_space<vmem>>, %arg8: memref<1x256xf32, #tpu.memory_space<vmem>>, %arg9: memref<640x256xf32, #tpu.memory_space<vmem>>) attributes {dimension_semantics = [#tpu.dimension_semantics<arbitrary>], iteration_bounds = array<i64: 80>, scalar_prefetch = 0 : i64, scratch_operands = 0 : i64, tpu.core_type = #tpu.core_type<tc>, window_params = [{transform_indices = @transform_0, window_bounds = array<i64: 640, 16>}, {transform_indices = @transform_1, window_bounds = array<i64: 640, 256>}, {pipeline_mode = #tpu.pipeline_mode<synchronous>, transform_indices = @transform_2, window_bounds = array<i64: 16, 512>}, {pipeline_mode = #tpu.pipeline_mode<synchronous>, transform_indices = @transform_3, window_bounds = array<i64: 256, 512>}, {pipeline_mode = #tpu.pipeline_mode<synchronous>, transform_indices = @transform_4, window_bounds = array<i64: 256, 512>}, {pipeline_mode = #tpu.pipeline_mode<synchronous>, transform_indices = @transform_5, window_bounds = array<i64: 1, 512>}, {pipeline_mode = #tpu.pipeline_mode<synchronous>, transform_indices = @transform_6, window_bounds = array<i64: 512, 256>}, {pipeline_mode = #tpu.pipeline_mode<synchronous>, transform_indices = @transform_7, window_bounds = array<i64: 1, 256>}, {transform_indices = @transform_8, window_bounds = array<i64: 640, 256>}]} {
    %get3A = arith.constant 0 : index
    %get3A_0 = arith.constant 0 : index
    %get3A_1 = vector.load %arg2[%get3A, %get3A_0] : memref<640x256xi32, #tpu.memory_space<vmem>>, vector<640x256xi32>
    %shift_left3A = arith.constant 16 : i32
    %shift_left3A_2 = vector.broadcast %shift_left3A : i32 to vector<640x256xi32>
    %shift_left3A_3 = arith.shli %get3A_1, %shift_left3A_2 : vector<640x256xi32>
    %bitcast_convert_type3A = tpu.bitcast %shift_left3A_3 : vector<640x256xi32> -> vector<640x256xf32>
    %convert_element_type3A = arith.truncf %bitcast_convert_type3A : vector<640x256xf32> to vector<640x256xbf16>
    %and3A = arith.constant -65536 : i32
    %and3A_4 = vector.broadcast %and3A : i32 to vector<640x256xi32>
    %and3A_5 = arith.andi %get3A_1, %and3A_4 : vector<640x256xi32>
    %bitcast_convert_type3A_6 = tpu.bitcast %and3A_5 : vector<640x256xi32> -> vector<640x256xf32>
    %convert_element_type3A_7 = arith.truncf %bitcast_convert_type3A_6 : vector<640x256xf32> to vector<640x256xbf16>
    %get3A_8 = arith.constant 0 : index
    %get3A_9 = arith.constant 0 : index
    %get3A_10 = vector.load %arg1[%get3A_8, %get3A_9] : memref<640x16xf32, #tpu.memory_space<vmem>>, vector<640x16xf32>
    %convert_element_type3A_11 = arith.truncf %get3A_10 : vector<640x16xf32> to vector<640x16xbf16>
    %get3A_12 = arith.constant 0 : index
    %get3A_13 = arith.constant 0 : index
    %get3A_14 = vector.load %arg3[%get3A_12, %get3A_13] : memref<16x512xbf16, #tpu.memory_space<vmem>>, vector<16x512xbf16>
    %dot_general3A = arith.constant dense<0.000000e+00> : vector<640x512xf32>
    %dot_general3A_15 = tpu.matmul %convert_element_type3A_11, %get3A_14, %dot_general3A {dimension_numbers = #tpu.dot_dimension_numbers<[1], [0], [0], [1], [0, 0, 1, 1], [], []>, transpose_lhs_hint = false} : vector<640x16xbf16>, vector<16x512xbf16>, vector<640x512xf32> -> vector<640x512xf32>
    %get3A_16 = arith.constant 0 : index
    %get3A_17 = arith.constant 0 : index
    %get3A_18 = vector.load %arg4[%get3A_16, %get3A_17] : memref<256x512xbf16, #tpu.memory_space<vmem>>, vector<256x512xbf16>
    %dot_general3A_19 = arith.constant dense<0.000000e+00> : vector<640x512xf32>
    %dot_general3A_20 = tpu.matmul %convert_element_type3A, %get3A_18, %dot_general3A_19 {dimension_numbers = #tpu.dot_dimension_numbers<[1], [0], [0], [1], [0, 0, 1, 1], [], []>, transpose_lhs_hint = false} : vector<640x256xbf16>, vector<256x512xbf16>, vector<640x512xf32> -> vector<640x512xf32>
    %add3A = arith.addf %dot_general3A_15, %dot_general3A_20 : vector<640x512xf32>
    %get3A_21 = arith.constant 0 : index
    %get3A_22 = arith.constant 0 : index
    %get3A_23 = vector.load %arg5[%get3A_21, %get3A_22] : memref<256x512xbf16, #tpu.memory_space<vmem>>, vector<256x512xbf16>
    %dot_general3A_24 = arith.constant dense<0.000000e+00> : vector<640x512xf32>
    %dot_general3A_25 = tpu.matmul %convert_element_type3A_7, %get3A_23, %dot_general3A_24 {dimension_numbers = #tpu.dot_dimension_numbers<[1], [0], [0], [1], [0, 0, 1, 1], [], []>, transpose_lhs_hint = false} : vector<640x256xbf16>, vector<256x512xbf16>, vector<640x512xf32> -> vector<640x512xf32>
    %add3A_26 = arith.addf %add3A, %dot_general3A_25 : vector<640x512xf32>
    %get3A_27 = arith.constant 0 : index
    %get3A_28 = arith.constant 0 : index
    %get3A_29 = vector.load %arg6[%get3A_27, %get3A_28] : memref<1x512xf32, #tpu.memory_space<vmem>>, vector<1x512xf32>
    %add3A_30 = vector.broadcast %get3A_29 : vector<1x512xf32> to vector<640x512xf32>
    %add3A_31 = arith.addf %add3A_26, %add3A_30 : vector<640x512xf32>
    %max3A = arith.constant 0.000000e+00 : f32
    %max3A_32 = vector.broadcast %max3A : f32 to vector<640x512xf32>
    %max3A_33 = arith.maximumf %add3A_31, %max3A_32 : vector<640x512xf32>
    %convert_element_type3A_34 = arith.truncf %max3A_33 : vector<640x512xf32> to vector<640x512xbf16>
    %get3A_35 = arith.constant 0 : index
    %get3A_36 = arith.constant 0 : index
    %get3A_37 = vector.load %arg7[%get3A_35, %get3A_36] : memref<512x256xbf16, #tpu.memory_space<vmem>>, vector<512x256xbf16>
    %dot_general3A_38 = arith.constant dense<0.000000e+00> : vector<640x256xf32>
    %dot_general3A_39 = tpu.matmul %convert_element_type3A_34, %get3A_37, %dot_general3A_38 {dimension_numbers = #tpu.dot_dimension_numbers<[1], [0], [0], [1], [0, 0, 1, 1], [], []>, transpose_lhs_hint = false} : vector<640x512xbf16>, vector<512x256xbf16>, vector<640x256xf32> -> vector<640x256xf32>
    %get3A_40 = arith.constant 0 : index
    %get3A_41 = arith.constant 0 : index
    %get3A_42 = vector.load %arg8[%get3A_40, %get3A_41] : memref<1x256xf32, #tpu.memory_space<vmem>>, vector<1x256xf32>
    %add3A_43 = vector.broadcast %get3A_42 : vector<1x256xf32> to vector<640x256xf32>
    %add3A_44 = arith.addf %dot_general3A_39, %add3A_43 : vector<640x256xf32>
    %swap3A = arith.constant 0 : index
    %swap3A_45 = arith.constant 0 : index
    %swap3A_46 = vector.load %arg9[%swap3A, %swap3A_45] : memref<640x256xf32, #tpu.memory_space<vmem>>, vector<640x256xf32>
    tpu.vector_store %arg9[%swap3A, %swap3A_45], %add3A_44 {strides = array<i32>} : memref<640x256xf32, #tpu.memory_space<vmem>>, vector<640x256xf32>,
    return
  }
  func.func @transform_0(%arg0: i32) -> (i32, i32) {
    %c0_i32 = arith.constant 0 : i32
    %c0_i32_0 = arith.constant 0 : i32
    return %arg0, %c0_i32 : i32, i32
  }
  func.func @transform_1(%arg0: i32) -> (i32, i32) {
    %c0_i32 = arith.constant 0 : i32
    %c0_i32_0 = arith.constant 0 : i32
    return %arg0, %c0_i32 : i32, i32
  }
  func.func @transform_2(%arg0: i32) -> (i32, i32) {
    %c0_i32 = arith.constant 0 : i32
    %c0_i32_0 = arith.constant 0 : i32
    %c0_i32_1 = arith.constant 0 : i32
    return %c0_i32, %c0_i32_0 : i32, i32
  }
  func.func @transform_3(%arg0: i32) -> (i32, i32) {
    %c0_i32 = arith.constant 0 : i32
    %c0_i32_0 = arith.constant 0 : i32
    %c0_i32_1 = arith.constant 0 : i32
    return %c0_i32, %c0_i32_0 : i32, i32
  }
  func.func @transform_4(%arg0: i32) -> (i32, i32) {
    %c0_i32 = arith.constant 0 : i32
    %c0_i32_0 = arith.constant 0 : i32
    %c0_i32_1 = arith.constant 0 : i32
    return %c0_i32, %c0_i32_0 : i32, i32
  }
  func.func @transform_5(%arg0: i32) -> (i32, i32) {
    %c0_i32 = arith.constant 0 : i32
    %c0_i32_0 = arith.constant 0 : i32
    %c0_i32_1 = arith.constant 0 : i32
    return %c0_i32, %c0_i32_0 : i32, i32
  }
  func.func @transform_6(%arg0: i32) -> (i32, i32) {
    %c0_i32 = arith.constant 0 : i32
    %c0_i32_0 = arith.constant 0 : i32
    %c0_i32_1 = arith.constant 0 : i32
    return %c0_i32, %c0_i32_0 : i32, i32
  }
  func.func @transform_7(%arg0: i32) -> (i32, i32) {
    %c0_i32 = arith.constant 0 : i32
    %c0_i32_0 = arith.constant 0 : i32
    %c0_i32_1 = arith.constant 0 : i32
    return %c0_i32, %c0_i32_0 : i32, i32
  }
  func.func @transform_8(%arg0: i32) -> (i32, i32) {
    %c0_i32 = arith.constant 0 : i32
    %c0_i32_0 = arith.constant 0 : i32
    return %arg0, %c0_i32 : i32, i32
  }
}

module attributes {stable_mosaic.version = 14 : i64} {
  func.func @_node_body(%arg0: i32, %arg1: memref<1000x256xf32, #tpu.memory_space<vmem>>, %arg2: memref<1000x256xf32, #tpu.memory_space<vmem>>, %arg3: memref<1000x256xf32, #tpu.memory_space<vmem>>, %arg4: memref<1000x256xf32, #tpu.memory_space<vmem>>, %arg5: memref<1000x256xf32, #tpu.memory_space<vmem>>, %arg6: memref<1000x256xf32, #tpu.memory_space<vmem>>, %arg7: memref<1000x256xf32, #tpu.memory_space<vmem>>, %arg8: memref<256x512xf32, #tpu.memory_space<vmem>>, %arg9: memref<256x512xf32, #tpu.memory_space<vmem>>, %arg10: memref<256x512xf32, #tpu.memory_space<vmem>>, %arg11: memref<1x512xf32, #tpu.memory_space<vmem>>, %arg12: memref<512x256xf32, #tpu.memory_space<vmem>>, %arg13: memref<1x256xf32, #tpu.memory_space<vmem>>, %arg14: memref<1000x256xf32, #tpu.memory_space<vmem>>) attributes {dimension_semantics = [#tpu.dimension_semantics<arbitrary>], iteration_bounds = array<i64: 10>, scalar_prefetch = 0 : i64, scratch_operands = 0 : i64, tpu.core_type = #tpu.core_type<tc>, window_params = [{transform_indices = @transform_0, window_bounds = array<i64: 1000, 256>}, {transform_indices = @transform_1, window_bounds = array<i64: 1000, 256>}, {transform_indices = @transform_2, window_bounds = array<i64: 1000, 256>}, {transform_indices = @transform_3, window_bounds = array<i64: 1000, 256>}, {transform_indices = @transform_4, window_bounds = array<i64: 1000, 256>}, {transform_indices = @transform_5, window_bounds = array<i64: 1000, 256>}, {transform_indices = @transform_6, window_bounds = array<i64: 1000, 256>}, {pipeline_mode = #tpu.pipeline_mode<synchronous>, transform_indices = @transform_7, window_bounds = array<i64: 256, 512>}, {pipeline_mode = #tpu.pipeline_mode<synchronous>, transform_indices = @transform_8, window_bounds = array<i64: 256, 512>}, {pipeline_mode = #tpu.pipeline_mode<synchronous>, transform_indices = @transform_9, window_bounds = array<i64: 256, 512>}, {pipeline_mode = #tpu.pipeline_mode<synchronous>, transform_indices = @transform_10, window_bounds = array<i64: 1, 512>}, {pipeline_mode = #tpu.pipeline_mode<synchronous>, transform_indices = @transform_11, window_bounds = array<i64: 512, 256>}, {pipeline_mode = #tpu.pipeline_mode<synchronous>, transform_indices = @transform_12, window_bounds = array<i64: 1, 256>}, {transform_indices = @transform_13, window_bounds = array<i64: 1000, 256>}]} {
    %get3A = arith.constant 0 : index
    %get3A_0 = arith.constant 0 : index
    %get3A_1 = vector.load %arg1[%get3A, %get3A_0] : memref<1000x256xf32, #tpu.memory_space<vmem>>, vector<1000x256xf32>
    %get3A_2 = arith.constant 0 : index
    %get3A_3 = arith.constant 0 : index
    %get3A_4 = vector.load %arg8[%get3A_2, %get3A_3] : memref<256x512xf32, #tpu.memory_space<vmem>>, vector<256x512xf32>
    %dot_general3A = arith.constant dense<0.000000e+00> : vector<1000x512xf32>
    %dot_general3A_5 = tpu.matmul %get3A_1, %get3A_4, %dot_general3A {dimension_numbers = #tpu.dot_dimension_numbers<[1], [0], [0], [1], [0, 0, 1, 1], [], []>, transpose_lhs_hint = false} : vector<1000x256xf32>, vector<256x512xf32>, vector<1000x512xf32> -> vector<1000x512xf32>
    %get3A_6 = arith.constant 0 : index
    %get3A_7 = arith.constant 0 : index
    %get3A_8 = vector.load %arg2[%get3A_6, %get3A_7] : memref<1000x256xf32, #tpu.memory_space<vmem>>, vector<1000x256xf32>
    %get3A_9 = arith.constant 0 : index
    %get3A_10 = arith.constant 0 : index
    %get3A_11 = vector.load %arg5[%get3A_9, %get3A_10] : memref<1000x256xf32, #tpu.memory_space<vmem>>, vector<1000x256xf32>
    %get3A_12 = arith.constant 0 : index
    %get3A_13 = arith.constant 0 : index
    %get3A_14 = vector.load %arg3[%get3A_12, %get3A_13] : memref<1000x256xf32, #tpu.memory_space<vmem>>, vector<1000x256xf32>
    %add3A = arith.addf %get3A_8, %get3A_14 : vector<1000x256xf32>
    %get3A_15 = arith.constant 0 : index
    %get3A_16 = arith.constant 0 : index
    %get3A_17 = vector.load %arg4[%get3A_15, %get3A_16] : memref<1000x256xf32, #tpu.memory_space<vmem>>, vector<1000x256xf32>
    %add3A_18 = arith.addf %add3A, %get3A_17 : vector<1000x256xf32>
    %get3A_19 = arith.constant 0 : index
    %get3A_20 = arith.constant 0 : index
    %get3A_21 = vector.load %arg6[%get3A_19, %get3A_20] : memref<1000x256xf32, #tpu.memory_space<vmem>>, vector<1000x256xf32>
    %add3A_22 = arith.addf %get3A_11, %get3A_21 : vector<1000x256xf32>
    %get3A_23 = arith.constant 0 : index
    %get3A_24 = arith.constant 0 : index
    %get3A_25 = vector.load %arg7[%get3A_23, %get3A_24] : memref<1000x256xf32, #tpu.memory_space<vmem>>, vector<1000x256xf32>
    %add3A_26 = arith.addf %add3A_22, %get3A_25 : vector<1000x256xf32>
    %get3A_27 = arith.constant 0 : index
    %get3A_28 = arith.constant 0 : index
    %get3A_29 = vector.load %arg9[%get3A_27, %get3A_28] : memref<256x512xf32, #tpu.memory_space<vmem>>, vector<256x512xf32>
    %dot_general3A_30 = arith.constant dense<0.000000e+00> : vector<1000x512xf32>
    %dot_general3A_31 = tpu.matmul %add3A_18, %get3A_29, %dot_general3A_30 {dimension_numbers = #tpu.dot_dimension_numbers<[1], [0], [0], [1], [0, 0, 1, 1], [], []>, transpose_lhs_hint = false} : vector<1000x256xf32>, vector<256x512xf32>, vector<1000x512xf32> -> vector<1000x512xf32>
    %add3A_32 = arith.addf %dot_general3A_5, %dot_general3A_31 : vector<1000x512xf32>
    %get3A_33 = arith.constant 0 : index
    %get3A_34 = arith.constant 0 : index
    %get3A_35 = vector.load %arg10[%get3A_33, %get3A_34] : memref<256x512xf32, #tpu.memory_space<vmem>>, vector<256x512xf32>
    %dot_general3A_36 = arith.constant dense<0.000000e+00> : vector<1000x512xf32>
    %dot_general3A_37 = tpu.matmul %add3A_26, %get3A_35, %dot_general3A_36 {dimension_numbers = #tpu.dot_dimension_numbers<[1], [0], [0], [1], [0, 0, 1, 1], [], []>, transpose_lhs_hint = false} : vector<1000x256xf32>, vector<256x512xf32>, vector<1000x512xf32> -> vector<1000x512xf32>
    %add3A_38 = arith.addf %add3A_32, %dot_general3A_37 : vector<1000x512xf32>
    %get3A_39 = arith.constant 0 : index
    %get3A_40 = arith.constant 0 : index
    %get3A_41 = vector.load %arg11[%get3A_39, %get3A_40] : memref<1x512xf32, #tpu.memory_space<vmem>>, vector<1x512xf32>
    %add3A_42 = vector.broadcast %get3A_41 : vector<1x512xf32> to vector<1000x512xf32>
    %add3A_43 = arith.addf %add3A_38, %add3A_42 : vector<1000x512xf32>
    %max3A = arith.constant 0.000000e+00 : f32
    %max3A_44 = vector.broadcast %max3A : f32 to vector<1000x512xf32>
    %max3A_45 = arith.maximumf %add3A_43, %max3A_44 : vector<1000x512xf32>
    %get3A_46 = arith.constant 0 : index
    %get3A_47 = arith.constant 0 : index
    %get3A_48 = vector.load %arg12[%get3A_46, %get3A_47] : memref<512x256xf32, #tpu.memory_space<vmem>>, vector<512x256xf32>
    %dot_general3A_49 = arith.constant dense<0.000000e+00> : vector<1000x256xf32>
    %dot_general3A_50 = tpu.matmul %max3A_45, %get3A_48, %dot_general3A_49 {dimension_numbers = #tpu.dot_dimension_numbers<[1], [0], [0], [1], [0, 0, 1, 1], [], []>, transpose_lhs_hint = false} : vector<1000x512xf32>, vector<512x256xf32>, vector<1000x256xf32> -> vector<1000x256xf32>
    %get3A_51 = arith.constant 0 : index
    %get3A_52 = arith.constant 0 : index
    %get3A_53 = vector.load %arg13[%get3A_51, %get3A_52] : memref<1x256xf32, #tpu.memory_space<vmem>>, vector<1x256xf32>
    %add3A_54 = vector.broadcast %get3A_53 : vector<1x256xf32> to vector<1000x256xf32>
    %add3A_55 = arith.addf %dot_general3A_50, %add3A_54 : vector<1000x256xf32>
    %get3A_56 = arith.constant 0 : index
    %get3A_57 = arith.constant 0 : index
    %get3A_58 = vector.load %arg1[%get3A_56, %get3A_57] : memref<1000x256xf32, #tpu.memory_space<vmem>>, vector<1000x256xf32>
    %add3A_59 = arith.addf %add3A_55, %get3A_58 : vector<1000x256xf32>
    %swap3A = arith.constant 0 : index
    %swap3A_60 = arith.constant 0 : index
    %swap3A_61 = vector.load %arg14[%swap3A, %swap3A_60] : memref<1000x256xf32, #tpu.memory_space<vmem>>, vector<1000x256xf32>
    tpu.vector_store %arg14[%swap3A, %swap3A_60], %add3A_59 {strides = array<i32>} : memref<1000x256xf32, #tpu.memory_space<vmem>>, vector<1000x256xf32>,
    return
  }
  func.func @transform_0(%arg0: i32) -> (i32, i32) {
    %c0_i32 = arith.constant 0 : i32
    %c0_i32_0 = arith.constant 0 : i32
    return %arg0, %c0_i32 : i32, i32
  }
  func.func @transform_1(%arg0: i32) -> (i32, i32) {
    %c0_i32 = arith.constant 0 : i32
    %c0_i32_0 = arith.constant 0 : i32
    return %arg0, %c0_i32 : i32, i32
  }
  func.func @transform_2(%arg0: i32) -> (i32, i32) {
    %c0_i32 = arith.constant 0 : i32
    %c0_i32_0 = arith.constant 0 : i32
    return %arg0, %c0_i32 : i32, i32
  }
  func.func @transform_3(%arg0: i32) -> (i32, i32) {
    %c0_i32 = arith.constant 0 : i32
    %c0_i32_0 = arith.constant 0 : i32
    return %arg0, %c0_i32 : i32, i32
  }
  func.func @transform_4(%arg0: i32) -> (i32, i32) {
    %c0_i32 = arith.constant 0 : i32
    %c0_i32_0 = arith.constant 0 : i32
    return %arg0, %c0_i32 : i32, i32
  }
  func.func @transform_5(%arg0: i32) -> (i32, i32) {
    %c0_i32 = arith.constant 0 : i32
    %c0_i32_0 = arith.constant 0 : i32
    return %arg0, %c0_i32 : i32, i32
  }
  func.func @transform_6(%arg0: i32) -> (i32, i32) {
    %c0_i32 = arith.constant 0 : i32
    %c0_i32_0 = arith.constant 0 : i32
    return %arg0, %c0_i32 : i32, i32
  }
  func.func @transform_7(%arg0: i32) -> (i32, i32) {
    %c0_i32 = arith.constant 0 : i32
    %c0_i32_0 = arith.constant 0 : i32
    %c0_i32_1 = arith.constant 0 : i32
    return %c0_i32, %c0_i32_0 : i32, i32
  }
  func.func @transform_8(%arg0: i32) -> (i32, i32) {
    %c0_i32 = arith.constant 0 : i32
    %c0_i32_0 = arith.constant 0 : i32
    %c0_i32_1 = arith.constant 0 : i32
    return %c0_i32, %c0_i32_0 : i32, i32
  }
  func.func @transform_9(%arg0: i32) -> (i32, i32) {
    %c0_i32 = arith.constant 0 : i32
    %c0_i32_0 = arith.constant 0 : i32
    %c0_i32_1 = arith.constant 0 : i32
    return %c0_i32, %c0_i32_0 : i32, i32
  }
  func.func @transform_10(%arg0: i32) -> (i32, i32) {
    %c0_i32 = arith.constant 0 : i32
    %c0_i32_0 = arith.constant 0 : i32
    %c0_i32_1 = arith.constant 0 : i32
    return %c0_i32, %c0_i32_0 : i32, i32
  }
  func.func @transform_11(%arg0: i32) -> (i32, i32) {
    %c0_i32 = arith.constant 0 : i32
    %c0_i32_0 = arith.constant 0 : i32
    %c0_i32_1 = arith.constant 0 : i32
    return %c0_i32, %c0_i32_0 : i32, i32
  }
  func.func @transform_12(%arg0: i32) -> (i32, i32) {
    %c0_i32 = arith.constant 0 : i32
    %c0_i32_0 = arith.constant 0 : i32
    %c0_i32_1 = arith.constant 0 : i32
    return %c0_i32, %c0_i32_0 : i32, i32
  }
  func.func @transform_13(%arg0: i32) -> (i32, i32) {
    %c0_i32 = arith.constant 0 : i32
    %c0_i32_0 = arith.constant 0 : i32
    return %arg0, %c0_i32 : i32, i32
  }
}

</mosaic_0001>

<sc_bundles>
// kernel: kernel.12.cloned.1.call-start
scs
__scs_entry_jumppad:
0x0: {  	(pc) =	sbr.rel $0x88, $3  }
0x1: {  	(tag) =	ssettag $0x0;
	lr =	simm.s32 $0x1  }
0x2: {  	[smem:$0x3F94] =	sst lr;
	_ =	strace $0xD0000000  }
0x3: {  	_ = 	snop  }
0x4: {  	_ = 	snop  }
0x5: {  	_ = 	snop  }
0x6: {  	_ = 	snop  }
0x7: {  	_ = 	snop  }
__scs_overlays_trampoline_lowered:
0x8: {  	[smem:$0x3FA3] =	sst s0  }
0x9: {  	[smem:$0x3FA4] =	sst s1  }
0xa: {  	[smem:$0x3FA5] =	sst s2  }
0xb: {  	[smem:$0x3FA6] =	sst s3  }
0xc: {  	[smem:$0x3FA7] =	sst s4  }
0xd: {  	[smem:$0x3FA8] =	sst s5  }
0xe: {  	[smem:$0x3FA9] =	sst s6  }
0xf: {  	[smem:$0x3FAA] =	sst s7  }
0x10: {  	[smem:$0x3FAB] =	sst s8  }
0x11: {  	[smem:$0x3FAC] =	sst s9;
	s0 =	simm.s32 @!p0 $0x0  }
0x12: {  	s1 =	sld [smem:$0x3F92];
	s0 =	simm.s32 @p0 $0x1  }
0x13: {  	[smem:$0x3FAD] =	sst s0;
	s0 =	simm.s32 @!p1 $0x0  }
0x14: {  	s2 =	sld [smem:$0x3F91];
	s0 =	simm.s32 @p1 $0x1  }
0x15: {  	[smem:$0x3FAE] =	sst s0;
	s0 =	simm.s32 @!p2 $0x0  }
0x16: {  	s3 =	sld [smem:$0x3FDB];
	s0 =	simm.s32 @p2 $0x1  }
0x17: {  	s4 =	simm.s32 $0x1BF5;
	[smem:$0x3FB0] =	sst s0  }
0x18: {  	s0 =	sld [smem:$0x3F93];
	_ =	swait.ge [sflag:s4], $0x0  }
0x19: {  	s7 =	sld [smem:$0x3F94]  }
0x1a: {  	s8 =	sadd.s32 $0xFFFFE003, lr  }
0x1b: {  	s9 =	sadd.s32 $0xFFFFFEF7, lr;
	s5 =	simm.s32 $0xFFFFFFFF;
	p2 =	slt.u32 s8, $0xFFFFF086  }
0x1c: {  	p1 =	slt.u32 s9, $0xF7A;
	s5 =	simm.s32 @!p2 $0x0  }
0x1d: {  	s5 =	simm.s32 @p1 $0x1;
	p0 =	seq.s32 s7, s2  }
0x1e: {  	s7 =	smul.u32 @!p0 $0xF7A, s2;
	p2 =	seq.s32 @!p0 s5, $0x0  }
0x1f: {  	s9 =	smul.u32 $0xF7A, s1;
	s8 =	simm.s32 @!p0 $0x1BF5;
	p2 =	por !p2, p0  }
0x20: {  	[sflag:s8] =	ssyncset.s32 @!p0 $0xFFFFF086;
	s6 =	sadd.s32 @!p0 s3, s7;
	s7 =	simm.s32 @!p0 $0x108  }
0x21: {  	s3 =	sadd.s32 s3, s9;
	s6 =	sadd.s32 @!p0 $0x88, s6;
	s7 =	simm.s32 @p2 $0x1082  }
0x22: {  	[simem:s7], [sflag:s8] =	dma.local @!p0 [hbm:s6], $0xF7A  }
0x23: {  	s9 =	sor.u32 $0xD0000000, s2;
	s6 =	simm.s32 $0x108;
	_ =	swait.ge @!p0 [sflag:s8], $0x0  }
0x24: {  	s3 =	sadd.s32 $0x88, s3;
	s6 =	simm.s32 @!p1 $0x1082;
	[sflag:s4] =	ssyncset.s32 $0xFFFFF086  }
0x25: {  	[simem:s6], [sflag:s4] =	dma.local [hbm:s3], $0xF7A  }
0x26: {  	[smem:$0x3F94] =	sst s1;
	(tag) =	ssettag s2;
	_ =	strace s9  }
0x27: {  	s1 =	sld [smem:$0x3FA4]  }
0x28: {  	s2 =	sld [smem:$0x3FA5]  }
0x29: {  	s4 =	sld [smem:$0x3FA7]  }
0x2a: {  	p0 =	seq.s32 s5, $0x0;
	s5 =	sld [smem:$0x3FA8]  }
0x2b: {  	s6 =	sld [smem:$0x3FA9]  }
0x2c: {  	s7 =	sld [smem:$0x3FAA]  }
0x2d: {  	s3 =	simm.s32 $0x108;
	s8 =	sld [smem:$0x3FAB]  }
0x2e: {  	s3 =	simm.s32 @!p0 $0x1082;
	s9 =	sld [smem:$0x3FAC]  }
0x2f: {  	lr =	sadd.s32 s0, s3;
	s0 =	sld [smem:$0x3FA3]  }
0x30: {  	s3 =	sld [smem:$0x3FA6]  }
0x31: {  	[smem:$0x3FAF] =	sst s10  }
0x32: {  	s10 =	sld [smem:$0x3FAD];
	_ =	sdelay $0x3  }
0x33: {  	p0 =	seq.s32 s10, $0x1;
	s10 =	sld [smem:$0x3FAF];
	_ =	sdelay $0x3  }
0x34: {  	[smem:$0x3FAF] =	sst s10  }
0x35: {  	s10 =	sld [smem:$0x3FAE];
	_ =	sdelay $0x3  }
0x36: {  	p1 =	seq.s32 s10, $0x1;
	s10 =	sld [smem:$0x3FAF];
	_ =	sdelay $0x3  }
0x37: {  	[smem:$0x3FAF] =	sst s10  }
0x38: {  	s10 =	sld [smem:$0x3FB0]  }
0x39: {  	_ = 	snop;
	(pc) =	sbr.ind lr, $3  }
0x3a: {  	_ = 	snop  }
0x3b: {  	_ = 	snop  }
0x3c: {  	p2 =	seq.s32 s10, $0x1;
	s10 =	sld [smem:$0x3FAF]  }
0x3d: {  	_ =	shalt  }
0x3e: {  	_ =	shalt  }
0x3f: {  	_ =	shalt  }
0x40: {  	_ =	shalt  }
0x41: {  	_ =	shalt  }
0x42: {  	_ =	shalt  }
0x43: {  	_ =	shalt  }
0x44: {  	_ =	shalt  }
0x45: {  	_ =	shalt  }
0x46: {  	_ =	shalt  }
0x47: {  	_ =	shalt  }
0x48: {  	_ =	shalt  }
0x49: {  	_ =	shalt  }
0x4a: {  	_ =	shalt  }
0x4b: {  	_ =	shalt  }
0x4c: {  	_ =	shalt  }
0x4d: {  	_ =	shalt  }
0x4e: {  	_ =	shalt  }
0x4f: {  	_ =	shalt  }
0x50: {  	_ =	shalt  }
0x51: {  	_ =	shalt  }
0x52: {  	_ =	shalt  }
0x53: {  	_ =	shalt  }
0x54: {  	_ =	shalt  }
0x55: {  	_ =	shalt  }
0x56: {  	_ =	shalt  }
0x57: {  	_ =	shalt  }
0x58: {  	_ =	shalt  }
0x59: {  	_ =	shalt  }
0x5a: {  	_ =	shalt  }
0x5b: {  	_ =	shalt  }
0x5c: {  	_ =	shalt  }
0x5d: {  	_ =	shalt  }
0x5e: {  	_ =	shalt  }
0x5f: {  	_ =	shalt  }
0x60: {  	_ =	shalt  }
0x61: {  	_ =	shalt  }
0x62: {  	_ =	shalt  }
0x63: {  	_ =	shalt  }
0x64: {  	_ =	shalt  }
0x65: {  	_ =	shalt  }
0x66: {  	_ =	shalt  }
0x67: {  	_ =	shalt  }
0x68: {  	_ =	shalt  }
0x69: {  	_ =	shalt  }
0x6a: {  	_ =	shalt  }
0x6b: {  	_ =	shalt  }
0x6c: {  	_ =	shalt  }
0x6d: {  	_ =	shalt  }
0x6e: {  	_ =	shalt  }
0x6f: {  	_ =	shalt  }
0x70: {  	_ =	shalt  }
0x71: {  	_ =	shalt  }
0x72: {  	_ =	shalt  }
0x73: {  	_ =	shalt  }
0x74: {  	_ =	shalt  }
0x75: {  	_ =	shalt  }
0x76: {  	_ =	shalt  }
0x77: {  	_ =	shalt  }
0x78: {  	_ =	shalt  }
0x79: {  	_ =	shalt  }
0x7a: {  	_ =	shalt  }
0x7b: {  	_ =	shalt  }
0x7c: {  	_ =	shalt  }
0x7d: {  	_ =	shalt  }
0x7e: {  	_ =	shalt  }
0x7f: {  	_ =	shalt  }
0x80: {  	_ =	shalt  }
0x81: {  	_ =	shalt  }
0x82: {  	_ =	shalt  }
0x83: {  	_ =	shalt  }
0x84: {  	_ =	shalt  }
0x85: {  	_ =	shalt  }
0x86: {  	_ =	shalt  }
0x87: {  	_ =	shalt  }
.Lfunc_end0:
.L_simem_size_0:
called_computation_lowered:
.L_overlay_start_0:
0x88: {  	s2 =	sld [smem:$0x3FD9]  }
0x89: {  	s3 =	sld [smem:$0x3FFE];
	_ =	sdelay $0x1  }
0x8a: {  	s1 =	srdreg.scid  }
0x8b: {  	s0 =	sand.u32 $0x1, s1  }
0x8c: {  	s14 =	sshll.u32 s0, $0xA;
	s2 =	sadd.s32 s3, s2  }
0x8d: {  	s2 =	sadd.s32 s2, s14  }
0x8e: {  	[smem:$0x3FBB] =	sst s2  }
0x8f: {  	_ = 	snop  }
0x90: {  	s2 =	sld [smem:$0x3FD0];
	_ =	sdelay $0x2  }
0x91: {  	s15 =	simm.s32 $0xC;
	s4 =	simm.s32 $0x10  }
0x92: {  	[smem:s4], [sflag:s15] =	dma.local [hbm:s2], $0x1  }
0x93: {  	_ =	swait.eq [sflag:s15], $0x1  }
0x94: {  	[sflag:s15] =	ssyncset.done $0x0  }
0x95: {  	[sflag:s15] =	ssyncadd.s32 $0xFFFFFFFF  }
0x96: {  	s16 =	sld [smem:$0x11];
	(tm) =	ssettm $0x1  }
0x97: {  	s17 =	sld [smem:$0x3FFB];
	_ =	sdelay $0x3  }
0x98: {  	_ =	strace s17  }
0x99: {  	s3 =	sld [smem:$0x3FFC];
	_ =	sdelay $0x3  }
0x9a: {  	_ =	strace s3  }
0x9b: {  	s3 =	sld [smem:$0x3FFD];
	_ =	sdelay $0x3  }
0x9c: {  	_ =	strace s3  }
0x9d: {  	_ =	strace $0x8FFFFFFF  }
0x9e: {  	s18 =	sld [smem:$0x3FDB];
	_ =	sdelay $0x1  }
0x9f: {  	s19 =	simm.s32 $_scs_section_size  }
0xa0: {  	s5 =	simm.s32 $_size__tile_overlayer_lowered;
	s6 =	simm.s32 $_tile_overlayer_lowered  }
0xa1: {  	s22 =	simm.s32 $0x1BFF;
	s21 =	sshll.u32 s6, $0x1;
	s3 =	sadd.s32 s19, s18  }
0xa2: {  	s7 =	simm.s32 $0x0;
	s20 =	sshll.u32 s5, $0x1;
	s5 =	sadd.s32 s21, s3  }
0xa3: {  	[timem:s7], [sflag:s22] =	dma.local [hbm:s5], s20  }
0xa4: {  	_ =	swait.ge [sflag:s22], s20  }
0xa5: {  	s4 =	ssub.s32 $0x0, s20;
	[sflag:s22] =	ssyncset.done $0x0  }
0xa6: {  	[sflag:s22] =	ssyncadd.s32 s4;
	_ =	sdelay $0x1  }
0xa7: {  	s23 =	simm.s32 $0x1B8B  }
0xa8: {  	_ =	swait.ge [sflag:s23], $0x1  }
0xa9: {  	[sflag:s23] =	ssyncset.done $0x0  }
0xaa: {  	s25 =	simm.s32 $0x1B8E;
	s24 =	sld [smem:$0x3FFE];
	[sflag:s23] =	ssyncadd.s32 $0xFFFFFFFF  }
0xab: {  	s26 =	simm.s32 $execute0_lowered;
	[smem:$0x3FD2] =	sst s25  }
0xac: {  	s5 =	sshll.u32 s26, $0x1;
	_ =	strace $0x80000046;
	[dreg:$0x1] =	wrdreg $0xFFFFFFFF  }
0xad: {  	s28 =	simm.s32 $_size_execute0_lowered;
	s3 =	sadd.s32 s3, s5;
	[dreg:$0x0] =	wrdreg $0x0  }
0xae: {  	s5 =	sshll.u32 s28, $0x1;
	[dreg:$0x2] =	wrdreg s3  }
0xaf: {  	[dreg:$0x3] =	wrdreg s5  }
0xb0: {  	[dreg:$0x4] =	wrdreg $0xC0  }
0xb1: {  	_ =	task [dreg:s7], $0x5FFFF  }
0xb2: {  	[dreg:$0x1] =	wrdreg $0xFFFFFFFF  }
0xb3: {  	[dreg:$0x0] =	wrdreg $0x60  }
0xb4: {  	[dreg:$0x2] =	wrdreg s16  }
0xb5: {  	[dreg:$0x3] =	wrdreg s24  }
0xb6: {  	[dreg:$0x4] =	wrdreg $0x9  }
0xb7: {  	_ =	task.clear_ibuf [dreg:s7], $0x5FFFF;
	_ =	strace $0x90000046  }
0xb8: {  	s29 =	simm.s32 $0x9;
	_ =	strace $0x80000048  }
0xb9: {  	_ =	swait.ge [sflag:s29], $0x1  }
0xba: {  	[sflag:s29] =	ssyncadd.s32 $0xFFFFFFFF  }
0xbb: {  	_ =	strace $0x90000048  }
0xbc: {  	_ =	sfence  }
0xbd: {  	s30 =	sld [smem:$0x0];
	_ =	sdelay $0x2  }
0xbe: {  	s31 =	sshll.u32 s1, $0xD;
	s1 =	sshrl.u32 s1, $0x2  }
0xbf: {  	s3 =	sand.u32 $0x4000, s31;
	s1 =	sadd.s32 s1, s30  }
0xc0: {  	s0 =	sor.u32 s3, s0;
	s1 =	sshll.u32 s1, $0x11  }
0xc1: {  	s0 =	sor.u32 s1, s0  }
0xc2: {  	s0 =	sadd.s32 $0x8F2B, s0  }
0xc3: {  	[sflag:s0] =	ssyncadd.remote.s32 $0x1  }
0xc4: {  	_ =	sfence.sel $0xFFFF  }
0xc5: {  	[dreg:$0x0] =	wrdreg $0xFFFFFFFF;
	(pc) =	sbr.abs _section_cstart, $3  }
0xc6: {  	[dreg:$0x1] =	wrdreg $0xFFFFFFFF  }
0xc7: {  	_ =	task.clear_ibuf [dreg:s7], $0x2FFFF;
	_ =	strace $0x9FFFFFFF  }
0xc8: {  	(tm) =	ssettm $0x7FFFFFFF  }
0xc9: {  	_ =	shalt  }
tec
execute0_lowered:
.L_overlay_start_1:
0x0: {  	(tag) =	ssettag $0x1  }
0x1: {  	s0 =	srdreg.scid  }
0x2: {  	s8 =	stileid.u32;
	s2 =	rddreg [dreg:$0x0]  }
0x3: {  	s3 =	rddreg [dreg:$0x1];
	s5 =	simm.s32 $0x0;
	s10 =	simm.s32 $0x28  }
0x4: {  	s28 =	simm.s32 $0x5;
	s29 =	simm.s32 $0x6;
	s4 =	smul.u32 $0xE1000, s8  }
0x5: {  	s30 =	simm.s32 $0x7;
	s0 =	sand.u32 $0x1, s0;
	s25 =	smul.u32 $0x1C200, s8  }
0x6: {  	s1 =	sshll.u32 s8, $0x1;
	[smem:$0x7FF] =	sst s5;
	s11 =	smul.u32 $0x70800, s0  }
0x7: {  	s1 =	sor.u32 s0, s1;
	s6 =	ssub.s32 $0x2, s0;
	s0 =	smul.u32 $0xE100, s0  }
0x8: {  	s31 =	simm.s32 $0x8;
	_ =	strace $0x80000047;
	s1 =	smul.u32 $0x708, s1  }
0x9: {  	s12 =	sshrl.u32 s6, $0x1;
	s5 =	sadd.s32 s11, s4;
	s4 =	sadd.s32 $0xBA00, s3  }
0xa: {  	s0 =	sadd.s32 s0, s25;
	s11 =	simm.s32 $0xF00;
	s25 =	simm.s32 $0x3  }
0xb: {  	s1 =	sshrl.u32 s1, $0x3;
	s7 =	sadd.s32 $0xA000, s5;
	s14 =	sadd.s32 $0xA400, s5  }
0xc: {  	s16 =	sadd.s32 $0x7800, s5;
	s18 =	sadd.s32 $0x7C00, s5;
	s20 =	sadd.s32 $0x5000, s5  }
0xd: {  	s22 =	sadd.s32 $0x5400, s5;
	s24 =	sadd.s32 $0x2C00, s5;
	s5 =	sadd.s32 $0x2800, s5  }
0xe: {  	[dreg:$0xb] =	wrdreg s0;
	s0 =	simm.s32 $0xA;
	s1 =	sadd.s32 s1, s3  }
0xf: {  	s3 =	ssub.s32 s6, s12;
	s13 =	sshrl.u32 s7, $0x3;
	s15 =	sshrl.u32 s14, $0x3  }
0x10: {  	s17 =	sshrl.u32 s16, $0x3;
	s19 =	sshrl.u32 s18, $0x3;
	[dreg:$0x3] =	wrdreg s13  }
0x11: {  	s21 =	sshrl.u32 s20, $0x3;
	s23 =	sshrl.u32 s22, $0x3;
	[dreg:$0x4] =	wrdreg s15  }
0x12: {  	s6 =	sshrl.u32 s24, $0x3;
	s26 =	sshrl.u32 s5, $0x3;
	[dreg:$0x5] =	wrdreg s17  }
0x13: {  	s12 =	simm.s32 $0x7300;
	s14 =	simm.s32 $0x8700;
	[dreg:$0x6] =	wrdreg s19  }
0x14: {  	s16 =	simm.s32 $0x9B00;
	s18 =	simm.s32 $0xAF00;
	[dreg:$0x7] =	wrdreg s21  }
0x15: {  	s20 =	simm.s32 $0xC300;
	s22 =	simm.s32 $0x400;
	[dreg:$0x8] =	wrdreg s23  }
0x16: {  	s24 =	simm.s32 $0x2;
	s9 =	sadd.s32 $0x7E00, s1;
	[dreg:$0x9] =	wrdreg s6  }
0x17: {  	s1 =	sadd.s32 $0x9C00, s1;
	s3 =	smax.u32 s3, $0x1;
	[dreg:$0xa] =	wrdreg s26  }
0x18: {  	s13 =	simm.s32 $0x2300;
	s15 =	simm.s32 $0x3700;
	s17 =	simm.s32 $0x4B00  }
0x19: {  	s19 =	simm.s32 $0x5F00;
	s21 =	simm.s32 $0x1;
	[dreg:$0xc] =	wrdreg s9  }
0x1a: {  	s23 =	simm.s32 $0x800;
	s26 =	simm.s32 $0x4;
	[dreg:$0xd] =	wrdreg s1  }
0x1b: {  	[dreg:$0xe] =	wrdreg s3;
	s1 =	simm.s32 $0x9;
	s9 =	simm.s32 $0x0  }
.LBB2_1:
0x1c: {  	s3 =	simm.s32 $0x0;
	s5 =	rddreg [dreg:$0xc];
	s6 =	simm.s32 $0xB  }
0x1d: {  	[tilespmem:s3], [sflag:$0xB] =	stream.linear.gather [hbm4b:s5+s3], $0x708, $0x38;
	[tilespmem:$0xD700] =	vst v63  }
0x1e: {  	_ =	swait.ge [sflag:s6], $0x708  }
0x1f: {  	[sflag:s6] =	ssyncset.done $0x0  }
0x20: {  	s7 =	simm.s32 $0x780;
	s8 =	rddreg [dreg:$0xd];
	[sflag:s6] =	ssyncadd.s32 $0xFFFFF8F8  }
0x21: {  	[tilespmem:s7], [sflag:$0xB] =	stream.linear.gather [hbm4b:s8+s3], $0x708, $0x38;
	[tilespmem:$0xD700] =	vst v63  }
0x22: {  	_ =	swait.ge [sflag:s6], $0x708  }
0x23: {  	[sflag:s6] =	ssyncset.done $0x0  }
0x24: {  	s8 =	simm.s32 $0x0;
	[sflag:s6] =	ssyncadd.s32 $0xFFFFF8F8  }
0x25: {  	[tilespmem:s11], [sflag:$0x1] =	stream.indirect.gather [hbm4b:s2+s10], $0x80, s8, s10, $0xb8;
	[tilespmem:$0xD700] =	vst v63  }
0x26: {  	s5 =	simm.s32 $0x780  }
0x27: {  	[tilespmem:s12], [sflag:$0x1] =	stream.indirect.gather [hbm4b:s2+s10], $0x80, s5, s10, $0xb8;
	[tilespmem:$0xD700] =	vst v63  }
0x28: {  	s6 =	simm.s32 $0x28  }
0x29: {  	[tilespmem:s13], [sflag:$0x2] =	stream.indirect.gather [hbm4b:s2+s10], $0x80, s6, s10, $0xb8;
	[tilespmem:$0xD700] =	vst v63  }
0x2a: {  	s7 =	simm.s32 $0x7A8  }
0x2b: {  	[tilespmem:s14], [sflag:$0x2] =	stream.indirect.gather [hbm4b:s2+s10], $0x80, s7, s10, $0xb8;
	[tilespmem:$0xD700] =	vst v63  }
0x2c: {  	s8 =	simm.s32 $0x50  }
0x2d: {  	[tilespmem:s15], [sflag:$0x3] =	stream.indirect.gather [hbm4b:s2+s10], $0x80, s8, s10, $0xb8;
	[tilespmem:$0xD700] =	vst v63  }
0x2e: {  	s5 =	simm.s32 $0x7D0  }
0x2f: {  	[tilespmem:s16], [sflag:$0x3] =	stream.indirect.gather [hbm4b:s2+s10], $0x80, s5, s10, $0xb8;
	[tilespmem:$0xD700] =	vst v63  }
0x30: {  	s6 =	simm.s32 $0x78  }
0x31: {  	[tilespmem:s17], [sflag:$0x4] =	stream.indirect.gather [hbm4b:s2+s10], $0x80, s6, s10, $0xb8;
	[tilespmem:$0xD700] =	vst v63  }
0x32: {  	s7 =	simm.s32 $0x7F8  }
0x33: {  	[tilespmem:s18], [sflag:$0x4] =	stream.indirect.gather [hbm4b:s2+s10], $0x80, s7, s10, $0xb8;
	[tilespmem:$0xD700] =	vst v63  }
0x34: {  	s8 =	simm.s32 $0xA0  }
0x35: {  	[tilespmem:s19], [sflag:$0x5] =	stream.indirect.gather [hbm4b:s2+s10], $0x80, s8, s10, $0xb8;
	[tilespmem:$0xD700] =	vst v63  }
0x36: {  	s5 =	simm.s32 $0x820  }
0x37: {  	[tilespmem:s20], [sflag:$0x5] =	stream.indirect.gather [hbm4b:s2+s10], $0x80, s5, s10, $0xb8;
	[tilespmem:$0xD700] =	vst v63  }
0x38: {  	_ =	swait.ge [sflag:s21], $0x1400  }
0x39: {  	[sflag:s21] =	ssyncset.done $0x0  }
0x3a: {  	[sflag:s21] =	ssyncadd.s32 $0xFFFFEC00  }
0x3b: {  	_ =	swait.ge [sflag:s21], $0x1400  }
0x3c: {  	s6 =	rddreg [dreg:$0xb];
	[sflag:s21] =	ssyncset.done $0x0  }
0x3d: {  	[sflag:s21] =	ssyncadd.s32 $0xFFFFEC00;
	s3 =	sadd.s32 s4, s6  }
0x3e: {  	[hbm4b:s3+s22] =	stream.strided.scatter [tilespmem:s11], [sflag:$0x6], $0x1400, s23, s22, $0x38;
	[tilespmem:$0xD700] =	vst v63  }
0x3f: {  	s3 =	sadd.s32 $0x80, s3  }
0x40: {  	[hbm4b:s3+s22] =	stream.strided.scatter [tilespmem:s12], [sflag:$0x6], $0x1400, s23, s22, $0x38;
	[tilespmem:$0xD700] =	vst v63  }
0x41: {  	_ =	swait.ge [sflag:s24], $0x1400  }
0x42: {  	[sflag:s24] =	ssyncset.done $0x0  }
0x43: {  	[sflag:s24] =	ssyncadd.s32 $0xFFFFEC00  }
0x44: {  	_ =	swait.ge [sflag:s24], $0x1400  }
0x45: {  	s7 =	rddreg [dreg:$0xa];
	[sflag:s24] =	ssyncset.done $0x0  }
0x46: {  	s8 =	rddreg [dreg:$0x9];
	[sflag:s24] =	ssyncadd.s32 $0xFFFFEC00;
	s3 =	sadd.s32 s4, s7  }
0x47: {  	[hbm4b:s3+s22] =	stream.strided.scatter [tilespmem:s13], [sflag:$0x7], $0x1400, s23, s22, $0x38;
	[tilespmem:$0xD700] =	vst v63  }
0x48: {  	s6 =	sadd.s32 s4, s8  }
0x49: {  	[hbm4b:s6+s22] =	stream.strided.scatter [tilespmem:s14], [sflag:$0x7], $0x1400, s23, s22, $0x38;
	[tilespmem:$0xD700] =	vst v63  }
0x4a: {  	_ =	swait.ge [sflag:s25], $0x1400  }
0x4b: {  	[sflag:s25] =	ssyncset.done $0x0  }
0x4c: {  	[sflag:s25] =	ssyncadd.s32 $0xFFFFEC00  }
0x4d: {  	_ =	swait.ge [sflag:s25], $0x1400  }
0x4e: {  	s7 =	rddreg [dreg:$0x7];
	[sflag:s25] =	ssyncset.done $0x0  }
0x4f: {  	s8 =	rddreg [dreg:$0x8];
	[sflag:s25] =	ssyncadd.s32 $0xFFFFEC00;
	s3 =	sadd.s32 s4, s7  }
0x50: {  	[hbm4b:s3+s22] =	stream.strided.scatter [tilespmem:s15], [sflag:$0x8], $0x1400, s23, s22, $0x38;
	[tilespmem:$0xD700] =	vst v63  }
0x51: {  	s6 =	sadd.s32 s4, s8  }
0x52: {  	[hbm4b:s6+s22] =	stream.strided.scatter [tilespmem:s16], [sflag:$0x8], $0x1400, s23, s22, $0x38;
	[tilespmem:$0xD700] =	vst v63  }
0x53: {  	_ =	swait.ge [sflag:s26], $0x1400  }
0x54: {  	[sflag:s26] =	ssyncset.done $0x0  }
0x55: {  	[sflag:s26] =	ssyncadd.s32 $0xFFFFEC00  }
0x56: {  	_ =	swait.ge [sflag:s26], $0x1400  }
0x57: {  	s7 =	rddreg [dreg:$0x5];
	[sflag:s26] =	ssyncset.done $0x0  }
0x58: {  	s8 =	rddreg [dreg:$0x6];
	[sflag:s26] =	ssyncadd.s32 $0xFFFFEC00;
	s3 =	sadd.s32 s4, s7  }
0x59: {  	[hbm4b:s3+s22] =	stream.strided.scatter [tilespmem:s17], [sflag:$0x9], $0x1400, s23, s22, $0x38;
	[tilespmem:$0xD700] =	vst v63  }
0x5a: {  	s5 =	sadd.s32 s4, s8  }
0x5b: {  	[hbm4b:s5+s22] =	stream.strided.scatter [tilespmem:s18], [sflag:$0x9], $0x1400, s23, s22, $0x38;
	[tilespmem:$0xD700] =	vst v63  }
0x5c: {  	_ =	swait.ge [sflag:s28], $0x1400  }
0x5d: {  	[sflag:s28] =	ssyncset.done $0x0  }
0x5e: {  	[sflag:s28] =	ssyncadd.s32 $0xFFFFEC00  }
0x5f: {  	_ =	swait.ge [sflag:s28], $0x1400  }
0x60: {  	s6 =	rddreg [dreg:$0x3];
	[sflag:s28] =	ssyncset.done $0x0  }
0x61: {  	s7 =	rddreg [dreg:$0x4];
	[sflag:s28] =	ssyncadd.s32 $0xFFFFEC00;
	s3 =	sadd.s32 s4, s6  }
0x62: {  	[hbm4b:s3+s22] =	stream.strided.scatter [tilespmem:s19], [sflag:$0xA], $0x1400, s23, s22, $0x38;
	[tilespmem:$0xD700] =	vst v63  }
0x63: {  	s8 =	sadd.s32 s4, s7  }
0x64: {  	[hbm4b:s8+s22] =	stream.strided.scatter [tilespmem:s20], [sflag:$0xA], $0x1400, s23, s22, $0x38;
	[tilespmem:$0xD700] =	vst v63  }
0x65: {  	_ =	swait.ge [sflag:s29], $0x1400  }
0x66: {  	[sflag:s29] =	ssyncset.done $0x0  }
0x67: {  	[sflag:s29] =	ssyncadd.s32 $0xFFFFEC00  }
0x68: {  	_ =	swait.ge [sflag:s29], $0x1400  }
0x69: {  	[sflag:s29] =	ssyncset.done $0x0  }
0x6a: {  	[sflag:s29] =	ssyncadd.s32 $0xFFFFEC00  }
0x6b: {  	_ =	swait.ge [sflag:s30], $0x1400  }
0x6c: {  	[sflag:s30] =	ssyncset.done $0x0  }
0x6d: {  	[sflag:s30] =	ssyncadd.s32 $0xFFFFEC00  }
0x6e: {  	_ =	swait.ge [sflag:s30], $0x1400  }
0x6f: {  	[sflag:s30] =	ssyncset.done $0x0  }
0x70: {  	[sflag:s30] =	ssyncadd.s32 $0xFFFFEC00  }
0x71: {  	_ =	swait.ge [sflag:s31], $0x1400  }
0x72: {  	[sflag:s31] =	ssyncset.done $0x0  }
0x73: {  	[sflag:s31] =	ssyncadd.s32 $0xFFFFEC00  }
0x74: {  	_ =	swait.ge [sflag:s31], $0x1400  }
0x75: {  	[sflag:s31] =	ssyncset.done $0x0  }
0x76: {  	[sflag:s31] =	ssyncadd.s32 $0xFFFFEC00  }
0x77: {  	_ =	swait.ge [sflag:s1], $0x1400  }
0x78: {  	[sflag:s1] =	ssyncset.done $0x0  }
0x79: {  	[sflag:s1] =	ssyncadd.s32 $0xFFFFEC00  }
0x7a: {  	_ =	swait.ge [sflag:s1], $0x1400  }
0x7b: {  	[sflag:s1] =	ssyncset.done $0x0  }
0x7c: {  	[sflag:s1] =	ssyncadd.s32 $0xFFFFEC00  }
0x7d: {  	_ =	swait.ge [sflag:s0], $0x1400  }
0x7e: {  	[sflag:s0] =	ssyncset.done $0x0  }
0x7f: {  	[sflag:s0] =	ssyncadd.s32 $0xFFFFEC00  }
0x80: {  	s5 =	simm.s32 $0x320;
	_ =	swait.ge [sflag:s0], $0x1400  }
0x81: {  	s6 =	simm.s32 $0x640;
	s3 =	sadd.s32 $0x1900, s4;
	[sflag:s0] =	ssyncset.done $0x0  }
.LBB2_2:
0x82: {  	s8 =	sshra.s32 s5, $0x2;
	[sflag:s0] =	ssyncadd.s32 $0xFFFFEC00;
	s5 =	smov.u32 s6  }
0x83: {  	[tilespmem:s11], [sflag:$0x1] =	stream.indirect.gather [hbm4b:s2+s10], $0x80, s8, s10, $0xb8;
	[tilespmem:$0xD700] =	vst v63  }
0x84: {  	s7 =	sadd.s32 $0x320, s6;
	p0 =	sne.s32 s6, $0x1900;
	s6 =	sadd.s32 $0x780, s8  }
0x85: {  	[tilespmem:s12], [sflag:$0x1] =	stream.indirect.gather [hbm4b:s2+s10], $0x80, s6, s10, $0xb8;
	[tilespmem:$0xD700] =	vst v63  }
0x86: {  	s6 =	sadd.s32 $0x28, s8  }
0x87: {  	[tilespmem:s13], [sflag:$0x2] =	stream.indirect.gather [hbm4b:s2+s10], $0x80, s6, s10, $0xb8;
	[tilespmem:$0xD700] =	vst v63  }
0x88: {  	s6 =	sadd.s32 $0x7A8, s8  }
0x89: {  	[tilespmem:s14], [sflag:$0x2] =	stream.indirect.gather [hbm4b:s2+s10], $0x80, s6, s10, $0xb8;
	[tilespmem:$0xD700] =	vst v63  }
0x8a: {  	s6 =	sadd.s32 $0x50, s8  }
0x8b: {  	[tilespmem:s15], [sflag:$0x3] =	stream.indirect.gather [hbm4b:s2+s10], $0x80, s6, s10, $0xb8;
	[tilespmem:$0xD700] =	vst v63  }
0x8c: {  	s6 =	sadd.s32 $0x7D0, s8  }
0x8d: {  	[tilespmem:s16], [sflag:$0x3] =	stream.indirect.gather [hbm4b:s2+s10], $0x80, s6, s10, $0xb8;
	[tilespmem:$0xD700] =	vst v63  }
0x8e: {  	s6 =	sadd.s32 $0x78, s8  }
0x8f: {  	[tilespmem:s17], [sflag:$0x4] =	stream.indirect.gather [hbm4b:s2+s10], $0x80, s6, s10, $0xb8;
	[tilespmem:$0xD700] =	vst v63  }
0x90: {  	s6 =	sadd.s32 $0x7F8, s8  }
0x91: {  	[tilespmem:s18], [sflag:$0x4] =	stream.indirect.gather [hbm4b:s2+s10], $0x80, s6, s10, $0xb8;
	[tilespmem:$0xD700] =	vst v63  }
0x92: {  	s6 =	sadd.s32 $0xA0, s8  }
0x93: {  	[tilespmem:s19], [sflag:$0x5] =	stream.indirect.gather [hbm4b:s2+s10], $0x80, s6, s10, $0xb8;
	[tilespmem:$0xD700] =	vst v63  }
0x94: {  	s8 =	sadd.s32 $0x820, s8  }
0x95: {  	[tilespmem:s20], [sflag:$0x5] =	stream.indirect.gather [hbm4b:s2+s10], $0x80, s8, s10, $0xb8;
	[tilespmem:$0xD700] =	vst v63  }
0x96: {  	_ =	swait.ge [sflag:s21], $0x1400  }
0x97: {  	[sflag:s21] =	ssyncset.done $0x0  }
0x98: {  	[sflag:s21] =	ssyncadd.s32 $0xFFFFEC00  }
0x99: {  	_ =	swait.ge [sflag:s21], $0x1400  }
0x9a: {  	s8 =	rddreg [dreg:$0xb];
	[sflag:s21] =	ssyncset.done $0x0  }
0x9b: {  	[sflag:s21] =	ssyncadd.s32 $0xFFFFEC00;
	s6 =	sadd.s32 s3, s8  }
0x9c: {  	[hbm4b:s6+s22] =	stream.strided.scatter [tilespmem:s11], [sflag:$0x6], $0x1400, s23, s22, $0x38;
	[tilespmem:$0xD700] =	vst v63  }
0x9d: {  	s6 =	sadd.s32 $0x80, s6  }
0x9e: {  	[hbm4b:s6+s22] =	stream.strided.scatter [tilespmem:s12], [sflag:$0x6], $0x1400, s23, s22, $0x38;
	[tilespmem:$0xD700] =	vst v63  }
0x9f: {  	_ =	swait.ge [sflag:s24], $0x1400  }
0xa0: {  	[sflag:s24] =	ssyncset.done $0x0  }
0xa1: {  	[sflag:s24] =	ssyncadd.s32 $0xFFFFEC00  }
0xa2: {  	_ =	swait.ge [sflag:s24], $0x1400  }
0xa3: {  	s6 =	rddreg [dreg:$0xa];
	[sflag:s24] =	ssyncset.done $0x0  }
0xa4: {  	s8 =	rddreg [dreg:$0x9];
	[sflag:s24] =	ssyncadd.s32 $0xFFFFEC00;
	s6 =	sadd.s32 s3, s6  }
0xa5: {  	[hbm4b:s6+s22] =	stream.strided.scatter [tilespmem:s13], [sflag:$0x7], $0x1400, s23, s22, $0x38;
	[tilespmem:$0xD700] =	vst v63  }
0xa6: {  	s8 =	sadd.s32 s3, s8  }
0xa7: {  	[hbm4b:s8+s22] =	stream.strided.scatter [tilespmem:s14], [sflag:$0x7], $0x1400, s23, s22, $0x38;
	[tilespmem:$0xD700] =	vst v63  }
0xa8: {  	_ =	swait.ge [sflag:s25], $0x1400  }
0xa9: {  	[sflag:s25] =	ssyncset.done $0x0  }
0xaa: {  	[sflag:s25] =	ssyncadd.s32 $0xFFFFEC00  }
0xab: {  	_ =	swait.ge [sflag:s25], $0x1400  }
0xac: {  	s6 =	rddreg [dreg:$0x7];
	[sflag:s25] =	ssyncset.done $0x0  }
0xad: {  	s8 =	rddreg [dreg:$0x8];
	[sflag:s25] =	ssyncadd.s32 $0xFFFFEC00;
	s6 =	sadd.s32 s3, s6  }
0xae: {  	[hbm4b:s6+s22] =	stream.strided.scatter [tilespmem:s15], [sflag:$0x8], $0x1400, s23, s22, $0x38;
	[tilespmem:$0xD700] =	vst v63  }
0xaf: {  	s8 =	sadd.s32 s3, s8  }
0xb0: {  	[hbm4b:s8+s22] =	stream.strided.scatter [tilespmem:s16], [sflag:$0x8], $0x1400, s23, s22, $0x38;
	[tilespmem:$0xD700] =	vst v63  }
0xb1: {  	_ =	swait.ge [sflag:s26], $0x1400  }
0xb2: {  	[sflag:s26] =	ssyncset.done $0x0  }
0xb3: {  	[sflag:s26] =	ssyncadd.s32 $0xFFFFEC00  }
0xb4: {  	_ =	swait.ge [sflag:s26], $0x1400  }
0xb5: {  	s6 =	rddreg [dreg:$0x5];
	[sflag:s26] =	ssyncset.done $0x0  }
0xb6: {  	s8 =	rddreg [dreg:$0x6];
	[sflag:s26] =	ssyncadd.s32 $0xFFFFEC00;
	s6 =	sadd.s32 s3, s6  }
0xb7: {  	[hbm4b:s6+s22] =	stream.strided.scatter [tilespmem:s17], [sflag:$0x9], $0x1400, s23, s22, $0x38;
	[tilespmem:$0xD700] =	vst v63  }
0xb8: {  	s8 =	sadd.s32 s3, s8  }
0xb9: {  	[hbm4b:s8+s22] =	stream.strided.scatter [tilespmem:s18], [sflag:$0x9], $0x1400, s23, s22, $0x38;
	[tilespmem:$0xD700] =	vst v63  }
0xba: {  	_ =	swait.ge [sflag:s28], $0x1400  }
0xbb: {  	[sflag:s28] =	ssyncset.done $0x0  }
0xbc: {  	[sflag:s28] =	ssyncadd.s32 $0xFFFFEC00  }
0xbd: {  	_ =	swait.ge [sflag:s28], $0x1400  }
0xbe: {  	s6 =	rddreg [dreg:$0x3];
	[sflag:s28] =	ssyncset.done $0x0  }
0xbf: {  	s8 =	rddreg [dreg:$0x4];
	[sflag:s28] =	ssyncadd.s32 $0xFFFFEC00;
	s6 =	sadd.s32 s3, s6  }
0xc0: {  	[hbm4b:s6+s22] =	stream.strided.scatter [tilespmem:s19], [sflag:$0xA], $0x1400, s23, s22, $0x38;
	[tilespmem:$0xD700] =	vst v63  }
0xc1: {  	s8 =	sadd.s32 s3, s8  }
0xc2: {  	[hbm4b:s8+s22] =	stream.strided.scatter [tilespmem:s20], [sflag:$0xA], $0x1400, s23, s22, $0x38;
	[tilespmem:$0xD700] =	vst v63  }
0xc3: {  	_ =	swait.ge [sflag:s29], $0x1400  }
0xc4: {  	[sflag:s29] =	ssyncset.done $0x0  }
0xc5: {  	[sflag:s29] =	ssyncadd.s32 $0xFFFFEC00  }
0xc6: {  	_ =	swait.ge [sflag:s29], $0x1400  }
0xc7: {  	[sflag:s29] =	ssyncset.done $0x0  }
0xc8: {  	[sflag:s29] =	ssyncadd.s32 $0xFFFFEC00  }
0xc9: {  	_ =	swait.ge [sflag:s30], $0x1400  }
0xca: {  	[sflag:s30] =	ssyncset.done $0x0  }
0xcb: {  	[sflag:s30] =	ssyncadd.s32 $0xFFFFEC00  }
0xcc: {  	_ =	swait.ge [sflag:s30], $0x1400  }
0xcd: {  	[sflag:s30] =	ssyncset.done $0x0  }
0xce: {  	[sflag:s30] =	ssyncadd.s32 $0xFFFFEC00  }
0xcf: {  	_ =	swait.ge [sflag:s31], $0x1400  }
0xd0: {  	[sflag:s31] =	ssyncset.done $0x0  }
0xd1: {  	[sflag:s31] =	ssyncadd.s32 $0xFFFFEC00  }
0xd2: {  	_ =	swait.ge [sflag:s31], $0x1400  }
0xd3: {  	[sflag:s31] =	ssyncset.done $0x0  }
0xd4: {  	[sflag:s31] =	ssyncadd.s32 $0xFFFFEC00  }
0xd5: {  	_ =	swait.ge [sflag:s1], $0x1400  }
0xd6: {  	[sflag:s1] =	ssyncset.done $0x0  }
0xd7: {  	[sflag:s1] =	ssyncadd.s32 $0xFFFFEC00  }
0xd8: {  	_ =	swait.ge [sflag:s1], $0x1400  }
0xd9: {  	[sflag:s1] =	ssyncset.done $0x0  }
0xda: {  	[sflag:s1] =	ssyncadd.s32 $0xFFFFEC00  }
.Ltmp0:
0xdb: {  	_ =	swait.ge [sflag:s0], $0x1400;
	(pc) =	sbr.rel @p0 .LBB2_2-.Ltmp0, $4  }
0xdc: {  	[sflag:s0] =	ssyncset.done $0x0  }
0xdd: {  	[sflag:s0] =	ssyncadd.s32 $0xFFFFEC00  }
0xde: {  	_ =	swait.ge [sflag:s0], $0x1400  }
0xdf: {  	s3 =	sadd.s32 $0x1900, s3;
	s6 =	smov.u32 s7;
	[sflag:s0] =	ssyncset.done $0x0  }
0xe0: {  	s5 =	sshra.s32 s5, $0x2;
	[sflag:s0] =	ssyncadd.s32 $0xFFFFEC00  }
0xe1: {  	[tilespmem:s11], [sflag:$0x1] =	stream.indirect.gather [hbm4b:s2+s10], $0x80, s5, s10, $0xb8;
	[tilespmem:$0xD700] =	vst v63  }
0xe2: {  	s6 =	sadd.s32 $0x780, s5  }
0xe3: {  	[tilespmem:s12], [sflag:$0x1] =	stream.indirect.gather [hbm4b:s2+s10], $0x80, s6, s10, $0xb8;
	[tilespmem:$0xD700] =	vst v63  }
0xe4: {  	s8 =	sadd.s32 $0x28, s5  }
0xe5: {  	[tilespmem:s13], [sflag:$0x2] =	stream.indirect.gather [hbm4b:s2+s10], $0x80, s8, s10, $0xb8;
	[tilespmem:$0xD700] =	vst v63  }
0xe6: {  	s7 =	sadd.s32 $0x7A8, s5  }
0xe7: {  	[tilespmem:s14], [sflag:$0x2] =	stream.indirect.gather [hbm4b:s2+s10], $0x80, s7, s10, $0xb8;
	[tilespmem:$0xD700] =	vst v63  }
0xe8: {  	s8 =	sadd.s32 $0x50, s5  }
0xe9: {  	[tilespmem:s15], [sflag:$0x3] =	stream.indirect.gather [hbm4b:s2+s10], $0x80, s8, s10, $0xb8;
	[tilespmem:$0xD700] =	vst v63  }
0xea: {  	s7 =	sadd.s32 $0x7D0, s5  }
0xeb: {  	[tilespmem:s16], [sflag:$0x3] =	stream.indirect.gather [hbm4b:s2+s10], $0x80, s7, s10, $0xb8;
	[tilespmem:$0xD700] =	vst v63  }
0xec: {  	s8 =	sadd.s32 $0x78, s5  }
0xed: {  	[tilespmem:s17], [sflag:$0x4] =	stream.indirect.gather [hbm4b:s2+s10], $0x80, s8, s10, $0xb8;
	[tilespmem:$0xD700] =	vst v63  }
0xee: {  	s7 =	sadd.s32 $0x7F8, s5  }
0xef: {  	[tilespmem:s18], [sflag:$0x4] =	stream.indirect.gather [hbm4b:s2+s10], $0x80, s7, s10, $0xb8;
	[tilespmem:$0xD700] =	vst v63  }
0xf0: {  	s8 =	sadd.s32 $0xA0, s5  }
0xf1: {  	[tilespmem:s19], [sflag:$0x5] =	stream.indirect.gather [hbm4b:s2+s10], $0x80, s8, s10, $0xb8;
	[tilespmem:$0xD700] =	vst v63  }
0xf2: {  	s5 =	sadd.s32 $0x820, s5  }
0xf3: {  	[tilespmem:s20], [sflag:$0x5] =	stream.indirect.gather [hbm4b:s2+s10], $0x80, s5, s10, $0xb8;
	[tilespmem:$0xD700] =	vst v63  }
0xf4: {  	_ =	swait.ge [sflag:s21], $0x1400  }
0xf5: {  	[sflag:s21] =	ssyncset.done $0x0  }
0xf6: {  	[sflag:s21] =	ssyncadd.s32 $0xFFFFEC00  }
0xf7: {  	_ =	swait.ge [sflag:s21], $0x1400  }
0xf8: {  	s6 =	rddreg [dreg:$0xb];
	[sflag:s21] =	ssyncset.done $0x0  }
0xf9: {  	[sflag:s21] =	ssyncadd.s32 $0xFFFFEC00;
	s5 =	sadd.s32 s3, s6  }
0xfa: {  	[hbm4b:s5+s22] =	stream.strided.scatter [tilespmem:s11], [sflag:$0x6], $0x1400, s23, s22, $0x38;
	[tilespmem:$0xD700] =	vst v63  }
0xfb: {  	s5 =	sadd.s32 $0x80, s5  }
0xfc: {  	[hbm4b:s5+s22] =	stream.strided.scatter [tilespmem:s12], [sflag:$0x6], $0x1400, s23, s22, $0x38;
	[tilespmem:$0xD700] =	vst v63  }
0xfd: {  	_ =	swait.ge [sflag:s24], $0x1400  }
0xfe: {  	[sflag:s24] =	ssyncset.done $0x0  }
0xff: {  	[sflag:s24] =	ssyncadd.s32 $0xFFFFEC00  }
0x100: {  	_ =	swait.ge [sflag:s24], $0x1400  }
0x101: {  	s7 =	rddreg [dreg:$0xa];
	[sflag:s24] =	ssyncset.done $0x0  }
0x102: {  	s8 =	rddreg [dreg:$0x9];
	[sflag:s24] =	ssyncadd.s32 $0xFFFFEC00;
	s5 =	sadd.s32 s3, s7  }
0x103: {  	[hbm4b:s5+s22] =	stream.strided.scatter [tilespmem:s13], [sflag:$0x7], $0x1400, s23, s22, $0x38;
	[tilespmem:$0xD700] =	vst v63  }
0x104: {  	s6 =	sadd.s32 s3, s8  }
0x105: {  	[hbm4b:s6+s22] =	stream.strided.scatter [tilespmem:s14], [sflag:$0x7], $0x1400, s23, s22, $0x38;
	[tilespmem:$0xD700] =	vst v63  }
0x106: {  	_ =	swait.ge [sflag:s25], $0x1400  }
0x107: {  	[sflag:s25] =	ssyncset.done $0x0  }
0x108: {  	[sflag:s25] =	ssyncadd.s32 $0xFFFFEC00  }
0x109: {  	_ =	swait.ge [sflag:s25], $0x1400  }
0x10a: {  	s7 =	rddreg [dreg:$0x7];
	[sflag:s25] =	ssyncset.done $0x0  }
0x10b: {  	s8 =	rddreg [dreg:$0x8];
	[sflag:s25] =	ssyncadd.s32 $0xFFFFEC00;
	s5 =	sadd.s32 s3, s7  }
0x10c: {  	[hbm4b:s5+s22] =	stream.strided.scatter [tilespmem:s15], [sflag:$0x8], $0x1400, s23, s22, $0x38;
	[tilespmem:$0xD700] =	vst v63  }
0x10d: {  	s6 =	sadd.s32 s3, s8  }
0x10e: {  	[hbm4b:s6+s22] =	stream.strided.scatter [tilespmem:s16], [sflag:$0x8], $0x1400, s23, s22, $0x38;
	[tilespmem:$0xD700] =	vst v63  }
0x10f: {  	_ =	swait.ge [sflag:s26], $0x1400  }
0x110: {  	[sflag:s26] =	ssyncset.done $0x0  }
0x111: {  	[sflag:s26] =	ssyncadd.s32 $0xFFFFEC00  }
0x112: {  	_ =	swait.ge [sflag:s26], $0x1400  }
0x113: {  	s7 =	rddreg [dreg:$0x5];
	[sflag:s26] =	ssyncset.done $0x0  }
0x114: {  	s8 =	rddreg [dreg:$0x6];
	[sflag:s26] =	ssyncadd.s32 $0xFFFFEC00;
	s5 =	sadd.s32 s3, s7  }
0x115: {  	[hbm4b:s5+s22] =	stream.strided.scatter [tilespmem:s17], [sflag:$0x9], $0x1400, s23, s22, $0x38;
	[tilespmem:$0xD700] =	vst v63  }
0x116: {  	s6 =	sadd.s32 s3, s8  }
0x117: {  	[hbm4b:s6+s22] =	stream.strided.scatter [tilespmem:s18], [sflag:$0x9], $0x1400, s23, s22, $0x38;
	[tilespmem:$0xD700] =	vst v63  }
0x118: {  	_ =	swait.ge [sflag:s28], $0x1400  }
0x119: {  	[sflag:s28] =	ssyncset.done $0x0  }
0x11a: {  	[sflag:s28] =	ssyncadd.s32 $0xFFFFEC00  }
0x11b: {  	_ =	swait.ge [sflag:s28], $0x1400  }
0x11c: {  	s7 =	rddreg [dreg:$0x3];
	[sflag:s28] =	ssyncset.done $0x0  }
0x11d: {  	s8 =	rddreg [dreg:$0x4];
	[sflag:s28] =	ssyncadd.s32 $0xFFFFEC00;
	s5 =	sadd.s32 s3, s7  }
0x11e: {  	[hbm4b:s5+s22] =	stream.strided.scatter [tilespmem:s19], [sflag:$0xA], $0x1400, s23, s22, $0x38;
	[tilespmem:$0xD700] =	vst v63  }
0x11f: {  	s7 =	sadd.s32 s3, s8  }
0x120: {  	[hbm4b:s7+s22] =	stream.strided.scatter [tilespmem:s20], [sflag:$0xA], $0x1400, s23, s22, $0x38;
	[tilespmem:$0xD700] =	vst v63  }
0x121: {  	_ =	swait.ge [sflag:s29], $0x1400  }
0x122: {  	[sflag:s29] =	ssyncset.done $0x0  }
0x123: {  	[sflag:s29] =	ssyncadd.s32 $0xFFFFEC00  }
0x124: {  	_ =	swait.ge [sflag:s29], $0x1400  }
0x125: {  	[sflag:s29] =	ssyncset.done $0x0  }
0x126: {  	[sflag:s29] =	ssyncadd.s32 $0xFFFFEC00  }
0x127: {  	_ =	swait.ge [sflag:s30], $0x1400  }
0x128: {  	[sflag:s30] =	ssyncset.done $0x0  }
0x129: {  	[sflag:s30] =	ssyncadd.s32 $0xFFFFEC00  }
0x12a: {  	_ =	swait.ge [sflag:s30], $0x1400  }
0x12b: {  	[sflag:s30] =	ssyncset.done $0x0  }
0x12c: {  	[sflag:s30] =	ssyncadd.s32 $0xFFFFEC00  }
0x12d: {  	_ =	swait.ge [sflag:s31], $0x1400  }
0x12e: {  	[sflag:s31] =	ssyncset.done $0x0  }
0x12f: {  	[sflag:s31] =	ssyncadd.s32 $0xFFFFEC00  }
0x130: {  	_ =	swait.ge [sflag:s31], $0x1400  }
0x131: {  	[sflag:s31] =	ssyncset.done $0x0  }
0x132: {  	[sflag:s31] =	ssyncadd.s32 $0xFFFFEC00  }
0x133: {  	_ =	swait.ge [sflag:s1], $0x1400  }
0x134: {  	[sflag:s1] =	ssyncset.done $0x0  }
0x135: {  	[sflag:s1] =	ssyncadd.s32 $0xFFFFEC00  }
0x136: {  	_ =	swait.ge [sflag:s1], $0x1400  }
0x137: {  	[sflag:s1] =	ssyncset.done $0x0  }
0x138: {  	[sflag:s1] =	ssyncadd.s32 $0xFFFFEC00  }
0x139: {  	_ =	swait.ge [sflag:s0], $0x1400  }
0x13a: {  	[sflag:s0] =	ssyncset.done $0x0  }
0x13b: {  	[sflag:s0] =	ssyncadd.s32 $0xFFFFEC00  }
0x13c: {  	_ =	swait.ge [sflag:s0], $0x1400  }
0x13d: {  	s9 =	sadd.s32 $0x1, s9;
	s8 =	rddreg [dreg:$0xe]  }
0x13e: {  	p0 =	sne.s32 s9, s8  }
.Ltmp1:
0x13f: {  	_ = 	snop;
	(pc) =	sbr.rel @p0 .LBB2_1-.Ltmp1, $3  }
0x140: {  	_ =	sdelay $0x1  }
0x141: {  	[sflag:s0] =	ssyncset.done $0x0  }
0x142: {  	[sflag:s0] =	ssyncadd.s32 $0xFFFFEC00  }
0x143: {  	_ =	sfence.sel $0x180000  }
0x144: {  	[bflag:$0x0] =	sbarrier.arrive $0xFFFF  }
0x145: {  	_ =	strace $0x90000047  }
0x146: {  	s0 =	stileid.u32;
	[bflag:$0x2] =	sbarrier.arrive $0xFFFF  }
0x147: {  	p0 =	sne.s32 s0, $0x0;
	s0 =	rddreg [dreg:$0x2]  }
0x148: {  	s0 =	sadd.s32 @!p0 $0x100000, s0  }
0x149: {  	[sflag:s0] =	ssyncadd.tile.s32 @!p0 $0x1;
	_ =	shalt  }
.Lfunc_end2:
_tile_overlayer_lowered:
.L_overlay_start_2:
0x14a: {  	(tag) =	ssettag $0x2  }
0x14b: {  	s0 =	rddreg [dreg:$0x0];
	s2 =	stileid.u32  }
0x14c: {  	s1 =	rddreg [dreg:$0x1];
	p0 =	sne.s32 s2, $0x0  }
0x14d: {  	s3 =	rddreg [dreg:$0x2];
	[bflag:$0x3] =	sbarrier.arrive $0xFFFF;
	s2 =	simm.s32 @!p0 $0x1C0B  }
0x14e: {  	[timem:s3], [sflag:s2] =	dma.local @!p0 [hbm:s0], s1  }
0x14f: {  	s0 =	simm.s32 @!p0 $0xB  }
0x150: {  	_ =	swait.ge @!p0 [sflag:s0], s1  }
0x151: {  	s1 =	ssub.s32 @!p0 $0x0, s1;
	[sflag:s0] =	ssyncset.done @!p0 $0x0  }
0x152: {  	[sflag:s0] =	ssyncadd.s32 @!p0 s1  }
0x153: {  	[bflag:$0x3] =	sbarrier.arrive $0xFFFF  }
0x154: {  	_ =	shalt  }

// kernel: kernel.15.cloned.1.call-start
scs
__scs_entry_jumppad:
0x0: {  	(pc) =	sbr.rel $0x88, $3  }
0x1: {  	(tag) =	ssettag $0x0;
	lr =	simm.s32 $0x1  }
0x2: {  	[smem:$0x3F94] =	sst lr;
	_ =	strace $0xD0000000  }
0x3: {  	_ = 	snop  }
0x4: {  	_ = 	snop  }
0x5: {  	_ = 	snop  }
0x6: {  	_ = 	snop  }
0x7: {  	_ = 	snop  }
__scs_overlays_trampoline_lowered:
0x8: {  	[smem:$0x3FA3] =	sst s0  }
0x9: {  	[smem:$0x3FA4] =	sst s1  }
0xa: {  	[smem:$0x3FA5] =	sst s2  }
0xb: {  	[smem:$0x3FA6] =	sst s3  }
0xc: {  	[smem:$0x3FA7] =	sst s4  }
0xd: {  	[smem:$0x3FA8] =	sst s5  }
0xe: {  	[smem:$0x3FA9] =	sst s6  }
0xf: {  	[smem:$0x3FAA] =	sst s7  }
0x10: {  	[smem:$0x3FAB] =	sst s8  }
0x11: {  	[smem:$0x3FAC] =	sst s9;
	s0 =	simm.s32 @!p0 $0x0  }
0x12: {  	s1 =	sld [smem:$0x3F92];
	s0 =	simm.s32 @p0 $0x1  }
0x13: {  	[smem:$0x3FAD] =	sst s0;
	s0 =	simm.s32 @!p1 $0x0  }
0x14: {  	s2 =	sld [smem:$0x3F91];
	s0 =	simm.s32 @p1 $0x1  }
0x15: {  	[smem:$0x3FAE] =	sst s0;
	s0 =	simm.s32 @!p2 $0x0  }
0x16: {  	s3 =	sld [smem:$0x3FDB];
	s0 =	simm.s32 @p2 $0x1  }
0x17: {  	s4 =	simm.s32 $0x1BF5;
	[smem:$0x3FB0] =	sst s0  }
0x18: {  	s0 =	sld [smem:$0x3F93];
	_ =	swait.ge [sflag:s4], $0x0  }
0x19: {  	s7 =	sld [smem:$0x3F94]  }
0x1a: {  	s8 =	sadd.s32 $0xFFFFE003, lr  }
0x1b: {  	s9 =	sadd.s32 $0xFFFFFEF7, lr;
	s5 =	simm.s32 $0xFFFFFFFF;
	p2 =	slt.u32 s8, $0xFFFFF086  }
0x1c: {  	p1 =	slt.u32 s9, $0xF7A;
	s5 =	simm.s32 @!p2 $0x0  }
0x1d: {  	s5 =	simm.s32 @p1 $0x1;
	p0 =	seq.s32 s7, s2  }
0x1e: {  	s7 =	smul.u32 @!p0 $0xF7A, s2;
	p2 =	seq.s32 @!p0 s5, $0x0  }
0x1f: {  	s9 =	smul.u32 $0xF7A, s1;
	s8 =	simm.s32 @!p0 $0x1BF5;
	p2 =	por !p2, p0  }
0x20: {  	[sflag:s8] =	ssyncset.s32 @!p0 $0xFFFFF086;
	s6 =	sadd.s32 @!p0 s3, s7;
	s7 =	simm.s32 @!p0 $0x108  }
0x21: {  	s3 =	sadd.s32 s3, s9;
	s6 =	sadd.s32 @!p0 $0x88, s6;
	s7 =	simm.s32 @p2 $0x1082  }
0x22: {  	[simem:s7], [sflag:s8] =	dma.local @!p0 [hbm:s6], $0xF7A  }
0x23: {  	s9 =	sor.u32 $0xD0000000, s2;
	s6 =	simm.s32 $0x108;
	_ =	swait.ge @!p0 [sflag:s8], $0x0  }
0x24: {  	s3 =	sadd.s32 $0x88, s3;
	s6 =	simm.s32 @!p1 $0x1082;
	[sflag:s4] =	ssyncset.s32 $0xFFFFF086  }
0x25: {  	[simem:s6], [sflag:s4] =	dma.local [hbm:s3], $0xF7A  }
0x26: {  	[smem:$0x3F94] =	sst s1;
	(tag) =	ssettag s2;
	_ =	strace s9  }
0x27: {  	s1 =	sld [smem:$0x3FA4]  }
0x28: {  	s2 =	sld [smem:$0x3FA5]  }
0x29: {  	s4 =	sld [smem:$0x3FA7]  }
0x2a: {  	p0 =	seq.s32 s5, $0x0;
	s5 =	sld [smem:$0x3FA8]  }
0x2b: {  	s6 =	sld [smem:$0x3FA9]  }
0x2c: {  	s7 =	sld [smem:$0x3FAA]  }
0x2d: {  	s3 =	simm.s32 $0x108;
	s8 =	sld [smem:$0x3FAB]  }
0x2e: {  	s3 =	simm.s32 @!p0 $0x1082;
	s9 =	sld [smem:$0x3FAC]  }
0x2f: {  	lr =	sadd.s32 s0, s3;
	s0 =	sld [smem:$0x3FA3]  }
0x30: {  	s3 =	sld [smem:$0x3FA6]  }
0x31: {  	[smem:$0x3FAF] =	sst s10  }
0x32: {  	s10 =	sld [smem:$0x3FAD];
	_ =	sdelay $0x3  }
0x33: {  	p0 =	seq.s32 s10, $0x1;
	s10 =	sld [smem:$0x3FAF];
	_ =	sdelay $0x3  }
0x34: {  	[smem:$0x3FAF] =	sst s10  }
0x35: {  	s10 =	sld [smem:$0x3FAE];
	_ =	sdelay $0x3  }
0x36: {  	p1 =	seq.s32 s10, $0x1;
	s10 =	sld [smem:$0x3FAF];
	_ =	sdelay $0x3  }
0x37: {  	[smem:$0x3FAF] =	sst s10  }
0x38: {  	s10 =	sld [smem:$0x3FB0]  }
0x39: {  	_ = 	snop;
	(pc) =	sbr.ind lr, $3  }
0x3a: {  	_ = 	snop  }
0x3b: {  	_ = 	snop  }
0x3c: {  	p2 =	seq.s32 s10, $0x1;
	s10 =	sld [smem:$0x3FAF]  }
0x3d: {  	_ =	shalt  }
0x3e: {  	_ =	shalt  }
0x3f: {  	_ =	shalt  }
0x40: {  	_ =	shalt  }
0x41: {  	_ =	shalt  }
0x42: {  	_ =	shalt  }
0x43: {  	_ =	shalt  }
0x44: {  	_ =	shalt  }
0x45: {  	_ =	shalt  }
0x46: {  	_ =	shalt  }
0x47: {  	_ =	shalt  }
0x48: {  	_ =	shalt  }
0x49: {  	_ =	shalt  }
0x4a: {  	_ =	shalt  }
0x4b: {  	_ =	shalt  }
0x4c: {  	_ =	shalt  }
0x4d: {  	_ =	shalt  }
0x4e: {  	_ =	shalt  }
0x4f: {  	_ =	shalt  }
0x50: {  	_ =	shalt  }
0x51: {  	_ =	shalt  }
0x52: {  	_ =	shalt  }
0x53: {  	_ =	shalt  }
0x54: {  	_ =	shalt  }
0x55: {  	_ =	shalt  }
0x56: {  	_ =	shalt  }
0x57: {  	_ =	shalt  }
0x58: {  	_ =	shalt  }
0x59: {  	_ =	shalt  }
0x5a: {  	_ =	shalt  }
0x5b: {  	_ =	shalt  }
0x5c: {  	_ =	shalt  }
0x5d: {  	_ =	shalt  }
0x5e: {  	_ =	shalt  }
0x5f: {  	_ =	shalt  }
0x60: {  	_ =	shalt  }
0x61: {  	_ =	shalt  }
0x62: {  	_ =	shalt  }
0x63: {  	_ =	shalt  }
0x64: {  	_ =	shalt  }
0x65: {  	_ =	shalt  }
0x66: {  	_ =	shalt  }
0x67: {  	_ =	shalt  }
0x68: {  	_ =	shalt  }
0x69: {  	_ =	shalt  }
0x6a: {  	_ =	shalt  }
0x6b: {  	_ =	shalt  }
0x6c: {  	_ =	shalt  }
0x6d: {  	_ =	shalt  }
0x6e: {  	_ =	shalt  }
0x6f: {  	_ =	shalt  }
0x70: {  	_ =	shalt  }
0x71: {  	_ =	shalt  }
0x72: {  	_ =	shalt  }
0x73: {  	_ =	shalt  }
0x74: {  	_ =	shalt  }
0x75: {  	_ =	shalt  }
0x76: {  	_ =	shalt  }
0x77: {  	_ =	shalt  }
0x78: {  	_ =	shalt  }
0x79: {  	_ =	shalt  }
0x7a: {  	_ =	shalt  }
0x7b: {  	_ =	shalt  }
0x7c: {  	_ =	shalt  }
0x7d: {  	_ =	shalt  }
0x7e: {  	_ =	shalt  }
0x7f: {  	_ =	shalt  }
0x80: {  	_ =	shalt  }
0x81: {  	_ =	shalt  }
0x82: {  	_ =	shalt  }
0x83: {  	_ =	shalt  }
0x84: {  	_ =	shalt  }
0x85: {  	_ =	shalt  }
0x86: {  	_ =	shalt  }
0x87: {  	_ =	shalt  }
.Lfunc_end0:
.L_simem_size_0:
called_computation.1_lowered:
.L_overlay_start_0:
0x88: {  	s2 =	sld [smem:$0x3FD9]  }
0x89: {  	s3 =	sld [smem:$0x3FFE];
	_ =	sdelay $0x1  }
0x8a: {  	s1 =	srdreg.scid  }
0x8b: {  	s0 =	sand.u32 $0x1, s1  }
0x8c: {  	s15 =	sshll.u32 s0, $0xA;
	s2 =	sadd.s32 s3, s2  }
0x8d: {  	s2 =	sadd.s32 s2, s15  }
0x8e: {  	[smem:$0x3FBB] =	sst s2  }
0x8f: {  	_ = 	snop  }
0x90: {  	s2 =	sld [smem:$0x3FD0];
	_ =	sdelay $0x2  }
0x91: {  	s16 =	simm.s32 $0xC;
	s4 =	simm.s32 $0x10  }
0x92: {  	[smem:s4], [sflag:s16] =	dma.local [hbm:s2], $0x1  }
0x93: {  	_ =	swait.eq [sflag:s16], $0x1  }
0x94: {  	[sflag:s16] =	ssyncset.done $0x0  }
0x95: {  	[sflag:s16] =	ssyncadd.s32 $0xFFFFFFFF  }
0x96: {  	s17 =	sld [smem:$0x10];
	(tm) =	ssettm $0x1  }
0x97: {  	s18 =	sld [smem:$0x3FFB];
	_ =	sdelay $0x3  }
0x98: {  	_ =	strace s18  }
0x99: {  	s2 =	sld [smem:$0x3FFC];
	_ =	sdelay $0x3  }
0x9a: {  	_ =	strace s2  }
0x9b: {  	s2 =	sld [smem:$0x3FFD];
	_ =	sdelay $0x3  }
0x9c: {  	_ =	strace s2  }
0x9d: {  	_ =	strace $0x8FFFFFFF  }
0x9e: {  	s19 =	sld [smem:$0x3FDB];
	_ =	sdelay $0x1  }
0x9f: {  	s20 =	simm.s32 $_scs_section_size  }
0xa0: {  	s5 =	simm.s32 $_size__tile_overlayer_lowered;
	s6 =	simm.s32 $_tile_overlayer_lowered  }
0xa1: {  	s7 =	simm.s32 $0x1BFF;
	s21 =	sshll.u32 s6, $0x1;
	s4 =	sadd.s32 s20, s19  }
0xa2: {  	s22 =	simm.s32 $0x0;
	s5 =	sshll.u32 s5, $0x1;
	s6 =	sadd.s32 s21, s4  }
0xa3: {  	[timem:s22], [sflag:s7] =	dma.local [hbm:s6], s5  }
0xa4: {  	_ =	swait.ge [sflag:s7], s5  }
0xa5: {  	s5 =	ssub.s32 $0x0, s5;
	[sflag:s7] =	ssyncset.done $0x0  }
0xa6: {  	[sflag:s7] =	ssyncadd.s32 s5;
	_ =	sdelay $0x1  }
0xa7: {  	s23 =	simm.s32 $0x1B8B  }
0xa8: {  	_ =	swait.ge [sflag:s23], $0x1  }
0xa9: {  	[sflag:s23] =	ssyncset.done $0x0  }
0xaa: {  	[sflag:s23] =	ssyncadd.s32 $0xFFFFFFFF  }
0xab: {  	s5 =	sld [smem:$0x0]  }
0xac: {  	s6 =	sand.u32 $0xFFFFFFFE, s1  }
0xad: {  	p0 =	sne.s32 s1, s6  }
0xae: {  	s6 =	sshll.u32 @p0 s6, $0xE  }
0xaf: {  	s6 =	sadd.s32 @p0 $0x11B8D, s6;
	s7 =	sshll.u32 @p0 s5, $0x11  }
0xb0: {  	s6 =	sor.u32 @p0 s7, s6  }
0xb1: {  	[sflag:s6] =	ssyncadd.remote.s32 @p0 $0x1;
	_ =	sdelay $0x1  }
0xb2: {  	s6 =	simm.s32 @p0 $0x1B8D  }
0xb3: {  	_ =	swait.eq @p0 [sflag:s6], $0x1  }
0xb4: {  	[sflag:s6] =	ssyncadd.s32 @p0 $0xFFFFFFFF  }
0xb5: {  	s7 =	sshll.u32 @!p0 s1, $0xE  }
0xb6: {  	s7 =	sor.u32 @!p0 $0x4000, s7;
	s6 =	simm.s32 @!p0 $0x1B8D  }
0xb7: {  	s5 =	sshll.u32 @!p0 s5, $0x11;
	s7 =	sadd.s32 @!p0 $0x11B8D, s7;
	_ =	swait.eq @!p0 [sflag:s6], $0x1  }
0xb8: {  	s5 =	sor.u32 @!p0 s5, s7;
	[sflag:s6] =	ssyncadd.s32 @!p0 $0xFFFFFFFF  }
0xb9: {  	s25 =	simm.s32 $0x1B8E;
	s24 =	sld [smem:$0x3FFE];
	[sflag:s5] =	ssyncadd.remote.s32 @!p0 $0x1  }
0xba: {  	s26 =	simm.s32 $execute0_lowered;
	[smem:$0x3FD2] =	sst s25  }
0xbb: {  	s6 =	sshll.u32 s26, $0x1;
	_ =	strace $0x8000004F;
	[dreg:$0x1] =	wrdreg $0xFFFFFFFF  }
0xbc: {  	s28 =	simm.s32 $_size_execute0_lowered;
	s4 =	sadd.s32 s4, s6;
	[dreg:$0x0] =	wrdreg $0x0  }
0xbd: {  	s6 =	sshll.u32 s28, $0x1;
	[dreg:$0x2] =	wrdreg s4  }
0xbe: {  	[dreg:$0x3] =	wrdreg s6  }
0xbf: {  	[dreg:$0x4] =	wrdreg $0xC0  }
0xc0: {  	_ =	task [dreg:s22], $0x5FFFF  }
0xc1: {  	[dreg:$0x1] =	wrdreg $0xFFFFFFFF  }
0xc2: {  	[dreg:$0x0] =	wrdreg $0x60  }
0xc3: {  	[dreg:$0x2] =	wrdreg s24  }
0xc4: {  	[dreg:$0x3] =	wrdreg s17  }
0xc5: {  	[dreg:$0x4] =	wrdreg $0x65000  }
0xc6: {  	[dreg:$0x5] =	wrdreg $0x9  }
0xc7: {  	_ =	task.clear_ibuf [dreg:s22], $0x6FFFF;
	_ =	strace $0x9000004F  }
0xc8: {  	s29 =	simm.s32 $0x9;
	_ =	strace $0x80000051  }
0xc9: {  	_ =	swait.ge [sflag:s29], $0x1  }
0xca: {  	[sflag:s29] =	ssyncadd.s32 $0xFFFFFFFF  }
0xcb: {  	_ =	strace $0x90000051  }
0xcc: {  	_ =	sfence  }
0xcd: {  	s30 =	sld [smem:$0x0];
	_ =	sdelay $0x2  }
0xce: {  	s31 =	sshll.u32 s1, $0xD;
	s1 =	sshrl.u32 s1, $0x2  }
0xcf: {  	s4 =	sand.u32 $0x4000, s31;
	s1 =	sadd.s32 s1, s30  }
0xd0: {  	s0 =	sor.u32 s4, s0;
	s1 =	sshll.u32 s1, $0x11  }
0xd1: {  	s0 =	sor.u32 s1, s0  }
0xd2: {  	s0 =	sadd.s32 $0x8F2B, s0  }
0xd3: {  	[sflag:s0] =	ssyncadd.remote.s32 $0x1  }
0xd4: {  	_ =	sfence.sel $0xFFFF  }
0xd5: {  	[dreg:$0x0] =	wrdreg $0xFFFFFFFF;
	(pc) =	sbr.abs _section_cstart, $3  }
0xd6: {  	[dreg:$0x1] =	wrdreg $0xFFFFFFFF  }
0xd7: {  	_ =	task.clear_ibuf [dreg:s22], $0x2FFFF;
	_ =	strace $0x9FFFFFFF  }
0xd8: {  	(tm) =	ssettm $0x7FFFFFFF  }
0xd9: {  	_ =	shalt  }
tec
execute0_lowered:
.L_overlay_start_1:
0x0: {  	(tag) =	ssettag $0x1  }
0x1: {  	s5 =	rddreg [dreg:$0x0]  }
0x2: {  	s2 =	rddreg [dreg:$0x1]  }
0x3: {  	s3 =	rddreg [dreg:$0x2]  }
0x4: {  	s0 =	rddreg [dreg:$0x3];
	s4 =	simm.s32 $0x0;
	s1 =	stileid.u32  }
0x5: {  	s6 =	srdreg.scid;
	s16 =	simm.s32 $0x800;
	s17 =	simm.s32 $0x100  }
0x6: {  	s18 =	simm.s32 $0x80;
	s19 =	simm.s32 $0x3500;
	s20 =	simm.s32 $0x1  }
0x7: {  	s21 =	simm.s32 $0x68;
	s22 =	simm.s32 $0x2;
	s23 =	simm.s32 $0x60  }
0x8: {  	s24 =	simm.s32 $0x8;
	s25 =	simm.s32 $0x0;
	s7 =	smul.u32 $0x27800, s1  }
0x9: {  	[smem:$0x7FF] =	sst s4;
	s6 =	sand.u32 $0x1, s6;
	s9 =	smul.u32 $0x1C2, s1  }
0xa: {  	s11 =	sadd.s32 $0x5D5200, s5;
	s10 =	smul.u32 $0x4F000, s1;
	s29 =	sshll.u32 s1, $0x6  }
0xb: {  	s13 =	smul.u32 $0xE1000, s1;
	_ =	strace $0x80000050;
	s8 =	sshll.u32 s6, $0xA  }
0xc: {  	s6 =	ssub.s32 $0x2, s6;
	s7 =	sor.u32 s8, s7;
	s12 =	sadd.s32 s9, s5  }
0xd: {  	s26 =	sshrl.u32 s6, $0x1;
	s28 =	sshrl.u32 s10, $0x2;
	s30 =	sor.u32 s8, s13  }
0xe: {  	s7 =	sshrl.u32 s7, $0x3;
	s14 =	ssub.s32 s6, s26;
	s15 =	sadd.s32 s28, s3  }
0xf: {  	s31 =	sshrl.u32 s30, $0x3;
	s13 =	sadd.s32 $0x6800, s30;
	s10 =	sadd.s32 $0x7E00, s12  }
0x10: {  	s12 =	sadd.s32 $0x9C00, s12;
	s7 =	sadd.s32 s7, s5;
	s5 =	sor.u32 $0x1C03, s29  }
0x11: {  	s8 =	smax.u32 s14, $0x1;
	s9 =	sadd.s32 s31, s11;
	s13 =	sshrl.u32 s13, $0x3  }
0x12: {  	s14 =	simm.s32 $0x3;
	s6 =	sadd.s32 $0x4F4200, s7;
	s7 =	sadd.s32 $0x543200, s7  }
0x13: {  	s11 =	sadd.s32 s13, s11;
	s13 =	sshrl.u32 s15, $0x3;
	s15 =	simm.s32 $0x400  }
.LBB2_1:
0x14: {  	[spmem:s13], [sflag:s5] =	dma.local [hbm:s2], $0x2780  }
0x15: {  	_ =	swait.ge [sflag:s14], $0x2780  }
0x16: {  	[sflag:s14] =	ssyncset.done $0x0  }
0x17: {  	[sflag:s14] =	ssyncadd.s32 $0xFFFFD880  }
0x18: {  	[bflag:$0x0] =	sbarrier.arrive $0xFFFF  }
0x19: {  	[tilespmem:s4], [sflag:$0x3] =	stream.linear.gather [hbm4b:s10+s4], $0x68, $0x38;
	[tilespmem:$0x1A100] =	vst v63  }
0x1a: {  	_ =	swait.ge [sflag:s14], $0x68  }
0x1b: {  	[sflag:s14] =	ssyncset.done $0x0  }
0x1c: {  	s26 =	sadd.s32 $0x0, s9;
	[sflag:s14] =	ssyncadd.s32 $0xFFFFFF98  }
0x1d: {  	[tilespmem:s17], [sflag:$0x1] =	stream.strided.gather [hbm4b:s26+s15], $0x3400, s16, s15, $0x38;
	[tilespmem:$0x1A100] =	vst v63  }
0x1e: {  	s30 =	sadd.s32 $0xD, s10  }
0x1f: {  	[tilespmem:s18], [sflag:$0x3] =	stream.linear.gather [hbm4b:s30+s4], $0x60, $0x38;
	[tilespmem:$0x1A100] =	vst v63  }
0x20: {  	_ =	swait.ge [sflag:s14], $0x60  }
0x21: {  	[sflag:s14] =	ssyncset.done $0x0  }
0x22: {  	s31 =	sadd.s32 $0x0, s11;
	[sflag:s14] =	ssyncadd.s32 $0xFFFFFFA0  }
0x23: {  	[tilespmem:s19], [sflag:$0x2] =	stream.strided.gather [hbm4b:s31+s15], $0x3000, s16, s15, $0x38;
	[tilespmem:$0x1A100] =	vst v63  }
0x24: {  	_ =	swait.ge [sflag:s20], $0x3400  }
0x25: {  	[sflag:s20] =	ssyncset.done $0x0  }
0x26: {  	[sflag:s20] =	ssyncadd.s32 $0xFFFFCC00  }
0x27: {  	[spmem:s3] =	stream.indirect.scatter.add.f32 [tilespmem:s17], [sflag:$0x3], $0x80, s4, s21, $0xb8;
	[tilespmem:$0x1A100] =	vst v63  }
0x28: {  	_ =	swait.ge [sflag:s14], $0x3400  }
0x29: {  	[sflag:s14] =	ssyncset.done $0x0  }
0x2a: {  	[sflag:s14] =	ssyncadd.s32 $0xFFFFCC00  }
0x2b: {  	_ =	swait.ge [sflag:s22], $0x3000  }
0x2c: {  	[sflag:s22] =	ssyncset.done $0x0  }
0x2d: {  	[sflag:s22] =	ssyncadd.s32 $0xFFFFD000  }
0x2e: {  	[spmem:s3] =	stream.indirect.scatter.add.f32 [tilespmem:s19], [sflag:$0x3], $0x80, s18, s23, $0xb8;
	[tilespmem:$0x1A100] =	vst v63  }
0x2f: {  	_ =	swait.ge [sflag:s14], $0x3000  }
0x30: {  	s28 =	smov.u32 s10;
	s26 =	simm.s32 $0x1900;
	[sflag:s14] =	ssyncset.done $0x0  }
.LBB2_2:
0x31: {  	p0 =	sne.s32 s26, $0x1A900;
	[sflag:s14] =	ssyncadd.s32 $0xFFFFD000;
	s28 =	sadd.s32 $0x19, s28  }
0x32: {  	[tilespmem:s4], [sflag:$0x3] =	stream.linear.gather [hbm4b:s28+s4], $0x68, $0x38;
	[tilespmem:$0x1A100] =	vst v63  }
0x33: {  	s29 =	smov.u32 s26;
	s26 =	sadd.s32 $0x1900, s26;
	_ =	swait.ge [sflag:s14], $0x68  }
0x34: {  	[sflag:s14] =	ssyncset.done $0x0  }
0x35: {  	s30 =	sadd.s32 s29, s9;
	[sflag:s14] =	ssyncadd.s32 $0xFFFFFF98  }
0x36: {  	[tilespmem:s17], [sflag:$0x1] =	stream.strided.gather [hbm4b:s30+s15], $0x3400, s16, s15, $0x38;
	[tilespmem:$0x1A100] =	vst v63  }
0x37: {  	s30 =	sadd.s32 $0xD, s28  }
0x38: {  	[tilespmem:s18], [sflag:$0x3] =	stream.linear.gather [hbm4b:s30+s4], $0x60, $0x38;
	[tilespmem:$0x1A100] =	vst v63  }
0x39: {  	_ =	swait.ge [sflag:s14], $0x60  }
0x3a: {  	[sflag:s14] =	ssyncset.done $0x0  }
0x3b: {  	s29 =	sadd.s32 s29, s11;
	[sflag:s14] =	ssyncadd.s32 $0xFFFFFFA0  }
0x3c: {  	[tilespmem:s19], [sflag:$0x2] =	stream.strided.gather [hbm4b:s29+s15], $0x3000, s16, s15, $0x38;
	[tilespmem:$0x1A100] =	vst v63  }
0x3d: {  	_ =	swait.ge [sflag:s20], $0x3400  }
0x3e: {  	[sflag:s20] =	ssyncset.done $0x0  }
0x3f: {  	[sflag:s20] =	ssyncadd.s32 $0xFFFFCC00  }
0x40: {  	[spmem:s3] =	stream.indirect.scatter.add.f32 [tilespmem:s17], [sflag:$0x3], $0x80, s4, s21, $0xb8;
	[tilespmem:$0x1A100] =	vst v63  }
0x41: {  	_ =	swait.ge [sflag:s14], $0x3400  }
0x42: {  	[sflag:s14] =	ssyncset.done $0x0  }
0x43: {  	[sflag:s14] =	ssyncadd.s32 $0xFFFFCC00  }
0x44: {  	_ =	swait.ge [sflag:s22], $0x3000  }
.Ltmp0:
0x45: {  	[sflag:s22] =	ssyncset.done $0x0;
	(pc) =	sbr.rel @p0 .LBB2_2-.Ltmp0, $4  }
0x46: {  	[sflag:s22] =	ssyncadd.s32 $0xFFFFD000  }
0x47: {  	[spmem:s3] =	stream.indirect.scatter.add.f32 [tilespmem:s19], [sflag:$0x3], $0x80, s18, s23, $0xb8;
	[tilespmem:$0x1A100] =	vst v63  }
0x48: {  	_ =	swait.ge [sflag:s14], $0x3000  }
0x49: {  	[sflag:s14] =	ssyncset.done $0x0  }
0x4a: {  	[sflag:s14] =	ssyncadd.s32 $0xFFFFD000  }
0x4b: {  	[bflag:$0x0] =	sbarrier.arrive $0xFFFF  }
0x4c: {  	[hbm:s6@s17], [sflag:s5] =	dma.strided [spmem:s13@s18], $0x2780, s24, $0x10   }
0x4d: {  	_ =	swait.ge [sflag:s14], $0x2780  }
0x4e: {  	[sflag:s14] =	ssyncset.done $0x0  }
0x4f: {  	[sflag:s14] =	ssyncadd.s32 $0xFFFFD880  }
0x50: {  	[spmem:s13], [sflag:s5] =	dma.local [hbm:s2], $0x2780  }
0x51: {  	_ =	swait.ge [sflag:s14], $0x2780  }
0x52: {  	[sflag:s14] =	ssyncset.done $0x0  }
0x53: {  	[sflag:s14] =	ssyncadd.s32 $0xFFFFD880  }
0x54: {  	[bflag:$0x0] =	sbarrier.arrive $0xFFFF  }
0x55: {  	[tilespmem:s4], [sflag:$0x3] =	stream.linear.gather [hbm4b:s12+s4], $0x68, $0x38;
	[tilespmem:$0x1A100] =	vst v63  }
0x56: {  	_ =	swait.ge [sflag:s14], $0x68  }
0x57: {  	[sflag:s14] =	ssyncset.done $0x0  }
0x58: {  	s26 =	sadd.s32 $0x0, s9;
	[sflag:s14] =	ssyncadd.s32 $0xFFFFFF98  }
0x59: {  	[tilespmem:s17], [sflag:$0x1] =	stream.strided.gather [hbm4b:s26+s15], $0x3400, s16, s15, $0x38;
	[tilespmem:$0x1A100] =	vst v63  }
0x5a: {  	s30 =	sadd.s32 $0xD, s12  }
0x5b: {  	[tilespmem:s18], [sflag:$0x3] =	stream.linear.gather [hbm4b:s30+s4], $0x60, $0x38;
	[tilespmem:$0x1A100] =	vst v63  }
0x5c: {  	_ =	swait.ge [sflag:s14], $0x60  }
0x5d: {  	[sflag:s14] =	ssyncset.done $0x0  }
0x5e: {  	s31 =	sadd.s32 $0x0, s11;
	[sflag:s14] =	ssyncadd.s32 $0xFFFFFFA0  }
0x5f: {  	[tilespmem:s19], [sflag:$0x2] =	stream.strided.gather [hbm4b:s31+s15], $0x3000, s16, s15, $0x38;
	[tilespmem:$0x1A100] =	vst v63  }
0x60: {  	_ =	swait.ge [sflag:s20], $0x3400  }
0x61: {  	[sflag:s20] =	ssyncset.done $0x0  }
0x62: {  	[sflag:s20] =	ssyncadd.s32 $0xFFFFCC00  }
0x63: {  	[spmem:s3] =	stream.indirect.scatter.add.f32 [tilespmem:s17], [sflag:$0x3], $0x80, s4, s21, $0xb8;
	[tilespmem:$0x1A100] =	vst v63  }
0x64: {  	_ =	swait.ge [sflag:s14], $0x3400  }
0x65: {  	[sflag:s14] =	ssyncset.done $0x0  }
0x66: {  	[sflag:s14] =	ssyncadd.s32 $0xFFFFCC00  }
0x67: {  	_ =	swait.ge [sflag:s22], $0x3000  }
0x68: {  	[sflag:s22] =	ssyncset.done $0x0  }
0x69: {  	[sflag:s22] =	ssyncadd.s32 $0xFFFFD000  }
0x6a: {  	[spmem:s3] =	stream.indirect.scatter.add.f32 [tilespmem:s19], [sflag:$0x3], $0x80, s18, s23, $0xb8;
	[tilespmem:$0x1A100] =	vst v63  }
0x6b: {  	_ =	swait.ge [sflag:s14], $0x3000  }
0x6c: {  	s28 =	smov.u32 s12;
	s26 =	simm.s32 $0x1900;
	[sflag:s14] =	ssyncset.done $0x0  }
.LBB2_4:
0x6d: {  	p0 =	sne.s32 s26, $0x1A900;
	[sflag:s14] =	ssyncadd.s32 $0xFFFFD000;
	s28 =	sadd.s32 $0x19, s28  }
0x6e: {  	[tilespmem:s4], [sflag:$0x3] =	stream.linear.gather [hbm4b:s28+s4], $0x68, $0x38;
	[tilespmem:$0x1A100] =	vst v63  }
0x6f: {  	s29 =	smov.u32 s26;
	s26 =	sadd.s32 $0x1900, s26;
	_ =	swait.ge [sflag:s14], $0x68  }
0x70: {  	[sflag:s14] =	ssyncset.done $0x0  }
0x71: {  	s30 =	sadd.s32 s29, s9;
	[sflag:s14] =	ssyncadd.s32 $0xFFFFFF98  }
0x72: {  	[tilespmem:s17], [sflag:$0x1] =	stream.strided.gather [hbm4b:s30+s15], $0x3400, s16, s15, $0x38;
	[tilespmem:$0x1A100] =	vst v63  }
0x73: {  	s30 =	sadd.s32 $0xD, s28  }
0x74: {  	[tilespmem:s18], [sflag:$0x3] =	stream.linear.gather [hbm4b:s30+s4], $0x60, $0x38;
	[tilespmem:$0x1A100] =	vst v63  }
0x75: {  	_ =	swait.ge [sflag:s14], $0x60  }
0x76: {  	[sflag:s14] =	ssyncset.done $0x0  }
0x77: {  	s29 =	sadd.s32 s29, s11;
	[sflag:s14] =	ssyncadd.s32 $0xFFFFFFA0  }
0x78: {  	[tilespmem:s19], [sflag:$0x2] =	stream.strided.gather [hbm4b:s29+s15], $0x3000, s16, s15, $0x38;
	[tilespmem:$0x1A100] =	vst v63  }
0x79: {  	_ =	swait.ge [sflag:s20], $0x3400  }
0x7a: {  	[sflag:s20] =	ssyncset.done $0x0  }
0x7b: {  	[sflag:s20] =	ssyncadd.s32 $0xFFFFCC00  }
0x7c: {  	[spmem:s3] =	stream.indirect.scatter.add.f32 [tilespmem:s17], [sflag:$0x3], $0x80, s4, s21, $0xb8;
	[tilespmem:$0x1A100] =	vst v63  }
0x7d: {  	_ =	swait.ge [sflag:s14], $0x3400  }
0x7e: {  	[sflag:s14] =	ssyncset.done $0x0  }
0x7f: {  	[sflag:s14] =	ssyncadd.s32 $0xFFFFCC00  }
0x80: {  	_ =	swait.ge [sflag:s22], $0x3000  }
.Ltmp1:
0x81: {  	[sflag:s22] =	ssyncset.done $0x0;
	(pc) =	sbr.rel @p0 .LBB2_4-.Ltmp1, $4  }
0x82: {  	[sflag:s22] =	ssyncadd.s32 $0xFFFFD000  }
0x83: {  	[spmem:s3] =	stream.indirect.scatter.add.f32 [tilespmem:s19], [sflag:$0x3], $0x80, s18, s23, $0xb8;
	[tilespmem:$0x1A100] =	vst v63  }
0x84: {  	_ =	swait.ge [sflag:s14], $0x3000  }
0x85: {  	[sflag:s14] =	ssyncset.done $0x0  }
0x86: {  	s25 =	sadd.s32 $0x1, s25  }
0x87: {  	[sflag:s14] =	ssyncadd.s32 $0xFFFFD000;
	p0 =	sne.s32 s25, s8  }
.Ltmp2:
0x88: {  	[bflag:$0x0] =	sbarrier.arrive $0xFFFF;
	(pc) =	sbr.rel @p0 .LBB2_1-.Ltmp2, $4  }
0x89: {  	[hbm:s7@s17], [sflag:s5] =	dma.strided [spmem:s13@s18], $0x2780, s24, $0x10   }
0x8a: {  	_ =	swait.ge [sflag:s14], $0x2780  }
0x8b: {  	[sflag:s14] =	ssyncset.done $0x0  }
0x8c: {  	[sflag:s14] =	ssyncadd.s32 $0xFFFFD880  }
0x8d: {  	_ =	sfence.sel $0x180000  }
0x8e: {  	[bflag:$0x0] =	sbarrier.arrive $0xFFFF  }
0x8f: {  	p0 =	sne.s32 s1, $0x0;
	_ =	strace $0x90000050  }
0x90: {  	s0 =	sadd.s32 @!p0 $0x100000, s0;
	[bflag:$0x2] =	sbarrier.arrive $0xFFFF  }
0x91: {  	[sflag:s0] =	ssyncadd.tile.s32 @!p0 $0x1;
	_ =	shalt  }
.Lfunc_end2:
_tile_overlayer_lowered:
.L_overlay_start_2:
0x92: {  	(tag) =	ssettag $0x2  }
0x93: {  	s0 =	rddreg [dreg:$0x0];
	s2 =	stileid.u32  }
0x94: {  	s1 =	rddreg [dreg:$0x1];
	p0 =	sne.s32 s2, $0x0  }
0x95: {  	s3 =	rddreg [dreg:$0x2];
	[bflag:$0x3] =	sbarrier.arrive $0xFFFF;
	s2 =	simm.s32 @!p0 $0x1C03  }
0x96: {  	[timem:s3], [sflag:s2] =	dma.local @!p0 [hbm:s0], s1  }
0x97: {  	s0 =	simm.s32 @!p0 $0x3  }
0x98: {  	_ =	swait.ge @!p0 [sflag:s0], s1  }
0x99: {  	s1 =	ssub.s32 @!p0 $0x0, s1;
	[sflag:s0] =	ssyncset.done @!p0 $0x0  }
0x9a: {  	[sflag:s0] =	ssyncadd.s32 @!p0 s1  }
0x9b: {  	[bflag:$0x3] =	sbarrier.arrive $0xFFFF  }
0x9c: {  	_ =	shalt  }

// kernel: kernel.18.cloned.1.call-start
scs
__scs_entry_jumppad:
0x0: {  	(pc) =	sbr.rel $0x88, $3  }
0x1: {  	(tag) =	ssettag $0x0;
	lr =	simm.s32 $0x1  }
0x2: {  	[smem:$0x3F94] =	sst lr;
	_ =	strace $0xD0000000  }
0x3: {  	_ = 	snop  }
0x4: {  	_ = 	snop  }
0x5: {  	_ = 	snop  }
0x6: {  	_ = 	snop  }
0x7: {  	_ = 	snop  }
__scs_overlays_trampoline_lowered:
0x8: {  	[smem:$0x3FA3] =	sst s0  }
0x9: {  	[smem:$0x3FA4] =	sst s1  }
0xa: {  	[smem:$0x3FA5] =	sst s2  }
0xb: {  	[smem:$0x3FA6] =	sst s3  }
0xc: {  	[smem:$0x3FA7] =	sst s4  }
0xd: {  	[smem:$0x3FA8] =	sst s5  }
0xe: {  	[smem:$0x3FA9] =	sst s6  }
0xf: {  	[smem:$0x3FAA] =	sst s7  }
0x10: {  	[smem:$0x3FAB] =	sst s8  }
0x11: {  	[smem:$0x3FAC] =	sst s9;
	s0 =	simm.s32 @!p0 $0x0  }
0x12: {  	s1 =	sld [smem:$0x3F92];
	s0 =	simm.s32 @p0 $0x1  }
0x13: {  	[smem:$0x3FAD] =	sst s0;
	s0 =	simm.s32 @!p1 $0x0  }
0x14: {  	s2 =	sld [smem:$0x3F91];
	s0 =	simm.s32 @p1 $0x1  }
0x15: {  	[smem:$0x3FAE] =	sst s0;
	s0 =	simm.s32 @!p2 $0x0  }
0x16: {  	s3 =	sld [smem:$0x3FDB];
	s0 =	simm.s32 @p2 $0x1  }
0x17: {  	s4 =	simm.s32 $0x1BF5;
	[smem:$0x3FB0] =	sst s0  }
0x18: {  	s0 =	sld [smem:$0x3F93];
	_ =	swait.ge [sflag:s4], $0x0  }
0x19: {  	s7 =	sld [smem:$0x3F94]  }
0x1a: {  	s8 =	sadd.s32 $0xFFFFE003, lr  }
0x1b: {  	s9 =	sadd.s32 $0xFFFFFEF7, lr;
	s5 =	simm.s32 $0xFFFFFFFF;
	p2 =	slt.u32 s8, $0xFFFFF086  }
0x1c: {  	p1 =	slt.u32 s9, $0xF7A;
	s5 =	simm.s32 @!p2 $0x0  }
0x1d: {  	s5 =	simm.s32 @p1 $0x1;
	p0 =	seq.s32 s7, s2  }
0x1e: {  	s7 =	smul.u32 @!p0 $0xF7A, s2;
	p2 =	seq.s32 @!p0 s5, $0x0  }
0x1f: {  	s9 =	smul.u32 $0xF7A, s1;
	s8 =	simm.s32 @!p0 $0x1BF5;
	p2 =	por !p2, p0  }
0x20: {  	[sflag:s8] =	ssyncset.s32 @!p0 $0xFFFFF086;
	s6 =	sadd.s32 @!p0 s3, s7;
	s7 =	simm.s32 @!p0 $0x108  }
0x21: {  	s3 =	sadd.s32 s3, s9;
	s6 =	sadd.s32 @!p0 $0x88, s6;
	s7 =	simm.s32 @p2 $0x1082  }
0x22: {  	[simem:s7], [sflag:s8] =	dma.local @!p0 [hbm:s6], $0xF7A  }
0x23: {  	s9 =	sor.u32 $0xD0000000, s2;
	s6 =	simm.s32 $0x108;
	_ =	swait.ge @!p0 [sflag:s8], $0x0  }
0x24: {  	s3 =	sadd.s32 $0x88, s3;
	s6 =	simm.s32 @!p1 $0x1082;
	[sflag:s4] =	ssyncset.s32 $0xFFFFF086  }
0x25: {  	[simem:s6], [sflag:s4] =	dma.local [hbm:s3], $0xF7A  }
0x26: {  	[smem:$0x3F94] =	sst s1;
	(tag) =	ssettag s2;
	_ =	strace s9  }
0x27: {  	s1 =	sld [smem:$0x3FA4]  }
0x28: {  	s2 =	sld [smem:$0x3FA5]  }
0x29: {  	s4 =	sld [smem:$0x3FA7]  }
0x2a: {  	p0 =	seq.s32 s5, $0x0;
	s5 =	sld [smem:$0x3FA8]  }
0x2b: {  	s6 =	sld [smem:$0x3FA9]  }
0x2c: {  	s7 =	sld [smem:$0x3FAA]  }
0x2d: {  	s3 =	simm.s32 $0x108;
	s8 =	sld [smem:$0x3FAB]  }
0x2e: {  	s3 =	simm.s32 @!p0 $0x1082;
	s9 =	sld [smem:$0x3FAC]  }
0x2f: {  	lr =	sadd.s32 s0, s3;
	s0 =	sld [smem:$0x3FA3]  }
0x30: {  	s3 =	sld [smem:$0x3FA6]  }
0x31: {  	[smem:$0x3FAF] =	sst s10  }
0x32: {  	s10 =	sld [smem:$0x3FAD];
	_ =	sdelay $0x3  }
0x33: {  	p0 =	seq.s32 s10, $0x1;
	s10 =	sld [smem:$0x3FAF];
	_ =	sdelay $0x3  }
0x34: {  	[smem:$0x3FAF] =	sst s10  }
0x35: {  	s10 =	sld [smem:$0x3FAE];
	_ =	sdelay $0x3  }
0x36: {  	p1 =	seq.s32 s10, $0x1;
	s10 =	sld [smem:$0x3FAF];
	_ =	sdelay $0x3  }
0x37: {  	[smem:$0x3FAF] =	sst s10  }
0x38: {  	s10 =	sld [smem:$0x3FB0]  }
0x39: {  	_ = 	snop;
	(pc) =	sbr.ind lr, $3  }
0x3a: {  	_ = 	snop  }
0x3b: {  	_ = 	snop  }
0x3c: {  	p2 =	seq.s32 s10, $0x1;
	s10 =	sld [smem:$0x3FAF]  }
0x3d: {  	_ =	shalt  }
0x3e: {  	_ =	shalt  }
0x3f: {  	_ =	shalt  }
0x40: {  	_ =	shalt  }
0x41: {  	_ =	shalt  }
0x42: {  	_ =	shalt  }
0x43: {  	_ =	shalt  }
0x44: {  	_ =	shalt  }
0x45: {  	_ =	shalt  }
0x46: {  	_ =	shalt  }
0x47: {  	_ =	shalt  }
0x48: {  	_ =	shalt  }
0x49: {  	_ =	shalt  }
0x4a: {  	_ =	shalt  }
0x4b: {  	_ =	shalt  }
0x4c: {  	_ =	shalt  }
0x4d: {  	_ =	shalt  }
0x4e: {  	_ =	shalt  }
0x4f: {  	_ =	shalt  }
0x50: {  	_ =	shalt  }
0x51: {  	_ =	shalt  }
0x52: {  	_ =	shalt  }
0x53: {  	_ =	shalt  }
0x54: {  	_ =	shalt  }
0x55: {  	_ =	shalt  }
0x56: {  	_ =	shalt  }
0x57: {  	_ =	shalt  }
0x58: {  	_ =	shalt  }
0x59: {  	_ =	shalt  }
0x5a: {  	_ =	shalt  }
0x5b: {  	_ =	shalt  }
0x5c: {  	_ =	shalt  }
0x5d: {  	_ =	shalt  }
0x5e: {  	_ =	shalt  }
0x5f: {  	_ =	shalt  }
0x60: {  	_ =	shalt  }
0x61: {  	_ =	shalt  }
0x62: {  	_ =	shalt  }
0x63: {  	_ =	shalt  }
0x64: {  	_ =	shalt  }
0x65: {  	_ =	shalt  }
0x66: {  	_ =	shalt  }
0x67: {  	_ =	shalt  }
0x68: {  	_ =	shalt  }
0x69: {  	_ =	shalt  }
0x6a: {  	_ =	shalt  }
0x6b: {  	_ =	shalt  }
0x6c: {  	_ =	shalt  }
0x6d: {  	_ =	shalt  }
0x6e: {  	_ =	shalt  }
0x6f: {  	_ =	shalt  }
0x70: {  	_ =	shalt  }
0x71: {  	_ =	shalt  }
0x72: {  	_ =	shalt  }
0x73: {  	_ =	shalt  }
0x74: {  	_ =	shalt  }
0x75: {  	_ =	shalt  }
0x76: {  	_ =	shalt  }
0x77: {  	_ =	shalt  }
0x78: {  	_ =	shalt  }
0x79: {  	_ =	shalt  }
0x7a: {  	_ =	shalt  }
0x7b: {  	_ =	shalt  }
0x7c: {  	_ =	shalt  }
0x7d: {  	_ =	shalt  }
0x7e: {  	_ =	shalt  }
0x7f: {  	_ =	shalt  }
0x80: {  	_ =	shalt  }
0x81: {  	_ =	shalt  }
0x82: {  	_ =	shalt  }
0x83: {  	_ =	shalt  }
0x84: {  	_ =	shalt  }
0x85: {  	_ =	shalt  }
0x86: {  	_ =	shalt  }
0x87: {  	_ =	shalt  }
.Lfunc_end0:
.L_simem_size_0:
called_computation.2_lowered:
.L_overlay_start_0:
0x88: {  	s2 =	sld [smem:$0x3FD9]  }
0x89: {  	s3 =	sld [smem:$0x3FFE];
	_ =	sdelay $0x1  }
0x8a: {  	s1 =	srdreg.scid  }
0x8b: {  	s0 =	sand.u32 $0x1, s1  }
0x8c: {  	s15 =	sshll.u32 s0, $0xA;
	s2 =	sadd.s32 s3, s2  }
0x8d: {  	s2 =	sadd.s32 s2, s15  }
0x8e: {  	[smem:$0x3FBB] =	sst s2  }
0x8f: {  	_ = 	snop  }
0x90: {  	s2 =	sld [smem:$0x3FD0];
	_ =	sdelay $0x2  }
0x91: {  	s16 =	simm.s32 $0xC;
	s4 =	simm.s32 $0x10  }
0x92: {  	[smem:s4], [sflag:s16] =	dma.local [hbm:s2], $0x1  }
0x93: {  	_ =	swait.eq [sflag:s16], $0x1  }
0x94: {  	[sflag:s16] =	ssyncset.done $0x0  }
0x95: {  	[sflag:s16] =	ssyncadd.s32 $0xFFFFFFFF  }
0x96: {  	s17 =	sld [smem:$0x11];
	(tm) =	ssettm $0x1  }
0x97: {  	s18 =	sld [smem:$0x3FFB];
	_ =	sdelay $0x3  }
0x98: {  	_ =	strace s18  }
0x99: {  	s2 =	sld [smem:$0x3FFC];
	_ =	sdelay $0x3  }
0x9a: {  	_ =	strace s2  }
0x9b: {  	s2 =	sld [smem:$0x3FFD];
	_ =	sdelay $0x3  }
0x9c: {  	_ =	strace s2  }
0x9d: {  	_ =	strace $0x8FFFFFFF  }
0x9e: {  	s19 =	sld [smem:$0x3FDB];
	_ =	sdelay $0x1  }
0x9f: {  	s20 =	simm.s32 $_scs_section_size  }
0xa0: {  	s5 =	simm.s32 $_size__tile_overlayer_lowered;
	s6 =	simm.s32 $_tile_overlayer_lowered  }
0xa1: {  	s7 =	simm.s32 $0x1BFF;
	s21 =	sshll.u32 s6, $0x1;
	s4 =	sadd.s32 s20, s19  }
0xa2: {  	s22 =	simm.s32 $0x0;
	s5 =	sshll.u32 s5, $0x1;
	s6 =	sadd.s32 s21, s4  }
0xa3: {  	[timem:s22], [sflag:s7] =	dma.local [hbm:s6], s5  }
0xa4: {  	_ =	swait.ge [sflag:s7], s5  }
0xa5: {  	s5 =	ssub.s32 $0x0, s5;
	[sflag:s7] =	ssyncset.done $0x0  }
0xa6: {  	[sflag:s7] =	ssyncadd.s32 s5;
	_ =	sdelay $0x1  }
0xa7: {  	s23 =	simm.s32 $0x1B8B  }
0xa8: {  	_ =	swait.ge [sflag:s23], $0x1  }
0xa9: {  	[sflag:s23] =	ssyncset.done $0x0  }
0xaa: {  	[sflag:s23] =	ssyncadd.s32 $0xFFFFFFFF  }
0xab: {  	s5 =	sld [smem:$0x0]  }
0xac: {  	s6 =	sand.u32 $0xFFFFFFFE, s1  }
0xad: {  	p0 =	sne.s32 s1, s6  }
0xae: {  	s6 =	sshll.u32 @p0 s6, $0xE  }
0xaf: {  	s6 =	sadd.s32 @p0 $0x11B8D, s6;
	s7 =	sshll.u32 @p0 s5, $0x11  }
0xb0: {  	s6 =	sor.u32 @p0 s7, s6  }
0xb1: {  	[sflag:s6] =	ssyncadd.remote.s32 @p0 $0x1;
	_ =	sdelay $0x1  }
0xb2: {  	s6 =	simm.s32 @p0 $0x1B8D  }
0xb3: {  	_ =	swait.eq @p0 [sflag:s6], $0x1  }
0xb4: {  	[sflag:s6] =	ssyncadd.s32 @p0 $0xFFFFFFFF  }
0xb5: {  	s7 =	sshll.u32 @!p0 s1, $0xE  }
0xb6: {  	s7 =	sor.u32 @!p0 $0x4000, s7;
	s6 =	simm.s32 @!p0 $0x1B8D  }
0xb7: {  	s5 =	sshll.u32 @!p0 s5, $0x11;
	s7 =	sadd.s32 @!p0 $0x11B8D, s7;
	_ =	swait.eq @!p0 [sflag:s6], $0x1  }
0xb8: {  	s5 =	sor.u32 @!p0 s5, s7;
	[sflag:s6] =	ssyncadd.s32 @!p0 $0xFFFFFFFF  }
0xb9: {  	s25 =	simm.s32 $0x1B8E;
	s24 =	sld [smem:$0x3FFE];
	[sflag:s5] =	ssyncadd.remote.s32 @!p0 $0x1  }
0xba: {  	s26 =	simm.s32 $execute0_lowered;
	[smem:$0x3FD2] =	sst s25  }
0xbb: {  	s6 =	sshll.u32 s26, $0x1;
	_ =	strace $0x80000049;
	[dreg:$0x1] =	wrdreg $0xFFFFFFFF  }
0xbc: {  	s28 =	simm.s32 $_size_execute0_lowered;
	s4 =	sadd.s32 s4, s6;
	[dreg:$0x0] =	wrdreg $0x0  }
0xbd: {  	s6 =	sshll.u32 s28, $0x1;
	[dreg:$0x2] =	wrdreg s4  }
0xbe: {  	[dreg:$0x3] =	wrdreg s6  }
0xbf: {  	[dreg:$0x4] =	wrdreg $0xC0  }
0xc0: {  	_ =	task [dreg:s22], $0x5FFFF  }
0xc1: {  	[dreg:$0x1] =	wrdreg $0xFFFFFFFF  }
0xc2: {  	[dreg:$0x0] =	wrdreg $0x60  }
0xc3: {  	[dreg:$0x2] =	wrdreg s17  }
0xc4: {  	[dreg:$0x3] =	wrdreg s24  }
0xc5: {  	[dreg:$0x4] =	wrdreg $0xB  }
0xc6: {  	_ =	task.clear_ibuf [dreg:s22], $0x5FFFF;
	_ =	strace $0x90000049  }
0xc7: {  	s29 =	simm.s32 $0xB;
	_ =	strace $0x8000004B  }
0xc8: {  	_ =	swait.ge [sflag:s29], $0x1  }
0xc9: {  	[sflag:s29] =	ssyncadd.s32 $0xFFFFFFFF  }
0xca: {  	_ =	strace $0x9000004B  }
0xcb: {  	_ =	sfence  }
0xcc: {  	s30 =	sld [smem:$0x0];
	_ =	sdelay $0x2  }
0xcd: {  	s31 =	sshll.u32 s1, $0xD;
	s1 =	sshrl.u32 s1, $0x2  }
0xce: {  	s4 =	sand.u32 $0x4000, s31;
	s1 =	sadd.s32 s1, s30  }
0xcf: {  	s0 =	sor.u32 s4, s0;
	s1 =	sshll.u32 s1, $0x11  }
0xd0: {  	s0 =	sor.u32 s1, s0  }
0xd1: {  	s0 =	sadd.s32 $0x8F2B, s0  }
0xd2: {  	[sflag:s0] =	ssyncadd.remote.s32 $0x1  }
0xd3: {  	_ =	sfence.sel $0xFFFF  }
0xd4: {  	[dreg:$0x0] =	wrdreg $0xFFFFFFFF;
	(pc) =	sbr.abs _section_cstart, $3  }
0xd5: {  	[dreg:$0x1] =	wrdreg $0xFFFFFFFF  }
0xd6: {  	_ =	task.clear_ibuf [dreg:s22], $0x2FFFF;
	_ =	strace $0x9FFFFFFF  }
0xd7: {  	(tm) =	ssettm $0x7FFFFFFF  }
tec
execute0_lowered:
.L_overlay_start_1:
0x0: {  	(tag) =	ssettag $0x1  }
0x1: {  	s0 =	srdreg.scid  }
0x2: {  	s8 =	stileid.u32;
	s2 =	rddreg [dreg:$0x0]  }
0x3: {  	s3 =	rddreg [dreg:$0x1];
	s5 =	simm.s32 $0x0;
	s10 =	simm.s32 $0x28  }
0x4: {  	s28 =	simm.s32 $0x5;
	s29 =	simm.s32 $0x6;
	s4 =	smul.u32 $0xC8000, s8  }
0x5: {  	s30 =	simm.s32 $0x7;
	s0 =	sand.u32 $0x1, s0;
	s25 =	smul.u32 $0x19000, s8  }
0x6: {  	s1 =	sshll.u32 s8, $0x1;
	[smem:$0x7FF] =	sst s5;
	s11 =	smul.u32 $0x64000, s0  }
0x7: {  	s1 =	sor.u32 s0, s1;
	s6 =	ssub.s32 $0x2, s0;
	s0 =	smul.u32 $0xC800, s0  }
0x8: {  	s31 =	simm.s32 $0x8;
	_ =	strace $0x8000004A;
	s1 =	smul.u32 $0x640, s1  }
0x9: {  	s12 =	sshrl.u32 s6, $0x1;
	s5 =	sadd.s32 s11, s4;
	s4 =	sadd.s32 $0x1D4200, s3  }
0xa: {  	s0 =	sadd.s32 s0, s25;
	s11 =	simm.s32 $0xD00;
	s25 =	simm.s32 $0x3  }
0xb: {  	s1 =	sshrl.u32 s1, $0x3;
	s7 =	sadd.s32 $0xA000, s5;
	s14 =	sadd.s32 $0xA400, s5  }
0xc: {  	s16 =	sadd.s32 $0x7800, s5;
	s18 =	sadd.s32 $0x7C00, s5;
	s20 =	sadd.s32 $0x5000, s5  }
0xd: {  	s22 =	sadd.s32 $0x5400, s5;
	s24 =	sor.u32 $0x2C00, s5;
	s5 =	sor.u32 $0x2800, s5  }
0xe: {  	[dreg:$0xb] =	wrdreg s0;
	s0 =	simm.s32 $0xA;
	s1 =	sadd.s32 s1, s3  }
0xf: {  	s3 =	ssub.s32 s6, s12;
	s13 =	sshrl.u32 s7, $0x3;
	s15 =	sshrl.u32 s14, $0x3  }
0x10: {  	s17 =	sshrl.u32 s16, $0x3;
	s19 =	sshrl.u32 s18, $0x3;
	[dreg:$0x3] =	wrdreg s13  }
0x11: {  	s21 =	sshrl.u32 s20, $0x3;
	s23 =	sshrl.u32 s22, $0x3;
	[dreg:$0x4] =	wrdreg s15  }
0x12: {  	s6 =	sshrl.u32 s24, $0x3;
	s26 =	sshrl.u32 s5, $0x3;
	[dreg:$0x5] =	wrdreg s17  }
0x13: {  	s12 =	simm.s32 $0x7100;
	s14 =	simm.s32 $0x8500;
	[dreg:$0x6] =	wrdreg s19  }
0x14: {  	s16 =	simm.s32 $0x9900;
	s18 =	simm.s32 $0xAD00;
	[dreg:$0x7] =	wrdreg s21  }
0x15: {  	s20 =	simm.s32 $0xC100;
	s22 =	simm.s32 $0x400;
	[dreg:$0x8] =	wrdreg s23  }
0x16: {  	s24 =	simm.s32 $0x2;
	s9 =	sadd.s32 $0x1CF400, s1;
	[dreg:$0x9] =	wrdreg s6  }
0x17: {  	s1 =	sadd.s32 $0x1CDA00, s1;
	s3 =	smax.u32 s3, $0x1;
	[dreg:$0xa] =	wrdreg s26  }
0x18: {  	s13 =	simm.s32 $0x2100;
	s15 =	simm.s32 $0x3500;
	s17 =	simm.s32 $0x4900  }
0x19: {  	s19 =	simm.s32 $0x5D00;
	s21 =	simm.s32 $0x1;
	[dreg:$0xc] =	wrdreg s9  }
0x1a: {  	s23 =	simm.s32 $0x800;
	s26 =	simm.s32 $0x4;
	[dreg:$0xd] =	wrdreg s1  }
0x1b: {  	[dreg:$0xe] =	wrdreg s3;
	s1 =	simm.s32 $0x9;
	s9 =	simm.s32 $0x0  }
.LBB2_1:
0x1c: {  	s3 =	simm.s32 $0x0;
	s5 =	rddreg [dreg:$0xc];
	s6 =	simm.s32 $0xB  }
0x1d: {  	[tilespmem:s3], [sflag:$0xB] =	stream.linear.gather [hbm4b:s5+s3], $0x640, $0x38;
	[tilespmem:$0xD500] =	vst v63  }
0x1e: {  	_ =	swait.ge [sflag:s6], $0x640  }
0x1f: {  	[sflag:s6] =	ssyncset.done $0x0  }
0x20: {  	s7 =	simm.s32 $0x680;
	s8 =	rddreg [dreg:$0xd];
	[sflag:s6] =	ssyncadd.s32 $0xFFFFF9C0  }
0x21: {  	[tilespmem:s7], [sflag:$0xB] =	stream.linear.gather [hbm4b:s8+s3], $0x640, $0x38;
	[tilespmem:$0xD500] =	vst v63  }
0x22: {  	_ =	swait.ge [sflag:s6], $0x640  }
0x23: {  	[sflag:s6] =	ssyncset.done $0x0  }
0x24: {  	s8 =	simm.s32 $0x0;
	[sflag:s6] =	ssyncadd.s32 $0xFFFFF9C0  }
0x25: {  	[tilespmem:s11], [sflag:$0x1] =	stream.indirect.gather [hbm4b:s2+s10], $0x80, s8, s10, $0xb8;
	[tilespmem:$0xD500] =	vst v63  }
0x26: {  	s5 =	simm.s32 $0x680  }
0x27: {  	[tilespmem:s12], [sflag:$0x1] =	stream.indirect.gather [hbm4b:s2+s10], $0x80, s5, s10, $0xb8;
	[tilespmem:$0xD500] =	vst v63  }
0x28: {  	s6 =	simm.s32 $0x28  }
0x29: {  	[tilespmem:s13], [sflag:$0x2] =	stream.indirect.gather [hbm4b:s2+s10], $0x80, s6, s10, $0xb8;
	[tilespmem:$0xD500] =	vst v63  }
0x2a: {  	s7 =	simm.s32 $0x6A8  }
0x2b: {  	[tilespmem:s14], [sflag:$0x2] =	stream.indirect.gather [hbm4b:s2+s10], $0x80, s7, s10, $0xb8;
	[tilespmem:$0xD500] =	vst v63  }
0x2c: {  	s8 =	simm.s32 $0x50  }
0x2d: {  	[tilespmem:s15], [sflag:$0x3] =	stream.indirect.gather [hbm4b:s2+s10], $0x80, s8, s10, $0xb8;
	[tilespmem:$0xD500] =	vst v63  }
0x2e: {  	s5 =	simm.s32 $0x6D0  }
0x2f: {  	[tilespmem:s16], [sflag:$0x3] =	stream.indirect.gather [hbm4b:s2+s10], $0x80, s5, s10, $0xb8;
	[tilespmem:$0xD500] =	vst v63  }
0x30: {  	s6 =	simm.s32 $0x78  }
0x31: {  	[tilespmem:s17], [sflag:$0x4] =	stream.indirect.gather [hbm4b:s2+s10], $0x80, s6, s10, $0xb8;
	[tilespmem:$0xD500] =	vst v63  }
0x32: {  	s7 =	simm.s32 $0x6F8  }
0x33: {  	[tilespmem:s18], [sflag:$0x4] =	stream.indirect.gather [hbm4b:s2+s10], $0x80, s7, s10, $0xb8;
	[tilespmem:$0xD500] =	vst v63  }
0x34: {  	s8 =	simm.s32 $0xA0  }
0x35: {  	[tilespmem:s19], [sflag:$0x5] =	stream.indirect.gather [hbm4b:s2+s10], $0x80, s8, s10, $0xb8;
	[tilespmem:$0xD500] =	vst v63  }
0x36: {  	s5 =	simm.s32 $0x720  }
0x37: {  	[tilespmem:s20], [sflag:$0x5] =	stream.indirect.gather [hbm4b:s2+s10], $0x80, s5, s10, $0xb8;
	[tilespmem:$0xD500] =	vst v63  }
0x38: {  	_ =	swait.ge [sflag:s21], $0x1400  }
0x39: {  	[sflag:s21] =	ssyncset.done $0x0  }
0x3a: {  	[sflag:s21] =	ssyncadd.s32 $0xFFFFEC00  }
0x3b: {  	_ =	swait.ge [sflag:s21], $0x1400  }
0x3c: {  	s6 =	rddreg [dreg:$0xb];
	[sflag:s21] =	ssyncset.done $0x0  }
0x3d: {  	[sflag:s21] =	ssyncadd.s32 $0xFFFFEC00;
	s3 =	sadd.s32 s4, s6  }
0x3e: {  	[hbm4b:s3+s22] =	stream.strided.scatter [tilespmem:s11], [sflag:$0x6], $0x1400, s23, s22, $0x38;
	[tilespmem:$0xD500] =	vst v63  }
0x3f: {  	s3 =	sadd.s32 $0x80, s3  }
0x40: {  	[hbm4b:s3+s22] =	stream.strided.scatter [tilespmem:s12], [sflag:$0x6], $0x1400, s23, s22, $0x38;
	[tilespmem:$0xD500] =	vst v63  }
0x41: {  	_ =	swait.ge [sflag:s24], $0x1400  }
0x42: {  	[sflag:s24] =	ssyncset.done $0x0  }
0x43: {  	[sflag:s24] =	ssyncadd.s32 $0xFFFFEC00  }
0x44: {  	_ =	swait.ge [sflag:s24], $0x1400  }
0x45: {  	s7 =	rddreg [dreg:$0xa];
	[sflag:s24] =	ssyncset.done $0x0  }
0x46: {  	s8 =	rddreg [dreg:$0x9];
	[sflag:s24] =	ssyncadd.s32 $0xFFFFEC00;
	s3 =	sadd.s32 s4, s7  }
0x47: {  	[hbm4b:s3+s22] =	stream.strided.scatter [tilespmem:s13], [sflag:$0x7], $0x1400, s23, s22, $0x38;
	[tilespmem:$0xD500] =	vst v63  }
0x48: {  	s6 =	sadd.s32 s4, s8  }
0x49: {  	[hbm4b:s6+s22] =	stream.strided.scatter [tilespmem:s14], [sflag:$0x7], $0x1400, s23, s22, $0x38;
	[tilespmem:$0xD500] =	vst v63  }
0x4a: {  	_ =	swait.ge [sflag:s25], $0x1400  }
0x4b: {  	[sflag:s25] =	ssyncset.done $0x0  }
0x4c: {  	[sflag:s25] =	ssyncadd.s32 $0xFFFFEC00  }
0x4d: {  	_ =	swait.ge [sflag:s25], $0x1400  }
0x4e: {  	s7 =	rddreg [dreg:$0x7];
	[sflag:s25] =	ssyncset.done $0x0  }
0x4f: {  	s8 =	rddreg [dreg:$0x8];
	[sflag:s25] =	ssyncadd.s32 $0xFFFFEC00;
	s3 =	sadd.s32 s4, s7  }
0x50: {  	[hbm4b:s3+s22] =	stream.strided.scatter [tilespmem:s15], [sflag:$0x8], $0x1400, s23, s22, $0x38;
	[tilespmem:$0xD500] =	vst v63  }
0x51: {  	s6 =	sadd.s32 s4, s8  }
0x52: {  	[hbm4b:s6+s22] =	stream.strided.scatter [tilespmem:s16], [sflag:$0x8], $0x1400, s23, s22, $0x38;
	[tilespmem:$0xD500] =	vst v63  }
0x53: {  	_ =	swait.ge [sflag:s26], $0x1400  }
0x54: {  	[sflag:s26] =	ssyncset.done $0x0  }
0x55: {  	[sflag:s26] =	ssyncadd.s32 $0xFFFFEC00  }
0x56: {  	_ =	swait.ge [sflag:s26], $0x1400  }
0x57: {  	s7 =	rddreg [dreg:$0x5];
	[sflag:s26] =	ssyncset.done $0x0  }
0x58: {  	s8 =	rddreg [dreg:$0x6];
	[sflag:s26] =	ssyncadd.s32 $0xFFFFEC00;
	s3 =	sadd.s32 s4, s7  }
0x59: {  	[hbm4b:s3+s22] =	stream.strided.scatter [tilespmem:s17], [sflag:$0x9], $0x1400, s23, s22, $0x38;
	[tilespmem:$0xD500] =	vst v63  }
0x5a: {  	s5 =	sadd.s32 s4, s8  }
0x5b: {  	[hbm4b:s5+s22] =	stream.strided.scatter [tilespmem:s18], [sflag:$0x9], $0x1400, s23, s22, $0x38;
	[tilespmem:$0xD500] =	vst v63  }
0x5c: {  	_ =	swait.ge [sflag:s28], $0x1400  }
0x5d: {  	[sflag:s28] =	ssyncset.done $0x0  }
0x5e: {  	[sflag:s28] =	ssyncadd.s32 $0xFFFFEC00  }
0x5f: {  	_ =	swait.ge [sflag:s28], $0x1400  }
0x60: {  	s6 =	rddreg [dreg:$0x3];
	[sflag:s28] =	ssyncset.done $0x0  }
0x61: {  	s7 =	rddreg [dreg:$0x4];
	[sflag:s28] =	ssyncadd.s32 $0xFFFFEC00;
	s3 =	sadd.s32 s4, s6  }
0x62: {  	[hbm4b:s3+s22] =	stream.strided.scatter [tilespmem:s19], [sflag:$0xA], $0x1400, s23, s22, $0x38;
	[tilespmem:$0xD500] =	vst v63  }
0x63: {  	s8 =	sadd.s32 s4, s7  }
0x64: {  	[hbm4b:s8+s22] =	stream.strided.scatter [tilespmem:s20], [sflag:$0xA], $0x1400, s23, s22, $0x38;
	[tilespmem:$0xD500] =	vst v63  }
0x65: {  	_ =	swait.ge [sflag:s29], $0x1400  }
0x66: {  	[sflag:s29] =	ssyncset.done $0x0  }
0x67: {  	[sflag:s29] =	ssyncadd.s32 $0xFFFFEC00  }
0x68: {  	_ =	swait.ge [sflag:s29], $0x1400  }
0x69: {  	[sflag:s29] =	ssyncset.done $0x0  }
0x6a: {  	[sflag:s29] =	ssyncadd.s32 $0xFFFFEC00  }
0x6b: {  	_ =	swait.ge [sflag:s30], $0x1400  }
0x6c: {  	[sflag:s30] =	ssyncset.done $0x0  }
0x6d: {  	[sflag:s30] =	ssyncadd.s32 $0xFFFFEC00  }
0x6e: {  	_ =	swait.ge [sflag:s30], $0x1400  }
0x6f: {  	[sflag:s30] =	ssyncset.done $0x0  }
0x70: {  	[sflag:s30] =	ssyncadd.s32 $0xFFFFEC00  }
0x71: {  	_ =	swait.ge [sflag:s31], $0x1400  }
0x72: {  	[sflag:s31] =	ssyncset.done $0x0  }
0x73: {  	[sflag:s31] =	ssyncadd.s32 $0xFFFFEC00  }
0x74: {  	_ =	swait.ge [sflag:s31], $0x1400  }
0x75: {  	[sflag:s31] =	ssyncset.done $0x0  }
0x76: {  	[sflag:s31] =	ssyncadd.s32 $0xFFFFEC00  }
0x77: {  	_ =	swait.ge [sflag:s1], $0x1400  }
0x78: {  	[sflag:s1] =	ssyncset.done $0x0  }
0x79: {  	[sflag:s1] =	ssyncadd.s32 $0xFFFFEC00  }
0x7a: {  	_ =	swait.ge [sflag:s1], $0x1400  }
0x7b: {  	[sflag:s1] =	ssyncset.done $0x0  }
0x7c: {  	[sflag:s1] =	ssyncadd.s32 $0xFFFFEC00  }
0x7d: {  	_ =	swait.ge [sflag:s0], $0x1400  }
0x7e: {  	[sflag:s0] =	ssyncset.done $0x0  }
0x7f: {  	[sflag:s0] =	ssyncadd.s32 $0xFFFFEC00  }
0x80: {  	s5 =	simm.s32 $0x320;
	_ =	swait.ge [sflag:s0], $0x1400  }
0x81: {  	s6 =	simm.s32 $0x640;
	s3 =	sadd.s32 $0x1900, s4;
	[sflag:s0] =	ssyncset.done $0x0  }
.LBB2_2:
0x82: {  	s8 =	sshra.s32 s5, $0x2;
	[sflag:s0] =	ssyncadd.s32 $0xFFFFEC00;
	s5 =	smov.u32 s6  }
0x83: {  	[tilespmem:s11], [sflag:$0x1] =	stream.indirect.gather [hbm4b:s2+s10], $0x80, s8, s10, $0xb8;
	[tilespmem:$0xD500] =	vst v63  }
0x84: {  	s7 =	sadd.s32 $0x320, s6;
	p0 =	sne.s32 s6, $0x15E0;
	s6 =	sadd.s32 $0x680, s8  }
0x85: {  	[tilespmem:s12], [sflag:$0x1] =	stream.indirect.gather [hbm4b:s2+s10], $0x80, s6, s10, $0xb8;
	[tilespmem:$0xD500] =	vst v63  }
0x86: {  	s6 =	sadd.s32 $0x28, s8  }
0x87: {  	[tilespmem:s13], [sflag:$0x2] =	stream.indirect.gather [hbm4b:s2+s10], $0x80, s6, s10, $0xb8;
	[tilespmem:$0xD500] =	vst v63  }
0x88: {  	s6 =	sadd.s32 $0x6A8, s8  }
0x89: {  	[tilespmem:s14], [sflag:$0x2] =	stream.indirect.gather [hbm4b:s2+s10], $0x80, s6, s10, $0xb8;
	[tilespmem:$0xD500] =	vst v63  }
0x8a: {  	s6 =	sadd.s32 $0x50, s8  }
0x8b: {  	[tilespmem:s15], [sflag:$0x3] =	stream.indirect.gather [hbm4b:s2+s10], $0x80, s6, s10, $0xb8;
	[tilespmem:$0xD500] =	vst v63  }
0x8c: {  	s6 =	sadd.s32 $0x6D0, s8  }
0x8d: {  	[tilespmem:s16], [sflag:$0x3] =	stream.indirect.gather [hbm4b:s2+s10], $0x80, s6, s10, $0xb8;
	[tilespmem:$0xD500] =	vst v63  }
0x8e: {  	s6 =	sadd.s32 $0x78, s8  }
0x8f: {  	[tilespmem:s17], [sflag:$0x4] =	stream.indirect.gather [hbm4b:s2+s10], $0x80, s6, s10, $0xb8;
	[tilespmem:$0xD500] =	vst v63  }
0x90: {  	s6 =	sadd.s32 $0x6F8, s8  }
0x91: {  	[tilespmem:s18], [sflag:$0x4] =	stream.indirect.gather [hbm4b:s2+s10], $0x80, s6, s10, $0xb8;
	[tilespmem:$0xD500] =	vst v63  }
0x92: {  	s6 =	sadd.s32 $0xA0, s8  }
0x93: {  	[tilespmem:s19], [sflag:$0x5] =	stream.indirect.gather [hbm4b:s2+s10], $0x80, s6, s10, $0xb8;
	[tilespmem:$0xD500] =	vst v63  }
0x94: {  	s8 =	sadd.s32 $0x720, s8  }
0x95: {  	[tilespmem:s20], [sflag:$0x5] =	stream.indirect.gather [hbm4b:s2+s10], $0x80, s8, s10, $0xb8;
	[tilespmem:$0xD500] =	vst v63  }
0x96: {  	_ =	swait.ge [sflag:s21], $0x1400  }
0x97: {  	[sflag:s21] =	ssyncset.done $0x0  }
0x98: {  	[sflag:s21] =	ssyncadd.s32 $0xFFFFEC00  }
0x99: {  	_ =	swait.ge [sflag:s21], $0x1400  }
0x9a: {  	s8 =	rddreg [dreg:$0xb];
	[sflag:s21] =	ssyncset.done $0x0  }
0x9b: {  	[sflag:s21] =	ssyncadd.s32 $0xFFFFEC00;
	s6 =	sadd.s32 s3, s8  }
0x9c: {  	[hbm4b:s6+s22] =	stream.strided.scatter [tilespmem:s11], [sflag:$0x6], $0x1400, s23, s22, $0x38;
	[tilespmem:$0xD500] =	vst v63  }
0x9d: {  	s6 =	sadd.s32 $0x80, s6  }
0x9e: {  	[hbm4b:s6+s22] =	stream.strided.scatter [tilespmem:s12], [sflag:$0x6], $0x1400, s23, s22, $0x38;
	[tilespmem:$0xD500] =	vst v63  }
0x9f: {  	_ =	swait.ge [sflag:s24], $0x1400  }
0xa0: {  	[sflag:s24] =	ssyncset.done $0x0  }
0xa1: {  	[sflag:s24] =	ssyncadd.s32 $0xFFFFEC00  }
0xa2: {  	_ =	swait.ge [sflag:s24], $0x1400  }
0xa3: {  	s6 =	rddreg [dreg:$0xa];
	[sflag:s24] =	ssyncset.done $0x0  }
0xa4: {  	s8 =	rddreg [dreg:$0x9];
	[sflag:s24] =	ssyncadd.s32 $0xFFFFEC00;
	s6 =	sadd.s32 s3, s6  }
0xa5: {  	[hbm4b:s6+s22] =	stream.strided.scatter [tilespmem:s13], [sflag:$0x7], $0x1400, s23, s22, $0x38;
	[tilespmem:$0xD500] =	vst v63  }
0xa6: {  	s8 =	sadd.s32 s3, s8  }
0xa7: {  	[hbm4b:s8+s22] =	stream.strided.scatter [tilespmem:s14], [sflag:$0x7], $0x1400, s23, s22, $0x38;
	[tilespmem:$0xD500] =	vst v63  }
0xa8: {  	_ =	swait.ge [sflag:s25], $0x1400  }
0xa9: {  	[sflag:s25] =	ssyncset.done $0x0  }
0xaa: {  	[sflag:s25] =	ssyncadd.s32 $0xFFFFEC00  }
0xab: {  	_ =	swait.ge [sflag:s25], $0x1400  }
0xac: {  	s6 =	rddreg [dreg:$0x7];
	[sflag:s25] =	ssyncset.done $0x0  }
0xad: {  	s8 =	rddreg [dreg:$0x8];
	[sflag:s25] =	ssyncadd.s32 $0xFFFFEC00;
	s6 =	sadd.s32 s3, s6  }
0xae: {  	[hbm4b:s6+s22] =	stream.strided.scatter [tilespmem:s15], [sflag:$0x8], $0x1400, s23, s22, $0x38;
	[tilespmem:$0xD500] =	vst v63  }
0xaf: {  	s8 =	sadd.s32 s3, s8  }
0xb0: {  	[hbm4b:s8+s22] =	stream.strided.scatter [tilespmem:s16], [sflag:$0x8], $0x1400, s23, s22, $0x38;
	[tilespmem:$0xD500] =	vst v63  }
0xb1: {  	_ =	swait.ge [sflag:s26], $0x1400  }
0xb2: {  	[sflag:s26] =	ssyncset.done $0x0  }
0xb3: {  	[sflag:s26] =	ssyncadd.s32 $0xFFFFEC00  }
0xb4: {  	_ =	swait.ge [sflag:s26], $0x1400  }
0xb5: {  	s6 =	rddreg [dreg:$0x5];
	[sflag:s26] =	ssyncset.done $0x0  }
0xb6: {  	s8 =	rddreg [dreg:$0x6];
	[sflag:s26] =	ssyncadd.s32 $0xFFFFEC00;
	s6 =	sadd.s32 s3, s6  }
0xb7: {  	[hbm4b:s6+s22] =	stream.strided.scatter [tilespmem:s17], [sflag:$0x9], $0x1400, s23, s22, $0x38;
	[tilespmem:$0xD500] =	vst v63  }
0xb8: {  	s8 =	sadd.s32 s3, s8  }
0xb9: {  	[hbm4b:s8+s22] =	stream.strided.scatter [tilespmem:s18], [sflag:$0x9], $0x1400, s23, s22, $0x38;
	[tilespmem:$0xD500] =	vst v63  }
0xba: {  	_ =	swait.ge [sflag:s28], $0x1400  }
0xbb: {  	[sflag:s28] =	ssyncset.done $0x0  }
0xbc: {  	[sflag:s28] =	ssyncadd.s32 $0xFFFFEC00  }
0xbd: {  	_ =	swait.ge [sflag:s28], $0x1400  }
0xbe: {  	s6 =	rddreg [dreg:$0x3];
	[sflag:s28] =	ssyncset.done $0x0  }
0xbf: {  	s8 =	rddreg [dreg:$0x4];
	[sflag:s28] =	ssyncadd.s32 $0xFFFFEC00;
	s6 =	sadd.s32 s3, s6  }
0xc0: {  	[hbm4b:s6+s22] =	stream.strided.scatter [tilespmem:s19], [sflag:$0xA], $0x1400, s23, s22, $0x38;
	[tilespmem:$0xD500] =	vst v63  }
0xc1: {  	s8 =	sadd.s32 s3, s8  }
0xc2: {  	[hbm4b:s8+s22] =	stream.strided.scatter [tilespmem:s20], [sflag:$0xA], $0x1400, s23, s22, $0x38;
	[tilespmem:$0xD500] =	vst v63  }
0xc3: {  	_ =	swait.ge [sflag:s29], $0x1400  }
0xc4: {  	[sflag:s29] =	ssyncset.done $0x0  }
0xc5: {  	[sflag:s29] =	ssyncadd.s32 $0xFFFFEC00  }
0xc6: {  	_ =	swait.ge [sflag:s29], $0x1400  }
0xc7: {  	[sflag:s29] =	ssyncset.done $0x0  }
0xc8: {  	[sflag:s29] =	ssyncadd.s32 $0xFFFFEC00  }
0xc9: {  	_ =	swait.ge [sflag:s30], $0x1400  }
0xca: {  	[sflag:s30] =	ssyncset.done $0x0  }
0xcb: {  	[sflag:s30] =	ssyncadd.s32 $0xFFFFEC00  }
0xcc: {  	_ =	swait.ge [sflag:s30], $0x1400  }
0xcd: {  	[sflag:s30] =	ssyncset.done $0x0  }
0xce: {  	[sflag:s30] =	ssyncadd.s32 $0xFFFFEC00  }
0xcf: {  	_ =	swait.ge [sflag:s31], $0x1400  }
0xd0: {  	[sflag:s31] =	ssyncset.done $0x0  }
0xd1: {  	[sflag:s31] =	ssyncadd.s32 $0xFFFFEC00  }
0xd2: {  	_ =	swait.ge [sflag:s31], $0x1400  }
0xd3: {  	[sflag:s31] =	ssyncset.done $0x0  }
0xd4: {  	[sflag:s31] =	ssyncadd.s32 $0xFFFFEC00  }
0xd5: {  	_ =	swait.ge [sflag:s1], $0x1400  }
0xd6: {  	[sflag:s1] =	ssyncset.done $0x0  }
0xd7: {  	[sflag:s1] =	ssyncadd.s32 $0xFFFFEC00  }
0xd8: {  	_ =	swait.ge [sflag:s1], $0x1400  }
0xd9: {  	[sflag:s1] =	ssyncset.done $0x0  }
0xda: {  	[sflag:s1] =	ssyncadd.s32 $0xFFFFEC00  }
.Ltmp0:
0xdb: {  	_ =	swait.ge [sflag:s0], $0x1400;
	(pc) =	sbr.rel @p0 .LBB2_2-.Ltmp0, $4  }
0xdc: {  	[sflag:s0] =	ssyncset.done $0x0  }
0xdd: {  	[sflag:s0] =	ssyncadd.s32 $0xFFFFEC00  }
0xde: {  	_ =	swait.ge [sflag:s0], $0x1400  }
0xdf: {  	s3 =	sadd.s32 $0x1900, s3;
	s6 =	smov.u32 s7;
	[sflag:s0] =	ssyncset.done $0x0  }
0xe0: {  	s5 =	sshra.s32 s5, $0x2;
	[sflag:s0] =	ssyncadd.s32 $0xFFFFEC00  }
0xe1: {  	[tilespmem:s11], [sflag:$0x1] =	stream.indirect.gather [hbm4b:s2+s10], $0x80, s5, s10, $0xb8;
	[tilespmem:$0xD500] =	vst v63  }
0xe2: {  	s6 =	sadd.s32 $0x680, s5  }
0xe3: {  	[tilespmem:s12], [sflag:$0x1] =	stream.indirect.gather [hbm4b:s2+s10], $0x80, s6, s10, $0xb8;
	[tilespmem:$0xD500] =	vst v63  }
0xe4: {  	s8 =	sadd.s32 $0x28, s5  }
0xe5: {  	[tilespmem:s13], [sflag:$0x2] =	stream.indirect.gather [hbm4b:s2+s10], $0x80, s8, s10, $0xb8;
	[tilespmem:$0xD500] =	vst v63  }
0xe6: {  	s7 =	sadd.s32 $0x6A8, s5  }
0xe7: {  	[tilespmem:s14], [sflag:$0x2] =	stream.indirect.gather [hbm4b:s2+s10], $0x80, s7, s10, $0xb8;
	[tilespmem:$0xD500] =	vst v63  }
0xe8: {  	s8 =	sadd.s32 $0x50, s5  }
0xe9: {  	[tilespmem:s15], [sflag:$0x3] =	stream.indirect.gather [hbm4b:s2+s10], $0x80, s8, s10, $0xb8;
	[tilespmem:$0xD500] =	vst v63  }
0xea: {  	s7 =	sadd.s32 $0x6D0, s5  }
0xeb: {  	[tilespmem:s16], [sflag:$0x3] =	stream.indirect.gather [hbm4b:s2+s10], $0x80, s7, s10, $0xb8;
	[tilespmem:$0xD500] =	vst v63  }
0xec: {  	s8 =	sadd.s32 $0x78, s5  }
0xed: {  	[tilespmem:s17], [sflag:$0x4] =	stream.indirect.gather [hbm4b:s2+s10], $0x80, s8, s10, $0xb8;
	[tilespmem:$0xD500] =	vst v63  }
0xee: {  	s7 =	sadd.s32 $0x6F8, s5  }
0xef: {  	[tilespmem:s18], [sflag:$0x4] =	stream.indirect.gather [hbm4b:s2+s10], $0x80, s7, s10, $0xb8;
	[tilespmem:$0xD500] =	vst v63  }
0xf0: {  	s8 =	sadd.s32 $0xA0, s5  }
0xf1: {  	[tilespmem:s19], [sflag:$0x5] =	stream.indirect.gather [hbm4b:s2+s10], $0x80, s8, s10, $0xb8;
	[tilespmem:$0xD500] =	vst v63  }
0xf2: {  	s5 =	sadd.s32 $0x720, s5  }
0xf3: {  	[tilespmem:s20], [sflag:$0x5] =	stream.indirect.gather [hbm4b:s2+s10], $0x80, s5, s10, $0xb8;
	[tilespmem:$0xD500] =	vst v63  }
0xf4: {  	_ =	swait.ge [sflag:s21], $0x1400  }
0xf5: {  	[sflag:s21] =	ssyncset.done $0x0  }
0xf6: {  	[sflag:s21] =	ssyncadd.s32 $0xFFFFEC00  }
0xf7: {  	_ =	swait.ge [sflag:s21], $0x1400  }
0xf8: {  	s6 =	rddreg [dreg:$0xb];
	[sflag:s21] =	ssyncset.done $0x0  }
0xf9: {  	[sflag:s21] =	ssyncadd.s32 $0xFFFFEC00;
	s5 =	sadd.s32 s3, s6  }
0xfa: {  	[hbm4b:s5+s22] =	stream.strided.scatter [tilespmem:s11], [sflag:$0x6], $0x1400, s23, s22, $0x38;
	[tilespmem:$0xD500] =	vst v63  }
0xfb: {  	s5 =	sadd.s32 $0x80, s5  }
0xfc: {  	[hbm4b:s5+s22] =	stream.strided.scatter [tilespmem:s12], [sflag:$0x6], $0x1400, s23, s22, $0x38;
	[tilespmem:$0xD500] =	vst v63  }
0xfd: {  	_ =	swait.ge [sflag:s24], $0x1400  }
0xfe: {  	[sflag:s24] =	ssyncset.done $0x0  }
0xff: {  	[sflag:s24] =	ssyncadd.s32 $0xFFFFEC00  }
0x100: {  	_ =	swait.ge [sflag:s24], $0x1400  }
0x101: {  	s7 =	rddreg [dreg:$0xa];
	[sflag:s24] =	ssyncset.done $0x0  }
0x102: {  	s8 =	rddreg [dreg:$0x9];
	[sflag:s24] =	ssyncadd.s32 $0xFFFFEC00;
	s5 =	sadd.s32 s3, s7  }
0x103: {  	[hbm4b:s5+s22] =	stream.strided.scatter [tilespmem:s13], [sflag:$0x7], $0x1400, s23, s22, $0x38;
	[tilespmem:$0xD500] =	vst v63  }
0x104: {  	s6 =	sadd.s32 s3, s8  }
0x105: {  	[hbm4b:s6+s22] =	stream.strided.scatter [tilespmem:s14], [sflag:$0x7], $0x1400, s23, s22, $0x38;
	[tilespmem:$0xD500] =	vst v63  }
0x106: {  	_ =	swait.ge [sflag:s25], $0x1400  }
0x107: {  	[sflag:s25] =	ssyncset.done $0x0  }
0x108: {  	[sflag:s25] =	ssyncadd.s32 $0xFFFFEC00  }
0x109: {  	_ =	swait.ge [sflag:s25], $0x1400  }
0x10a: {  	s7 =	rddreg [dreg:$0x7];
	[sflag:s25] =	ssyncset.done $0x0  }
0x10b: {  	s8 =	rddreg [dreg:$0x8];
	[sflag:s25] =	ssyncadd.s32 $0xFFFFEC00;
	s5 =	sadd.s32 s3, s7  }
0x10c: {  	[hbm4b:s5+s22] =	stream.strided.scatter [tilespmem:s15], [sflag:$0x8], $0x1400, s23, s22, $0x38;
	[tilespmem:$0xD500] =	vst v63  }
0x10d: {  	s6 =	sadd.s32 s3, s8  }
0x10e: {  	[hbm4b:s6+s22] =	stream.strided.scatter [tilespmem:s16], [sflag:$0x8], $0x1400, s23, s22, $0x38;
	[tilespmem:$0xD500] =	vst v63  }
0x10f: {  	_ =	swait.ge [sflag:s26], $0x1400  }
0x110: {  	[sflag:s26] =	ssyncset.done $0x0  }
0x111: {  	[sflag:s26] =	ssyncadd.s32 $0xFFFFEC00  }
0x112: {  	_ =	swait.ge [sflag:s26], $0x1400  }
0x113: {  	s7 =	rddreg [dreg:$0x5];
	[sflag:s26] =	ssyncset.done $0x0  }
0x114: {  	s8 =	rddreg [dreg:$0x6];
	[sflag:s26] =	ssyncadd.s32 $0xFFFFEC00;
	s5 =	sadd.s32 s3, s7  }
0x115: {  	[hbm4b:s5+s22] =	stream.strided.scatter [tilespmem:s17], [sflag:$0x9], $0x1400, s23, s22, $0x38;
	[tilespmem:$0xD500] =	vst v63  }
0x116: {  	s6 =	sadd.s32 s3, s8  }
0x117: {  	[hbm4b:s6+s22] =	stream.strided.scatter [tilespmem:s18], [sflag:$0x9], $0x1400, s23, s22, $0x38;
	[tilespmem:$0xD500] =	vst v63  }
0x118: {  	_ =	swait.ge [sflag:s28], $0x1400  }
0x119: {  	[sflag:s28] =	ssyncset.done $0x0  }
0x11a: {  	[sflag:s28] =	ssyncadd.s32 $0xFFFFEC00  }
0x11b: {  	_ =	swait.ge [sflag:s28], $0x1400  }
0x11c: {  	s7 =	rddreg [dreg:$0x3];
	[sflag:s28] =	ssyncset.done $0x0  }
0x11d: {  	s8 =	rddreg [dreg:$0x4];
	[sflag:s28] =	ssyncadd.s32 $0xFFFFEC00;
	s5 =	sadd.s32 s3, s7  }
0x11e: {  	[hbm4b:s5+s22] =	stream.strided.scatter [tilespmem:s19], [sflag:$0xA], $0x1400, s23, s22, $0x38;
	[tilespmem:$0xD500] =	vst v63  }
0x11f: {  	s7 =	sadd.s32 s3, s8  }
0x120: {  	[hbm4b:s7+s22] =	stream.strided.scatter [tilespmem:s20], [sflag:$0xA], $0x1400, s23, s22, $0x38;
	[tilespmem:$0xD500] =	vst v63  }
0x121: {  	_ =	swait.ge [sflag:s29], $0x1400  }
0x122: {  	[sflag:s29] =	ssyncset.done $0x0  }
0x123: {  	[sflag:s29] =	ssyncadd.s32 $0xFFFFEC00  }
0x124: {  	_ =	swait.ge [sflag:s29], $0x1400  }
0x125: {  	[sflag:s29] =	ssyncset.done $0x0  }
0x126: {  	[sflag:s29] =	ssyncadd.s32 $0xFFFFEC00  }
0x127: {  	_ =	swait.ge [sflag:s30], $0x1400  }
0x128: {  	[sflag:s30] =	ssyncset.done $0x0  }
0x129: {  	[sflag:s30] =	ssyncadd.s32 $0xFFFFEC00  }
0x12a: {  	_ =	swait.ge [sflag:s30], $0x1400  }
0x12b: {  	[sflag:s30] =	ssyncset.done $0x0  }
0x12c: {  	[sflag:s30] =	ssyncadd.s32 $0xFFFFEC00  }
0x12d: {  	_ =	swait.ge [sflag:s31], $0x1400  }
0x12e: {  	[sflag:s31] =	ssyncset.done $0x0  }
0x12f: {  	[sflag:s31] =	ssyncadd.s32 $0xFFFFEC00  }
0x130: {  	_ =	swait.ge [sflag:s31], $0x1400  }
0x131: {  	[sflag:s31] =	ssyncset.done $0x0  }
0x132: {  	[sflag:s31] =	ssyncadd.s32 $0xFFFFEC00  }
0x133: {  	_ =	swait.ge [sflag:s1], $0x1400  }
0x134: {  	[sflag:s1] =	ssyncset.done $0x0  }
0x135: {  	[sflag:s1] =	ssyncadd.s32 $0xFFFFEC00  }
0x136: {  	_ =	swait.ge [sflag:s1], $0x1400  }
0x137: {  	[sflag:s1] =	ssyncset.done $0x0  }
0x138: {  	[sflag:s1] =	ssyncadd.s32 $0xFFFFEC00  }
0x139: {  	_ =	swait.ge [sflag:s0], $0x1400  }
0x13a: {  	[sflag:s0] =	ssyncset.done $0x0  }
0x13b: {  	[sflag:s0] =	ssyncadd.s32 $0xFFFFEC00  }
0x13c: {  	_ =	swait.ge [sflag:s0], $0x1400  }
0x13d: {  	s9 =	sadd.s32 $0x1, s9;
	s8 =	rddreg [dreg:$0xe]  }
0x13e: {  	p0 =	sne.s32 s9, s8  }
.Ltmp1:
0x13f: {  	_ = 	snop;
	(pc) =	sbr.rel @p0 .LBB2_1-.Ltmp1, $3  }
0x140: {  	_ =	sdelay $0x1  }
0x141: {  	[sflag:s0] =	ssyncset.done $0x0  }
0x142: {  	[sflag:s0] =	ssyncadd.s32 $0xFFFFEC00  }
0x143: {  	_ =	sfence.sel $0x180000  }
0x144: {  	[bflag:$0x0] =	sbarrier.arrive $0xFFFF  }
0x145: {  	_ =	strace $0x9000004A  }
0x146: {  	s0 =	stileid.u32;
	[bflag:$0x2] =	sbarrier.arrive $0xFFFF  }
0x147: {  	p0 =	sne.s32 s0, $0x0;
	s0 =	rddreg [dreg:$0x2]  }
0x148: {  	s0 =	sadd.s32 @!p0 $0x100000, s0  }
0x149: {  	[sflag:s0] =	ssyncadd.tile.s32 @!p0 $0x1;
	_ =	shalt  }
.Lfunc_end2:
_tile_overlayer_lowered:
.L_overlay_start_2:
0x14a: {  	(tag) =	ssettag $0x2  }
0x14b: {  	s0 =	rddreg [dreg:$0x0];
	s2 =	stileid.u32  }
0x14c: {  	s1 =	rddreg [dreg:$0x1];
	p0 =	sne.s32 s2, $0x0  }
0x14d: {  	s3 =	rddreg [dreg:$0x2];
	[bflag:$0x3] =	sbarrier.arrive $0xFFFF;
	s2 =	simm.s32 @!p0 $0x1C0B  }
0x14e: {  	[timem:s3], [sflag:s2] =	dma.local @!p0 [hbm:s0], s1  }
0x14f: {  	s0 =	simm.s32 @!p0 $0xB  }
0x150: {  	_ =	swait.ge @!p0 [sflag:s0], s1  }
0x151: {  	s1 =	ssub.s32 @!p0 $0x0, s1;
	[sflag:s0] =	ssyncset.done @!p0 $0x0  }
0x152: {  	[sflag:s0] =	ssyncadd.s32 @!p0 s1  }
0x153: {  	[bflag:$0x3] =	sbarrier.arrive $0xFFFF  }
0x154: {  	_ =	shalt  }

// kernel: kernel.21.cloned.1.call-start
scs
__scs_entry_jumppad:
0x0: {  	(pc) =	sbr.rel $0x88, $3  }
0x1: {  	(tag) =	ssettag $0x0;
	lr =	simm.s32 $0x1  }
0x2: {  	[smem:$0x3F94] =	sst lr;
	_ =	strace $0xD0000000  }
0x3: {  	_ = 	snop  }
0x4: {  	_ = 	snop  }
0x5: {  	_ = 	snop  }
0x6: {  	_ = 	snop  }
0x7: {  	_ = 	snop  }
__scs_overlays_trampoline_lowered:
0x8: {  	[smem:$0x3FA3] =	sst s0  }
0x9: {  	[smem:$0x3FA4] =	sst s1  }
0xa: {  	[smem:$0x3FA5] =	sst s2  }
0xb: {  	[smem:$0x3FA6] =	sst s3  }
0xc: {  	[smem:$0x3FA7] =	sst s4  }
0xd: {  	[smem:$0x3FA8] =	sst s5  }
0xe: {  	[smem:$0x3FA9] =	sst s6  }
0xf: {  	[smem:$0x3FAA] =	sst s7  }
0x10: {  	[smem:$0x3FAB] =	sst s8  }
0x11: {  	[smem:$0x3FAC] =	sst s9;
	s0 =	simm.s32 @!p0 $0x0  }
0x12: {  	s1 =	sld [smem:$0x3F92];
	s0 =	simm.s32 @p0 $0x1  }
0x13: {  	[smem:$0x3FAD] =	sst s0;
	s0 =	simm.s32 @!p1 $0x0  }
0x14: {  	s2 =	sld [smem:$0x3F91];
	s0 =	simm.s32 @p1 $0x1  }
0x15: {  	[smem:$0x3FAE] =	sst s0;
	s0 =	simm.s32 @!p2 $0x0  }
0x16: {  	s3 =	sld [smem:$0x3FDB];
	s0 =	simm.s32 @p2 $0x1  }
0x17: {  	s4 =	simm.s32 $0x1BF5;
	[smem:$0x3FB0] =	sst s0  }
0x18: {  	s0 =	sld [smem:$0x3F93];
	_ =	swait.ge [sflag:s4], $0x0  }
0x19: {  	s7 =	sld [smem:$0x3F94]  }
0x1a: {  	s8 =	sadd.s32 $0xFFFFE003, lr  }
0x1b: {  	s9 =	sadd.s32 $0xFFFFFEF7, lr;
	s5 =	simm.s32 $0xFFFFFFFF;
	p2 =	slt.u32 s8, $0xFFFFF086  }
0x1c: {  	p1 =	slt.u32 s9, $0xF7A;
	s5 =	simm.s32 @!p2 $0x0  }
0x1d: {  	s5 =	simm.s32 @p1 $0x1;
	p0 =	seq.s32 s7, s2  }
0x1e: {  	s7 =	smul.u32 @!p0 $0xF7A, s2;
	p2 =	seq.s32 @!p0 s5, $0x0  }
0x1f: {  	s9 =	smul.u32 $0xF7A, s1;
	s8 =	simm.s32 @!p0 $0x1BF5;
	p2 =	por !p2, p0  }
0x20: {  	[sflag:s8] =	ssyncset.s32 @!p0 $0xFFFFF086;
	s6 =	sadd.s32 @!p0 s3, s7;
	s7 =	simm.s32 @!p0 $0x108  }
0x21: {  	s3 =	sadd.s32 s3, s9;
	s6 =	sadd.s32 @!p0 $0x88, s6;
	s7 =	simm.s32 @p2 $0x1082  }
0x22: {  	[simem:s7], [sflag:s8] =	dma.local @!p0 [hbm:s6], $0xF7A  }
0x23: {  	s9 =	sor.u32 $0xD0000000, s2;
	s6 =	simm.s32 $0x108;
	_ =	swait.ge @!p0 [sflag:s8], $0x0  }
0x24: {  	s3 =	sadd.s32 $0x88, s3;
	s6 =	simm.s32 @!p1 $0x1082;
	[sflag:s4] =	ssyncset.s32 $0xFFFFF086  }
0x25: {  	[simem:s6], [sflag:s4] =	dma.local [hbm:s3], $0xF7A  }
0x26: {  	[smem:$0x3F94] =	sst s1;
	(tag) =	ssettag s2;
	_ =	strace s9  }
0x27: {  	s1 =	sld [smem:$0x3FA4]  }
0x28: {  	s2 =	sld [smem:$0x3FA5]  }
0x29: {  	s4 =	sld [smem:$0x3FA7]  }
0x2a: {  	p0 =	seq.s32 s5, $0x0;
	s5 =	sld [smem:$0x3FA8]  }
0x2b: {  	s6 =	sld [smem:$0x3FA9]  }
0x2c: {  	s7 =	sld [smem:$0x3FAA]  }
0x2d: {  	s3 =	simm.s32 $0x108;
	s8 =	sld [smem:$0x3FAB]  }
0x2e: {  	s3 =	simm.s32 @!p0 $0x1082;
	s9 =	sld [smem:$0x3FAC]  }
0x2f: {  	lr =	sadd.s32 s0, s3;
	s0 =	sld [smem:$0x3FA3]  }
0x30: {  	s3 =	sld [smem:$0x3FA6]  }
0x31: {  	[smem:$0x3FAF] =	sst s10  }
0x32: {  	s10 =	sld [smem:$0x3FAD];
	_ =	sdelay $0x3  }
0x33: {  	p0 =	seq.s32 s10, $0x1;
	s10 =	sld [smem:$0x3FAF];
	_ =	sdelay $0x3  }
0x34: {  	[smem:$0x3FAF] =	sst s10  }
0x35: {  	s10 =	sld [smem:$0x3FAE];
	_ =	sdelay $0x3  }
0x36: {  	p1 =	seq.s32 s10, $0x1;
	s10 =	sld [smem:$0x3FAF];
	_ =	sdelay $0x3  }
0x37: {  	[smem:$0x3FAF] =	sst s10  }
0x38: {  	s10 =	sld [smem:$0x3FB0]  }
0x39: {  	_ = 	snop;
	(pc) =	sbr.ind lr, $3  }
0x3a: {  	_ = 	snop  }
0x3b: {  	_ = 	snop  }
0x3c: {  	p2 =	seq.s32 s10, $0x1;
	s10 =	sld [smem:$0x3FAF]  }
0x3d: {  	_ =	shalt  }
0x3e: {  	_ =	shalt  }
0x3f: {  	_ =	shalt  }
0x40: {  	_ =	shalt  }
0x41: {  	_ =	shalt  }
0x42: {  	_ =	shalt  }
0x43: {  	_ =	shalt  }
0x44: {  	_ =	shalt  }
0x45: {  	_ =	shalt  }
0x46: {  	_ =	shalt  }
0x47: {  	_ =	shalt  }
0x48: {  	_ =	shalt  }
0x49: {  	_ =	shalt  }
0x4a: {  	_ =	shalt  }
0x4b: {  	_ =	shalt  }
0x4c: {  	_ =	shalt  }
0x4d: {  	_ =	shalt  }
0x4e: {  	_ =	shalt  }
0x4f: {  	_ =	shalt  }
0x50: {  	_ =	shalt  }
0x51: {  	_ =	shalt  }
0x52: {  	_ =	shalt  }
0x53: {  	_ =	shalt  }
0x54: {  	_ =	shalt  }
0x55: {  	_ =	shalt  }
0x56: {  	_ =	shalt  }
0x57: {  	_ =	shalt  }
0x58: {  	_ =	shalt  }
0x59: {  	_ =	shalt  }
0x5a: {  	_ =	shalt  }
0x5b: {  	_ =	shalt  }
0x5c: {  	_ =	shalt  }
0x5d: {  	_ =	shalt  }
0x5e: {  	_ =	shalt  }
0x5f: {  	_ =	shalt  }
0x60: {  	_ =	shalt  }
0x61: {  	_ =	shalt  }
0x62: {  	_ =	shalt  }
0x63: {  	_ =	shalt  }
0x64: {  	_ =	shalt  }
0x65: {  	_ =	shalt  }
0x66: {  	_ =	shalt  }
0x67: {  	_ =	shalt  }
0x68: {  	_ =	shalt  }
0x69: {  	_ =	shalt  }
0x6a: {  	_ =	shalt  }
0x6b: {  	_ =	shalt  }
0x6c: {  	_ =	shalt  }
0x6d: {  	_ =	shalt  }
0x6e: {  	_ =	shalt  }
0x6f: {  	_ =	shalt  }
0x70: {  	_ =	shalt  }
0x71: {  	_ =	shalt  }
0x72: {  	_ =	shalt  }
0x73: {  	_ =	shalt  }
0x74: {  	_ =	shalt  }
0x75: {  	_ =	shalt  }
0x76: {  	_ =	shalt  }
0x77: {  	_ =	shalt  }
0x78: {  	_ =	shalt  }
0x79: {  	_ =	shalt  }
0x7a: {  	_ =	shalt  }
0x7b: {  	_ =	shalt  }
0x7c: {  	_ =	shalt  }
0x7d: {  	_ =	shalt  }
0x7e: {  	_ =	shalt  }
0x7f: {  	_ =	shalt  }
0x80: {  	_ =	shalt  }
0x81: {  	_ =	shalt  }
0x82: {  	_ =	shalt  }
0x83: {  	_ =	shalt  }
0x84: {  	_ =	shalt  }
0x85: {  	_ =	shalt  }
0x86: {  	_ =	shalt  }
0x87: {  	_ =	shalt  }
.Lfunc_end0:
.L_simem_size_0:
called_computation.3_lowered:
.L_overlay_start_0:
0x88: {  	s2 =	sld [smem:$0x3FD9]  }
0x89: {  	s3 =	sld [smem:$0x3FFE];
	_ =	sdelay $0x1  }
0x8a: {  	s1 =	srdreg.scid  }
0x8b: {  	s0 =	sand.u32 $0x1, s1  }
0x8c: {  	s15 =	sshll.u32 s0, $0xA;
	s2 =	sadd.s32 s3, s2  }
0x8d: {  	s2 =	sadd.s32 s2, s15  }
0x8e: {  	[smem:$0x3FBB] =	sst s2  }
0x8f: {  	_ = 	snop  }
0x90: {  	s2 =	sld [smem:$0x3FD0];
	_ =	sdelay $0x2  }
0x91: {  	s16 =	simm.s32 $0xC;
	s4 =	simm.s32 $0x10  }
0x92: {  	[smem:s4], [sflag:s16] =	dma.local [hbm:s2], $0x1  }
0x93: {  	_ =	swait.eq [sflag:s16], $0x1  }
0x94: {  	[sflag:s16] =	ssyncset.done $0x0  }
0x95: {  	[sflag:s16] =	ssyncadd.s32 $0xFFFFFFFF  }
0x96: {  	s17 =	sld [smem:$0x10];
	(tm) =	ssettm $0x1  }
0x97: {  	s18 =	sld [smem:$0x3FFB];
	_ =	sdelay $0x3  }
0x98: {  	_ =	strace s18  }
0x99: {  	s2 =	sld [smem:$0x3FFC];
	_ =	sdelay $0x3  }
0x9a: {  	_ =	strace s2  }
0x9b: {  	s2 =	sld [smem:$0x3FFD];
	_ =	sdelay $0x3  }
0x9c: {  	_ =	strace s2  }
0x9d: {  	_ =	strace $0x8FFFFFFF  }
0x9e: {  	s19 =	sld [smem:$0x3FDB];
	_ =	sdelay $0x1  }
0x9f: {  	s20 =	simm.s32 $_scs_section_size  }
0xa0: {  	s5 =	simm.s32 $_size__tile_overlayer_lowered;
	s6 =	simm.s32 $_tile_overlayer_lowered  }
0xa1: {  	s7 =	simm.s32 $0x1BFF;
	s21 =	sshll.u32 s6, $0x1;
	s4 =	sadd.s32 s20, s19  }
0xa2: {  	s22 =	simm.s32 $0x0;
	s5 =	sshll.u32 s5, $0x1;
	s6 =	sadd.s32 s21, s4  }
0xa3: {  	[timem:s22], [sflag:s7] =	dma.local [hbm:s6], s5  }
0xa4: {  	_ =	swait.ge [sflag:s7], s5  }
0xa5: {  	s5 =	ssub.s32 $0x0, s5;
	[sflag:s7] =	ssyncset.done $0x0  }
0xa6: {  	[sflag:s7] =	ssyncadd.s32 s5;
	_ =	sdelay $0x1  }
0xa7: {  	s23 =	simm.s32 $0x1B8B  }
0xa8: {  	_ =	swait.ge [sflag:s23], $0x1  }
0xa9: {  	[sflag:s23] =	ssyncset.done $0x0  }
0xaa: {  	[sflag:s23] =	ssyncadd.s32 $0xFFFFFFFF  }
0xab: {  	s5 =	sld [smem:$0x0]  }
0xac: {  	s6 =	sand.u32 $0xFFFFFFFE, s1  }
0xad: {  	p0 =	sne.s32 s1, s6  }
0xae: {  	s6 =	sshll.u32 @p0 s6, $0xE  }
0xaf: {  	s6 =	sadd.s32 @p0 $0x11B8D, s6;
	s7 =	sshll.u32 @p0 s5, $0x11  }
0xb0: {  	s6 =	sor.u32 @p0 s7, s6  }
0xb1: {  	[sflag:s6] =	ssyncadd.remote.s32 @p0 $0x1;
	_ =	sdelay $0x1  }
0xb2: {  	s6 =	simm.s32 @p0 $0x1B8D  }
0xb3: {  	_ =	swait.eq @p0 [sflag:s6], $0x1  }
0xb4: {  	[sflag:s6] =	ssyncadd.s32 @p0 $0xFFFFFFFF  }
0xb5: {  	s7 =	sshll.u32 @!p0 s1, $0xE  }
0xb6: {  	s7 =	sor.u32 @!p0 $0x4000, s7;
	s6 =	simm.s32 @!p0 $0x1B8D  }
0xb7: {  	s5 =	sshll.u32 @!p0 s5, $0x11;
	s7 =	sadd.s32 @!p0 $0x11B8D, s7;
	_ =	swait.eq @!p0 [sflag:s6], $0x1  }
0xb8: {  	s5 =	sor.u32 @!p0 s5, s7;
	[sflag:s6] =	ssyncadd.s32 @!p0 $0xFFFFFFFF  }
0xb9: {  	s25 =	simm.s32 $0x1B8E;
	s24 =	sld [smem:$0x3FFE];
	[sflag:s5] =	ssyncadd.remote.s32 @!p0 $0x1  }
0xba: {  	s26 =	simm.s32 $execute0_lowered;
	[smem:$0x3FD2] =	sst s25  }
0xbb: {  	s6 =	sshll.u32 s26, $0x1;
	_ =	strace $0x80000052;
	[dreg:$0x1] =	wrdreg $0xFFFFFFFF  }
0xbc: {  	s28 =	simm.s32 $_size_execute0_lowered;
	s4 =	sadd.s32 s4, s6;
	[dreg:$0x0] =	wrdreg $0x0  }
0xbd: {  	s6 =	sshll.u32 s28, $0x1;
	[dreg:$0x2] =	wrdreg s4  }
0xbe: {  	[dreg:$0x3] =	wrdreg s6  }
0xbf: {  	[dreg:$0x4] =	wrdreg $0xC0  }
0xc0: {  	_ =	task [dreg:s22], $0x5FFFF  }
0xc1: {  	[dreg:$0x1] =	wrdreg $0xFFFFFFFF  }
0xc2: {  	[dreg:$0x0] =	wrdreg $0x60  }
0xc3: {  	[dreg:$0x2] =	wrdreg s24  }
0xc4: {  	[dreg:$0x3] =	wrdreg s17  }
0xc5: {  	[dreg:$0x4] =	wrdreg $0x65000  }
0xc6: {  	[dreg:$0x5] =	wrdreg $0xB  }
0xc7: {  	_ =	task.clear_ibuf [dreg:s22], $0x6FFFF;
	_ =	strace $0x90000052  }
0xc8: {  	s29 =	simm.s32 $0xB;
	_ =	strace $0x80000054  }
0xc9: {  	_ =	swait.ge [sflag:s29], $0x1  }
0xca: {  	[sflag:s29] =	ssyncadd.s32 $0xFFFFFFFF  }
0xcb: {  	_ =	strace $0x90000054  }
0xcc: {  	_ =	sfence  }
0xcd: {  	s30 =	sld [smem:$0x0];
	_ =	sdelay $0x2  }
0xce: {  	s31 =	sshll.u32 s1, $0xD;
	s1 =	sshrl.u32 s1, $0x2  }
0xcf: {  	s4 =	sand.u32 $0x4000, s31;
	s1 =	sadd.s32 s1, s30  }
0xd0: {  	s0 =	sor.u32 s4, s0;
	s1 =	sshll.u32 s1, $0x11  }
0xd1: {  	s0 =	sor.u32 s1, s0  }
0xd2: {  	s0 =	sadd.s32 $0x8F2B, s0  }
0xd3: {  	[sflag:s0] =	ssyncadd.remote.s32 $0x1  }
0xd4: {  	_ =	sfence.sel $0xFFFF  }
0xd5: {  	[dreg:$0x0] =	wrdreg $0xFFFFFFFF;
	(pc) =	sbr.abs _section_cstart, $3  }
0xd6: {  	[dreg:$0x1] =	wrdreg $0xFFFFFFFF  }
0xd7: {  	_ =	task.clear_ibuf [dreg:s22], $0x2FFFF;
	_ =	strace $0x9FFFFFFF  }
0xd8: {  	(tm) =	ssettm $0x7FFFFFFF  }
0xd9: {  	_ =	shalt  }
tec
execute0_lowered:
.L_overlay_start_1:
0x0: {  	(tag) =	ssettag $0x1  }
0x1: {  	s5 =	rddreg [dreg:$0x0]  }
0x2: {  	s2 =	rddreg [dreg:$0x1]  }
0x3: {  	s3 =	rddreg [dreg:$0x2]  }
0x4: {  	s0 =	rddreg [dreg:$0x3];
	s4 =	simm.s32 $0x0;
	s1 =	stileid.u32  }
0x5: {  	s6 =	srdreg.scid;
	s16 =	simm.s32 $0x800;
	s17 =	simm.s32 $0x100  }
0x6: {  	s18 =	simm.s32 $0x80;
	s19 =	simm.s32 $0x3500;
	s20 =	simm.s32 $0x1  }
0x7: {  	s21 =	simm.s32 $0x68;
	s22 =	simm.s32 $0x2;
	s23 =	simm.s32 $0x60  }
0x8: {  	s24 =	simm.s32 $0x8;
	s25 =	simm.s32 $0x0;
	s7 =	smul.u32 $0x27800, s1  }
0x9: {  	[smem:$0x7FF] =	sst s4;
	s6 =	sand.u32 $0x1, s6;
	s9 =	smul.u32 $0x190, s1  }
0xa: {  	s11 =	sadd.s32 $0x797200, s5;
	s10 =	smul.u32 $0x4F000, s1;
	s29 =	sshll.u32 s1, $0x6  }
0xb: {  	s13 =	smul.u32 $0xC8000, s1;
	_ =	strace $0x80000053;
	s8 =	sshll.u32 s6, $0xA  }
0xc: {  	s6 =	ssub.s32 $0x2, s6;
	s7 =	sor.u32 s8, s7;
	s12 =	sadd.s32 s9, s5  }
0xd: {  	s26 =	sshrl.u32 s6, $0x1;
	s28 =	sshrl.u32 s10, $0x2;
	s30 =	sor.u32 s8, s13  }
0xe: {  	s7 =	sshrl.u32 s7, $0x3;
	s14 =	ssub.s32 s6, s26;
	s15 =	sadd.s32 s28, s3  }
0xf: {  	s31 =	sshrl.u32 s30, $0x3;
	s13 =	sor.u32 $0x6800, s30;
	s10 =	sadd.s32 $0x1CF400, s12  }
0x10: {  	s12 =	sadd.s32 $0x1CDA00, s12;
	s7 =	sadd.s32 s7, s5;
	s5 =	sor.u32 $0x1C03, s29  }
0x11: {  	s8 =	smax.u32 s14, $0x1;
	s9 =	sadd.s32 s31, s11;
	s13 =	sshrl.u32 s13, $0x3  }
0x12: {  	s14 =	simm.s32 $0x3;
	s6 =	sadd.s32 $0x1D4200, s7;
	s7 =	sadd.s32 $0x223200, s7  }
0x13: {  	s11 =	sadd.s32 s13, s11;
	s13 =	sshrl.u32 s15, $0x3;
	s15 =	simm.s32 $0x400  }
.LBB2_1:
0x14: {  	[spmem:s13], [sflag:s5] =	dma.local [hbm:s2], $0x2780  }
0x15: {  	_ =	swait.ge [sflag:s14], $0x2780  }
0x16: {  	[sflag:s14] =	ssyncset.done $0x0  }
0x17: {  	[sflag:s14] =	ssyncadd.s32 $0xFFFFD880  }
0x18: {  	[bflag:$0x0] =	sbarrier.arrive $0xFFFF  }
0x19: {  	[tilespmem:s4], [sflag:$0x3] =	stream.linear.gather [hbm4b:s10+s4], $0x68, $0x38;
	[tilespmem:$0x1A100] =	vst v63  }
0x1a: {  	_ =	swait.ge [sflag:s14], $0x68  }
0x1b: {  	[sflag:s14] =	ssyncset.done $0x0  }
0x1c: {  	s26 =	sadd.s32 $0x0, s9;
	[sflag:s14] =	ssyncadd.s32 $0xFFFFFF98  }
0x1d: {  	[tilespmem:s17], [sflag:$0x1] =	stream.strided.gather [hbm4b:s26+s15], $0x3400, s16, s15, $0x38;
	[tilespmem:$0x1A100] =	vst v63  }
0x1e: {  	s30 =	sadd.s32 $0xD, s10  }
0x1f: {  	[tilespmem:s18], [sflag:$0x3] =	stream.linear.gather [hbm4b:s30+s4], $0x60, $0x38;
	[tilespmem:$0x1A100] =	vst v63  }
0x20: {  	_ =	swait.ge [sflag:s14], $0x60  }
0x21: {  	[sflag:s14] =	ssyncset.done $0x0  }
0x22: {  	s31 =	sadd.s32 $0x0, s11;
	[sflag:s14] =	ssyncadd.s32 $0xFFFFFFA0  }
0x23: {  	[tilespmem:s19], [sflag:$0x2] =	stream.strided.gather [hbm4b:s31+s15], $0x3000, s16, s15, $0x38;
	[tilespmem:$0x1A100] =	vst v63  }
0x24: {  	_ =	swait.ge [sflag:s20], $0x3400  }
0x25: {  	[sflag:s20] =	ssyncset.done $0x0  }
0x26: {  	[sflag:s20] =	ssyncadd.s32 $0xFFFFCC00  }
0x27: {  	[spmem:s3] =	stream.indirect.scatter.add.f32 [tilespmem:s17], [sflag:$0x3], $0x80, s4, s21, $0xb8;
	[tilespmem:$0x1A100] =	vst v63  }
0x28: {  	_ =	swait.ge [sflag:s14], $0x3400  }
0x29: {  	[sflag:s14] =	ssyncset.done $0x0  }
0x2a: {  	[sflag:s14] =	ssyncadd.s32 $0xFFFFCC00  }
0x2b: {  	_ =	swait.ge [sflag:s22], $0x3000  }
0x2c: {  	[sflag:s22] =	ssyncset.done $0x0  }
0x2d: {  	[sflag:s22] =	ssyncadd.s32 $0xFFFFD000  }
0x2e: {  	[spmem:s3] =	stream.indirect.scatter.add.f32 [tilespmem:s19], [sflag:$0x3], $0x80, s18, s23, $0xb8;
	[tilespmem:$0x1A100] =	vst v63  }
0x2f: {  	_ =	swait.ge [sflag:s14], $0x3000  }
0x30: {  	s28 =	smov.u32 s10;
	s26 =	simm.s32 $0x1900;
	[sflag:s14] =	ssyncset.done $0x0  }
.LBB2_2:
0x31: {  	p0 =	sne.s32 s26, $0x17700;
	[sflag:s14] =	ssyncadd.s32 $0xFFFFD000;
	s28 =	sadd.s32 $0x19, s28  }
0x32: {  	[tilespmem:s4], [sflag:$0x3] =	stream.linear.gather [hbm4b:s28+s4], $0x68, $0x38;
	[tilespmem:$0x1A100] =	vst v63  }
0x33: {  	s29 =	smov.u32 s26;
	s26 =	sadd.s32 $0x1900, s26;
	_ =	swait.ge [sflag:s14], $0x68  }
0x34: {  	[sflag:s14] =	ssyncset.done $0x0  }
0x35: {  	s30 =	sadd.s32 s29, s9;
	[sflag:s14] =	ssyncadd.s32 $0xFFFFFF98  }
0x36: {  	[tilespmem:s17], [sflag:$0x1] =	stream.strided.gather [hbm4b:s30+s15], $0x3400, s16, s15, $0x38;
	[tilespmem:$0x1A100] =	vst v63  }
0x37: {  	s30 =	sadd.s32 $0xD, s28  }
0x38: {  	[tilespmem:s18], [sflag:$0x3] =	stream.linear.gather [hbm4b:s30+s4], $0x60, $0x38;
	[tilespmem:$0x1A100] =	vst v63  }
0x39: {  	_ =	swait.ge [sflag:s14], $0x60  }
0x3a: {  	[sflag:s14] =	ssyncset.done $0x0  }
0x3b: {  	s29 =	sadd.s32 s29, s11;
	[sflag:s14] =	ssyncadd.s32 $0xFFFFFFA0  }
0x3c: {  	[tilespmem:s19], [sflag:$0x2] =	stream.strided.gather [hbm4b:s29+s15], $0x3000, s16, s15, $0x38;
	[tilespmem:$0x1A100] =	vst v63  }
0x3d: {  	_ =	swait.ge [sflag:s20], $0x3400  }
0x3e: {  	[sflag:s20] =	ssyncset.done $0x0  }
0x3f: {  	[sflag:s20] =	ssyncadd.s32 $0xFFFFCC00  }
0x40: {  	[spmem:s3] =	stream.indirect.scatter.add.f32 [tilespmem:s17], [sflag:$0x3], $0x80, s4, s21, $0xb8;
	[tilespmem:$0x1A100] =	vst v63  }
0x41: {  	_ =	swait.ge [sflag:s14], $0x3400  }
0x42: {  	[sflag:s14] =	ssyncset.done $0x0  }
0x43: {  	[sflag:s14] =	ssyncadd.s32 $0xFFFFCC00  }
0x44: {  	_ =	swait.ge [sflag:s22], $0x3000  }
.Ltmp0:
0x45: {  	[sflag:s22] =	ssyncset.done $0x0;
	(pc) =	sbr.rel @p0 .LBB2_2-.Ltmp0, $4  }
0x46: {  	[sflag:s22] =	ssyncadd.s32 $0xFFFFD000  }
0x47: {  	[spmem:s3] =	stream.indirect.scatter.add.f32 [tilespmem:s19], [sflag:$0x3], $0x80, s18, s23, $0xb8;
	[tilespmem:$0x1A100] =	vst v63  }
0x48: {  	_ =	swait.ge [sflag:s14], $0x3000  }
0x49: {  	[sflag:s14] =	ssyncset.done $0x0  }
0x4a: {  	[sflag:s14] =	ssyncadd.s32 $0xFFFFD000  }
0x4b: {  	[bflag:$0x0] =	sbarrier.arrive $0xFFFF  }
0x4c: {  	[hbm:s6@s17], [sflag:s5] =	dma.strided [spmem:s13@s18], $0x2780, s24, $0x10   }
0x4d: {  	_ =	swait.ge [sflag:s14], $0x2780  }
0x4e: {  	[sflag:s14] =	ssyncset.done $0x0  }
0x4f: {  	[sflag:s14] =	ssyncadd.s32 $0xFFFFD880  }
0x50: {  	[spmem:s13], [sflag:s5] =	dma.local [hbm:s2], $0x2780  }
0x51: {  	_ =	swait.ge [sflag:s14], $0x2780  }
0x52: {  	[sflag:s14] =	ssyncset.done $0x0  }
0x53: {  	[sflag:s14] =	ssyncadd.s32 $0xFFFFD880  }
0x54: {  	[bflag:$0x0] =	sbarrier.arrive $0xFFFF  }
0x55: {  	[tilespmem:s4], [sflag:$0x3] =	stream.linear.gather [hbm4b:s12+s4], $0x68, $0x38;
	[tilespmem:$0x1A100] =	vst v63  }
0x56: {  	_ =	swait.ge [sflag:s14], $0x68  }
0x57: {  	[sflag:s14] =	ssyncset.done $0x0  }
0x58: {  	s26 =	sadd.s32 $0x0, s9;
	[sflag:s14] =	ssyncadd.s32 $0xFFFFFF98  }
0x59: {  	[tilespmem:s17], [sflag:$0x1] =	stream.strided.gather [hbm4b:s26+s15], $0x3400, s16, s15, $0x38;
	[tilespmem:$0x1A100] =	vst v63  }
0x5a: {  	s30 =	sadd.s32 $0xD, s12  }
0x5b: {  	[tilespmem:s18], [sflag:$0x3] =	stream.linear.gather [hbm4b:s30+s4], $0x60, $0x38;
	[tilespmem:$0x1A100] =	vst v63  }
0x5c: {  	_ =	swait.ge [sflag:s14], $0x60  }
0x5d: {  	[sflag:s14] =	ssyncset.done $0x0  }
0x5e: {  	s31 =	sadd.s32 $0x0, s11;
	[sflag:s14] =	ssyncadd.s32 $0xFFFFFFA0  }
0x5f: {  	[tilespmem:s19], [sflag:$0x2] =	stream.strided.gather [hbm4b:s31+s15], $0x3000, s16, s15, $0x38;
	[tilespmem:$0x1A100] =	vst v63  }
0x60: {  	_ =	swait.ge [sflag:s20], $0x3400  }
0x61: {  	[sflag:s20] =	ssyncset.done $0x0  }
0x62: {  	[sflag:s20] =	ssyncadd.s32 $0xFFFFCC00  }
0x63: {  	[spmem:s3] =	stream.indirect.scatter.add.f32 [tilespmem:s17], [sflag:$0x3], $0x80, s4, s21, $0xb8;
	[tilespmem:$0x1A100] =	vst v63  }
0x64: {  	_ =	swait.ge [sflag:s14], $0x3400  }
0x65: {  	[sflag:s14] =	ssyncset.done $0x0  }
0x66: {  	[sflag:s14] =	ssyncadd.s32 $0xFFFFCC00  }
0x67: {  	_ =	swait.ge [sflag:s22], $0x3000  }
0x68: {  	[sflag:s22] =	ssyncset.done $0x0  }
0x69: {  	[sflag:s22] =	ssyncadd.s32 $0xFFFFD000  }
0x6a: {  	[spmem:s3] =	stream.indirect.scatter.add.f32 [tilespmem:s19], [sflag:$0x3], $0x80, s18, s23, $0xb8;
	[tilespmem:$0x1A100] =	vst v63  }
0x6b: {  	_ =	swait.ge [sflag:s14], $0x3000  }
0x6c: {  	s28 =	smov.u32 s12;
	s26 =	simm.s32 $0x1900;
	[sflag:s14] =	ssyncset.done $0x0  }
.LBB2_4:
0x6d: {  	p0 =	sne.s32 s26, $0x17700;
	[sflag:s14] =	ssyncadd.s32 $0xFFFFD000;
	s28 =	sadd.s32 $0x19, s28  }
0x6e: {  	[tilespmem:s4], [sflag:$0x3] =	stream.linear.gather [hbm4b:s28+s4], $0x68, $0x38;
	[tilespmem:$0x1A100] =	vst v63  }
0x6f: {  	s29 =	smov.u32 s26;
	s26 =	sadd.s32 $0x1900, s26;
	_ =	swait.ge [sflag:s14], $0x68  }
0x70: {  	[sflag:s14] =	ssyncset.done $0x0  }
0x71: {  	s30 =	sadd.s32 s29, s9;
	[sflag:s14] =	ssyncadd.s32 $0xFFFFFF98  }
0x72: {  	[tilespmem:s17], [sflag:$0x1] =	stream.strided.gather [hbm4b:s30+s15], $0x3400, s16, s15, $0x38;
	[tilespmem:$0x1A100] =	vst v63  }
0x73: {  	s30 =	sadd.s32 $0xD, s28  }
0x74: {  	[tilespmem:s18], [sflag:$0x3] =	stream.linear.gather [hbm4b:s30+s4], $0x60, $0x38;
	[tilespmem:$0x1A100] =	vst v63  }
0x75: {  	_ =	swait.ge [sflag:s14], $0x60  }
0x76: {  	[sflag:s14] =	ssyncset.done $0x0  }
0x77: {  	s29 =	sadd.s32 s29, s11;
	[sflag:s14] =	ssyncadd.s32 $0xFFFFFFA0  }
0x78: {  	[tilespmem:s19], [sflag:$0x2] =	stream.strided.gather [hbm4b:s29+s15], $0x3000, s16, s15, $0x38;
	[tilespmem:$0x1A100] =	vst v63  }
0x79: {  	_ =	swait.ge [sflag:s20], $0x3400  }
0x7a: {  	[sflag:s20] =	ssyncset.done $0x0  }
0x7b: {  	[sflag:s20] =	ssyncadd.s32 $0xFFFFCC00  }
0x7c: {  	[spmem:s3] =	stream.indirect.scatter.add.f32 [tilespmem:s17], [sflag:$0x3], $0x80, s4, s21, $0xb8;
	[tilespmem:$0x1A100] =	vst v63  }
0x7d: {  	_ =	swait.ge [sflag:s14], $0x3400  }
0x7e: {  	[sflag:s14] =	ssyncset.done $0x0  }
0x7f: {  	[sflag:s14] =	ssyncadd.s32 $0xFFFFCC00  }
0x80: {  	_ =	swait.ge [sflag:s22], $0x3000  }
.Ltmp1:
0x81: {  	[sflag:s22] =	ssyncset.done $0x0;
	(pc) =	sbr.rel @p0 .LBB2_4-.Ltmp1, $4  }
0x82: {  	[sflag:s22] =	ssyncadd.s32 $0xFFFFD000  }
0x83: {  	[spmem:s3] =	stream.indirect.scatter.add.f32 [tilespmem:s19], [sflag:$0x3], $0x80, s18, s23, $0xb8;
	[tilespmem:$0x1A100] =	vst v63  }
0x84: {  	_ =	swait.ge [sflag:s14], $0x3000  }
0x85: {  	[sflag:s14] =	ssyncset.done $0x0  }
0x86: {  	s25 =	sadd.s32 $0x1, s25  }
0x87: {  	[sflag:s14] =	ssyncadd.s32 $0xFFFFD000;
	p0 =	sne.s32 s25, s8  }
.Ltmp2:
0x88: {  	[bflag:$0x0] =	sbarrier.arrive $0xFFFF;
	(pc) =	sbr.rel @p0 .LBB2_1-.Ltmp2, $4  }
0x89: {  	[hbm:s7@s17], [sflag:s5] =	dma.strided [spmem:s13@s18], $0x2780, s24, $0x10   }
0x8a: {  	_ =	swait.ge [sflag:s14], $0x2780  }
0x8b: {  	[sflag:s14] =	ssyncset.done $0x0  }
0x8c: {  	[sflag:s14] =	ssyncadd.s32 $0xFFFFD880  }
0x8d: {  	_ =	sfence.sel $0x180000  }
0x8e: {  	[bflag:$0x0] =	sbarrier.arrive $0xFFFF  }
0x8f: {  	p0 =	sne.s32 s1, $0x0;
	_ =	strace $0x90000053  }
0x90: {  	s0 =	sadd.s32 @!p0 $0x100000, s0;
	[bflag:$0x2] =	sbarrier.arrive $0xFFFF  }
0x91: {  	[sflag:s0] =	ssyncadd.tile.s32 @!p0 $0x1;
	_ =	shalt  }
.Lfunc_end2:
_tile_overlayer_lowered:
.L_overlay_start_2:
0x92: {  	(tag) =	ssettag $0x2  }
0x93: {  	s0 =	rddreg [dreg:$0x0];
	s2 =	stileid.u32  }
0x94: {  	s1 =	rddreg [dreg:$0x1];
	p0 =	sne.s32 s2, $0x0  }
0x95: {  	s3 =	rddreg [dreg:$0x2];
	[bflag:$0x3] =	sbarrier.arrive $0xFFFF;
	s2 =	simm.s32 @!p0 $0x1C03  }
0x96: {  	[timem:s3], [sflag:s2] =	dma.local @!p0 [hbm:s0], s1  }
0x97: {  	s0 =	simm.s32 @!p0 $0x3  }
0x98: {  	_ =	swait.ge @!p0 [sflag:s0], s1  }
0x99: {  	s1 =	ssub.s32 @!p0 $0x0, s1;
	[sflag:s0] =	ssyncset.done @!p0 $0x0  }
0x9a: {  	[sflag:s0] =	ssyncadd.s32 @!p0 s1  }
0x9b: {  	[bflag:$0x3] =	sbarrier.arrive $0xFFFF  }
0x9c: {  	_ =	shalt  }

// kernel: kernel.24.cloned.1.call-start
scs
__scs_entry_jumppad:
0x0: {  	(pc) =	sbr.rel $0x88, $3  }
0x1: {  	(tag) =	ssettag $0x0;
	lr =	simm.s32 $0x1  }
0x2: {  	[smem:$0x3F94] =	sst lr;
	_ =	strace $0xD0000000  }
0x3: {  	_ = 	snop  }
0x4: {  	_ = 	snop  }
0x5: {  	_ = 	snop  }
0x6: {  	_ = 	snop  }
0x7: {  	_ = 	snop  }
__scs_overlays_trampoline_lowered:
0x8: {  	[smem:$0x3FA3] =	sst s0  }
0x9: {  	[smem:$0x3FA4] =	sst s1  }
0xa: {  	[smem:$0x3FA5] =	sst s2  }
0xb: {  	[smem:$0x3FA6] =	sst s3  }
0xc: {  	[smem:$0x3FA7] =	sst s4  }
0xd: {  	[smem:$0x3FA8] =	sst s5  }
0xe: {  	[smem:$0x3FA9] =	sst s6  }
0xf: {  	[smem:$0x3FAA] =	sst s7  }
0x10: {  	[smem:$0x3FAB] =	sst s8  }
0x11: {  	[smem:$0x3FAC] =	sst s9;
	s0 =	simm.s32 @!p0 $0x0  }
0x12: {  	s1 =	sld [smem:$0x3F92];
	s0 =	simm.s32 @p0 $0x1  }
0x13: {  	[smem:$0x3FAD] =	sst s0;
	s0 =	simm.s32 @!p1 $0x0  }
0x14: {  	s2 =	sld [smem:$0x3F91];
	s0 =	simm.s32 @p1 $0x1  }
0x15: {  	[smem:$0x3FAE] =	sst s0;
	s0 =	simm.s32 @!p2 $0x0  }
0x16: {  	s3 =	sld [smem:$0x3FDB];
	s0 =	simm.s32 @p2 $0x1  }
0x17: {  	s4 =	simm.s32 $0x1BF5;
	[smem:$0x3FB0] =	sst s0  }
0x18: {  	s0 =	sld [smem:$0x3F93];
	_ =	swait.ge [sflag:s4], $0x0  }
0x19: {  	s7 =	sld [smem:$0x3F94]  }
0x1a: {  	s8 =	sadd.s32 $0xFFFFE003, lr  }
0x1b: {  	s9 =	sadd.s32 $0xFFFFFEF7, lr;
	s5 =	simm.s32 $0xFFFFFFFF;
	p2 =	slt.u32 s8, $0xFFFFF086  }
0x1c: {  	p1 =	slt.u32 s9, $0xF7A;
	s5 =	simm.s32 @!p2 $0x0  }
0x1d: {  	s5 =	simm.s32 @p1 $0x1;
	p0 =	seq.s32 s7, s2  }
0x1e: {  	s7 =	smul.u32 @!p0 $0xF7A, s2;
	p2 =	seq.s32 @!p0 s5, $0x0  }
0x1f: {  	s9 =	smul.u32 $0xF7A, s1;
	s8 =	simm.s32 @!p0 $0x1BF5;
	p2 =	por !p2, p0  }
0x20: {  	[sflag:s8] =	ssyncset.s32 @!p0 $0xFFFFF086;
	s6 =	sadd.s32 @!p0 s3, s7;
	s7 =	simm.s32 @!p0 $0x108  }
0x21: {  	s3 =	sadd.s32 s3, s9;
	s6 =	sadd.s32 @!p0 $0x88, s6;
	s7 =	simm.s32 @p2 $0x1082  }
0x22: {  	[simem:s7], [sflag:s8] =	dma.local @!p0 [hbm:s6], $0xF7A  }
0x23: {  	s9 =	sor.u32 $0xD0000000, s2;
	s6 =	simm.s32 $0x108;
	_ =	swait.ge @!p0 [sflag:s8], $0x0  }
0x24: {  	s3 =	sadd.s32 $0x88, s3;
	s6 =	simm.s32 @!p1 $0x1082;
	[sflag:s4] =	ssyncset.s32 $0xFFFFF086  }
0x25: {  	[simem:s6], [sflag:s4] =	dma.local [hbm:s3], $0xF7A  }
0x26: {  	[smem:$0x3F94] =	sst s1;
	(tag) =	ssettag s2;
	_ =	strace s9  }
0x27: {  	s1 =	sld [smem:$0x3FA4]  }
0x28: {  	s2 =	sld [smem:$0x3FA5]  }
0x29: {  	s4 =	sld [smem:$0x3FA7]  }
0x2a: {  	p0 =	seq.s32 s5, $0x0;
	s5 =	sld [smem:$0x3FA8]  }
0x2b: {  	s6 =	sld [smem:$0x3FA9]  }
0x2c: {  	s7 =	sld [smem:$0x3FAA]  }
0x2d: {  	s3 =	simm.s32 $0x108;
	s8 =	sld [smem:$0x3FAB]  }
0x2e: {  	s3 =	simm.s32 @!p0 $0x1082;
	s9 =	sld [smem:$0x3FAC]  }
0x2f: {  	lr =	sadd.s32 s0, s3;
	s0 =	sld [smem:$0x3FA3]  }
0x30: {  	s3 =	sld [smem:$0x3FA6]  }
0x31: {  	[smem:$0x3FAF] =	sst s10  }
0x32: {  	s10 =	sld [smem:$0x3FAD];
	_ =	sdelay $0x3  }
0x33: {  	p0 =	seq.s32 s10, $0x1;
	s10 =	sld [smem:$0x3FAF];
	_ =	sdelay $0x3  }
0x34: {  	[smem:$0x3FAF] =	sst s10  }
0x35: {  	s10 =	sld [smem:$0x3FAE];
	_ =	sdelay $0x3  }
0x36: {  	p1 =	seq.s32 s10, $0x1;
	s10 =	sld [smem:$0x3FAF];
	_ =	sdelay $0x3  }
0x37: {  	[smem:$0x3FAF] =	sst s10  }
0x38: {  	s10 =	sld [smem:$0x3FB0]  }
0x39: {  	_ = 	snop;
	(pc) =	sbr.ind lr, $3  }
0x3a: {  	_ = 	snop  }
0x3b: {  	_ = 	snop  }
0x3c: {  	p2 =	seq.s32 s10, $0x1;
	s10 =	sld [smem:$0x3FAF]  }
0x3d: {  	_ =	shalt  }
0x3e: {  	_ =	shalt  }
0x3f: {  	_ =	shalt  }
0x40: {  	_ =	shalt  }
0x41: {  	_ =	shalt  }
0x42: {  	_ =	shalt  }
0x43: {  	_ =	shalt  }
0x44: {  	_ =	shalt  }
0x45: {  	_ =	shalt  }
0x46: {  	_ =	shalt  }
0x47: {  	_ =	shalt  }
0x48: {  	_ =	shalt  }
0x49: {  	_ =	shalt  }
0x4a: {  	_ =	shalt  }
0x4b: {  	_ =	shalt  }
0x4c: {  	_ =	shalt  }
0x4d: {  	_ =	shalt  }
0x4e: {  	_ =	shalt  }
0x4f: {  	_ =	shalt  }
0x50: {  	_ =	shalt  }
0x51: {  	_ =	shalt  }
0x52: {  	_ =	shalt  }
0x53: {  	_ =	shalt  }
0x54: {  	_ =	shalt  }
0x55: {  	_ =	shalt  }
0x56: {  	_ =	shalt  }
0x57: {  	_ =	shalt  }
0x58: {  	_ =	shalt  }
0x59: {  	_ =	shalt  }
0x5a: {  	_ =	shalt  }
0x5b: {  	_ =	shalt  }
0x5c: {  	_ =	shalt  }
0x5d: {  	_ =	shalt  }
0x5e: {  	_ =	shalt  }
0x5f: {  	_ =	shalt  }
0x60: {  	_ =	shalt  }
0x61: {  	_ =	shalt  }
0x62: {  	_ =	shalt  }
0x63: {  	_ =	shalt  }
0x64: {  	_ =	shalt  }
0x65: {  	_ =	shalt  }
0x66: {  	_ =	shalt  }
0x67: {  	_ =	shalt  }
0x68: {  	_ =	shalt  }
0x69: {  	_ =	shalt  }
0x6a: {  	_ =	shalt  }
0x6b: {  	_ =	shalt  }
0x6c: {  	_ =	shalt  }
0x6d: {  	_ =	shalt  }
0x6e: {  	_ =	shalt  }
0x6f: {  	_ =	shalt  }
0x70: {  	_ =	shalt  }
0x71: {  	_ =	shalt  }
0x72: {  	_ =	shalt  }
0x73: {  	_ =	shalt  }
0x74: {  	_ =	shalt  }
0x75: {  	_ =	shalt  }
0x76: {  	_ =	shalt  }
0x77: {  	_ =	shalt  }
0x78: {  	_ =	shalt  }
0x79: {  	_ =	shalt  }
0x7a: {  	_ =	shalt  }
0x7b: {  	_ =	shalt  }
0x7c: {  	_ =	shalt  }
0x7d: {  	_ =	shalt  }
0x7e: {  	_ =	shalt  }
0x7f: {  	_ =	shalt  }
0x80: {  	_ =	shalt  }
0x81: {  	_ =	shalt  }
0x82: {  	_ =	shalt  }
0x83: {  	_ =	shalt  }
0x84: {  	_ =	shalt  }
0x85: {  	_ =	shalt  }
0x86: {  	_ =	shalt  }
0x87: {  	_ =	shalt  }
.Lfunc_end0:
.L_simem_size_0:
called_computation.4_lowered:
.L_overlay_start_0:
0x88: {  	s2 =	sld [smem:$0x3FD9]  }
0x89: {  	s3 =	sld [smem:$0x3FFE];
	_ =	sdelay $0x1  }
0x8a: {  	s1 =	srdreg.scid  }
0x8b: {  	s0 =	sand.u32 $0x1, s1  }
0x8c: {  	s15 =	sshll.u32 s0, $0xA;
	s2 =	sadd.s32 s3, s2  }
0x8d: {  	s2 =	sadd.s32 s2, s15  }
0x8e: {  	[smem:$0x3FBB] =	sst s2  }
0x8f: {  	_ = 	snop  }
0x90: {  	s2 =	sld [smem:$0x3FD0];
	_ =	sdelay $0x2  }
0x91: {  	s16 =	simm.s32 $0xC;
	s4 =	simm.s32 $0x10  }
0x92: {  	[smem:s4], [sflag:s16] =	dma.local [hbm:s2], $0x1  }
0x93: {  	_ =	swait.eq [sflag:s16], $0x1  }
0x94: {  	[sflag:s16] =	ssyncset.done $0x0  }
0x95: {  	[sflag:s16] =	ssyncadd.s32 $0xFFFFFFFF  }
0x96: {  	s17 =	sld [smem:$0x11];
	(tm) =	ssettm $0x1  }
0x97: {  	s18 =	sld [smem:$0x3FFB];
	_ =	sdelay $0x3  }
0x98: {  	_ =	strace s18  }
0x99: {  	s2 =	sld [smem:$0x3FFC];
	_ =	sdelay $0x3  }
0x9a: {  	_ =	strace s2  }
0x9b: {  	s2 =	sld [smem:$0x3FFD];
	_ =	sdelay $0x3  }
0x9c: {  	_ =	strace s2  }
0x9d: {  	_ =	strace $0x8FFFFFFF  }
0x9e: {  	s19 =	sld [smem:$0x3FDB];
	_ =	sdelay $0x1  }
0x9f: {  	s20 =	simm.s32 $_scs_section_size  }
0xa0: {  	s5 =	simm.s32 $_size__tile_overlayer_lowered;
	s6 =	simm.s32 $_tile_overlayer_lowered  }
0xa1: {  	s7 =	simm.s32 $0x1BFF;
	s21 =	sshll.u32 s6, $0x1;
	s4 =	sadd.s32 s20, s19  }
0xa2: {  	s22 =	simm.s32 $0x0;
	s5 =	sshll.u32 s5, $0x1;
	s6 =	sadd.s32 s21, s4  }
0xa3: {  	[timem:s22], [sflag:s7] =	dma.local [hbm:s6], s5  }
0xa4: {  	_ =	swait.ge [sflag:s7], s5  }
0xa5: {  	s5 =	ssub.s32 $0x0, s5;
	[sflag:s7] =	ssyncset.done $0x0  }
0xa6: {  	[sflag:s7] =	ssyncadd.s32 s5;
	_ =	sdelay $0x1  }
0xa7: {  	s23 =	simm.s32 $0x1B8B  }
0xa8: {  	_ =	swait.ge [sflag:s23], $0x1  }
0xa9: {  	[sflag:s23] =	ssyncset.done $0x0  }
0xaa: {  	[sflag:s23] =	ssyncadd.s32 $0xFFFFFFFF  }
0xab: {  	s5 =	sld [smem:$0x0]  }
0xac: {  	s6 =	sand.u32 $0xFFFFFFFE, s1  }
0xad: {  	p0 =	sne.s32 s1, s6  }
0xae: {  	s6 =	sshll.u32 @p0 s6, $0xE  }
0xaf: {  	s6 =	sadd.s32 @p0 $0x11B8D, s6;
	s7 =	sshll.u32 @p0 s5, $0x11  }
0xb0: {  	s6 =	sor.u32 @p0 s7, s6  }
0xb1: {  	[sflag:s6] =	ssyncadd.remote.s32 @p0 $0x1;
	_ =	sdelay $0x1  }
0xb2: {  	s6 =	simm.s32 @p0 $0x1B8D  }
0xb3: {  	_ =	swait.eq @p0 [sflag:s6], $0x1  }
0xb4: {  	[sflag:s6] =	ssyncadd.s32 @p0 $0xFFFFFFFF  }
0xb5: {  	s7 =	sshll.u32 @!p0 s1, $0xE  }
0xb6: {  	s7 =	sor.u32 @!p0 $0x4000, s7;
	s6 =	simm.s32 @!p0 $0x1B8D  }
0xb7: {  	s5 =	sshll.u32 @!p0 s5, $0x11;
	s7 =	sadd.s32 @!p0 $0x11B8D, s7;
	_ =	swait.eq @!p0 [sflag:s6], $0x1  }
0xb8: {  	s5 =	sor.u32 @!p0 s5, s7;
	[sflag:s6] =	ssyncadd.s32 @!p0 $0xFFFFFFFF  }
0xb9: {  	s25 =	simm.s32 $0x1B8E;
	s24 =	sld [smem:$0x3FFE];
	[sflag:s5] =	ssyncadd.remote.s32 @!p0 $0x1  }
0xba: {  	s26 =	simm.s32 $execute0_lowered;
	[smem:$0x3FD2] =	sst s25  }
0xbb: {  	s6 =	sshll.u32 s26, $0x1;
	_ =	strace $0x8000004C;
	[dreg:$0x1] =	wrdreg $0xFFFFFFFF  }
0xbc: {  	s28 =	simm.s32 $_size_execute0_lowered;
	s4 =	sadd.s32 s4, s6;
	[dreg:$0x0] =	wrdreg $0x0  }
0xbd: {  	s6 =	sshll.u32 s28, $0x1;
	[dreg:$0x2] =	wrdreg s4  }
0xbe: {  	[dreg:$0x3] =	wrdreg s6  }
0xbf: {  	[dreg:$0x4] =	wrdreg $0xC0  }
0xc0: {  	_ =	task [dreg:s22], $0x5FFFF  }
0xc1: {  	[dreg:$0x1] =	wrdreg $0xFFFFFFFF  }
0xc2: {  	[dreg:$0x0] =	wrdreg $0x60  }
0xc3: {  	[dreg:$0x2] =	wrdreg s17  }
0xc4: {  	[dreg:$0x3] =	wrdreg s24  }
0xc5: {  	[dreg:$0x4] =	wrdreg $0xA  }
0xc6: {  	_ =	task.clear_ibuf [dreg:s22], $0x5FFFF;
	_ =	strace $0x9000004C  }
0xc7: {  	s29 =	simm.s32 $0xA;
	_ =	strace $0x8000004E  }
0xc8: {  	_ =	swait.ge [sflag:s29], $0x1  }
0xc9: {  	[sflag:s29] =	ssyncadd.s32 $0xFFFFFFFF  }
0xca: {  	_ =	strace $0x9000004E  }
0xcb: {  	_ =	sfence  }
0xcc: {  	s30 =	sld [smem:$0x0];
	_ =	sdelay $0x2  }
0xcd: {  	s31 =	sshll.u32 s1, $0xD;
	s1 =	sshrl.u32 s1, $0x2  }
0xce: {  	s4 =	sand.u32 $0x4000, s31;
	s1 =	sadd.s32 s1, s30  }
0xcf: {  	s0 =	sor.u32 s4, s0;
	s1 =	sshll.u32 s1, $0x11  }
0xd0: {  	s0 =	sor.u32 s1, s0  }
0xd1: {  	s0 =	sadd.s32 $0x8F2B, s0  }
0xd2: {  	[sflag:s0] =	ssyncadd.remote.s32 $0x1  }
0xd3: {  	_ =	sfence.sel $0xFFFF  }
0xd4: {  	[dreg:$0x0] =	wrdreg $0xFFFFFFFF;
	(pc) =	sbr.abs _section_cstart, $3  }
0xd5: {  	[dreg:$0x1] =	wrdreg $0xFFFFFFFF  }
0xd6: {  	_ =	task.clear_ibuf [dreg:s22], $0x2FFFF;
	_ =	strace $0x9FFFFFFF  }
0xd7: {  	(tm) =	ssettm $0x7FFFFFFF  }
tec
execute0_lowered:
.L_overlay_start_1:
0x0: {  	(tag) =	ssettag $0x1  }
0x1: {  	s0 =	srdreg.scid  }
0x2: {  	s8 =	stileid.u32;
	s2 =	rddreg [dreg:$0x0]  }
0x3: {  	s3 =	rddreg [dreg:$0x1];
	s5 =	simm.s32 $0x0;
	s10 =	simm.s32 $0x28  }
0x4: {  	s28 =	simm.s32 $0x5;
	s29 =	simm.s32 $0x6;
	s4 =	smul.u32 $0xC8000, s8  }
0x5: {  	s30 =	simm.s32 $0x7;
	s0 =	sand.u32 $0x1, s0;
	s25 =	smul.u32 $0x19000, s8  }
0x6: {  	s1 =	sshll.u32 s8, $0x1;
	[smem:$0x7FF] =	sst s5;
	s11 =	smul.u32 $0x64000, s0  }
0x7: {  	s1 =	sor.u32 s0, s1;
	s6 =	ssub.s32 $0x2, s0;
	s0 =	smul.u32 $0xC800, s0  }
0x8: {  	s31 =	simm.s32 $0x8;
	_ =	strace $0x8000004D;
	s1 =	smul.u32 $0x640, s1  }
0x9: {  	s12 =	sshrl.u32 s6, $0x1;
	s5 =	sadd.s32 s11, s4;
	s4 =	sadd.s32 $0x364200, s3  }
0xa: {  	s0 =	sadd.s32 s0, s25;
	s11 =	simm.s32 $0xD00;
	s25 =	simm.s32 $0x3  }
0xb: {  	s1 =	sshrl.u32 s1, $0x3;
	s7 =	sadd.s32 $0xA000, s5;
	s14 =	sadd.s32 $0xA400, s5  }
0xc: {  	s16 =	sadd.s32 $0x7800, s5;
	s18 =	sadd.s32 $0x7C00, s5;
	s20 =	sadd.s32 $0x5000, s5  }
0xd: {  	s22 =	sadd.s32 $0x5400, s5;
	s24 =	sor.u32 $0x2C00, s5;
	s5 =	sor.u32 $0x2800, s5  }
0xe: {  	[dreg:$0xb] =	wrdreg s0;
	s0 =	simm.s32 $0xA;
	s1 =	sadd.s32 s1, s3  }
0xf: {  	s3 =	ssub.s32 s6, s12;
	s13 =	sshrl.u32 s7, $0x3;
	s15 =	sshrl.u32 s14, $0x3  }
0x10: {  	s17 =	sshrl.u32 s16, $0x3;
	s19 =	sshrl.u32 s18, $0x3;
	[dreg:$0x3] =	wrdreg s13  }
0x11: {  	s21 =	sshrl.u32 s20, $0x3;
	s23 =	sshrl.u32 s22, $0x3;
	[dreg:$0x4] =	wrdreg s15  }
0x12: {  	s6 =	sshrl.u32 s24, $0x3;
	s26 =	sshrl.u32 s5, $0x3;
	[dreg:$0x5] =	wrdreg s17  }
0x13: {  	s12 =	simm.s32 $0x7100;
	s14 =	simm.s32 $0x8500;
	[dreg:$0x6] =	wrdreg s19  }
0x14: {  	s16 =	simm.s32 $0x9900;
	s18 =	simm.s32 $0xAD00;
	[dreg:$0x7] =	wrdreg s21  }
0x15: {  	s20 =	simm.s32 $0xC100;
	s22 =	simm.s32 $0x400;
	[dreg:$0x8] =	wrdreg s23  }
0x16: {  	s24 =	simm.s32 $0x2;
	s9 =	sadd.s32 $0x1D2800, s1;
	[dreg:$0x9] =	wrdreg s6  }
0x17: {  	s1 =	sadd.s32 $0x1D0E00, s1;
	s3 =	smax.u32 s3, $0x1;
	[dreg:$0xa] =	wrdreg s26  }
0x18: {  	s13 =	simm.s32 $0x2100;
	s15 =	simm.s32 $0x3500;
	s17 =	simm.s32 $0x4900  }
0x19: {  	s19 =	simm.s32 $0x5D00;
	s21 =	simm.s32 $0x1;
	[dreg:$0xc] =	wrdreg s9  }
0x1a: {  	s23 =	simm.s32 $0x800;
	s26 =	simm.s32 $0x4;
	[dreg:$0xd] =	wrdreg s1  }
0x1b: {  	[dreg:$0xe] =	wrdreg s3;
	s1 =	simm.s32 $0x9;
	s9 =	simm.s32 $0x0  }
.LBB2_1:
0x1c: {  	s3 =	simm.s32 $0x0;
	s5 =	rddreg [dreg:$0xc];
	s6 =	simm.s32 $0xB  }
0x1d: {  	[tilespmem:s3], [sflag:$0xB] =	stream.linear.gather [hbm4b:s5+s3], $0x640, $0x38;
	[tilespmem:$0xD500] =	vst v63  }
0x1e: {  	_ =	swait.ge [sflag:s6], $0x640  }
0x1f: {  	[sflag:s6] =	ssyncset.done $0x0  }
0x20: {  	s7 =	simm.s32 $0x680;
	s8 =	rddreg [dreg:$0xd];
	[sflag:s6] =	ssyncadd.s32 $0xFFFFF9C0  }
0x21: {  	[tilespmem:s7], [sflag:$0xB] =	stream.linear.gather [hbm4b:s8+s3], $0x640, $0x38;
	[tilespmem:$0xD500] =	vst v63  }
0x22: {  	_ =	swait.ge [sflag:s6], $0x640  }
0x23: {  	[sflag:s6] =	ssyncset.done $0x0  }
0x24: {  	s8 =	simm.s32 $0x0;
	[sflag:s6] =	ssyncadd.s32 $0xFFFFF9C0  }
0x25: {  	[tilespmem:s11], [sflag:$0x1] =	stream.indirect.gather [hbm4b:s2+s10], $0x80, s8, s10, $0xb8;
	[tilespmem:$0xD500] =	vst v63  }
0x26: {  	s5 =	simm.s32 $0x680  }
0x27: {  	[tilespmem:s12], [sflag:$0x1] =	stream.indirect.gather [hbm4b:s2+s10], $0x80, s5, s10, $0xb8;
	[tilespmem:$0xD500] =	vst v63  }
0x28: {  	s6 =	simm.s32 $0x28  }
0x29: {  	[tilespmem:s13], [sflag:$0x2] =	stream.indirect.gather [hbm4b:s2+s10], $0x80, s6, s10, $0xb8;
	[tilespmem:$0xD500] =	vst v63  }
0x2a: {  	s7 =	simm.s32 $0x6A8  }
0x2b: {  	[tilespmem:s14], [sflag:$0x2] =	stream.indirect.gather [hbm4b:s2+s10], $0x80, s7, s10, $0xb8;
	[tilespmem:$0xD500] =	vst v63  }
0x2c: {  	s8 =	simm.s32 $0x50  }
0x2d: {  	[tilespmem:s15], [sflag:$0x3] =	stream.indirect.gather [hbm4b:s2+s10], $0x80, s8, s10, $0xb8;
	[tilespmem:$0xD500] =	vst v63  }
0x2e: {  	s5 =	simm.s32 $0x6D0  }
0x2f: {  	[tilespmem:s16], [sflag:$0x3] =	stream.indirect.gather [hbm4b:s2+s10], $0x80, s5, s10, $0xb8;
	[tilespmem:$0xD500] =	vst v63  }
0x30: {  	s6 =	simm.s32 $0x78  }
0x31: {  	[tilespmem:s17], [sflag:$0x4] =	stream.indirect.gather [hbm4b:s2+s10], $0x80, s6, s10, $0xb8;
	[tilespmem:$0xD500] =	vst v63  }
0x32: {  	s7 =	simm.s32 $0x6F8  }
0x33: {  	[tilespmem:s18], [sflag:$0x4] =	stream.indirect.gather [hbm4b:s2+s10], $0x80, s7, s10, $0xb8;
	[tilespmem:$0xD500] =	vst v63  }
0x34: {  	s8 =	simm.s32 $0xA0  }
0x35: {  	[tilespmem:s19], [sflag:$0x5] =	stream.indirect.gather [hbm4b:s2+s10], $0x80, s8, s10, $0xb8;
	[tilespmem:$0xD500] =	vst v63  }
0x36: {  	s5 =	simm.s32 $0x720  }
0x37: {  	[tilespmem:s20], [sflag:$0x5] =	stream.indirect.gather [hbm4b:s2+s10], $0x80, s5, s10, $0xb8;
	[tilespmem:$0xD500] =	vst v63  }
0x38: {  	_ =	swait.ge [sflag:s21], $0x1400  }
0x39: {  	[sflag:s21] =	ssyncset.done $0x0  }
0x3a: {  	[sflag:s21] =	ssyncadd.s32 $0xFFFFEC00  }
0x3b: {  	_ =	swait.ge [sflag:s21], $0x1400  }
0x3c: {  	s6 =	rddreg [dreg:$0xb];
	[sflag:s21] =	ssyncset.done $0x0  }
0x3d: {  	[sflag:s21] =	ssyncadd.s32 $0xFFFFEC00;
	s3 =	sadd.s32 s4, s6  }
0x3e: {  	[hbm4b:s3+s22] =	stream.strided.scatter [tilespmem:s11], [sflag:$0x6], $0x1400, s23, s22, $0x38;
	[tilespmem:$0xD500] =	vst v63  }
0x3f: {  	s3 =	sadd.s32 $0x80, s3  }
0x40: {  	[hbm4b:s3+s22] =	stream.strided.scatter [tilespmem:s12], [sflag:$0x6], $0x1400, s23, s22, $0x38;
	[tilespmem:$0xD500] =	vst v63  }
0x41: {  	_ =	swait.ge [sflag:s24], $0x1400  }
0x42: {  	[sflag:s24] =	ssyncset.done $0x0  }
0x43: {  	[sflag:s24] =	ssyncadd.s32 $0xFFFFEC00  }
0x44: {  	_ =	swait.ge [sflag:s24], $0x1400  }
0x45: {  	s7 =	rddreg [dreg:$0xa];
	[sflag:s24] =	ssyncset.done $0x0  }
0x46: {  	s8 =	rddreg [dreg:$0x9];
	[sflag:s24] =	ssyncadd.s32 $0xFFFFEC00;
	s3 =	sadd.s32 s4, s7  }
0x47: {  	[hbm4b:s3+s22] =	stream.strided.scatter [tilespmem:s13], [sflag:$0x7], $0x1400, s23, s22, $0x38;
	[tilespmem:$0xD500] =	vst v63  }
0x48: {  	s6 =	sadd.s32 s4, s8  }
0x49: {  	[hbm4b:s6+s22] =	stream.strided.scatter [tilespmem:s14], [sflag:$0x7], $0x1400, s23, s22, $0x38;
	[tilespmem:$0xD500] =	vst v63  }
0x4a: {  	_ =	swait.ge [sflag:s25], $0x1400  }
0x4b: {  	[sflag:s25] =	ssyncset.done $0x0  }
0x4c: {  	[sflag:s25] =	ssyncadd.s32 $0xFFFFEC00  }
0x4d: {  	_ =	swait.ge [sflag:s25], $0x1400  }
0x4e: {  	s7 =	rddreg [dreg:$0x7];
	[sflag:s25] =	ssyncset.done $0x0  }
0x4f: {  	s8 =	rddreg [dreg:$0x8];
	[sflag:s25] =	ssyncadd.s32 $0xFFFFEC00;
	s3 =	sadd.s32 s4, s7  }
0x50: {  	[hbm4b:s3+s22] =	stream.strided.scatter [tilespmem:s15], [sflag:$0x8], $0x1400, s23, s22, $0x38;
	[tilespmem:$0xD500] =	vst v63  }
0x51: {  	s6 =	sadd.s32 s4, s8  }
0x52: {  	[hbm4b:s6+s22] =	stream.strided.scatter [tilespmem:s16], [sflag:$0x8], $0x1400, s23, s22, $0x38;
	[tilespmem:$0xD500] =	vst v63  }
0x53: {  	_ =	swait.ge [sflag:s26], $0x1400  }
0x54: {  	[sflag:s26] =	ssyncset.done $0x0  }
0x55: {  	[sflag:s26] =	ssyncadd.s32 $0xFFFFEC00  }
0x56: {  	_ =	swait.ge [sflag:s26], $0x1400  }
0x57: {  	s7 =	rddreg [dreg:$0x5];
	[sflag:s26] =	ssyncset.done $0x0  }
0x58: {  	s8 =	rddreg [dreg:$0x6];
	[sflag:s26] =	ssyncadd.s32 $0xFFFFEC00;
	s3 =	sadd.s32 s4, s7  }
0x59: {  	[hbm4b:s3+s22] =	stream.strided.scatter [tilespmem:s17], [sflag:$0x9], $0x1400, s23, s22, $0x38;
	[tilespmem:$0xD500] =	vst v63  }
0x5a: {  	s5 =	sadd.s32 s4, s8  }
0x5b: {  	[hbm4b:s5+s22] =	stream.strided.scatter [tilespmem:s18], [sflag:$0x9], $0x1400, s23, s22, $0x38;
	[tilespmem:$0xD500] =	vst v63  }
0x5c: {  	_ =	swait.ge [sflag:s28], $0x1400  }
0x5d: {  	[sflag:s28] =	ssyncset.done $0x0  }
0x5e: {  	[sflag:s28] =	ssyncadd.s32 $0xFFFFEC00  }
0x5f: {  	_ =	swait.ge [sflag:s28], $0x1400  }
0x60: {  	s6 =	rddreg [dreg:$0x3];
	[sflag:s28] =	ssyncset.done $0x0  }
0x61: {  	s7 =	rddreg [dreg:$0x4];
	[sflag:s28] =	ssyncadd.s32 $0xFFFFEC00;
	s3 =	sadd.s32 s4, s6  }
0x62: {  	[hbm4b:s3+s22] =	stream.strided.scatter [tilespmem:s19], [sflag:$0xA], $0x1400, s23, s22, $0x38;
	[tilespmem:$0xD500] =	vst v63  }
0x63: {  	s8 =	sadd.s32 s4, s7  }
0x64: {  	[hbm4b:s8+s22] =	stream.strided.scatter [tilespmem:s20], [sflag:$0xA], $0x1400, s23, s22, $0x38;
	[tilespmem:$0xD500] =	vst v63  }
0x65: {  	_ =	swait.ge [sflag:s29], $0x1400  }
0x66: {  	[sflag:s29] =	ssyncset.done $0x0  }
0x67: {  	[sflag:s29] =	ssyncadd.s32 $0xFFFFEC00  }
0x68: {  	_ =	swait.ge [sflag:s29], $0x1400  }
0x69: {  	[sflag:s29] =	ssyncset.done $0x0  }
0x6a: {  	[sflag:s29] =	ssyncadd.s32 $0xFFFFEC00  }
0x6b: {  	_ =	swait.ge [sflag:s30], $0x1400  }
0x6c: {  	[sflag:s30] =	ssyncset.done $0x0  }
0x6d: {  	[sflag:s30] =	ssyncadd.s32 $0xFFFFEC00  }
0x6e: {  	_ =	swait.ge [sflag:s30], $0x1400  }
0x6f: {  	[sflag:s30] =	ssyncset.done $0x0  }
0x70: {  	[sflag:s30] =	ssyncadd.s32 $0xFFFFEC00  }
0x71: {  	_ =	swait.ge [sflag:s31], $0x1400  }
0x72: {  	[sflag:s31] =	ssyncset.done $0x0  }
0x73: {  	[sflag:s31] =	ssyncadd.s32 $0xFFFFEC00  }
0x74: {  	_ =	swait.ge [sflag:s31], $0x1400  }
0x75: {  	[sflag:s31] =	ssyncset.done $0x0  }
0x76: {  	[sflag:s31] =	ssyncadd.s32 $0xFFFFEC00  }
0x77: {  	_ =	swait.ge [sflag:s1], $0x1400  }
0x78: {  	[sflag:s1] =	ssyncset.done $0x0  }
0x79: {  	[sflag:s1] =	ssyncadd.s32 $0xFFFFEC00  }
0x7a: {  	_ =	swait.ge [sflag:s1], $0x1400  }
0x7b: {  	[sflag:s1] =	ssyncset.done $0x0  }
0x7c: {  	[sflag:s1] =	ssyncadd.s32 $0xFFFFEC00  }
0x7d: {  	_ =	swait.ge [sflag:s0], $0x1400  }
0x7e: {  	[sflag:s0] =	ssyncset.done $0x0  }
0x7f: {  	[sflag:s0] =	ssyncadd.s32 $0xFFFFEC00  }
0x80: {  	s5 =	simm.s32 $0x320;
	_ =	swait.ge [sflag:s0], $0x1400  }
0x81: {  	s6 =	simm.s32 $0x640;
	s3 =	sadd.s32 $0x1900, s4;
	[sflag:s0] =	ssyncset.done $0x0  }
.LBB2_2:
0x82: {  	s8 =	sshra.s32 s5, $0x2;
	[sflag:s0] =	ssyncadd.s32 $0xFFFFEC00;
	s5 =	smov.u32 s6  }
0x83: {  	[tilespmem:s11], [sflag:$0x1] =	stream.indirect.gather [hbm4b:s2+s10], $0x80, s8, s10, $0xb8;
	[tilespmem:$0xD500] =	vst v63  }
0x84: {  	s7 =	sadd.s32 $0x320, s6;
	p0 =	sne.s32 s6, $0x15E0;
	s6 =	sadd.s32 $0x680, s8  }
0x85: {  	[tilespmem:s12], [sflag:$0x1] =	stream.indirect.gather [hbm4b:s2+s10], $0x80, s6, s10, $0xb8;
	[tilespmem:$0xD500] =	vst v63  }
0x86: {  	s6 =	sadd.s32 $0x28, s8  }
0x87: {  	[tilespmem:s13], [sflag:$0x2] =	stream.indirect.gather [hbm4b:s2+s10], $0x80, s6, s10, $0xb8;
	[tilespmem:$0xD500] =	vst v63  }
0x88: {  	s6 =	sadd.s32 $0x6A8, s8  }
0x89: {  	[tilespmem:s14], [sflag:$0x2] =	stream.indirect.gather [hbm4b:s2+s10], $0x80, s6, s10, $0xb8;
	[tilespmem:$0xD500] =	vst v63  }
0x8a: {  	s6 =	sadd.s32 $0x50, s8  }
0x8b: {  	[tilespmem:s15], [sflag:$0x3] =	stream.indirect.gather [hbm4b:s2+s10], $0x80, s6, s10, $0xb8;
	[tilespmem:$0xD500] =	vst v63  }
0x8c: {  	s6 =	sadd.s32 $0x6D0, s8  }
0x8d: {  	[tilespmem:s16], [sflag:$0x3] =	stream.indirect.gather [hbm4b:s2+s10], $0x80, s6, s10, $0xb8;
	[tilespmem:$0xD500] =	vst v63  }
0x8e: {  	s6 =	sadd.s32 $0x78, s8  }
0x8f: {  	[tilespmem:s17], [sflag:$0x4] =	stream.indirect.gather [hbm4b:s2+s10], $0x80, s6, s10, $0xb8;
	[tilespmem:$0xD500] =	vst v63  }
0x90: {  	s6 =	sadd.s32 $0x6F8, s8  }
0x91: {  	[tilespmem:s18], [sflag:$0x4] =	stream.indirect.gather [hbm4b:s2+s10], $0x80, s6, s10, $0xb8;
	[tilespmem:$0xD500] =	vst v63  }
0x92: {  	s6 =	sadd.s32 $0xA0, s8  }
0x93: {  	[tilespmem:s19], [sflag:$0x5] =	stream.indirect.gather [hbm4b:s2+s10], $0x80, s6, s10, $0xb8;
	[tilespmem:$0xD500] =	vst v63  }
0x94: {  	s8 =	sadd.s32 $0x720, s8  }
0x95: {  	[tilespmem:s20], [sflag:$0x5] =	stream.indirect.gather [hbm4b:s2+s10], $0x80, s8, s10, $0xb8;
	[tilespmem:$0xD500] =	vst v63  }
0x96: {  	_ =	swait.ge [sflag:s21], $0x1400  }
0x97: {  	[sflag:s21] =	ssyncset.done $0x0  }
0x98: {  	[sflag:s21] =	ssyncadd.s32 $0xFFFFEC00  }
0x99: {  	_ =	swait.ge [sflag:s21], $0x1400  }
0x9a: {  	s8 =	rddreg [dreg:$0xb];
	[sflag:s21] =	ssyncset.done $0x0  }
0x9b: {  	[sflag:s21] =	ssyncadd.s32 $0xFFFFEC00;
	s6 =	sadd.s32 s3, s8  }
0x9c: {  	[hbm4b:s6+s22] =	stream.strided.scatter [tilespmem:s11], [sflag:$0x6], $0x1400, s23, s22, $0x38;
	[tilespmem:$0xD500] =	vst v63  }
0x9d: {  	s6 =	sadd.s32 $0x80, s6  }
0x9e: {  	[hbm4b:s6+s22] =	stream.strided.scatter [tilespmem:s12], [sflag:$0x6], $0x1400, s23, s22, $0x38;
	[tilespmem:$0xD500] =	vst v63  }
0x9f: {  	_ =	swait.ge [sflag:s24], $0x1400  }
0xa0: {  	[sflag:s24] =	ssyncset.done $0x0  }
0xa1: {  	[sflag:s24] =	ssyncadd.s32 $0xFFFFEC00  }
0xa2: {  	_ =	swait.ge [sflag:s24], $0x1400  }
0xa3: {  	s6 =	rddreg [dreg:$0xa];
	[sflag:s24] =	ssyncset.done $0x0  }
0xa4: {  	s8 =	rddreg [dreg:$0x9];
	[sflag:s24] =	ssyncadd.s32 $0xFFFFEC00;
	s6 =	sadd.s32 s3, s6  }
0xa5: {  	[hbm4b:s6+s22] =	stream.strided.scatter [tilespmem:s13], [sflag:$0x7], $0x1400, s23, s22, $0x38;
	[tilespmem:$0xD500] =	vst v63  }
0xa6: {  	s8 =	sadd.s32 s3, s8  }
0xa7: {  	[hbm4b:s8+s22] =	stream.strided.scatter [tilespmem:s14], [sflag:$0x7], $0x1400, s23, s22, $0x38;
	[tilespmem:$0xD500] =	vst v63  }
0xa8: {  	_ =	swait.ge [sflag:s25], $0x1400  }
0xa9: {  	[sflag:s25] =	ssyncset.done $0x0  }
0xaa: {  	[sflag:s25] =	ssyncadd.s32 $0xFFFFEC00  }
0xab: {  	_ =	swait.ge [sflag:s25], $0x1400  }
0xac: {  	s6 =	rddreg [dreg:$0x7];
	[sflag:s25] =	ssyncset.done $0x0  }
0xad: {  	s8 =	rddreg [dreg:$0x8];
	[sflag:s25] =	ssyncadd.s32 $0xFFFFEC00;
	s6 =	sadd.s32 s3, s6  }
0xae: {  	[hbm4b:s6+s22] =	stream.strided.scatter [tilespmem:s15], [sflag:$0x8], $0x1400, s23, s22, $0x38;
	[tilespmem:$0xD500] =	vst v63  }
0xaf: {  	s8 =	sadd.s32 s3, s8  }
0xb0: {  	[hbm4b:s8+s22] =	stream.strided.scatter [tilespmem:s16], [sflag:$0x8], $0x1400, s23, s22, $0x38;
	[tilespmem:$0xD500] =	vst v63  }
0xb1: {  	_ =	swait.ge [sflag:s26], $0x1400  }
0xb2: {  	[sflag:s26] =	ssyncset.done $0x0  }
0xb3: {  	[sflag:s26] =	ssyncadd.s32 $0xFFFFEC00  }
0xb4: {  	_ =	swait.ge [sflag:s26], $0x1400  }
0xb5: {  	s6 =	rddreg [dreg:$0x5];
	[sflag:s26] =	ssyncset.done $0x0  }
0xb6: {  	s8 =	rddreg [dreg:$0x6];
	[sflag:s26] =	ssyncadd.s32 $0xFFFFEC00;
	s6 =	sadd.s32 s3, s6  }
0xb7: {  	[hbm4b:s6+s22] =	stream.strided.scatter [tilespmem:s17], [sflag:$0x9], $0x1400, s23, s22, $0x38;
	[tilespmem:$0xD500] =	vst v63  }
0xb8: {  	s8 =	sadd.s32 s3, s8  }
0xb9: {  	[hbm4b:s8+s22] =	stream.strided.scatter [tilespmem:s18], [sflag:$0x9], $0x1400, s23, s22, $0x38;
	[tilespmem:$0xD500] =	vst v63  }
0xba: {  	_ =	swait.ge [sflag:s28], $0x1400  }
0xbb: {  	[sflag:s28] =	ssyncset.done $0x0  }
0xbc: {  	[sflag:s28] =	ssyncadd.s32 $0xFFFFEC00  }
0xbd: {  	_ =	swait.ge [sflag:s28], $0x1400  }
0xbe: {  	s6 =	rddreg [dreg:$0x3];
	[sflag:s28] =	ssyncset.done $0x0  }
0xbf: {  	s8 =	rddreg [dreg:$0x4];
	[sflag:s28] =	ssyncadd.s32 $0xFFFFEC00;
	s6 =	sadd.s32 s3, s6  }
0xc0: {  	[hbm4b:s6+s22] =	stream.strided.scatter [tilespmem:s19], [sflag:$0xA], $0x1400, s23, s22, $0x38;
	[tilespmem:$0xD500] =	vst v63  }
0xc1: {  	s8 =	sadd.s32 s3, s8  }
0xc2: {  	[hbm4b:s8+s22] =	stream.strided.scatter [tilespmem:s20], [sflag:$0xA], $0x1400, s23, s22, $0x38;
	[tilespmem:$0xD500] =	vst v63  }
0xc3: {  	_ =	swait.ge [sflag:s29], $0x1400  }
0xc4: {  	[sflag:s29] =	ssyncset.done $0x0  }
0xc5: {  	[sflag:s29] =	ssyncadd.s32 $0xFFFFEC00  }
0xc6: {  	_ =	swait.ge [sflag:s29], $0x1400  }
0xc7: {  	[sflag:s29] =	ssyncset.done $0x0  }
0xc8: {  	[sflag:s29] =	ssyncadd.s32 $0xFFFFEC00  }
0xc9: {  	_ =	swait.ge [sflag:s30], $0x1400  }
0xca: {  	[sflag:s30] =	ssyncset.done $0x0  }
0xcb: {  	[sflag:s30] =	ssyncadd.s32 $0xFFFFEC00  }
0xcc: {  	_ =	swait.ge [sflag:s30], $0x1400  }
0xcd: {  	[sflag:s30] =	ssyncset.done $0x0  }
0xce: {  	[sflag:s30] =	ssyncadd.s32 $0xFFFFEC00  }
0xcf: {  	_ =	swait.ge [sflag:s31], $0x1400  }
0xd0: {  	[sflag:s31] =	ssyncset.done $0x0  }
0xd1: {  	[sflag:s31] =	ssyncadd.s32 $0xFFFFEC00  }
0xd2: {  	_ =	swait.ge [sflag:s31], $0x1400  }
0xd3: {  	[sflag:s31] =	ssyncset.done $0x0  }
0xd4: {  	[sflag:s31] =	ssyncadd.s32 $0xFFFFEC00  }
0xd5: {  	_ =	swait.ge [sflag:s1], $0x1400  }
0xd6: {  	[sflag:s1] =	ssyncset.done $0x0  }
0xd7: {  	[sflag:s1] =	ssyncadd.s32 $0xFFFFEC00  }
0xd8: {  	_ =	swait.ge [sflag:s1], $0x1400  }
0xd9: {  	[sflag:s1] =	ssyncset.done $0x0  }
0xda: {  	[sflag:s1] =	ssyncadd.s32 $0xFFFFEC00  }
.Ltmp0:
0xdb: {  	_ =	swait.ge [sflag:s0], $0x1400;
	(pc) =	sbr.rel @p0 .LBB2_2-.Ltmp0, $4  }
0xdc: {  	[sflag:s0] =	ssyncset.done $0x0  }
0xdd: {  	[sflag:s0] =	ssyncadd.s32 $0xFFFFEC00  }
0xde: {  	_ =	swait.ge [sflag:s0], $0x1400  }
0xdf: {  	s3 =	sadd.s32 $0x1900, s3;
	s6 =	smov.u32 s7;
	[sflag:s0] =	ssyncset.done $0x0  }
0xe0: {  	s5 =	sshra.s32 s5, $0x2;
	[sflag:s0] =	ssyncadd.s32 $0xFFFFEC00  }
0xe1: {  	[tilespmem:s11], [sflag:$0x1] =	stream.indirect.gather [hbm4b:s2+s10], $0x80, s5, s10, $0xb8;
	[tilespmem:$0xD500] =	vst v63  }
0xe2: {  	s6 =	sadd.s32 $0x680, s5  }
0xe3: {  	[tilespmem:s12], [sflag:$0x1] =	stream.indirect.gather [hbm4b:s2+s10], $0x80, s6, s10, $0xb8;
	[tilespmem:$0xD500] =	vst v63  }
0xe4: {  	s8 =	sadd.s32 $0x28, s5  }
0xe5: {  	[tilespmem:s13], [sflag:$0x2] =	stream.indirect.gather [hbm4b:s2+s10], $0x80, s8, s10, $0xb8;
	[tilespmem:$0xD500] =	vst v63  }
0xe6: {  	s7 =	sadd.s32 $0x6A8, s5  }
0xe7: {  	[tilespmem:s14], [sflag:$0x2] =	stream.indirect.gather [hbm4b:s2+s10], $0x80, s7, s10, $0xb8;
	[tilespmem:$0xD500] =	vst v63  }
0xe8: {  	s8 =	sadd.s32 $0x50, s5  }
0xe9: {  	[tilespmem:s15], [sflag:$0x3] =	stream.indirect.gather [hbm4b:s2+s10], $0x80, s8, s10, $0xb8;
	[tilespmem:$0xD500] =	vst v63  }
0xea: {  	s7 =	sadd.s32 $0x6D0, s5  }
0xeb: {  	[tilespmem:s16], [sflag:$0x3] =	stream.indirect.gather [hbm4b:s2+s10], $0x80, s7, s10, $0xb8;
	[tilespmem:$0xD500] =	vst v63  }
0xec: {  	s8 =	sadd.s32 $0x78, s5  }
0xed: {  	[tilespmem:s17], [sflag:$0x4] =	stream.indirect.gather [hbm4b:s2+s10], $0x80, s8, s10, $0xb8;
	[tilespmem:$0xD500] =	vst v63  }
0xee: {  	s7 =	sadd.s32 $0x6F8, s5  }
0xef: {  	[tilespmem:s18], [sflag:$0x4] =	stream.indirect.gather [hbm4b:s2+s10], $0x80, s7, s10, $0xb8;
	[tilespmem:$0xD500] =	vst v63  }
0xf0: {  	s8 =	sadd.s32 $0xA0, s5  }
0xf1: {  	[tilespmem:s19], [sflag:$0x5] =	stream.indirect.gather [hbm4b:s2+s10], $0x80, s8, s10, $0xb8;
	[tilespmem:$0xD500] =	vst v63  }
0xf2: {  	s5 =	sadd.s32 $0x720, s5  }
0xf3: {  	[tilespmem:s20], [sflag:$0x5] =	stream.indirect.gather [hbm4b:s2+s10], $0x80, s5, s10, $0xb8;
	[tilespmem:$0xD500] =	vst v63  }
0xf4: {  	_ =	swait.ge [sflag:s21], $0x1400  }
0xf5: {  	[sflag:s21] =	ssyncset.done $0x0  }
0xf6: {  	[sflag:s21] =	ssyncadd.s32 $0xFFFFEC00  }
0xf7: {  	_ =	swait.ge [sflag:s21], $0x1400  }
0xf8: {  	s6 =	rddreg [dreg:$0xb];
	[sflag:s21] =	ssyncset.done $0x0  }
0xf9: {  	[sflag:s21] =	ssyncadd.s32 $0xFFFFEC00;
	s5 =	sadd.s32 s3, s6  }
0xfa: {  	[hbm4b:s5+s22] =	stream.strided.scatter [tilespmem:s11], [sflag:$0x6], $0x1400, s23, s22, $0x38;
	[tilespmem:$0xD500] =	vst v63  }
0xfb: {  	s5 =	sadd.s32 $0x80, s5  }
0xfc: {  	[hbm4b:s5+s22] =	stream.strided.scatter [tilespmem:s12], [sflag:$0x6], $0x1400, s23, s22, $0x38;
	[tilespmem:$0xD500] =	vst v63  }
0xfd: {  	_ =	swait.ge [sflag:s24], $0x1400  }
0xfe: {  	[sflag:s24] =	ssyncset.done $0x0  }
0xff: {  	[sflag:s24] =	ssyncadd.s32 $0xFFFFEC00  }
0x100: {  	_ =	swait.ge [sflag:s24], $0x1400  }
0x101: {  	s7 =	rddreg [dreg:$0xa];
	[sflag:s24] =	ssyncset.done $0x0  }
0x102: {  	s8 =	rddreg [dreg:$0x9];
	[sflag:s24] =	ssyncadd.s32 $0xFFFFEC00;
	s5 =	sadd.s32 s3, s7  }
0x103: {  	[hbm4b:s5+s22] =	stream.strided.scatter [tilespmem:s13], [sflag:$0x7], $0x1400, s23, s22, $0x38;
	[tilespmem:$0xD500] =	vst v63  }
0x104: {  	s6 =	sadd.s32 s3, s8  }
0x105: {  	[hbm4b:s6+s22] =	stream.strided.scatter [tilespmem:s14], [sflag:$0x7], $0x1400, s23, s22, $0x38;
	[tilespmem:$0xD500] =	vst v63  }
0x106: {  	_ =	swait.ge [sflag:s25], $0x1400  }
0x107: {  	[sflag:s25] =	ssyncset.done $0x0  }
0x108: {  	[sflag:s25] =	ssyncadd.s32 $0xFFFFEC00  }
0x109: {  	_ =	swait.ge [sflag:s25], $0x1400  }
0x10a: {  	s7 =	rddreg [dreg:$0x7];
	[sflag:s25] =	ssyncset.done $0x0  }
0x10b: {  	s8 =	rddreg [dreg:$0x8];
	[sflag:s25] =	ssyncadd.s32 $0xFFFFEC00;
	s5 =	sadd.s32 s3, s7  }
0x10c: {  	[hbm4b:s5+s22] =	stream.strided.scatter [tilespmem:s15], [sflag:$0x8], $0x1400, s23, s22, $0x38;
	[tilespmem:$0xD500] =	vst v63  }
0x10d: {  	s6 =	sadd.s32 s3, s8  }
0x10e: {  	[hbm4b:s6+s22] =	stream.strided.scatter [tilespmem:s16], [sflag:$0x8], $0x1400, s23, s22, $0x38;
	[tilespmem:$0xD500] =	vst v63  }
0x10f: {  	_ =	swait.ge [sflag:s26], $0x1400  }
0x110: {  	[sflag:s26] =	ssyncset.done $0x0  }
0x111: {  	[sflag:s26] =	ssyncadd.s32 $0xFFFFEC00  }
0x112: {  	_ =	swait.ge [sflag:s26], $0x1400  }
0x113: {  	s7 =	rddreg [dreg:$0x5];
	[sflag:s26] =	ssyncset.done $0x0  }
0x114: {  	s8 =	rddreg [dreg:$0x6];
	[sflag:s26] =	ssyncadd.s32 $0xFFFFEC00;
	s5 =	sadd.s32 s3, s7  }
0x115: {  	[hbm4b:s5+s22] =	stream.strided.scatter [tilespmem:s17], [sflag:$0x9], $0x1400, s23, s22, $0x38;
	[tilespmem:$0xD500] =	vst v63  }
0x116: {  	s6 =	sadd.s32 s3, s8  }
0x117: {  	[hbm4b:s6+s22] =	stream.strided.scatter [tilespmem:s18], [sflag:$0x9], $0x1400, s23, s22, $0x38;
	[tilespmem:$0xD500] =	vst v63  }
0x118: {  	_ =	swait.ge [sflag:s28], $0x1400  }
0x119: {  	[sflag:s28] =	ssyncset.done $0x0  }
0x11a: {  	[sflag:s28] =	ssyncadd.s32 $0xFFFFEC00  }
0x11b: {  	_ =	swait.ge [sflag:s28], $0x1400  }
0x11c: {  	s7 =	rddreg [dreg:$0x3];
	[sflag:s28] =	ssyncset.done $0x0  }
0x11d: {  	s8 =	rddreg [dreg:$0x4];
	[sflag:s28] =	ssyncadd.s32 $0xFFFFEC00;
	s5 =	sadd.s32 s3, s7  }
0x11e: {  	[hbm4b:s5+s22] =	stream.strided.scatter [tilespmem:s19], [sflag:$0xA], $0x1400, s23, s22, $0x38;
	[tilespmem:$0xD500] =	vst v63  }
0x11f: {  	s7 =	sadd.s32 s3, s8  }
0x120: {  	[hbm4b:s7+s22] =	stream.strided.scatter [tilespmem:s20], [sflag:$0xA], $0x1400, s23, s22, $0x38;
	[tilespmem:$0xD500] =	vst v63  }
0x121: {  	_ =	swait.ge [sflag:s29], $0x1400  }
0x122: {  	[sflag:s29] =	ssyncset.done $0x0  }
0x123: {  	[sflag:s29] =	ssyncadd.s32 $0xFFFFEC00  }
0x124: {  	_ =	swait.ge [sflag:s29], $0x1400  }
0x125: {  	[sflag:s29] =	ssyncset.done $0x0  }
0x126: {  	[sflag:s29] =	ssyncadd.s32 $0xFFFFEC00  }
0x127: {  	_ =	swait.ge [sflag:s30], $0x1400  }
0x128: {  	[sflag:s30] =	ssyncset.done $0x0  }
0x129: {  	[sflag:s30] =	ssyncadd.s32 $0xFFFFEC00  }
0x12a: {  	_ =	swait.ge [sflag:s30], $0x1400  }
0x12b: {  	[sflag:s30] =	ssyncset.done $0x0  }
0x12c: {  	[sflag:s30] =	ssyncadd.s32 $0xFFFFEC00  }
0x12d: {  	_ =	swait.ge [sflag:s31], $0x1400  }
0x12e: {  	[sflag:s31] =	ssyncset.done $0x0  }
0x12f: {  	[sflag:s31] =	ssyncadd.s32 $0xFFFFEC00  }
0x130: {  	_ =	swait.ge [sflag:s31], $0x1400  }
0x131: {  	[sflag:s31] =	ssyncset.done $0x0  }
0x132: {  	[sflag:s31] =	ssyncadd.s32 $0xFFFFEC00  }
0x133: {  	_ =	swait.ge [sflag:s1], $0x1400  }
0x134: {  	[sflag:s1] =	ssyncset.done $0x0  }
0x135: {  	[sflag:s1] =	ssyncadd.s32 $0xFFFFEC00  }
0x136: {  	_ =	swait.ge [sflag:s1], $0x1400  }
0x137: {  	[sflag:s1] =	ssyncset.done $0x0  }
0x138: {  	[sflag:s1] =	ssyncadd.s32 $0xFFFFEC00  }
0x139: {  	_ =	swait.ge [sflag:s0], $0x1400  }
0x13a: {  	[sflag:s0] =	ssyncset.done $0x0  }
0x13b: {  	[sflag:s0] =	ssyncadd.s32 $0xFFFFEC00  }
0x13c: {  	_ =	swait.ge [sflag:s0], $0x1400  }
0x13d: {  	s9 =	sadd.s32 $0x1, s9;
	s8 =	rddreg [dreg:$0xe]  }
0x13e: {  	p0 =	sne.s32 s9, s8  }
.Ltmp1:
0x13f: {  	_ = 	snop;
	(pc) =	sbr.rel @p0 .LBB2_1-.Ltmp1, $3  }
0x140: {  	_ =	sdelay $0x1  }
0x141: {  	[sflag:s0] =	ssyncset.done $0x0  }
0x142: {  	[sflag:s0] =	ssyncadd.s32 $0xFFFFEC00  }
0x143: {  	_ =	sfence.sel $0x180000  }
0x144: {  	[bflag:$0x0] =	sbarrier.arrive $0xFFFF  }
0x145: {  	_ =	strace $0x9000004D  }
0x146: {  	s0 =	stileid.u32;
	[bflag:$0x2] =	sbarrier.arrive $0xFFFF  }
0x147: {  	p0 =	sne.s32 s0, $0x0;
	s0 =	rddreg [dreg:$0x2]  }
0x148: {  	s0 =	sadd.s32 @!p0 $0x100000, s0  }
0x149: {  	[sflag:s0] =	ssyncadd.tile.s32 @!p0 $0x1;
	_ =	shalt  }
.Lfunc_end2:
_tile_overlayer_lowered:
.L_overlay_start_2:
0x14a: {  	(tag) =	ssettag $0x2  }
0x14b: {  	s0 =	rddreg [dreg:$0x0];
	s2 =	stileid.u32  }
0x14c: {  	s1 =	rddreg [dreg:$0x1];
	p0 =	sne.s32 s2, $0x0  }
0x14d: {  	s3 =	rddreg [dreg:$0x2];
	[bflag:$0x3] =	sbarrier.arrive $0xFFFF;
	s2 =	simm.s32 @!p0 $0x1C0B  }
0x14e: {  	[timem:s3], [sflag:s2] =	dma.local @!p0 [hbm:s0], s1  }
0x14f: {  	s0 =	simm.s32 @!p0 $0xB  }
0x150: {  	_ =	swait.ge @!p0 [sflag:s0], s1  }
0x151: {  	s1 =	ssub.s32 @!p0 $0x0, s1;
	[sflag:s0] =	ssyncset.done @!p0 $0x0  }
0x152: {  	[sflag:s0] =	ssyncadd.s32 @!p0 s1  }
0x153: {  	[bflag:$0x3] =	sbarrier.arrive $0xFFFF  }
0x154: {  	_ =	shalt  }

// kernel: kernel.27.cloned.1.call-start
scs
__scs_entry_jumppad:
0x0: {  	(pc) =	sbr.rel $0x88, $3  }
0x1: {  	(tag) =	ssettag $0x0;
	lr =	simm.s32 $0x1  }
0x2: {  	[smem:$0x3F94] =	sst lr;
	_ =	strace $0xD0000000  }
0x3: {  	_ = 	snop  }
0x4: {  	_ = 	snop  }
0x5: {  	_ = 	snop  }
0x6: {  	_ = 	snop  }
0x7: {  	_ = 	snop  }
__scs_overlays_trampoline_lowered:
0x8: {  	[smem:$0x3FA3] =	sst s0  }
0x9: {  	[smem:$0x3FA4] =	sst s1  }
0xa: {  	[smem:$0x3FA5] =	sst s2  }
0xb: {  	[smem:$0x3FA6] =	sst s3  }
0xc: {  	[smem:$0x3FA7] =	sst s4  }
0xd: {  	[smem:$0x3FA8] =	sst s5  }
0xe: {  	[smem:$0x3FA9] =	sst s6  }
0xf: {  	[smem:$0x3FAA] =	sst s7  }
0x10: {  	[smem:$0x3FAB] =	sst s8  }
0x11: {  	[smem:$0x3FAC] =	sst s9;
	s0 =	simm.s32 @!p0 $0x0  }
0x12: {  	s1 =	sld [smem:$0x3F92];
	s0 =	simm.s32 @p0 $0x1  }
0x13: {  	[smem:$0x3FAD] =	sst s0;
	s0 =	simm.s32 @!p1 $0x0  }
0x14: {  	s2 =	sld [smem:$0x3F91];
	s0 =	simm.s32 @p1 $0x1  }
0x15: {  	[smem:$0x3FAE] =	sst s0;
	s0 =	simm.s32 @!p2 $0x0  }
0x16: {  	s3 =	sld [smem:$0x3FDB];
	s0 =	simm.s32 @p2 $0x1  }
0x17: {  	s4 =	simm.s32 $0x1BF5;
	[smem:$0x3FB0] =	sst s0  }
0x18: {  	s0 =	sld [smem:$0x3F93];
	_ =	swait.ge [sflag:s4], $0x0  }
0x19: {  	s7 =	sld [smem:$0x3F94]  }
0x1a: {  	s8 =	sadd.s32 $0xFFFFE003, lr  }
0x1b: {  	s9 =	sadd.s32 $0xFFFFFEF7, lr;
	s5 =	simm.s32 $0xFFFFFFFF;
	p2 =	slt.u32 s8, $0xFFFFF086  }
0x1c: {  	p1 =	slt.u32 s9, $0xF7A;
	s5 =	simm.s32 @!p2 $0x0  }
0x1d: {  	s5 =	simm.s32 @p1 $0x1;
	p0 =	seq.s32 s7, s2  }
0x1e: {  	s7 =	smul.u32 @!p0 $0xF7A, s2;
	p2 =	seq.s32 @!p0 s5, $0x0  }
0x1f: {  	s9 =	smul.u32 $0xF7A, s1;
	s8 =	simm.s32 @!p0 $0x1BF5;
	p2 =	por !p2, p0  }
0x20: {  	[sflag:s8] =	ssyncset.s32 @!p0 $0xFFFFF086;
	s6 =	sadd.s32 @!p0 s3, s7;
	s7 =	simm.s32 @!p0 $0x108  }
0x21: {  	s3 =	sadd.s32 s3, s9;
	s6 =	sadd.s32 @!p0 $0x88, s6;
	s7 =	simm.s32 @p2 $0x1082  }
0x22: {  	[simem:s7], [sflag:s8] =	dma.local @!p0 [hbm:s6], $0xF7A  }
0x23: {  	s9 =	sor.u32 $0xD0000000, s2;
	s6 =	simm.s32 $0x108;
	_ =	swait.ge @!p0 [sflag:s8], $0x0  }
0x24: {  	s3 =	sadd.s32 $0x88, s3;
	s6 =	simm.s32 @!p1 $0x1082;
	[sflag:s4] =	ssyncset.s32 $0xFFFFF086  }
0x25: {  	[simem:s6], [sflag:s4] =	dma.local [hbm:s3], $0xF7A  }
0x26: {  	[smem:$0x3F94] =	sst s1;
	(tag) =	ssettag s2;
	_ =	strace s9  }
0x27: {  	s1 =	sld [smem:$0x3FA4]  }
0x28: {  	s2 =	sld [smem:$0x3FA5]  }
0x29: {  	s4 =	sld [smem:$0x3FA7]  }
0x2a: {  	p0 =	seq.s32 s5, $0x0;
	s5 =	sld [smem:$0x3FA8]  }
0x2b: {  	s6 =	sld [smem:$0x3FA9]  }
0x2c: {  	s7 =	sld [smem:$0x3FAA]  }
0x2d: {  	s3 =	simm.s32 $0x108;
	s8 =	sld [smem:$0x3FAB]  }
0x2e: {  	s3 =	simm.s32 @!p0 $0x1082;
	s9 =	sld [smem:$0x3FAC]  }
0x2f: {  	lr =	sadd.s32 s0, s3;
	s0 =	sld [smem:$0x3FA3]  }
0x30: {  	s3 =	sld [smem:$0x3FA6]  }
0x31: {  	[smem:$0x3FAF] =	sst s10  }
0x32: {  	s10 =	sld [smem:$0x3FAD];
	_ =	sdelay $0x3  }
0x33: {  	p0 =	seq.s32 s10, $0x1;
	s10 =	sld [smem:$0x3FAF];
	_ =	sdelay $0x3  }
0x34: {  	[smem:$0x3FAF] =	sst s10  }
0x35: {  	s10 =	sld [smem:$0x3FAE];
	_ =	sdelay $0x3  }
0x36: {  	p1 =	seq.s32 s10, $0x1;
	s10 =	sld [smem:$0x3FAF];
	_ =	sdelay $0x3  }
0x37: {  	[smem:$0x3FAF] =	sst s10  }
0x38: {  	s10 =	sld [smem:$0x3FB0]  }
0x39: {  	_ = 	snop;
	(pc) =	sbr.ind lr, $3  }
0x3a: {  	_ = 	snop  }
0x3b: {  	_ = 	snop  }
0x3c: {  	p2 =	seq.s32 s10, $0x1;
	s10 =	sld [smem:$0x3FAF]  }
0x3d: {  	_ =	shalt  }
0x3e: {  	_ =	shalt  }
0x3f: {  	_ =	shalt  }
0x40: {  	_ =	shalt  }
0x41: {  	_ =	shalt  }
0x42: {  	_ =	shalt  }
0x43: {  	_ =	shalt  }
0x44: {  	_ =	shalt  }
0x45: {  	_ =	shalt  }
0x46: {  	_ =	shalt  }
0x47: {  	_ =	shalt  }
0x48: {  	_ =	shalt  }
0x49: {  	_ =	shalt  }
0x4a: {  	_ =	shalt  }
0x4b: {  	_ =	shalt  }
0x4c: {  	_ =	shalt  }
0x4d: {  	_ =	shalt  }
0x4e: {  	_ =	shalt  }
0x4f: {  	_ =	shalt  }
0x50: {  	_ =	shalt  }
0x51: {  	_ =	shalt  }
0x52: {  	_ =	shalt  }
0x53: {  	_ =	shalt  }
0x54: {  	_ =	shalt  }
0x55: {  	_ =	shalt  }
0x56: {  	_ =	shalt  }
0x57: {  	_ =	shalt  }
0x58: {  	_ =	shalt  }
0x59: {  	_ =	shalt  }
0x5a: {  	_ =	shalt  }
0x5b: {  	_ =	shalt  }
0x5c: {  	_ =	shalt  }
0x5d: {  	_ =	shalt  }
0x5e: {  	_ =	shalt  }
0x5f: {  	_ =	shalt  }
0x60: {  	_ =	shalt  }
0x61: {  	_ =	shalt  }
0x62: {  	_ =	shalt  }
0x63: {  	_ =	shalt  }
0x64: {  	_ =	shalt  }
0x65: {  	_ =	shalt  }
0x66: {  	_ =	shalt  }
0x67: {  	_ =	shalt  }
0x68: {  	_ =	shalt  }
0x69: {  	_ =	shalt  }
0x6a: {  	_ =	shalt  }
0x6b: {  	_ =	shalt  }
0x6c: {  	_ =	shalt  }
0x6d: {  	_ =	shalt  }
0x6e: {  	_ =	shalt  }
0x6f: {  	_ =	shalt  }
0x70: {  	_ =	shalt  }
0x71: {  	_ =	shalt  }
0x72: {  	_ =	shalt  }
0x73: {  	_ =	shalt  }
0x74: {  	_ =	shalt  }
0x75: {  	_ =	shalt  }
0x76: {  	_ =	shalt  }
0x77: {  	_ =	shalt  }
0x78: {  	_ =	shalt  }
0x79: {  	_ =	shalt  }
0x7a: {  	_ =	shalt  }
0x7b: {  	_ =	shalt  }
0x7c: {  	_ =	shalt  }
0x7d: {  	_ =	shalt  }
0x7e: {  	_ =	shalt  }
0x7f: {  	_ =	shalt  }
0x80: {  	_ =	shalt  }
0x81: {  	_ =	shalt  }
0x82: {  	_ =	shalt  }
0x83: {  	_ =	shalt  }
0x84: {  	_ =	shalt  }
0x85: {  	_ =	shalt  }
0x86: {  	_ =	shalt  }
0x87: {  	_ =	shalt  }
.Lfunc_end0:
.L_simem_size_0:
called_computation.5_lowered:
.L_overlay_start_0:
0x88: {  	s2 =	sld [smem:$0x3FD9]  }
0x89: {  	s3 =	sld [smem:$0x3FFE];
	_ =	sdelay $0x1  }
0x8a: {  	s1 =	srdreg.scid  }
0x8b: {  	s0 =	sand.u32 $0x1, s1  }
0x8c: {  	s15 =	sshll.u32 s0, $0xA;
	s2 =	sadd.s32 s3, s2  }
0x8d: {  	s2 =	sadd.s32 s2, s15  }
0x8e: {  	[smem:$0x3FBB] =	sst s2  }
0x8f: {  	_ = 	snop  }
0x90: {  	s2 =	sld [smem:$0x3FD0];
	_ =	sdelay $0x2  }
0x91: {  	s16 =	simm.s32 $0xC;
	s4 =	simm.s32 $0x10  }
0x92: {  	[smem:s4], [sflag:s16] =	dma.local [hbm:s2], $0x1  }
0x93: {  	_ =	swait.eq [sflag:s16], $0x1  }
0x94: {  	[sflag:s16] =	ssyncset.done $0x0  }
0x95: {  	[sflag:s16] =	ssyncadd.s32 $0xFFFFFFFF  }
0x96: {  	s17 =	sld [smem:$0x10];
	(tm) =	ssettm $0x1  }
0x97: {  	s18 =	sld [smem:$0x3FFB];
	_ =	sdelay $0x3  }
0x98: {  	_ =	strace s18  }
0x99: {  	s2 =	sld [smem:$0x3FFC];
	_ =	sdelay $0x3  }
0x9a: {  	_ =	strace s2  }
0x9b: {  	s2 =	sld [smem:$0x3FFD];
	_ =	sdelay $0x3  }
0x9c: {  	_ =	strace s2  }
0x9d: {  	_ =	strace $0x8FFFFFFF  }
0x9e: {  	s19 =	sld [smem:$0x3FDB];
	_ =	sdelay $0x1  }
0x9f: {  	s20 =	simm.s32 $_scs_section_size  }
0xa0: {  	s5 =	simm.s32 $_size__tile_overlayer_lowered;
	s6 =	simm.s32 $_tile_overlayer_lowered  }
0xa1: {  	s7 =	simm.s32 $0x1BFF;
	s21 =	sshll.u32 s6, $0x1;
	s4 =	sadd.s32 s20, s19  }
0xa2: {  	s22 =	simm.s32 $0x0;
	s5 =	sshll.u32 s5, $0x1;
	s6 =	sadd.s32 s21, s4  }
0xa3: {  	[timem:s22], [sflag:s7] =	dma.local [hbm:s6], s5  }
0xa4: {  	_ =	swait.ge [sflag:s7], s5  }
0xa5: {  	s5 =	ssub.s32 $0x0, s5;
	[sflag:s7] =	ssyncset.done $0x0  }
0xa6: {  	[sflag:s7] =	ssyncadd.s32 s5;
	_ =	sdelay $0x1  }
0xa7: {  	s23 =	simm.s32 $0x1B8B  }
0xa8: {  	_ =	swait.ge [sflag:s23], $0x1  }
0xa9: {  	[sflag:s23] =	ssyncset.done $0x0  }
0xaa: {  	[sflag:s23] =	ssyncadd.s32 $0xFFFFFFFF  }
0xab: {  	s5 =	sld [smem:$0x0]  }
0xac: {  	s6 =	sand.u32 $0xFFFFFFFE, s1  }
0xad: {  	p0 =	sne.s32 s1, s6  }
0xae: {  	s6 =	sshll.u32 @p0 s6, $0xE  }
0xaf: {  	s6 =	sadd.s32 @p0 $0x11B8D, s6;
	s7 =	sshll.u32 @p0 s5, $0x11  }
0xb0: {  	s6 =	sor.u32 @p0 s7, s6  }
0xb1: {  	[sflag:s6] =	ssyncadd.remote.s32 @p0 $0x1;
	_ =	sdelay $0x1  }
0xb2: {  	s6 =	simm.s32 @p0 $0x1B8D  }
0xb3: {  	_ =	swait.eq @p0 [sflag:s6], $0x1  }
0xb4: {  	[sflag:s6] =	ssyncadd.s32 @p0 $0xFFFFFFFF  }
0xb5: {  	s7 =	sshll.u32 @!p0 s1, $0xE  }
0xb6: {  	s7 =	sor.u32 @!p0 $0x4000, s7;
	s6 =	simm.s32 @!p0 $0x1B8D  }
0xb7: {  	s5 =	sshll.u32 @!p0 s5, $0x11;
	s7 =	sadd.s32 @!p0 $0x11B8D, s7;
	_ =	swait.eq @!p0 [sflag:s6], $0x1  }
0xb8: {  	s5 =	sor.u32 @!p0 s5, s7;
	[sflag:s6] =	ssyncadd.s32 @!p0 $0xFFFFFFFF  }
0xb9: {  	s25 =	simm.s32 $0x1B8E;
	s24 =	sld [smem:$0x3FFE];
	[sflag:s5] =	ssyncadd.remote.s32 @!p0 $0x1  }
0xba: {  	s26 =	simm.s32 $execute0_lowered;
	[smem:$0x3FD2] =	sst s25  }
0xbb: {  	s6 =	sshll.u32 s26, $0x1;
	_ =	strace $0x80000055;
	[dreg:$0x1] =	wrdreg $0xFFFFFFFF  }
0xbc: {  	s28 =	simm.s32 $_size_execute0_lowered;
	s4 =	sadd.s32 s4, s6;
	[dreg:$0x0] =	wrdreg $0x0  }
0xbd: {  	s6 =	sshll.u32 s28, $0x1;
	[dreg:$0x2] =	wrdreg s4  }
0xbe: {  	[dreg:$0x3] =	wrdreg s6  }
0xbf: {  	[dreg:$0x4] =	wrdreg $0xC0  }
0xc0: {  	_ =	task [dreg:s22], $0x5FFFF  }
0xc1: {  	[dreg:$0x1] =	wrdreg $0xFFFFFFFF  }
0xc2: {  	[dreg:$0x0] =	wrdreg $0x60  }
0xc3: {  	[dreg:$0x2] =	wrdreg s24  }
0xc4: {  	[dreg:$0x3] =	wrdreg s17  }
0xc5: {  	[dreg:$0x4] =	wrdreg $0x65000  }
0xc6: {  	[dreg:$0x5] =	wrdreg $0xA  }
0xc7: {  	_ =	task.clear_ibuf [dreg:s22], $0x6FFFF;
	_ =	strace $0x90000055  }
0xc8: {  	s29 =	simm.s32 $0xA;
	_ =	strace $0x80000057  }
0xc9: {  	_ =	swait.ge [sflag:s29], $0x1  }
0xca: {  	[sflag:s29] =	ssyncadd.s32 $0xFFFFFFFF  }
0xcb: {  	_ =	strace $0x90000057  }
0xcc: {  	_ =	sfence  }
0xcd: {  	s30 =	sld [smem:$0x0];
	_ =	sdelay $0x2  }
0xce: {  	s31 =	sshll.u32 s1, $0xD;
	s1 =	sshrl.u32 s1, $0x2  }
0xcf: {  	s4 =	sand.u32 $0x4000, s31;
	s1 =	sadd.s32 s1, s30  }
0xd0: {  	s0 =	sor.u32 s4, s0;
	s1 =	sshll.u32 s1, $0x11  }
0xd1: {  	s0 =	sor.u32 s1, s0  }
0xd2: {  	s0 =	sadd.s32 $0x8F2B, s0  }
0xd3: {  	[sflag:s0] =	ssyncadd.remote.s32 $0x1  }
0xd4: {  	_ =	sfence.sel $0xFFFF  }
0xd5: {  	[dreg:$0x0] =	wrdreg $0xFFFFFFFF;
	(pc) =	sbr.abs _section_cstart, $3  }
0xd6: {  	[dreg:$0x1] =	wrdreg $0xFFFFFFFF  }
0xd7: {  	_ =	task.clear_ibuf [dreg:s22], $0x2FFFF;
	_ =	strace $0x9FFFFFFF  }
0xd8: {  	(tm) =	ssettm $0x7FFFFFFF  }
0xd9: {  	_ =	shalt  }
tec
execute0_lowered:
.L_overlay_start_1:
0x0: {  	(tag) =	ssettag $0x1  }
0x1: {  	s5 =	rddreg [dreg:$0x0]  }
0x2: {  	s2 =	rddreg [dreg:$0x1]  }
0x3: {  	s3 =	rddreg [dreg:$0x2]  }
0x4: {  	s0 =	rddreg [dreg:$0x3];
	s4 =	simm.s32 $0x0;
	s1 =	stileid.u32  }
0x5: {  	s6 =	srdreg.scid;
	s16 =	simm.s32 $0x800;
	s17 =	simm.s32 $0x100  }
0x6: {  	s18 =	simm.s32 $0x80;
	s19 =	simm.s32 $0x3500;
	s20 =	simm.s32 $0x1  }
0x7: {  	s21 =	simm.s32 $0x68;
	s22 =	simm.s32 $0x2;
	s23 =	simm.s32 $0x60  }
0x8: {  	s24 =	simm.s32 $0x8;
	s25 =	simm.s32 $0x0;
	s7 =	smul.u32 $0x27800, s1  }
0x9: {  	[smem:$0x7FF] =	sst s4;
	s6 =	sand.u32 $0x1, s6;
	s9 =	smul.u32 $0x190, s1  }
0xa: {  	s11 =	sadd.s32 $0xBA00, s5;
	s10 =	smul.u32 $0x4F000, s1;
	s29 =	sshll.u32 s1, $0x6  }
0xb: {  	s13 =	smul.u32 $0xC8000, s1;
	_ =	strace $0x80000056;
	s8 =	sshll.u32 s6, $0xA  }
0xc: {  	s6 =	ssub.s32 $0x2, s6;
	s7 =	sor.u32 s8, s7;
	s12 =	sadd.s32 s9, s5  }
0xd: {  	s26 =	sshrl.u32 s6, $0x1;
	s28 =	sshrl.u32 s10, $0x2;
	s30 =	sor.u32 s8, s13  }
0xe: {  	s7 =	sshrl.u32 s7, $0x3;
	s14 =	ssub.s32 s6, s26;
	s15 =	sadd.s32 s28, s3  }
0xf: {  	s31 =	sshrl.u32 s30, $0x3;
	s13 =	sor.u32 $0x6800, s30;
	s10 =	sadd.s32 $0x1D2800, s12  }
0x10: {  	s12 =	sadd.s32 $0x1D0E00, s12;
	s7 =	sadd.s32 s7, s5;
	s5 =	sor.u32 $0x1C03, s29  }
0x11: {  	s8 =	smax.u32 s14, $0x1;
	s9 =	sadd.s32 s31, s11;
	s13 =	sshrl.u32 s13, $0x3  }
0x12: {  	s14 =	simm.s32 $0x3;
	s6 =	sadd.s32 $0x272200, s7;
	s7 =	sadd.s32 $0x2C1200, s7  }
0x13: {  	s11 =	sadd.s32 s13, s11;
	s13 =	sshrl.u32 s15, $0x3;
	s15 =	simm.s32 $0x400  }
.LBB2_1:
0x14: {  	[spmem:s13], [sflag:s5] =	dma.local [hbm:s2], $0x2780  }
0x15: {  	_ =	swait.ge [sflag:s14], $0x2780  }
0x16: {  	[sflag:s14] =	ssyncset.done $0x0  }
0x17: {  	[sflag:s14] =	ssyncadd.s32 $0xFFFFD880  }
0x18: {  	[bflag:$0x0] =	sbarrier.arrive $0xFFFF  }
0x19: {  	[tilespmem:s4], [sflag:$0x3] =	stream.linear.gather [hbm4b:s10+s4], $0x68, $0x38;
	[tilespmem:$0x1A100] =	vst v63  }
0x1a: {  	_ =	swait.ge [sflag:s14], $0x68  }
0x1b: {  	[sflag:s14] =	ssyncset.done $0x0  }
0x1c: {  	s26 =	sadd.s32 $0x0, s9;
	[sflag:s14] =	ssyncadd.s32 $0xFFFFFF98  }
0x1d: {  	[tilespmem:s17], [sflag:$0x1] =	stream.strided.gather [hbm4b:s26+s15], $0x3400, s16, s15, $0x38;
	[tilespmem:$0x1A100] =	vst v63  }
0x1e: {  	s30 =	sadd.s32 $0xD, s10  }
0x1f: {  	[tilespmem:s18], [sflag:$0x3] =	stream.linear.gather [hbm4b:s30+s4], $0x60, $0x38;
	[tilespmem:$0x1A100] =	vst v63  }
0x20: {  	_ =	swait.ge [sflag:s14], $0x60  }
0x21: {  	[sflag:s14] =	ssyncset.done $0x0  }
0x22: {  	s31 =	sadd.s32 $0x0, s11;
	[sflag:s14] =	ssyncadd.s32 $0xFFFFFFA0  }
0x23: {  	[tilespmem:s19], [sflag:$0x2] =	stream.strided.gather [hbm4b:s31+s15], $0x3000, s16, s15, $0x38;
	[tilespmem:$0x1A100] =	vst v63  }
0x24: {  	_ =	swait.ge [sflag:s20], $0x3400  }
0x25: {  	[sflag:s20] =	ssyncset.done $0x0  }
0x26: {  	[sflag:s20] =	ssyncadd.s32 $0xFFFFCC00  }
0x27: {  	[spmem:s3] =	stream.indirect.scatter.add.f32 [tilespmem:s17], [sflag:$0x3], $0x80, s4, s21, $0xb8;
	[tilespmem:$0x1A100] =	vst v63  }
0x28: {  	_ =	swait.ge [sflag:s14], $0x3400  }
0x29: {  	[sflag:s14] =	ssyncset.done $0x0  }
0x2a: {  	[sflag:s14] =	ssyncadd.s32 $0xFFFFCC00  }
0x2b: {  	_ =	swait.ge [sflag:s22], $0x3000  }
0x2c: {  	[sflag:s22] =	ssyncset.done $0x0  }
0x2d: {  	[sflag:s22] =	ssyncadd.s32 $0xFFFFD000  }
0x2e: {  	[spmem:s3] =	stream.indirect.scatter.add.f32 [tilespmem:s19], [sflag:$0x3], $0x80, s18, s23, $0xb8;
	[tilespmem:$0x1A100] =	vst v63  }
0x2f: {  	_ =	swait.ge [sflag:s14], $0x3000  }
0x30: {  	s28 =	smov.u32 s10;
	s26 =	simm.s32 $0x1900;
	[sflag:s14] =	ssyncset.done $0x0  }
.LBB2_2:
0x31: {  	p0 =	sne.s32 s26, $0x17700;
	[sflag:s14] =	ssyncadd.s32 $0xFFFFD000;
	s28 =	sadd.s32 $0x19, s28  }
0x32: {  	[tilespmem:s4], [sflag:$0x3] =	stream.linear.gather [hbm4b:s28+s4], $0x68, $0x38;
	[tilespmem:$0x1A100] =	vst v63  }
0x33: {  	s29 =	smov.u32 s26;
	s26 =	sadd.s32 $0x1900, s26;
	_ =	swait.ge [sflag:s14], $0x68  }
0x34: {  	[sflag:s14] =	ssyncset.done $0x0  }
0x35: {  	s30 =	sadd.s32 s29, s9;
	[sflag:s14] =	ssyncadd.s32 $0xFFFFFF98  }
0x36: {  	[tilespmem:s17], [sflag:$0x1] =	stream.strided.gather [hbm4b:s30+s15], $0x3400, s16, s15, $0x38;
	[tilespmem:$0x1A100] =	vst v63  }
0x37: {  	s30 =	sadd.s32 $0xD, s28  }
0x38: {  	[tilespmem:s18], [sflag:$0x3] =	stream.linear.gather [hbm4b:s30+s4], $0x60, $0x38;
	[tilespmem:$0x1A100] =	vst v63  }
0x39: {  	_ =	swait.ge [sflag:s14], $0x60  }
0x3a: {  	[sflag:s14] =	ssyncset.done $0x0  }
0x3b: {  	s29 =	sadd.s32 s29, s11;
	[sflag:s14] =	ssyncadd.s32 $0xFFFFFFA0  }
0x3c: {  	[tilespmem:s19], [sflag:$0x2] =	stream.strided.gather [hbm4b:s29+s15], $0x3000, s16, s15, $0x38;
	[tilespmem:$0x1A100] =	vst v63  }
0x3d: {  	_ =	swait.ge [sflag:s20], $0x3400  }
0x3e: {  	[sflag:s20] =	ssyncset.done $0x0  }
0x3f: {  	[sflag:s20] =	ssyncadd.s32 $0xFFFFCC00  }
0x40: {  	[spmem:s3] =	stream.indirect.scatter.add.f32 [tilespmem:s17], [sflag:$0x3], $0x80, s4, s21, $0xb8;
	[tilespmem:$0x1A100] =	vst v63  }
0x41: {  	_ =	swait.ge [sflag:s14], $0x3400  }
0x42: {  	[sflag:s14] =	ssyncset.done $0x0  }
0x43: {  	[sflag:s14] =	ssyncadd.s32 $0xFFFFCC00  }
0x44: {  	_ =	swait.ge [sflag:s22], $0x3000  }
.Ltmp0:
0x45: {  	[sflag:s22] =	ssyncset.done $0x0;
	(pc) =	sbr.rel @p0 .LBB2_2-.Ltmp0, $4  }
0x46: {  	[sflag:s22] =	ssyncadd.s32 $0xFFFFD000  }
0x47: {  	[spmem:s3] =	stream.indirect.scatter.add.f32 [tilespmem:s19], [sflag:$0x3], $0x80, s18, s23, $0xb8;
	[tilespmem:$0x1A100] =	vst v63  }
0x48: {  	_ =	swait.ge [sflag:s14], $0x3000  }
0x49: {  	[sflag:s14] =	ssyncset.done $0x0  }
0x4a: {  	[sflag:s14] =	ssyncadd.s32 $0xFFFFD000  }
0x4b: {  	[bflag:$0x0] =	sbarrier.arrive $0xFFFF  }
0x4c: {  	[hbm:s6@s17], [sflag:s5] =	dma.strided [spmem:s13@s18], $0x2780, s24, $0x10   }
0x4d: {  	_ =	swait.ge [sflag:s14], $0x2780  }
0x4e: {  	[sflag:s14] =	ssyncset.done $0x0  }
0x4f: {  	[sflag:s14] =	ssyncadd.s32 $0xFFFFD880  }
0x50: {  	[spmem:s13], [sflag:s5] =	dma.local [hbm:s2], $0x2780  }
0x51: {  	_ =	swait.ge [sflag:s14], $0x2780  }
0x52: {  	[sflag:s14] =	ssyncset.done $0x0  }
0x53: {  	[sflag:s14] =	ssyncadd.s32 $0xFFFFD880  }
0x54: {  	[bflag:$0x0] =	sbarrier.arrive $0xFFFF  }
0x55: {  	[tilespmem:s4], [sflag:$0x3] =	stream.linear.gather [hbm4b:s12+s4], $0x68, $0x38;
	[tilespmem:$0x1A100] =	vst v63  }
0x56: {  	_ =	swait.ge [sflag:s14], $0x68  }
0x57: {  	[sflag:s14] =	ssyncset.done $0x0  }
0x58: {  	s26 =	sadd.s32 $0x0, s9;
	[sflag:s14] =	ssyncadd.s32 $0xFFFFFF98  }
0x59: {  	[tilespmem:s17], [sflag:$0x1] =	stream.strided.gather [hbm4b:s26+s15], $0x3400, s16, s15, $0x38;
	[tilespmem:$0x1A100] =	vst v63  }
0x5a: {  	s30 =	sadd.s32 $0xD, s12  }
0x5b: {  	[tilespmem:s18], [sflag:$0x3] =	stream.linear.gather [hbm4b:s30+s4], $0x60, $0x38;
	[tilespmem:$0x1A100] =	vst v63  }
0x5c: {  	_ =	swait.ge [sflag:s14], $0x60  }
0x5d: {  	[sflag:s14] =	ssyncset.done $0x0  }
0x5e: {  	s31 =	sadd.s32 $0x0, s11;
	[sflag:s14] =	ssyncadd.s32 $0xFFFFFFA0  }
0x5f: {  	[tilespmem:s19], [sflag:$0x2] =	stream.strided.gather [hbm4b:s31+s15], $0x3000, s16, s15, $0x38;
	[tilespmem:$0x1A100] =	vst v63  }
0x60: {  	_ =	swait.ge [sflag:s20], $0x3400  }
0x61: {  	[sflag:s20] =	ssyncset.done $0x0  }
0x62: {  	[sflag:s20] =	ssyncadd.s32 $0xFFFFCC00  }
0x63: {  	[spmem:s3] =	stream.indirect.scatter.add.f32 [tilespmem:s17], [sflag:$0x3], $0x80, s4, s21, $0xb8;
	[tilespmem:$0x1A100] =	vst v63  }
0x64: {  	_ =	swait.ge [sflag:s14], $0x3400  }
0x65: {  	[sflag:s14] =	ssyncset.done $0x0  }
0x66: {  	[sflag:s14] =	ssyncadd.s32 $0xFFFFCC00  }
0x67: {  	_ =	swait.ge [sflag:s22], $0x3000  }
0x68: {  	[sflag:s22] =	ssyncset.done $0x0  }
0x69: {  	[sflag:s22] =	ssyncadd.s32 $0xFFFFD000  }
0x6a: {  	[spmem:s3] =	stream.indirect.scatter.add.f32 [tilespmem:s19], [sflag:$0x3], $0x80, s18, s23, $0xb8;
	[tilespmem:$0x1A100] =	vst v63  }
0x6b: {  	_ =	swait.ge [sflag:s14], $0x3000  }
0x6c: {  	s28 =	smov.u32 s12;
	s26 =	simm.s32 $0x1900;
	[sflag:s14] =	ssyncset.done $0x0  }
.LBB2_4:
0x6d: {  	p0 =	sne.s32 s26, $0x17700;
	[sflag:s14] =	ssyncadd.s32 $0xFFFFD000;
	s28 =	sadd.s32 $0x19, s28  }
0x6e: {  	[tilespmem:s4], [sflag:$0x3] =	stream.linear.gather [hbm4b:s28+s4], $0x68, $0x38;
	[tilespmem:$0x1A100] =	vst v63  }
0x6f: {  	s29 =	smov.u32 s26;
	s26 =	sadd.s32 $0x1900, s26;
	_ =	swait.ge [sflag:s14], $0x68  }
0x70: {  	[sflag:s14] =	ssyncset.done $0x0  }
0x71: {  	s30 =	sadd.s32 s29, s9;
	[sflag:s14] =	ssyncadd.s32 $0xFFFFFF98  }
0x72: {  	[tilespmem:s17], [sflag:$0x1] =	stream.strided.gather [hbm4b:s30+s15], $0x3400, s16, s15, $0x38;
	[tilespmem:$0x1A100] =	vst v63  }
0x73: {  	s30 =	sadd.s32 $0xD, s28  }
0x74: {  	[tilespmem:s18], [sflag:$0x3] =	stream.linear.gather [hbm4b:s30+s4], $0x60, $0x38;
	[tilespmem:$0x1A100] =	vst v63  }
0x75: {  	_ =	swait.ge [sflag:s14], $0x60  }
0x76: {  	[sflag:s14] =	ssyncset.done $0x0  }
0x77: {  	s29 =	sadd.s32 s29, s11;
	[sflag:s14] =	ssyncadd.s32 $0xFFFFFFA0  }
0x78: {  	[tilespmem:s19], [sflag:$0x2] =	stream.strided.gather [hbm4b:s29+s15], $0x3000, s16, s15, $0x38;
	[tilespmem:$0x1A100] =	vst v63  }
0x79: {  	_ =	swait.ge [sflag:s20], $0x3400  }
0x7a: {  	[sflag:s20] =	ssyncset.done $0x0  }
0x7b: {  	[sflag:s20] =	ssyncadd.s32 $0xFFFFCC00  }
0x7c: {  	[spmem:s3] =	stream.indirect.scatter.add.f32 [tilespmem:s17], [sflag:$0x3], $0x80, s4, s21, $0xb8;
	[tilespmem:$0x1A100] =	vst v63  }
0x7d: {  	_ =	swait.ge [sflag:s14], $0x3400  }
0x7e: {  	[sflag:s14] =	ssyncset.done $0x0  }
0x7f: {  	[sflag:s14] =	ssyncadd.s32 $0xFFFFCC00  }
0x80: {  	_ =	swait.ge [sflag:s22], $0x3000  }
.Ltmp1:
0x81: {  	[sflag:s22] =	ssyncset.done $0x0;
	(pc) =	sbr.rel @p0 .LBB2_4-.Ltmp1, $4  }
0x82: {  	[sflag:s22] =	ssyncadd.s32 $0xFFFFD000  }
0x83: {  	[spmem:s3] =	stream.indirect.scatter.add.f32 [tilespmem:s19], [sflag:$0x3], $0x80, s18, s23, $0xb8;
	[tilespmem:$0x1A100] =	vst v63  }
0x84: {  	_ =	swait.ge [sflag:s14], $0x3000  }
0x85: {  	[sflag:s14] =	ssyncset.done $0x0  }
0x86: {  	s25 =	sadd.s32 $0x1, s25  }
0x87: {  	[sflag:s14] =	ssyncadd.s32 $0xFFFFD000;
	p0 =	sne.s32 s25, s8  }
.Ltmp2:
0x88: {  	[bflag:$0x0] =	sbarrier.arrive $0xFFFF;
	(pc) =	sbr.rel @p0 .LBB2_1-.Ltmp2, $4  }
0x89: {  	[hbm:s7@s17], [sflag:s5] =	dma.strided [spmem:s13@s18], $0x2780, s24, $0x10   }
0x8a: {  	_ =	swait.ge [sflag:s14], $0x2780  }
0x8b: {  	[sflag:s14] =	ssyncset.done $0x0  }
0x8c: {  	[sflag:s14] =	ssyncadd.s32 $0xFFFFD880  }
0x8d: {  	_ =	sfence.sel $0x180000  }
0x8e: {  	[bflag:$0x0] =	sbarrier.arrive $0xFFFF  }
0x8f: {  	p0 =	sne.s32 s1, $0x0;
	_ =	strace $0x90000056  }
0x90: {  	s0 =	sadd.s32 @!p0 $0x100000, s0;
	[bflag:$0x2] =	sbarrier.arrive $0xFFFF  }
0x91: {  	[sflag:s0] =	ssyncadd.tile.s32 @!p0 $0x1;
	_ =	shalt  }
.Lfunc_end2:
_tile_overlayer_lowered:
.L_overlay_start_2:
0x92: {  	(tag) =	ssettag $0x2  }
0x93: {  	s0 =	rddreg [dreg:$0x0];
	s2 =	stileid.u32  }
0x94: {  	s1 =	rddreg [dreg:$0x1];
	p0 =	sne.s32 s2, $0x0  }
0x95: {  	s3 =	rddreg [dreg:$0x2];
	[bflag:$0x3] =	sbarrier.arrive $0xFFFF;
	s2 =	simm.s32 @!p0 $0x1C03  }
0x96: {  	[timem:s3], [sflag:s2] =	dma.local @!p0 [hbm:s0], s1  }
0x97: {  	s0 =	simm.s32 @!p0 $0x3  }
0x98: {  	_ =	swait.ge @!p0 [sflag:s0], s1  }
0x99: {  	s1 =	ssub.s32 @!p0 $0x0, s1;
	[sflag:s0] =	ssyncset.done @!p0 $0x0  }
0x9a: {  	[sflag:s0] =	ssyncadd.s32 @!p0 s1  }
0x9b: {  	[bflag:$0x3] =	sbarrier.arrive $0xFFFF  }
0x9c: {  	_ =	shalt  }

</sc_bundles>
